<compile_context>
chip_gen: v7x
topology: tpu7x:2x2x1
jax: 0.10.2.dev20260603
libtpu: 0.0.44.dev20260713+nightly
codegen_flags: <defaults>
</compile_context>

<pallas_src>
import functools

import jax
import jax.numpy as jnp
from jax import lax
from jax.experimental import pallas as pl
from jax.experimental.pallas import tpu as pltpu
from jax.experimental.pallas import tpu_sc as plsc

B, T = 4096, 50
NUM_WORDS = T // 2
CB_SIZE, CB_DIM, LLM_DIM = 256, 512, 768
L = 16
T_PAD = 64
NPC = CB_DIM // (2 * L)
STAGE_ROWS = 16

_MASK_HI = -65536
_ROUND = 0x8000


def _sc_words_body(nrows, idx_hbm, cb_hbm, words_hbm, pooled_hbm,
                   cb_p, temp_v, idx_v, words_v0, words_v1,
                   pooled_v0, pooled_v1, sem0, sem1):
    wid = lax.axis_index("s") * 2 + lax.axis_index("c")
    rows_per_w = nrows // 32
    base = wid * rows_per_w

    def stage_piece(p, carry):
        pltpu.sync_copy(cb_hbm.at[pl.ds(p * STAGE_ROWS, STAGE_ROWS)], temp_v)

        def pack_row(r, c2):
            for j in range(NPC):
                lo = temp_v[r, pl.ds(j * 2 * L, L)] * 0.5
                hi = temp_v[r, pl.ds(j * 2 * L + L, L)] * 0.5
                lo_b = lax.shift_right_logical(
                    plsc.bitcast(lo, jnp.int32) + _ROUND, 16)
                hi_b = (plsc.bitcast(hi, jnp.int32) + _ROUND) & _MASK_HI
                cb_p[p * STAGE_ROWS + r, pl.ds(j * L, L)] = hi_b | lo_b
            return c2

        lax.fori_loop(0, STAGE_ROWS, pack_row, 0)
        return carry

    lax.fori_loop(0, CB_SIZE // STAGE_ROWS, stage_piece, 0)
    pltpu.sync_copy(idx_hbm.at[pl.ds(base, rows_per_w)], idx_v)

    def one_row(r, words_b, pooled_b, sem, first):
        row = base + r
        @pl.when(jnp.logical_not(first))
        def _():
            pltpu.make_async_copy(words_b, words_hbm.at[row], sem).wait()
            pltpu.make_async_copy(pooled_b, pooled_hbm.at[row], sem).wait()

        ivs = [idx_v[r, pl.ds(k * L, L)] for k in range(T_PAD // L)]
        ids = [ivs[t // L][t % L] for t in range(T)]

        @plsc.parallel_loop(0, NPC)
        def pc_body(pc):
            slp = pl.ds(pc * L, L)
            sums = []
            for w in range(NUM_WORDS):
                g0 = cb_p[ids[2 * w], slp]
                g1 = cb_p[ids[2 * w + 1], slp]
                a = plsc.bitcast(g0, jnp.bfloat16)
                b = plsc.bitcast(g1, jnp.bfloat16)
                sums.append(a + b)
            acc_lo = [None] * 4
            acc_hi = [None] * 4
            for w in range(NUM_WORDS):
                sb = plsc.bitcast(sums[w], jnp.int32)
                lo = plsc.bitcast(lax.shift_left(sb, 16), jnp.float32)
                hi = plsc.bitcast(sb & _MASK_HI, jnp.float32)
                words_b[w, pl.ds(pc * 2 * L, L)] = lo
                words_b[w, pl.ds(pc * 2 * L + L, L)] = hi
                k = w % 4
                acc_lo[k] = lo if acc_lo[k] is None else acc_lo[k] + lo
                acc_hi[k] = hi if acc_hi[k] is None else acc_hi[k] + hi
            pl_lo = ((acc_lo[0] + acc_lo[1]) + (acc_lo[2] + acc_lo[3]))
            pl_hi = ((acc_hi[0] + acc_hi[1]) + (acc_hi[2] + acc_hi[3]))
            pooled_b[pl.ds(pc * 2 * L, L)] = pl_lo * (1.0 / NUM_WORDS)
            pooled_b[pl.ds(pc * 2 * L + L, L)] = pl_hi * (1.0 / NUM_WORDS)

        pltpu.async_copy(words_b, words_hbm.at[row], sem)
        pltpu.async_copy(pooled_b, pooled_hbm.at[row], sem)

    def pair_body(i, carry):
        one_row(2 * i, words_v0, pooled_v0, sem0, i == 0)
        one_row(2 * i + 1, words_v1, pooled_v1, sem1, i == 0)
        return carry

    lax.fori_loop(0, rows_per_w // 2, pair_body, 0)
    last = base + rows_per_w - 2
    pltpu.make_async_copy(words_v0, words_hbm.at[last], sem0).wait()
    pltpu.make_async_copy(pooled_v0, pooled_hbm.at[last], sem0).wait()
    pltpu.make_async_copy(words_v1, words_hbm.at[last + 1], sem1).wait()
    pltpu.make_async_copy(pooled_v1, pooled_hbm.at[last + 1], sem1).wait()


def _sc_words(char_indices, char_codebook):
    nrows = char_indices.shape[0]
    mesh = plsc.VectorSubcoreMesh(core_axis_name="c", subcore_axis_name="s")
    f = pl.kernel(
        functools.partial(_sc_words_body, nrows),
        out_type=[
            jax.ShapeDtypeStruct((nrows, NUM_WORDS, CB_DIM), jnp.float32),
            jax.ShapeDtypeStruct((nrows, CB_DIM), jnp.float32),
        ],
        mesh=mesh,
        scratch_types=[
            pltpu.VMEM((CB_SIZE, CB_DIM // 2), jnp.int32),
            pltpu.VMEM((STAGE_ROWS, CB_DIM), jnp.float32),
            pltpu.VMEM((nrows // 32, T_PAD), jnp.int32),
            pltpu.VMEM((NUM_WORDS, CB_DIM), jnp.float32),
            pltpu.VMEM((NUM_WORDS, CB_DIM), jnp.float32),
            pltpu.VMEM((CB_DIM,), jnp.float32),
            pltpu.VMEM((CB_DIM,), jnp.float32),
            pltpu.SemaphoreType.DMA,
            pltpu.SemaphoreType.DMA,
        ],
        compiler_params=pltpu.CompilerParams(needs_layout_passes=False),
    )
    return f(char_indices, char_codebook)


def _tc_loss_body(pooled_ref, text_ref, w1_ref, b1_ref, w2_ref, b2_ref,
                  out_ref):
    pooled = pooled_ref[...]
    h = jnp.dot(pooled, w1_ref[...], preferred_element_type=jnp.float32)
    h = jnp.maximum(h + b1_ref[...][None, :], 0.0)
    hbar = jnp.mean(h, axis=0, keepdims=True)
    proj = jnp.dot(hbar, w2_ref[...], preferred_element_type=jnp.float32)
    proj = proj + b2_ref[...][None, :]
    tbar = jnp.mean(text_ref[...], axis=0, keepdims=True)
    d = proj - tbar
    out_ref[...] = jnp.reshape(jnp.mean(d * d), (1, 1))


def _tc_loss(pooled, text_embeddings, W1, b1, W2, b2):
    return pl.pallas_call(
        _tc_loss_body,
        out_shape=jax.ShapeDtypeStruct((1, 1), jnp.float32),
    )(pooled, text_embeddings, W1, b1, W2, b2)


def kernel(char_indices, text_embeddings, char_codebook, W1, b1, W2, b2):
    idx = jnp.pad(char_indices.astype(jnp.int32), ((0, 0), (0, T_PAD - T)))
    words, pooled = _sc_words(idx, char_codebook)
    loss = _tc_loss(pooled, text_embeddings, W1, b1, W2, b2)
    return words, loss[0, 0]

# --- scband reference (transcript-rebuilt; emitter-appended) ---
"""Pipeline reference for scband-cra-84885733638453 (READ-ONLY COPY).

The authoritative reference and input builder live on the scoring server;
editing this copy changes nothing except your own understanding.
"""

import jax, jax.numpy as jnp
import numpy as np

B, T = 4096, 50
CODEBOOK_SIZE, CODEBOOK_DIM, LLM_DIM = 256, 512, 768


def setup_inputs(seed: int = 0) -> dict:
    key = jax.random.key(seed)
    ks = jax.random.split(key, 8)
    char_indices = jax.random.randint(ks[0], (B, T), 0, CODEBOOK_SIZE)
    text_embeddings = jax.random.normal(ks[1], (B, LLM_DIM), dtype=jnp.float32)
    # learned params
    char_codebook = jax.random.normal(ks[2], (CODEBOOK_SIZE, CODEBOOK_DIM), dtype=jnp.float32) * 0.02
    W1 = jax.random.normal(ks[3], (CODEBOOK_DIM, LLM_DIM), dtype=jnp.float32) * (1.0 / np.sqrt(CODEBOOK_DIM))
    b1 = jnp.zeros((LLM_DIM,), dtype=jnp.float32)
    W2 = jax.random.normal(ks[4], (LLM_DIM, LLM_DIM), dtype=jnp.float32) * (1.0 / np.sqrt(LLM_DIM))
    b2 = jnp.zeros((LLM_DIM,), dtype=jnp.float32)
    return {
        'char_indices': char_indices,
        'text_embeddings': text_embeddings,
        'char_codebook': char_codebook,
        'W1': W1, 'b1': b1, 'W2': W2, 'b2': b2,
    }


def reference(char_indices, text_embeddings, char_codebook, W1, b1, W2, b2):
    Bn, Tn = char_indices.shape
    # embedding lookup (gather)
    char_vectors = jnp.take(char_codebook, char_indices, axis=0)  # [B, T, D]
    word_len = 2
    num_words = max(1, Tn // word_len)
    cv = char_vectors[:, :num_words * word_len, :]
    cv = cv.reshape(Bn, num_words, word_len, CODEBOOK_DIM)
    word_vectors = cv.mean(axis=2)  # [B, num_words, D]
    # mmd_loss: projection of mean sign embedding vs mean text embedding
    pooled = word_vectors.mean(axis=1)  # [B, D]
    h = jnp.maximum(pooled @ W1 + b1, 0.0)
    projected_sign = h @ W2 + b2  # [B, LLM_DIM]
    diff = projected_sign.mean(axis=0) - text_embeddings.mean(axis=0)
    mmd_loss = jnp.mean(diff * diff)
    return (word_vectors, mmd_loss)

if __name__ == "__main__":
    import jax
    _d = setup_inputs()
    print(jax.jit(kernel)(*tuple(_d.values())))

</pallas_src>

<mosaic_0001>
#map = affine_map<(d0, d1) -> (0, 0)>
#map1 = affine_map<(d0, d1) -> (0, 0, 0)>
module attributes {stable_mosaic.version = 14 : i64} {
  func.func @_sc_words_body(%arg0: i32, %arg1: i32, %arg2: memref<4096x64xi32, #tpu.memory_space<hbm>>, %arg3: memref<256x512xf32, #tpu.memory_space<hbm>>, %arg4: memref<4096x25x512xf32, #tpu.memory_space<hbm>>, %arg5: memref<4096x512xf32, #tpu.memory_space<hbm>>, %arg6: memref<256x256xi32, #tpu.memory_space<vmem>>, %arg7: memref<16x512xf32, #tpu.memory_space<vmem>>, %arg8: memref<128x64xi32, #tpu.memory_space<vmem>>, %arg9: memref<25x512xf32, #tpu.memory_space<vmem>>, %arg10: memref<25x512xf32, #tpu.memory_space<vmem>>, %arg11: memref<512xf32, #tpu.memory_space<vmem>>, %arg12: memref<512xf32, #tpu.memory_space<vmem>>, %arg13: memref<!tpu.dma_semaphore, #tpu.memory_space<semaphore_mem>>, %arg14: memref<!tpu.dma_semaphore, #tpu.memory_space<semaphore_mem>>) attributes {dimension_semantics = [#tpu.dimension_semantics<core_parallel>, #tpu.dimension_semantics<subcore_parallel>], iteration_bounds = array<i64: 2, 16>, scalar_prefetch = 0 : i64, scratch_operands = 9 : i64, tpu.core_type = #tpu.core_type<sc_vector_subcore>, window_params = [{transform_indices = #map}, {transform_indices = #map}, {transform_indices = #map1}, {transform_indices = #map}]} {
    %mul3A = arith.constant 2 : i32
    %mul3A_0 = arith.muli %arg1, %mul3A : i32
    %add3A = arith.addi %mul3A_0, %arg0 : i32
    %mul3A_1 = arith.constant 128 : i32
    %mul3A_2 = arith.muli %add3A, %mul3A_1 : i32
    %scan3A = arith.constant 0 : i32
    %scan3A_3 = arith.constant 0 : i32
    %scan3A_4 = arith.constant 16 : i32
    %scan3A_5 = arith.addi %scan3A_3, %scan3A_4 : i32
    %scan3A_6 = arith.constant 1 : i32
    scf.for %scan3A_48 = %scan3A_3 to %scan3A_5 step %scan3A_6  : i32 {
      %mul3A_49 = arith.constant 16 : i32
      %mul3A_50 = arith.muli %scan3A_48, %mul3A_49 : i32
      "tpu.region"() ({
        %run_scoped3A = tpu.sem_alloc : memref<!tpu.dma_semaphore, #tpu.memory_space<semaphore_mem>>
        %dma_start3A = arith.constant 0 : i32
        %dma_start3A_57 = tpu.memref_slice %arg3[%mul3A_50, %dma_start3A] : memref<256x512xf32, #tpu.memory_space<hbm>> -> memref<16x512xf32, #tpu.memory_space<hbm>>
        %dma_start3A_58 = arith.constant 0 : i32
        %dma_start3A_59 = tpu.memref_slice %arg3[%mul3A_50, %dma_start3A_58] : memref<256x512xf32, #tpu.memory_space<hbm>> -> memref<16x512xf32, #tpu.memory_space<hbm>>
        tpu.enqueue_dma source(%dma_start3A_59 : memref<16x512xf32, #tpu.memory_space<hbm>>) target(%arg7 : memref<16x512xf32, #tpu.memory_space<vmem>>) target_semaphore(%run_scoped3A : memref<!tpu.dma_semaphore, #tpu.memory_space<semaphore_mem>>)
        %dma_wait3A_60 = arith.constant 0 : i32
        %dma_wait3A_61 = tpu.memref_slice %arg3[%mul3A_50, %dma_wait3A_60] : memref<256x512xf32, #tpu.memory_space<hbm>> -> memref<16x512xf32, #tpu.memory_space<hbm>>
        %dma_wait3A_62 = arith.constant 0 : i32
        %dma_wait3A_63 = tpu.memref_slice %arg3[%mul3A_50, %dma_wait3A_62] : memref<256x512xf32, #tpu.memory_space<hbm>> -> memref<16x512xf32, #tpu.memory_space<hbm>>
        tpu.wait_dma2 semaphore(%run_scoped3A : memref<!tpu.dma_semaphore, #tpu.memory_space<semaphore_mem>>) src(%dma_wait3A_63 : memref<16x512xf32, #tpu.memory_space<hbm>>) dst(%arg7 : memref<16x512xf32, #tpu.memory_space<vmem>>)
        tpu.yield
      }) : () -> ()
      %scan3A_51 = arith.constant 0 : i32
      %scan3A_52 = arith.constant 0 : i32
      %scan3A_53 = arith.constant 16 : i32
      %scan3A_54 = arith.addi %scan3A_52, %scan3A_53 : i32
      %scan3A_55 = arith.constant 1 : i32
      scf.for %scan3A_57 = %scan3A_52 to %scan3A_54 step %scan3A_55  : i32 {
        %get3A = arith.index_cast %scan3A_57 : i32 to index
        %get3A_58 = arith.constant 0 : index
        %get3A_59 = tpu.vector_load %arg7[%get3A, %get3A_58] {strides = array<i32>} : memref<16x512xf32, #tpu.memory_space<vmem>>, vector<16xf32>,
        %mul3A_60 = arith.constant 5.000000e-01 : f32
        %mul3A_61 = vector.broadcast %mul3A_60 : f32 to vector<16xf32>
        %mul3A_62 = arith.mulf %get3A_59, %mul3A_61 : vector<16xf32>
        %get3A_63 = arith.index_cast %scan3A_57 : i32 to index
        %get3A_64 = arith.constant 16 : index
        %get3A_65 = tpu.vector_load %arg7[%get3A_63, %get3A_64] {strides = array<i32>} : memref<16x512xf32, #tpu.memory_space<vmem>>, vector<16xf32>,
        %mul3A_66 = arith.constant 5.000000e-01 : f32
        %mul3A_67 = vector.broadcast %mul3A_66 : f32 to vector<16xf32>
        %mul3A_68 = arith.mulf %get3A_65, %mul3A_67 : vector<16xf32>
        %bitcast3A = vector.bitcast %mul3A_62 : vector<16xf32> to vector<16xi32>
        %add3A_69 = arith.constant 32768 : i32
        %add3A_70 = vector.broadcast %add3A_69 : i32 to vector<16xi32>
        %add3A_71 = arith.addi %bitcast3A, %add3A_70 : vector<16xi32>
        %shift_right_logical3A = arith.constant 16 : i32
        %shift_right_logical3A_72 = vector.broadcast %shift_right_logical3A : i32 to vector<16xi32>
        %shift_right_logical3A_73 = arith.shrui %add3A_71, %shift_right_logical3A_72 : vector<16xi32>
        %bitcast3A_74 = vector.bitcast %mul3A_68 : vector<16xf32> to vector<16xi32>
        %add3A_75 = arith.constant 32768 : i32
        %add3A_76 = vector.broadcast %add3A_75 : i32 to vector<16xi32>
        %add3A_77 = arith.addi %bitcast3A_74, %add3A_76 : vector<16xi32>
        %and3A = arith.constant -65536 : i32
        %and3A_78 = vector.broadcast %and3A : i32 to vector<16xi32>
        %and3A_79 = arith.andi %add3A_77, %and3A_78 : vector<16xi32>
        %or3A = arith.ori %and3A_79, %shift_right_logical3A_73 : vector<16xi32>
        %mul3A_80 = arith.constant 16 : i32
        %mul3A_81 = arith.muli %scan3A_48, %mul3A_80 : i32
        %add3A_82 = arith.addi %mul3A_81, %scan3A_57 : i32
        %swap3A = arith.index_cast %add3A_82 : i32 to index
        %swap3A_83 = arith.constant 0 : index
        %swap3A_84 = tpu.vector_load %arg6[%swap3A, %swap3A_83] {strides = array<i32>} : memref<256x256xi32, #tpu.memory_space<vmem>>, vector<16xi32>,
        tpu.vector_store %arg6[%swap3A, %swap3A_83], %or3A {strides = array<i32>} : memref<256x256xi32, #tpu.memory_space<vmem>>, vector<16xi32>,
        %get3A_85 = arith.index_cast %scan3A_57 : i32 to index
        %get3A_86 = arith.constant 32 : index
        %get3A_87 = tpu.vector_load %arg7[%get3A_85, %get3A_86] {strides = array<i32>} : memref<16x512xf32, #tpu.memory_space<vmem>>, vector<16xf32>,
        %mul3A_88 = arith.constant 5.000000e-01 : f32
        %mul3A_89 = vector.broadcast %mul3A_88 : f32 to vector<16xf32>
        %mul3A_90 = arith.mulf %get3A_87, %mul3A_89 : vector<16xf32>
        %get3A_91 = arith.index_cast %scan3A_57 : i32 to index
        %get3A_92 = arith.constant 48 : index
        %get3A_93 = tpu.vector_load %arg7[%get3A_91, %get3A_92] {strides = array<i32>} : memref<16x512xf32, #tpu.memory_space<vmem>>, vector<16xf32>,
        %mul3A_94 = arith.constant 5.000000e-01 : f32
        %mul3A_95 = vector.broadcast %mul3A_94 : f32 to vector<16xf32>
        %mul3A_96 = arith.mulf %get3A_93, %mul3A_95 : vector<16xf32>
        %bitcast3A_97 = vector.bitcast %mul3A_90 : vector<16xf32> to vector<16xi32>
        %add3A_98 = arith.constant 32768 : i32
        %add3A_99 = vector.broadcast %add3A_98 : i32 to vector<16xi32>
        %add3A_100 = arith.addi %bitcast3A_97, %add3A_99 : vector<16xi32>
        %shift_right_logical3A_101 = arith.constant 16 : i32
        %shift_right_logical3A_102 = vector.broadcast %shift_right_logical3A_101 : i32 to vector<16xi32>
        %shift_right_logical3A_103 = arith.shrui %add3A_100, %shift_right_logical3A_102 : vector<16xi32>
        %bitcast3A_104 = vector.bitcast %mul3A_96 : vector<16xf32> to vector<16xi32>
        %add3A_105 = arith.constant 32768 : i32
        %add3A_106 = vector.broadcast %add3A_105 : i32 to vector<16xi32>
        %add3A_107 = arith.addi %bitcast3A_104, %add3A_106 : vector<16xi32>
        %and3A_108 = arith.constant -65536 : i32
        %and3A_109 = vector.broadcast %and3A_108 : i32 to vector<16xi32>
        %and3A_110 = arith.andi %add3A_107, %and3A_109 : vector<16xi32>
        %or3A_111 = arith.ori %and3A_110, %shift_right_logical3A_103 : vector<16xi32>
        %mul3A_112 = arith.constant 16 : i32
        %mul3A_113 = arith.muli %scan3A_48, %mul3A_112 : i32
        %add3A_114 = arith.addi %mul3A_113, %scan3A_57 : i32
        %swap3A_115 = arith.index_cast %add3A_114 : i32 to index
        %swap3A_116 = arith.constant 16 : index
        %swap3A_117 = tpu.vector_load %arg6[%swap3A_115, %swap3A_116] {strides = array<i32>} : memref<256x256xi32, #tpu.memory_space<vmem>>, vector<16xi32>,
        tpu.vector_store %arg6[%swap3A_115, %swap3A_116], %or3A_111 {strides = array<i32>} : memref<256x256xi32, #tpu.memory_space<vmem>>, vector<16xi32>,
        %get3A_118 = arith.index_cast %scan3A_57 : i32 to index
        %get3A_119 = arith.constant 64 : index
        %get3A_120 = tpu.vector_load %arg7[%get3A_118, %get3A_119] {strides = array<i32>} : memref<16x512xf32, #tpu.memory_space<vmem>>, vector<16xf32>,
        %mul3A_121 = arith.constant 5.000000e-01 : f32
        %mul3A_122 = vector.broadcast %mul3A_121 : f32 to vector<16xf32>
        %mul3A_123 = arith.mulf %get3A_120, %mul3A_122 : vector<16xf32>
        %get3A_124 = arith.index_cast %scan3A_57 : i32 to index
        %get3A_125 = arith.constant 80 : index
        %get3A_126 = tpu.vector_load %arg7[%get3A_124, %get3A_125] {strides = array<i32>} : memref<16x512xf32, #tpu.memory_space<vmem>>, vector<16xf32>,
        %mul3A_127 = arith.constant 5.000000e-01 : f32
        %mul3A_128 = vector.broadcast %mul3A_127 : f32 to vector<16xf32>
        %mul3A_129 = arith.mulf %get3A_126, %mul3A_128 : vector<16xf32>
        %bitcast3A_130 = vector.bitcast %mul3A_123 : vector<16xf32> to vector<16xi32>
        %add3A_131 = arith.constant 32768 : i32
        %add3A_132 = vector.broadcast %add3A_131 : i32 to vector<16xi32>
        %add3A_133 = arith.addi %bitcast3A_130, %add3A_132 : vector<16xi32>
        %shift_right_logical3A_134 = arith.constant 16 : i32
        %shift_right_logical3A_135 = vector.broadcast %shift_right_logical3A_134 : i32 to vector<16xi32>
        %shift_right_logical3A_136 = arith.shrui %add3A_133, %shift_right_logical3A_135 : vector<16xi32>
        %bitcast3A_137 = vector.bitcast %mul3A_129 : vector<16xf32> to vector<16xi32>
        %add3A_138 = arith.constant 32768 : i32
        %add3A_139 = vector.broadcast %add3A_138 : i32 to vector<16xi32>
        %add3A_140 = arith.addi %bitcast3A_137, %add3A_139 : vector<16xi32>
        %and3A_141 = arith.constant -65536 : i32
        %and3A_142 = vector.broadcast %and3A_141 : i32 to vector<16xi32>
        %and3A_143 = arith.andi %add3A_140, %and3A_142 : vector<16xi32>
        %or3A_144 = arith.ori %and3A_143, %shift_right_logical3A_136 : vector<16xi32>
        %mul3A_145 = arith.constant 16 : i32
        %mul3A_146 = arith.muli %scan3A_48, %mul3A_145 : i32
        %add3A_147 = arith.addi %mul3A_146, %scan3A_57 : i32
        %swap3A_148 = arith.index_cast %add3A_147 : i32 to index
        %swap3A_149 = arith.constant 32 : index
        %swap3A_150 = tpu.vector_load %arg6[%swap3A_148, %swap3A_149] {strides = array<i32>} : memref<256x256xi32, #tpu.memory_space<vmem>>, vector<16xi32>,
        tpu.vector_store %arg6[%swap3A_148, %swap3A_149], %or3A_144 {strides = array<i32>} : memref<256x256xi32, #tpu.memory_space<vmem>>, vector<16xi32>,
        %get3A_151 = arith.index_cast %scan3A_57 : i32 to index
        %get3A_152 = arith.constant 96 : index
        %get3A_153 = tpu.vector_load %arg7[%get3A_151, %get3A_152] {strides = array<i32>} : memref<16x512xf32, #tpu.memory_space<vmem>>, vector<16xf32>,
        %mul3A_154 = arith.constant 5.000000e-01 : f32
        %mul3A_155 = vector.broadcast %mul3A_154 : f32 to vector<16xf32>
        %mul3A_156 = arith.mulf %get3A_153, %mul3A_155 : vector<16xf32>
        %get3A_157 = arith.index_cast %scan3A_57 : i32 to index
        %get3A_158 = arith.constant 112 : index
        %get3A_159 = tpu.vector_load %arg7[%get3A_157, %get3A_158] {strides = array<i32>} : memref<16x512xf32, #tpu.memory_space<vmem>>, vector<16xf32>,
        %mul3A_160 = arith.constant 5.000000e-01 : f32
        %mul3A_161 = vector.broadcast %mul3A_160 : f32 to vector<16xf32>
        %mul3A_162 = arith.mulf %get3A_159, %mul3A_161 : vector<16xf32>
        %bitcast3A_163 = vector.bitcast %mul3A_156 : vector<16xf32> to vector<16xi32>
        %add3A_164 = arith.constant 32768 : i32
        %add3A_165 = vector.broadcast %add3A_164 : i32 to vector<16xi32>
        %add3A_166 = arith.addi %bitcast3A_163, %add3A_165 : vector<16xi32>
        %shift_right_logical3A_167 = arith.constant 16 : i32
        %shift_right_logical3A_168 = vector.broadcast %shift_right_logical3A_167 : i32 to vector<16xi32>
        %shift_right_logical3A_169 = arith.shrui %add3A_166, %shift_right_logical3A_168 : vector<16xi32>
        %bitcast3A_170 = vector.bitcast %mul3A_162 : vector<16xf32> to vector<16xi32>
        %add3A_171 = arith.constant 32768 : i32
        %add3A_172 = vector.broadcast %add3A_171 : i32 to vector<16xi32>
        %add3A_173 = arith.addi %bitcast3A_170, %add3A_172 : vector<16xi32>
        %and3A_174 = arith.constant -65536 : i32
        %and3A_175 = vector.broadcast %and3A_174 : i32 to vector<16xi32>
        %and3A_176 = arith.andi %add3A_173, %and3A_175 : vector<16xi32>
        %or3A_177 = arith.ori %and3A_176, %shift_right_logical3A_169 : vector<16xi32>
        %mul3A_178 = arith.constant 16 : i32
        %mul3A_179 = arith.muli %scan3A_48, %mul3A_178 : i32
        %add3A_180 = arith.addi %mul3A_179, %scan3A_57 : i32
        %swap3A_181 = arith.index_cast %add3A_180 : i32 to index
        %swap3A_182 = arith.constant 48 : index
        %swap3A_183 = tpu.vector_load %arg6[%swap3A_181, %swap3A_182] {strides = array<i32>} : memref<256x256xi32, #tpu.memory_space<vmem>>, vector<16xi32>,
        tpu.vector_store %arg6[%swap3A_181, %swap3A_182], %or3A_177 {strides = array<i32>} : memref<256x256xi32, #tpu.memory_space<vmem>>, vector<16xi32>,
        %get3A_184 = arith.index_cast %scan3A_57 : i32 to index
        %get3A_185 = arith.constant 128 : index
        %get3A_186 = tpu.vector_load %arg7[%get3A_184, %get3A_185] {strides = array<i32>} : memref<16x512xf32, #tpu.memory_space<vmem>>, vector<16xf32>,
        %mul3A_187 = arith.constant 5.000000e-01 : f32
        %mul3A_188 = vector.broadcast %mul3A_187 : f32 to vector<16xf32>
        %mul3A_189 = arith.mulf %get3A_186, %mul3A_188 : vector<16xf32>
        %get3A_190 = arith.index_cast %scan3A_57 : i32 to index
        %get3A_191 = arith.constant 144 : index
        %get3A_192 = tpu.vector_load %arg7[%get3A_190, %get3A_191] {strides = array<i32>} : memref<16x512xf32, #tpu.memory_space<vmem>>, vector<16xf32>,
        %mul3A_193 = arith.constant 5.000000e-01 : f32
        %mul3A_194 = vector.broadcast %mul3A_193 : f32 to vector<16xf32>
        %mul3A_195 = arith.mulf %get3A_192, %mul3A_194 : vector<16xf32>
        %bitcast3A_196 = vector.bitcast %mul3A_189 : vector<16xf32> to vector<16xi32>
        %add3A_197 = arith.constant 32768 : i32
        %add3A_198 = vector.broadcast %add3A_197 : i32 to vector<16xi32>
        %add3A_199 = arith.addi %bitcast3A_196, %add3A_198 : vector<16xi32>
        %shift_right_logical3A_200 = arith.constant 16 : i32
        %shift_right_logical3A_201 = vector.broadcast %shift_right_logical3A_200 : i32 to vector<16xi32>
        %shift_right_logical3A_202 = arith.shrui %add3A_199, %shift_right_logical3A_201 : vector<16xi32>
        %bitcast3A_203 = vector.bitcast %mul3A_195 : vector<16xf32> to vector<16xi32>
        %add3A_204 = arith.constant 32768 : i32
        %add3A_205 = vector.broadcast %add3A_204 : i32 to vector<16xi32>
        %add3A_206 = arith.addi %bitcast3A_203, %add3A_205 : vector<16xi32>
        %and3A_207 = arith.constant -65536 : i32
        %and3A_208 = vector.broadcast %and3A_207 : i32 to vector<16xi32>
        %and3A_209 = arith.andi %add3A_206, %and3A_208 : vector<16xi32>
        %or3A_210 = arith.ori %and3A_209, %shift_right_logical3A_202 : vector<16xi32>
        %mul3A_211 = arith.constant 16 : i32
        %mul3A_212 = arith.muli %scan3A_48, %mul3A_211 : i32
        %add3A_213 = arith.addi %mul3A_212, %scan3A_57 : i32
        %swap3A_214 = arith.index_cast %add3A_213 : i32 to index
        %swap3A_215 = arith.constant 64 : index
        %swap3A_216 = tpu.vector_load %arg6[%swap3A_214, %swap3A_215] {strides = array<i32>} : memref<256x256xi32, #tpu.memory_space<vmem>>, vector<16xi32>,
        tpu.vector_store %arg6[%swap3A_214, %swap3A_215], %or3A_210 {strides = array<i32>} : memref<256x256xi32, #tpu.memory_space<vmem>>, vector<16xi32>,
        %get3A_217 = arith.index_cast %scan3A_57 : i32 to index
        %get3A_218 = arith.constant 160 : index
        %get3A_219 = tpu.vector_load %arg7[%get3A_217, %get3A_218] {strides = array<i32>} : memref<16x512xf32, #tpu.memory_space<vmem>>, vector<16xf32>,
        %mul3A_220 = arith.constant 5.000000e-01 : f32
        %mul3A_221 = vector.broadcast %mul3A_220 : f32 to vector<16xf32>
        %mul3A_222 = arith.mulf %get3A_219, %mul3A_221 : vector<16xf32>
        %get3A_223 = arith.index_cast %scan3A_57 : i32 to index
        %get3A_224 = arith.constant 176 : index
        %get3A_225 = tpu.vector_load %arg7[%get3A_223, %get3A_224] {strides = array<i32>} : memref<16x512xf32, #tpu.memory_space<vmem>>, vector<16xf32>,
        %mul3A_226 = arith.constant 5.000000e-01 : f32
        %mul3A_227 = vector.broadcast %mul3A_226 : f32 to vector<16xf32>
        %mul3A_228 = arith.mulf %get3A_225, %mul3A_227 : vector<16xf32>
        %bitcast3A_229 = vector.bitcast %mul3A_222 : vector<16xf32> to vector<16xi32>
        %add3A_230 = arith.constant 32768 : i32
        %add3A_231 = vector.broadcast %add3A_230 : i32 to vector<16xi32>
        %add3A_232 = arith.addi %bitcast3A_229, %add3A_231 : vector<16xi32>
        %shift_right_logical3A_233 = arith.constant 16 : i32
        %shift_right_logical3A_234 = vector.broadcast %shift_right_logical3A_233 : i32 to vector<16xi32>
        %shift_right_logical3A_235 = arith.shrui %add3A_232, %shift_right_logical3A_234 : vector<16xi32>
        %bitcast3A_236 = vector.bitcast %mul3A_228 : vector<16xf32> to vector<16xi32>
        %add3A_237 = arith.constant 32768 : i32
        %add3A_238 = vector.broadcast %add3A_237 : i32 to vector<16xi32>
        %add3A_239 = arith.addi %bitcast3A_236, %add3A_238 : vector<16xi32>
        %and3A_240 = arith.constant -65536 : i32
        %and3A_241 = vector.broadcast %and3A_240 : i32 to vector<16xi32>
        %and3A_242 = arith.andi %add3A_239, %and3A_241 : vector<16xi32>
        %or3A_243 = arith.ori %and3A_242, %shift_right_logical3A_235 : vector<16xi32>
        %mul3A_244 = arith.constant 16 : i32
        %mul3A_245 = arith.muli %scan3A_48, %mul3A_244 : i32
        %add3A_246 = arith.addi %mul3A_245, %scan3A_57 : i32
        %swap3A_247 = arith.index_cast %add3A_246 : i32 to index
        %swap3A_248 = arith.constant 80 : index
        %swap3A_249 = tpu.vector_load %arg6[%swap3A_247, %swap3A_248] {strides = array<i32>} : memref<256x256xi32, #tpu.memory_space<vmem>>, vector<16xi32>,
        tpu.vector_store %arg6[%swap3A_247, %swap3A_248], %or3A_243 {strides = array<i32>} : memref<256x256xi32, #tpu.memory_space<vmem>>, vector<16xi32>,
        %get3A_250 = arith.index_cast %scan3A_57 : i32 to index
        %get3A_251 = arith.constant 192 : index
        %get3A_252 = tpu.vector_load %arg7[%get3A_250, %get3A_251] {strides = array<i32>} : memref<16x512xf32, #tpu.memory_space<vmem>>, vector<16xf32>,
        %mul3A_253 = arith.constant 5.000000e-01 : f32
        %mul3A_254 = vector.broadcast %mul3A_253 : f32 to vector<16xf32>
        %mul3A_255 = arith.mulf %get3A_252, %mul3A_254 : vector<16xf32>
        %get3A_256 = arith.index_cast %scan3A_57 : i32 to index
        %get3A_257 = arith.constant 208 : index
        %get3A_258 = tpu.vector_load %arg7[%get3A_256, %get3A_257] {strides = array<i32>} : memref<16x512xf32, #tpu.memory_space<vmem>>, vector<16xf32>,
        %mul3A_259 = arith.constant 5.000000e-01 : f32
        %mul3A_260 = vector.broadcast %mul3A_259 : f32 to vector<16xf32>
        %mul3A_261 = arith.mulf %get3A_258, %mul3A_260 : vector<16xf32>
        %bitcast3A_262 = vector.bitcast %mul3A_255 : vector<16xf32> to vector<16xi32>
        %add3A_263 = arith.constant 32768 : i32
        %add3A_264 = vector.broadcast %add3A_263 : i32 to vector<16xi32>
        %add3A_265 = arith.addi %bitcast3A_262, %add3A_264 : vector<16xi32>
        %shift_right_logical3A_266 = arith.constant 16 : i32
        %shift_right_logical3A_267 = vector.broadcast %shift_right_logical3A_266 : i32 to vector<16xi32>
        %shift_right_logical3A_268 = arith.shrui %add3A_265, %shift_right_logical3A_267 : vector<16xi32>
        %bitcast3A_269 = vector.bitcast %mul3A_261 : vector<16xf32> to vector<16xi32>
        %add3A_270 = arith.constant 32768 : i32
        %add3A_271 = vector.broadcast %add3A_270 : i32 to vector<16xi32>
        %add3A_272 = arith.addi %bitcast3A_269, %add3A_271 : vector<16xi32>
        %and3A_273 = arith.constant -65536 : i32
        %and3A_274 = vector.broadcast %and3A_273 : i32 to vector<16xi32>
        %and3A_275 = arith.andi %add3A_272, %and3A_274 : vector<16xi32>
        %or3A_276 = arith.ori %and3A_275, %shift_right_logical3A_268 : vector<16xi32>
        %mul3A_277 = arith.constant 16 : i32
        %mul3A_278 = arith.muli %scan3A_48, %mul3A_277 : i32
        %add3A_279 = arith.addi %mul3A_278, %scan3A_57 : i32
        %swap3A_280 = arith.index_cast %add3A_279 : i32 to index
        %swap3A_281 = arith.constant 96 : index
        %swap3A_282 = tpu.vector_load %arg6[%swap3A_280, %swap3A_281] {strides = array<i32>} : memref<256x256xi32, #tpu.memory_space<vmem>>, vector<16xi32>,
        tpu.vector_store %arg6[%swap3A_280, %swap3A_281], %or3A_276 {strides = array<i32>} : memref<256x256xi32, #tpu.memory_space<vmem>>, vector<16xi32>,
        %get3A_283 = arith.index_cast %scan3A_57 : i32 to index
        %get3A_284 = arith.constant 224 : index
        %get3A_285 = tpu.vector_load %arg7[%get3A_283, %get3A_284] {strides = array<i32>} : memref<16x512xf32, #tpu.memory_space<vmem>>, vector<16xf32>,
        %mul3A_286 = arith.constant 5.000000e-01 : f32
        %mul3A_287 = vector.broadcast %mul3A_286 : f32 to vector<16xf32>
        %mul3A_288 = arith.mulf %get3A_285, %mul3A_287 : vector<16xf32>
        %get3A_289 = arith.index_cast %scan3A_57 : i32 to index
        %get3A_290 = arith.constant 240 : index
        %get3A_291 = tpu.vector_load %arg7[%get3A_289, %get3A_290] {strides = array<i32>} : memref<16x512xf32, #tpu.memory_space<vmem>>, vector<16xf32>,
        %mul3A_292 = arith.constant 5.000000e-01 : f32
        %mul3A_293 = vector.broadcast %mul3A_292 : f32 to vector<16xf32>
        %mul3A_294 = arith.mulf %get3A_291, %mul3A_293 : vector<16xf32>
        %bitcast3A_295 = vector.bitcast %mul3A_288 : vector<16xf32> to vector<16xi32>
        %add3A_296 = arith.constant 32768 : i32
        %add3A_297 = vector.broadcast %add3A_296 : i32 to vector<16xi32>
        %add3A_298 = arith.addi %bitcast3A_295, %add3A_297 : vector<16xi32>
        %shift_right_logical3A_299 = arith.constant 16 : i32
        %shift_right_logical3A_300 = vector.broadcast %shift_right_logical3A_299 : i32 to vector<16xi32>
        %shift_right_logical3A_301 = arith.shrui %add3A_298, %shift_right_logical3A_300 : vector<16xi32>
        %bitcast3A_302 = vector.bitcast %mul3A_294 : vector<16xf32> to vector<16xi32>
        %add3A_303 = arith.constant 32768 : i32
        %add3A_304 = vector.broadcast %add3A_303 : i32 to vector<16xi32>
        %add3A_305 = arith.addi %bitcast3A_302, %add3A_304 : vector<16xi32>
        %and3A_306 = arith.constant -65536 : i32
        %and3A_307 = vector.broadcast %and3A_306 : i32 to vector<16xi32>
        %and3A_308 = arith.andi %add3A_305, %and3A_307 : vector<16xi32>
        %or3A_309 = arith.ori %and3A_308, %shift_right_logical3A_301 : vector<16xi32>
        %mul3A_310 = arith.constant 16 : i32
        %mul3A_311 = arith.muli %scan3A_48, %mul3A_310 : i32
        %add3A_312 = arith.addi %mul3A_311, %scan3A_57 : i32
        %swap3A_313 = arith.index_cast %add3A_312 : i32 to index
        %swap3A_314 = arith.constant 112 : index
        %swap3A_315 = tpu.vector_load %arg6[%swap3A_313, %swap3A_314] {strides = array<i32>} : memref<256x256xi32, #tpu.memory_space<vmem>>, vector<16xi32>,
        tpu.vector_store %arg6[%swap3A_313, %swap3A_314], %or3A_309 {strides = array<i32>} : memref<256x256xi32, #tpu.memory_space<vmem>>, vector<16xi32>,
        %get3A_316 = arith.index_cast %scan3A_57 : i32 to index
        %get3A_317 = arith.constant 256 : index
        %get3A_318 = tpu.vector_load %arg7[%get3A_316, %get3A_317] {strides = array<i32>} : memref<16x512xf32, #tpu.memory_space<vmem>>, vector<16xf32>,
        %mul3A_319 = arith.constant 5.000000e-01 : f32
        %mul3A_320 = vector.broadcast %mul3A_319 : f32 to vector<16xf32>
        %mul3A_321 = arith.mulf %get3A_318, %mul3A_320 : vector<16xf32>
        %get3A_322 = arith.index_cast %scan3A_57 : i32 to index
        %get3A_323 = arith.constant 272 : index
        %get3A_324 = tpu.vector_load %arg7[%get3A_322, %get3A_323] {strides = array<i32>} : memref<16x512xf32, #tpu.memory_space<vmem>>, vector<16xf32>,
        %mul3A_325 = arith.constant 5.000000e-01 : f32
        %mul3A_326 = vector.broadcast %mul3A_325 : f32 to vector<16xf32>
        %mul3A_327 = arith.mulf %get3A_324, %mul3A_326 : vector<16xf32>
        %bitcast3A_328 = vector.bitcast %mul3A_321 : vector<16xf32> to vector<16xi32>
        %add3A_329 = arith.constant 32768 : i32
        %add3A_330 = vector.broadcast %add3A_329 : i32 to vector<16xi32>
        %add3A_331 = arith.addi %bitcast3A_328, %add3A_330 : vector<16xi32>
        %shift_right_logical3A_332 = arith.constant 16 : i32
        %shift_right_logical3A_333 = vector.broadcast %shift_right_logical3A_332 : i32 to vector<16xi32>
        %shift_right_logical3A_334 = arith.shrui %add3A_331, %shift_right_logical3A_333 : vector<16xi32>
        %bitcast3A_335 = vector.bitcast %mul3A_327 : vector<16xf32> to vector<16xi32>
        %add3A_336 = arith.constant 32768 : i32
        %add3A_337 = vector.broadcast %add3A_336 : i32 to vector<16xi32>
        %add3A_338 = arith.addi %bitcast3A_335, %add3A_337 : vector<16xi32>
        %and3A_339 = arith.constant -65536 : i32
        %and3A_340 = vector.broadcast %and3A_339 : i32 to vector<16xi32>
        %and3A_341 = arith.andi %add3A_338, %and3A_340 : vector<16xi32>
        %or3A_342 = arith.ori %and3A_341, %shift_right_logical3A_334 : vector<16xi32>
        %mul3A_343 = arith.constant 16 : i32
        %mul3A_344 = arith.muli %scan3A_48, %mul3A_343 : i32
        %add3A_345 = arith.addi %mul3A_344, %scan3A_57 : i32
        %swap3A_346 = arith.index_cast %add3A_345 : i32 to index
        %swap3A_347 = arith.constant 128 : index
        %swap3A_348 = tpu.vector_load %arg6[%swap3A_346, %swap3A_347] {strides = array<i32>} : memref<256x256xi32, #tpu.memory_space<vmem>>, vector<16xi32>,
        tpu.vector_store %arg6[%swap3A_346, %swap3A_347], %or3A_342 {strides = array<i32>} : memref<256x256xi32, #tpu.memory_space<vmem>>, vector<16xi32>,
        %get3A_349 = arith.index_cast %scan3A_57 : i32 to index
        %get3A_350 = arith.constant 288 : index
        %get3A_351 = tpu.vector_load %arg7[%get3A_349, %get3A_350] {strides = array<i32>} : memref<16x512xf32, #tpu.memory_space<vmem>>, vector<16xf32>,
        %mul3A_352 = arith.constant 5.000000e-01 : f32
        %mul3A_353 = vector.broadcast %mul3A_352 : f32 to vector<16xf32>
        %mul3A_354 = arith.mulf %get3A_351, %mul3A_353 : vector<16xf32>
        %get3A_355 = arith.index_cast %scan3A_57 : i32 to index
        %get3A_356 = arith.constant 304 : index
        %get3A_357 = tpu.vector_load %arg7[%get3A_355, %get3A_356] {strides = array<i32>} : memref<16x512xf32, #tpu.memory_space<vmem>>, vector<16xf32>,
        %mul3A_358 = arith.constant 5.000000e-01 : f32
        %mul3A_359 = vector.broadcast %mul3A_358 : f32 to vector<16xf32>
        %mul3A_360 = arith.mulf %get3A_357, %mul3A_359 : vector<16xf32>
        %bitcast3A_361 = vector.bitcast %mul3A_354 : vector<16xf32> to vector<16xi32>
        %add3A_362 = arith.constant 32768 : i32
        %add3A_363 = vector.broadcast %add3A_362 : i32 to vector<16xi32>
        %add3A_364 = arith.addi %bitcast3A_361, %add3A_363 : vector<16xi32>
        %shift_right_logical3A_365 = arith.constant 16 : i32
        %shift_right_logical3A_366 = vector.broadcast %shift_right_logical3A_365 : i32 to vector<16xi32>
        %shift_right_logical3A_367 = arith.shrui %add3A_364, %shift_right_logical3A_366 : vector<16xi32>
        %bitcast3A_368 = vector.bitcast %mul3A_360 : vector<16xf32> to vector<16xi32>
        %add3A_369 = arith.constant 32768 : i32
        %add3A_370 = vector.broadcast %add3A_369 : i32 to vector<16xi32>
        %add3A_371 = arith.addi %bitcast3A_368, %add3A_370 : vector<16xi32>
        %and3A_372 = arith.constant -65536 : i32
        %and3A_373 = vector.broadcast %and3A_372 : i32 to vector<16xi32>
        %and3A_374 = arith.andi %add3A_371, %and3A_373 : vector<16xi32>
        %or3A_375 = arith.ori %and3A_374, %shift_right_logical3A_367 : vector<16xi32>
        %mul3A_376 = arith.constant 16 : i32
        %mul3A_377 = arith.muli %scan3A_48, %mul3A_376 : i32
        %add3A_378 = arith.addi %mul3A_377, %scan3A_57 : i32
        %swap3A_379 = arith.index_cast %add3A_378 : i32 to index
        %swap3A_380 = arith.constant 144 : index
        %swap3A_381 = tpu.vector_load %arg6[%swap3A_379, %swap3A_380] {strides = array<i32>} : memref<256x256xi32, #tpu.memory_space<vmem>>, vector<16xi32>,
        tpu.vector_store %arg6[%swap3A_379, %swap3A_380], %or3A_375 {strides = array<i32>} : memref<256x256xi32, #tpu.memory_space<vmem>>, vector<16xi32>,
        %get3A_382 = arith.index_cast %scan3A_57 : i32 to index
        %get3A_383 = arith.constant 320 : index
        %get3A_384 = tpu.vector_load %arg7[%get3A_382, %get3A_383] {strides = array<i32>} : memref<16x512xf32, #tpu.memory_space<vmem>>, vector<16xf32>,
        %mul3A_385 = arith.constant 5.000000e-01 : f32
        %mul3A_386 = vector.broadcast %mul3A_385 : f32 to vector<16xf32>
        %mul3A_387 = arith.mulf %get3A_384, %mul3A_386 : vector<16xf32>
        %get3A_388 = arith.index_cast %scan3A_57 : i32 to index
        %get3A_389 = arith.constant 336 : index
        %get3A_390 = tpu.vector_load %arg7[%get3A_388, %get3A_389] {strides = array<i32>} : memref<16x512xf32, #tpu.memory_space<vmem>>, vector<16xf32>,
        %mul3A_391 = arith.constant 5.000000e-01 : f32
        %mul3A_392 = vector.broadcast %mul3A_391 : f32 to vector<16xf32>
        %mul3A_393 = arith.mulf %get3A_390, %mul3A_392 : vector<16xf32>
        %bitcast3A_394 = vector.bitcast %mul3A_387 : vector<16xf32> to vector<16xi32>
        %add3A_395 = arith.constant 32768 : i32
        %add3A_396 = vector.broadcast %add3A_395 : i32 to vector<16xi32>
        %add3A_397 = arith.addi %bitcast3A_394, %add3A_396 : vector<16xi32>
        %shift_right_logical3A_398 = arith.constant 16 : i32
        %shift_right_logical3A_399 = vector.broadcast %shift_right_logical3A_398 : i32 to vector<16xi32>
        %shift_right_logical3A_400 = arith.shrui %add3A_397, %shift_right_logical3A_399 : vector<16xi32>
        %bitcast3A_401 = vector.bitcast %mul3A_393 : vector<16xf32> to vector<16xi32>
        %add3A_402 = arith.constant 32768 : i32
        %add3A_403 = vector.broadcast %add3A_402 : i32 to vector<16xi32>
        %add3A_404 = arith.addi %bitcast3A_401, %add3A_403 : vector<16xi32>
        %and3A_405 = arith.constant -65536 : i32
        %and3A_406 = vector.broadcast %and3A_405 : i32 to vector<16xi32>
        %and3A_407 = arith.andi %add3A_404, %and3A_406 : vector<16xi32>
        %or3A_408 = arith.ori %and3A_407, %shift_right_logical3A_400 : vector<16xi32>
        %mul3A_409 = arith.constant 16 : i32
        %mul3A_410 = arith.muli %scan3A_48, %mul3A_409 : i32
        %add3A_411 = arith.addi %mul3A_410, %scan3A_57 : i32
        %swap3A_412 = arith.index_cast %add3A_411 : i32 to index
        %swap3A_413 = arith.constant 160 : index
        %swap3A_414 = tpu.vector_load %arg6[%swap3A_412, %swap3A_413] {strides = array<i32>} : memref<256x256xi32, #tpu.memory_space<vmem>>, vector<16xi32>,
        tpu.vector_store %arg6[%swap3A_412, %swap3A_413], %or3A_408 {strides = array<i32>} : memref<256x256xi32, #tpu.memory_space<vmem>>, vector<16xi32>,
        %get3A_415 = arith.index_cast %scan3A_57 : i32 to index
        %get3A_416 = arith.constant 352 : index
        %get3A_417 = tpu.vector_load %arg7[%get3A_415, %get3A_416] {strides = array<i32>} : memref<16x512xf32, #tpu.memory_space<vmem>>, vector<16xf32>,
        %mul3A_418 = arith.constant 5.000000e-01 : f32
        %mul3A_419 = vector.broadcast %mul3A_418 : f32 to vector<16xf32>
        %mul3A_420 = arith.mulf %get3A_417, %mul3A_419 : vector<16xf32>
        %get3A_421 = arith.index_cast %scan3A_57 : i32 to index
        %get3A_422 = arith.constant 368 : index
        %get3A_423 = tpu.vector_load %arg7[%get3A_421, %get3A_422] {strides = array<i32>} : memref<16x512xf32, #tpu.memory_space<vmem>>, vector<16xf32>,
        %mul3A_424 = arith.constant 5.000000e-01 : f32
        %mul3A_425 = vector.broadcast %mul3A_424 : f32 to vector<16xf32>
        %mul3A_426 = arith.mulf %get3A_423, %mul3A_425 : vector<16xf32>
        %bitcast3A_427 = vector.bitcast %mul3A_420 : vector<16xf32> to vector<16xi32>
        %add3A_428 = arith.constant 32768 : i32
        %add3A_429 = vector.broadcast %add3A_428 : i32 to vector<16xi32>
        %add3A_430 = arith.addi %bitcast3A_427, %add3A_429 : vector<16xi32>
        %shift_right_logical3A_431 = arith.constant 16 : i32
        %shift_right_logical3A_432 = vector.broadcast %shift_right_logical3A_431 : i32 to vector<16xi32>
        %shift_right_logical3A_433 = arith.shrui %add3A_430, %shift_right_logical3A_432 : vector<16xi32>
        %bitcast3A_434 = vector.bitcast %mul3A_426 : vector<16xf32> to vector<16xi32>
        %add3A_435 = arith.constant 32768 : i32
        %add3A_436 = vector.broadcast %add3A_435 : i32 to vector<16xi32>
        %add3A_437 = arith.addi %bitcast3A_434, %add3A_436 : vector<16xi32>
        %and3A_438 = arith.constant -65536 : i32
        %and3A_439 = vector.broadcast %and3A_438 : i32 to vector<16xi32>
        %and3A_440 = arith.andi %add3A_437, %and3A_439 : vector<16xi32>
        %or3A_441 = arith.ori %and3A_440, %shift_right_logical3A_433 : vector<16xi32>
        %mul3A_442 = arith.constant 16 : i32
        %mul3A_443 = arith.muli %scan3A_48, %mul3A_442 : i32
        %add3A_444 = arith.addi %mul3A_443, %scan3A_57 : i32
        %swap3A_445 = arith.index_cast %add3A_444 : i32 to index
        %swap3A_446 = arith.constant 176 : index
        %swap3A_447 = tpu.vector_load %arg6[%swap3A_445, %swap3A_446] {strides = array<i32>} : memref<256x256xi32, #tpu.memory_space<vmem>>, vector<16xi32>,
        tpu.vector_store %arg6[%swap3A_445, %swap3A_446], %or3A_441 {strides = array<i32>} : memref<256x256xi32, #tpu.memory_space<vmem>>, vector<16xi32>,
        %get3A_448 = arith.index_cast %scan3A_57 : i32 to index
        %get3A_449 = arith.constant 384 : index
        %get3A_450 = tpu.vector_load %arg7[%get3A_448, %get3A_449] {strides = array<i32>} : memref<16x512xf32, #tpu.memory_space<vmem>>, vector<16xf32>,
        %mul3A_451 = arith.constant 5.000000e-01 : f32
        %mul3A_452 = vector.broadcast %mul3A_451 : f32 to vector<16xf32>
        %mul3A_453 = arith.mulf %get3A_450, %mul3A_452 : vector<16xf32>
        %get3A_454 = arith.index_cast %scan3A_57 : i32 to index
        %get3A_455 = arith.constant 400 : index
        %get3A_456 = tpu.vector_load %arg7[%get3A_454, %get3A_455] {strides = array<i32>} : memref<16x512xf32, #tpu.memory_space<vmem>>, vector<16xf32>,
        %mul3A_457 = arith.constant 5.000000e-01 : f32
        %mul3A_458 = vector.broadcast %mul3A_457 : f32 to vector<16xf32>
        %mul3A_459 = arith.mulf %get3A_456, %mul3A_458 : vector<16xf32>
        %bitcast3A_460 = vector.bitcast %mul3A_453 : vector<16xf32> to vector<16xi32>
        %add3A_461 = arith.constant 32768 : i32
        %add3A_462 = vector.broadcast %add3A_461 : i32 to vector<16xi32>
        %add3A_463 = arith.addi %bitcast3A_460, %add3A_462 : vector<16xi32>
        %shift_right_logical3A_464 = arith.constant 16 : i32
        %shift_right_logical3A_465 = vector.broadcast %shift_right_logical3A_464 : i32 to vector<16xi32>
        %shift_right_logical3A_466 = arith.shrui %add3A_463, %shift_right_logical3A_465 : vector<16xi32>
        %bitcast3A_467 = vector.bitcast %mul3A_459 : vector<16xf32> to vector<16xi32>
        %add3A_468 = arith.constant 32768 : i32
        %add3A_469 = vector.broadcast %add3A_468 : i32 to vector<16xi32>
        %add3A_470 = arith.addi %bitcast3A_467, %add3A_469 : vector<16xi32>
        %and3A_471 = arith.constant -65536 : i32
        %and3A_472 = vector.broadcast %and3A_471 : i32 to vector<16xi32>
        %and3A_473 = arith.andi %add3A_470, %and3A_472 : vector<16xi32>
        %or3A_474 = arith.ori %and3A_473, %shift_right_logical3A_466 : vector<16xi32>
        %mul3A_475 = arith.constant 16 : i32
        %mul3A_476 = arith.muli %scan3A_48, %mul3A_475 : i32
        %add3A_477 = arith.addi %mul3A_476, %scan3A_57 : i32
        %swap3A_478 = arith.index_cast %add3A_477 : i32 to index
        %swap3A_479 = arith.constant 192 : index
        %swap3A_480 = tpu.vector_load %arg6[%swap3A_478, %swap3A_479] {strides = array<i32>} : memref<256x256xi32, #tpu.memory_space<vmem>>, vector<16xi32>,
        tpu.vector_store %arg6[%swap3A_478, %swap3A_479], %or3A_474 {strides = array<i32>} : memref<256x256xi32, #tpu.memory_space<vmem>>, vector<16xi32>,
        %get3A_481 = arith.index_cast %scan3A_57 : i32 to index
        %get3A_482 = arith.constant 416 : index
        %get3A_483 = tpu.vector_load %arg7[%get3A_481, %get3A_482] {strides = array<i32>} : memref<16x512xf32, #tpu.memory_space<vmem>>, vector<16xf32>,
        %mul3A_484 = arith.constant 5.000000e-01 : f32
        %mul3A_485 = vector.broadcast %mul3A_484 : f32 to vector<16xf32>
        %mul3A_486 = arith.mulf %get3A_483, %mul3A_485 : vector<16xf32>
        %get3A_487 = arith.index_cast %scan3A_57 : i32 to index
        %get3A_488 = arith.constant 432 : index
        %get3A_489 = tpu.vector_load %arg7[%get3A_487, %get3A_488] {strides = array<i32>} : memref<16x512xf32, #tpu.memory_space<vmem>>, vector<16xf32>,
        %mul3A_490 = arith.constant 5.000000e-01 : f32
        %mul3A_491 = vector.broadcast %mul3A_490 : f32 to vector<16xf32>
        %mul3A_492 = arith.mulf %get3A_489, %mul3A_491 : vector<16xf32>
        %bitcast3A_493 = vector.bitcast %mul3A_486 : vector<16xf32> to vector<16xi32>
        %add3A_494 = arith.constant 32768 : i32
        %add3A_495 = vector.broadcast %add3A_494 : i32 to vector<16xi32>
        %add3A_496 = arith.addi %bitcast3A_493, %add3A_495 : vector<16xi32>
        %shift_right_logical3A_497 = arith.constant 16 : i32
        %shift_right_logical3A_498 = vector.broadcast %shift_right_logical3A_497 : i32 to vector<16xi32>
        %shift_right_logical3A_499 = arith.shrui %add3A_496, %shift_right_logical3A_498 : vector<16xi32>
        %bitcast3A_500 = vector.bitcast %mul3A_492 : vector<16xf32> to vector<16xi32>
        %add3A_501 = arith.constant 32768 : i32
        %add3A_502 = vector.broadcast %add3A_501 : i32 to vector<16xi32>
        %add3A_503 = arith.addi %bitcast3A_500, %add3A_502 : vector<16xi32>
        %and3A_504 = arith.constant -65536 : i32
        %and3A_505 = vector.broadcast %and3A_504 : i32 to vector<16xi32>
        %and3A_506 = arith.andi %add3A_503, %and3A_505 : vector<16xi32>
        %or3A_507 = arith.ori %and3A_506, %shift_right_logical3A_499 : vector<16xi32>
        %mul3A_508 = arith.constant 16 : i32
        %mul3A_509 = arith.muli %scan3A_48, %mul3A_508 : i32
        %add3A_510 = arith.addi %mul3A_509, %scan3A_57 : i32
        %swap3A_511 = arith.index_cast %add3A_510 : i32 to index
        %swap3A_512 = arith.constant 208 : index
        %swap3A_513 = tpu.vector_load %arg6[%swap3A_511, %swap3A_512] {strides = array<i32>} : memref<256x256xi32, #tpu.memory_space<vmem>>, vector<16xi32>,
        tpu.vector_store %arg6[%swap3A_511, %swap3A_512], %or3A_507 {strides = array<i32>} : memref<256x256xi32, #tpu.memory_space<vmem>>, vector<16xi32>,
        %get3A_514 = arith.index_cast %scan3A_57 : i32 to index
        %get3A_515 = arith.constant 448 : index
        %get3A_516 = tpu.vector_load %arg7[%get3A_514, %get3A_515] {strides = array<i32>} : memref<16x512xf32, #tpu.memory_space<vmem>>, vector<16xf32>,
        %mul3A_517 = arith.constant 5.000000e-01 : f32
        %mul3A_518 = vector.broadcast %mul3A_517 : f32 to vector<16xf32>
        %mul3A_519 = arith.mulf %get3A_516, %mul3A_518 : vector<16xf32>
        %get3A_520 = arith.index_cast %scan3A_57 : i32 to index
        %get3A_521 = arith.constant 464 : index
        %get3A_522 = tpu.vector_load %arg7[%get3A_520, %get3A_521] {strides = array<i32>} : memref<16x512xf32, #tpu.memory_space<vmem>>, vector<16xf32>,
        %mul3A_523 = arith.constant 5.000000e-01 : f32
        %mul3A_524 = vector.broadcast %mul3A_523 : f32 to vector<16xf32>
        %mul3A_525 = arith.mulf %get3A_522, %mul3A_524 : vector<16xf32>
        %bitcast3A_526 = vector.bitcast %mul3A_519 : vector<16xf32> to vector<16xi32>
        %add3A_527 = arith.constant 32768 : i32
        %add3A_528 = vector.broadcast %add3A_527 : i32 to vector<16xi32>
        %add3A_529 = arith.addi %bitcast3A_526, %add3A_528 : vector<16xi32>
        %shift_right_logical3A_530 = arith.constant 16 : i32
        %shift_right_logical3A_531 = vector.broadcast %shift_right_logical3A_530 : i32 to vector<16xi32>
        %shift_right_logical3A_532 = arith.shrui %add3A_529, %shift_right_logical3A_531 : vector<16xi32>
        %bitcast3A_533 = vector.bitcast %mul3A_525 : vector<16xf32> to vector<16xi32>
        %add3A_534 = arith.constant 32768 : i32
        %add3A_535 = vector.broadcast %add3A_534 : i32 to vector<16xi32>
        %add3A_536 = arith.addi %bitcast3A_533, %add3A_535 : vector<16xi32>
        %and3A_537 = arith.constant -65536 : i32
        %and3A_538 = vector.broadcast %and3A_537 : i32 to vector<16xi32>
        %and3A_539 = arith.andi %add3A_536, %and3A_538 : vector<16xi32>
        %or3A_540 = arith.ori %and3A_539, %shift_right_logical3A_532 : vector<16xi32>
        %mul3A_541 = arith.constant 16 : i32
        %mul3A_542 = arith.muli %scan3A_48, %mul3A_541 : i32
        %add3A_543 = arith.addi %mul3A_542, %scan3A_57 : i32
        %swap3A_544 = arith.index_cast %add3A_543 : i32 to index
        %swap3A_545 = arith.constant 224 : index
        %swap3A_546 = tpu.vector_load %arg6[%swap3A_544, %swap3A_545] {strides = array<i32>} : memref<256x256xi32, #tpu.memory_space<vmem>>, vector<16xi32>,
        tpu.vector_store %arg6[%swap3A_544, %swap3A_545], %or3A_540 {strides = array<i32>} : memref<256x256xi32, #tpu.memory_space<vmem>>, vector<16xi32>,
        %get3A_547 = arith.index_cast %scan3A_57 : i32 to index
        %get3A_548 = arith.constant 480 : index
        %get3A_549 = tpu.vector_load %arg7[%get3A_547, %get3A_548] {strides = array<i32>} : memref<16x512xf32, #tpu.memory_space<vmem>>, vector<16xf32>,
        %mul3A_550 = arith.constant 5.000000e-01 : f32
        %mul3A_551 = vector.broadcast %mul3A_550 : f32 to vector<16xf32>
        %mul3A_552 = arith.mulf %get3A_549, %mul3A_551 : vector<16xf32>
        %get3A_553 = arith.index_cast %scan3A_57 : i32 to index
        %get3A_554 = arith.constant 496 : index
        %get3A_555 = tpu.vector_load %arg7[%get3A_553, %get3A_554] {strides = array<i32>} : memref<16x512xf32, #tpu.memory_space<vmem>>, vector<16xf32>,
        %mul3A_556 = arith.constant 5.000000e-01 : f32
        %mul3A_557 = vector.broadcast %mul3A_556 : f32 to vector<16xf32>
        %mul3A_558 = arith.mulf %get3A_555, %mul3A_557 : vector<16xf32>
        %bitcast3A_559 = vector.bitcast %mul3A_552 : vector<16xf32> to vector<16xi32>
        %add3A_560 = arith.constant 32768 : i32
        %add3A_561 = vector.broadcast %add3A_560 : i32 to vector<16xi32>
        %add3A_562 = arith.addi %bitcast3A_559, %add3A_561 : vector<16xi32>
        %shift_right_logical3A_563 = arith.constant 16 : i32
        %shift_right_logical3A_564 = vector.broadcast %shift_right_logical3A_563 : i32 to vector<16xi32>
        %shift_right_logical3A_565 = arith.shrui %add3A_562, %shift_right_logical3A_564 : vector<16xi32>
        %bitcast3A_566 = vector.bitcast %mul3A_558 : vector<16xf32> to vector<16xi32>
        %add3A_567 = arith.constant 32768 : i32
        %add3A_568 = vector.broadcast %add3A_567 : i32 to vector<16xi32>
        %add3A_569 = arith.addi %bitcast3A_566, %add3A_568 : vector<16xi32>
        %and3A_570 = arith.constant -65536 : i32
        %and3A_571 = vector.broadcast %and3A_570 : i32 to vector<16xi32>
        %and3A_572 = arith.andi %add3A_569, %and3A_571 : vector<16xi32>
        %or3A_573 = arith.ori %and3A_572, %shift_right_logical3A_565 : vector<16xi32>
        %mul3A_574 = arith.constant 16 : i32
        %mul3A_575 = arith.muli %scan3A_48, %mul3A_574 : i32
        %add3A_576 = arith.addi %mul3A_575, %scan3A_57 : i32
        %swap3A_577 = arith.index_cast %add3A_576 : i32 to index
        %swap3A_578 = arith.constant 240 : index
        %swap3A_579 = tpu.vector_load %arg6[%swap3A_577, %swap3A_578] {strides = array<i32>} : memref<256x256xi32, #tpu.memory_space<vmem>>, vector<16xi32>,
        tpu.vector_store %arg6[%swap3A_577, %swap3A_578], %or3A_573 {strides = array<i32>} : memref<256x256xi32, #tpu.memory_space<vmem>>, vector<16xi32>,
      }
      %scan3A_56 = arith.constant 16 : i32
    }
    %scan3A_7 = arith.constant 16 : i32
    "tpu.region"() ({
      %run_scoped3A = tpu.sem_alloc : memref<!tpu.dma_semaphore, #tpu.memory_space<semaphore_mem>>
      %dma_start3A = arith.constant 0 : i32
      %dma_start3A_48 = tpu.memref_slice %arg2[%mul3A_2, %dma_start3A] : memref<4096x64xi32, #tpu.memory_space<hbm>> -> memref<128x64xi32, #tpu.memory_space<hbm>>
      %dma_start3A_49 = arith.constant 0 : i32
      %dma_start3A_50 = tpu.memref_slice %arg2[%mul3A_2, %dma_start3A_49] : memref<4096x64xi32, #tpu.memory_space<hbm>> -> memref<128x64xi32, #tpu.memory_space<hbm>>
      tpu.enqueue_dma source(%dma_start3A_50 : memref<128x64xi32, #tpu.memory_space<hbm>>) target(%arg8 : memref<128x64xi32, #tpu.memory_space<vmem>>) target_semaphore(%run_scoped3A : memref<!tpu.dma_semaphore, #tpu.memory_space<semaphore_mem>>)
      %dma_wait3A_51 = arith.constant 0 : i32
      %dma_wait3A_52 = tpu.memref_slice %arg2[%mul3A_2, %dma_wait3A_51] : memref<4096x64xi32, #tpu.memory_space<hbm>> -> memref<128x64xi32, #tpu.memory_space<hbm>>
      %dma_wait3A_53 = arith.constant 0 : i32
      %dma_wait3A_54 = tpu.memref_slice %arg2[%mul3A_2, %dma_wait3A_53] : memref<4096x64xi32, #tpu.memory_space<hbm>> -> memref<128x64xi32, #tpu.memory_space<hbm>>
      tpu.wait_dma2 semaphore(%run_scoped3A : memref<!tpu.dma_semaphore, #tpu.memory_space<semaphore_mem>>) src(%dma_wait3A_54 : memref<128x64xi32, #tpu.memory_space<hbm>>) dst(%arg8 : memref<128x64xi32, #tpu.memory_space<vmem>>)
      tpu.yield
    }) : () -> ()
    %scan3A_8 = arith.constant 0 : i32
    %scan3A_9 = arith.constant 0 : i32
    %scan3A_10 = arith.constant 64 : i32
    %scan3A_11 = arith.addi %scan3A_9, %scan3A_10 : i32
    %scan3A_12 = arith.constant 1 : i32
    scf.for %scan3A_48 = %scan3A_9 to %scan3A_11 step %scan3A_12  : i32 {
      %mul3A_49 = arith.constant 2 : i32
      %mul3A_50 = arith.muli %mul3A_49, %scan3A_48 : i32
      %eq3A = arith.constant 0 : i32
      %eq3A_51 = arith.cmpi eq, %scan3A_48, %eq3A : i32
      %add3A_52 = arith.addi %mul3A_2, %mul3A_50 : i32
      %not3A = arith.constant true
      %not3A_53 = arith.xori %eq3A_51, %not3A : i1
      %convert_element_type3A = arith.extui %not3A_53 : i1 to i32
      %cond3A = arith.constant 0 : i32
      %cond3A_54 = arith.cmpi ne, %convert_element_type3A, %cond3A : i32
      scf.if %cond3A_54 {
        %dma_wait3A_320 = arith.constant 0 : i32
        %dma_wait3A_321 = arith.constant 0 : i32
        %dma_wait3A_322 = tpu.memref_slice %arg4[%add3A_52, %dma_wait3A_320, %dma_wait3A_321] : memref<4096x25x512xf32, #tpu.memory_space<hbm>> -> memref<1x25x512xf32, #tpu.memory_space<hbm>>
        %dma_wait3A_323 = tpu.memref_squeeze %dma_wait3A_322 : memref<1x25x512xf32, #tpu.memory_space<hbm>> -> memref<25x512xf32, #tpu.memory_space<hbm>>
        %dma_wait3A_324 = arith.constant 0 : i32
        %dma_wait3A_325 = arith.constant 0 : i32
        %dma_wait3A_326 = tpu.memref_slice %arg4[%add3A_52, %dma_wait3A_324, %dma_wait3A_325] : memref<4096x25x512xf32, #tpu.memory_space<hbm>> -> memref<1x25x512xf32, #tpu.memory_space<hbm>>
        %dma_wait3A_327 = tpu.memref_squeeze %dma_wait3A_326 : memref<1x25x512xf32, #tpu.memory_space<hbm>> -> memref<25x512xf32, #tpu.memory_space<hbm>>
        tpu.wait_dma2 semaphore(%arg13 : memref<!tpu.dma_semaphore, #tpu.memory_space<semaphore_mem>>) src(%arg9 : memref<25x512xf32, #tpu.memory_space<vmem>>) dst(%dma_wait3A_327 : memref<25x512xf32, #tpu.memory_space<hbm>>)
        %dma_wait3A_328 = arith.constant 0 : i32
        %dma_wait3A_329 = tpu.memref_slice %arg5[%add3A_52, %dma_wait3A_328] : memref<4096x512xf32, #tpu.memory_space<hbm>> -> memref<1x512xf32, #tpu.memory_space<hbm>>
        %dma_wait3A_330 = tpu.memref_squeeze %dma_wait3A_329 : memref<1x512xf32, #tpu.memory_space<hbm>> -> memref<512xf32, #tpu.memory_space<hbm>>
        %dma_wait3A_331 = arith.constant 0 : i32
        %dma_wait3A_332 = tpu.memref_slice %arg5[%add3A_52, %dma_wait3A_331] : memref<4096x512xf32, #tpu.memory_space<hbm>> -> memref<1x512xf32, #tpu.memory_space<hbm>>
        %dma_wait3A_333 = tpu.memref_squeeze %dma_wait3A_332 : memref<1x512xf32, #tpu.memory_space<hbm>> -> memref<512xf32, #tpu.memory_space<hbm>>
        tpu.wait_dma2 semaphore(%arg13 : memref<!tpu.dma_semaphore, #tpu.memory_space<semaphore_mem>>) src(%arg11 : memref<512xf32, #tpu.memory_space<vmem>>) dst(%dma_wait3A_333 : memref<512xf32, #tpu.memory_space<hbm>>)
      } else {
      }
      %get3A = arith.index_cast %mul3A_50 : i32 to index
      %get3A_55 = arith.constant 0 : index
      %get3A_56 = tpu.vector_load %arg8[%get3A, %get3A_55] {strides = array<i32>} : memref<128x64xi32, #tpu.memory_space<vmem>>, vector<16xi32>,
      %get3A_57 = arith.index_cast %mul3A_50 : i32 to index
      %get3A_58 = arith.constant 16 : index
      %get3A_59 = tpu.vector_load %arg8[%get3A_57, %get3A_58] {strides = array<i32>} : memref<128x64xi32, #tpu.memory_space<vmem>>, vector<16xi32>,
      %get3A_60 = arith.index_cast %mul3A_50 : i32 to index
      %get3A_61 = arith.constant 32 : index
      %get3A_62 = tpu.vector_load %arg8[%get3A_60, %get3A_61] {strides = array<i32>} : memref<128x64xi32, #tpu.memory_space<vmem>>, vector<16xi32>,
      %get3A_63 = arith.index_cast %mul3A_50 : i32 to index
      %get3A_64 = arith.constant 48 : index
      %get3A_65 = tpu.vector_load %arg8[%get3A_63, %get3A_64] {strides = array<i32>} : memref<128x64xi32, #tpu.memory_space<vmem>>, vector<16xi32>,
      %slice3A = vector.extract_strided_slice %get3A_56 {offsets = [0], sizes = [1], strides = [1]} : vector<16xi32> to vector<1xi32>
      %squeeze3A = vector.extract %slice3A[0] : i32 from vector<1xi32>
      %slice3A_66 = vector.extract_strided_slice %get3A_56 {offsets = [1], sizes = [1], strides = [1]} : vector<16xi32> to vector<1xi32>
      %squeeze3A_67 = vector.extract %slice3A_66[0] : i32 from vector<1xi32>
      %slice3A_68 = vector.extract_strided_slice %get3A_56 {offsets = [2], sizes = [1], strides = [1]} : vector<16xi32> to vector<1xi32>
      %squeeze3A_69 = vector.extract %slice3A_68[0] : i32 from vector<1xi32>
      %slice3A_70 = vector.extract_strided_slice %get3A_56 {offsets = [3], sizes = [1], strides = [1]} : vector<16xi32> to vector<1xi32>
      %squeeze3A_71 = vector.extract %slice3A_70[0] : i32 from vector<1xi32>
      %slice3A_72 = vector.extract_strided_slice %get3A_56 {offsets = [4], sizes = [1], strides = [1]} : vector<16xi32> to vector<1xi32>
      %squeeze3A_73 = vector.extract %slice3A_72[0] : i32 from vector<1xi32>
      %slice3A_74 = vector.extract_strided_slice %get3A_56 {offsets = [5], sizes = [1], strides = [1]} : vector<16xi32> to vector<1xi32>
      %squeeze3A_75 = vector.extract %slice3A_74[0] : i32 from vector<1xi32>
      %slice3A_76 = vector.extract_strided_slice %get3A_56 {offsets = [6], sizes = [1], strides = [1]} : vector<16xi32> to vector<1xi32>
      %squeeze3A_77 = vector.extract %slice3A_76[0] : i32 from vector<1xi32>
      %slice3A_78 = vector.extract_strided_slice %get3A_56 {offsets = [7], sizes = [1], strides = [1]} : vector<16xi32> to vector<1xi32>
      %squeeze3A_79 = vector.extract %slice3A_78[0] : i32 from vector<1xi32>
      %slice3A_80 = vector.extract_strided_slice %get3A_56 {offsets = [8], sizes = [1], strides = [1]} : vector<16xi32> to vector<1xi32>
      %squeeze3A_81 = vector.extract %slice3A_80[0] : i32 from vector<1xi32>
      %slice3A_82 = vector.extract_strided_slice %get3A_56 {offsets = [9], sizes = [1], strides = [1]} : vector<16xi32> to vector<1xi32>
      %squeeze3A_83 = vector.extract %slice3A_82[0] : i32 from vector<1xi32>
      %slice3A_84 = vector.extract_strided_slice %get3A_56 {offsets = [10], sizes = [1], strides = [1]} : vector<16xi32> to vector<1xi32>
      %squeeze3A_85 = vector.extract %slice3A_84[0] : i32 from vector<1xi32>
      %slice3A_86 = vector.extract_strided_slice %get3A_56 {offsets = [11], sizes = [1], strides = [1]} : vector<16xi32> to vector<1xi32>
      %squeeze3A_87 = vector.extract %slice3A_86[0] : i32 from vector<1xi32>
      %slice3A_88 = vector.extract_strided_slice %get3A_56 {offsets = [12], sizes = [1], strides = [1]} : vector<16xi32> to vector<1xi32>
      %squeeze3A_89 = vector.extract %slice3A_88[0] : i32 from vector<1xi32>
      %slice3A_90 = vector.extract_strided_slice %get3A_56 {offsets = [13], sizes = [1], strides = [1]} : vector<16xi32> to vector<1xi32>
      %squeeze3A_91 = vector.extract %slice3A_90[0] : i32 from vector<1xi32>
      %slice3A_92 = vector.extract_strided_slice %get3A_56 {offsets = [14], sizes = [1], strides = [1]} : vector<16xi32> to vector<1xi32>
      %squeeze3A_93 = vector.extract %slice3A_92[0] : i32 from vector<1xi32>
      %slice3A_94 = vector.extract_strided_slice %get3A_56 {offsets = [15], sizes = [1], strides = [1]} : vector<16xi32> to vector<1xi32>
      %squeeze3A_95 = vector.extract %slice3A_94[0] : i32 from vector<1xi32>
      %slice3A_96 = vector.extract_strided_slice %get3A_59 {offsets = [0], sizes = [1], strides = [1]} : vector<16xi32> to vector<1xi32>
      %squeeze3A_97 = vector.extract %slice3A_96[0] : i32 from vector<1xi32>
      %slice3A_98 = vector.extract_strided_slice %get3A_59 {offsets = [1], sizes = [1], strides = [1]} : vector<16xi32> to vector<1xi32>
      %squeeze3A_99 = vector.extract %slice3A_98[0] : i32 from vector<1xi32>
      %slice3A_100 = vector.extract_strided_slice %get3A_59 {offsets = [2], sizes = [1], strides = [1]} : vector<16xi32> to vector<1xi32>
      %squeeze3A_101 = vector.extract %slice3A_100[0] : i32 from vector<1xi32>
      %slice3A_102 = vector.extract_strided_slice %get3A_59 {offsets = [3], sizes = [1], strides = [1]} : vector<16xi32> to vector<1xi32>
      %squeeze3A_103 = vector.extract %slice3A_102[0] : i32 from vector<1xi32>
      %slice3A_104 = vector.extract_strided_slice %get3A_59 {offsets = [4], sizes = [1], strides = [1]} : vector<16xi32> to vector<1xi32>
      %squeeze3A_105 = vector.extract %slice3A_104[0] : i32 from vector<1xi32>
      %slice3A_106 = vector.extract_strided_slice %get3A_59 {offsets = [5], sizes = [1], strides = [1]} : vector<16xi32> to vector<1xi32>
      %squeeze3A_107 = vector.extract %slice3A_106[0] : i32 from vector<1xi32>
      %slice3A_108 = vector.extract_strided_slice %get3A_59 {offsets = [6], sizes = [1], strides = [1]} : vector<16xi32> to vector<1xi32>
      %squeeze3A_109 = vector.extract %slice3A_108[0] : i32 from vector<1xi32>
      %slice3A_110 = vector.extract_strided_slice %get3A_59 {offsets = [7], sizes = [1], strides = [1]} : vector<16xi32> to vector<1xi32>
      %squeeze3A_111 = vector.extract %slice3A_110[0] : i32 from vector<1xi32>
      %slice3A_112 = vector.extract_strided_slice %get3A_59 {offsets = [8], sizes = [1], strides = [1]} : vector<16xi32> to vector<1xi32>
      %squeeze3A_113 = vector.extract %slice3A_112[0] : i32 from vector<1xi32>
      %slice3A_114 = vector.extract_strided_slice %get3A_59 {offsets = [9], sizes = [1], strides = [1]} : vector<16xi32> to vector<1xi32>
      %squeeze3A_115 = vector.extract %slice3A_114[0] : i32 from vector<1xi32>
      %slice3A_116 = vector.extract_strided_slice %get3A_59 {offsets = [10], sizes = [1], strides = [1]} : vector<16xi32> to vector<1xi32>
      %squeeze3A_117 = vector.extract %slice3A_116[0] : i32 from vector<1xi32>
      %slice3A_118 = vector.extract_strided_slice %get3A_59 {offsets = [11], sizes = [1], strides = [1]} : vector<16xi32> to vector<1xi32>
      %squeeze3A_119 = vector.extract %slice3A_118[0] : i32 from vector<1xi32>
      %slice3A_120 = vector.extract_strided_slice %get3A_59 {offsets = [12], sizes = [1], strides = [1]} : vector<16xi32> to vector<1xi32>
      %squeeze3A_121 = vector.extract %slice3A_120[0] : i32 from vector<1xi32>
      %slice3A_122 = vector.extract_strided_slice %get3A_59 {offsets = [13], sizes = [1], strides = [1]} : vector<16xi32> to vector<1xi32>
      %squeeze3A_123 = vector.extract %slice3A_122[0] : i32 from vector<1xi32>
      %slice3A_124 = vector.extract_strided_slice %get3A_59 {offsets = [14], sizes = [1], strides = [1]} : vector<16xi32> to vector<1xi32>
      %squeeze3A_125 = vector.extract %slice3A_124[0] : i32 from vector<1xi32>
      %slice3A_126 = vector.extract_strided_slice %get3A_59 {offsets = [15], sizes = [1], strides = [1]} : vector<16xi32> to vector<1xi32>
      %squeeze3A_127 = vector.extract %slice3A_126[0] : i32 from vector<1xi32>
      %slice3A_128 = vector.extract_strided_slice %get3A_62 {offsets = [0], sizes = [1], strides = [1]} : vector<16xi32> to vector<1xi32>
      %squeeze3A_129 = vector.extract %slice3A_128[0] : i32 from vector<1xi32>
      %slice3A_130 = vector.extract_strided_slice %get3A_62 {offsets = [1], sizes = [1], strides = [1]} : vector<16xi32> to vector<1xi32>
      %squeeze3A_131 = vector.extract %slice3A_130[0] : i32 from vector<1xi32>
      %slice3A_132 = vector.extract_strided_slice %get3A_62 {offsets = [2], sizes = [1], strides = [1]} : vector<16xi32> to vector<1xi32>
      %squeeze3A_133 = vector.extract %slice3A_132[0] : i32 from vector<1xi32>
      %slice3A_134 = vector.extract_strided_slice %get3A_62 {offsets = [3], sizes = [1], strides = [1]} : vector<16xi32> to vector<1xi32>
      %squeeze3A_135 = vector.extract %slice3A_134[0] : i32 from vector<1xi32>
      %slice3A_136 = vector.extract_strided_slice %get3A_62 {offsets = [4], sizes = [1], strides = [1]} : vector<16xi32> to vector<1xi32>
      %squeeze3A_137 = vector.extract %slice3A_136[0] : i32 from vector<1xi32>
      %slice3A_138 = vector.extract_strided_slice %get3A_62 {offsets = [5], sizes = [1], strides = [1]} : vector<16xi32> to vector<1xi32>
      %squeeze3A_139 = vector.extract %slice3A_138[0] : i32 from vector<1xi32>
      %slice3A_140 = vector.extract_strided_slice %get3A_62 {offsets = [6], sizes = [1], strides = [1]} : vector<16xi32> to vector<1xi32>
      %squeeze3A_141 = vector.extract %slice3A_140[0] : i32 from vector<1xi32>
      %slice3A_142 = vector.extract_strided_slice %get3A_62 {offsets = [7], sizes = [1], strides = [1]} : vector<16xi32> to vector<1xi32>
      %squeeze3A_143 = vector.extract %slice3A_142[0] : i32 from vector<1xi32>
      %slice3A_144 = vector.extract_strided_slice %get3A_62 {offsets = [8], sizes = [1], strides = [1]} : vector<16xi32> to vector<1xi32>
      %squeeze3A_145 = vector.extract %slice3A_144[0] : i32 from vector<1xi32>
      %slice3A_146 = vector.extract_strided_slice %get3A_62 {offsets = [9], sizes = [1], strides = [1]} : vector<16xi32> to vector<1xi32>
      %squeeze3A_147 = vector.extract %slice3A_146[0] : i32 from vector<1xi32>
      %slice3A_148 = vector.extract_strided_slice %get3A_62 {offsets = [10], sizes = [1], strides = [1]} : vector<16xi32> to vector<1xi32>
      %squeeze3A_149 = vector.extract %slice3A_148[0] : i32 from vector<1xi32>
      %slice3A_150 = vector.extract_strided_slice %get3A_62 {offsets = [11], sizes = [1], strides = [1]} : vector<16xi32> to vector<1xi32>
      %squeeze3A_151 = vector.extract %slice3A_150[0] : i32 from vector<1xi32>
      %slice3A_152 = vector.extract_strided_slice %get3A_62 {offsets = [12], sizes = [1], strides = [1]} : vector<16xi32> to vector<1xi32>
      %squeeze3A_153 = vector.extract %slice3A_152[0] : i32 from vector<1xi32>
      %slice3A_154 = vector.extract_strided_slice %get3A_62 {offsets = [13], sizes = [1], strides = [1]} : vector<16xi32> to vector<1xi32>
      %squeeze3A_155 = vector.extract %slice3A_154[0] : i32 from vector<1xi32>
      %slice3A_156 = vector.extract_strided_slice %get3A_62 {offsets = [14], sizes = [1], strides = [1]} : vector<16xi32> to vector<1xi32>
      %squeeze3A_157 = vector.extract %slice3A_156[0] : i32 from vector<1xi32>
      %slice3A_158 = vector.extract_strided_slice %get3A_62 {offsets = [15], sizes = [1], strides = [1]} : vector<16xi32> to vector<1xi32>
      %squeeze3A_159 = vector.extract %slice3A_158[0] : i32 from vector<1xi32>
      %slice3A_160 = vector.extract_strided_slice %get3A_65 {offsets = [0], sizes = [1], strides = [1]} : vector<16xi32> to vector<1xi32>
      %squeeze3A_161 = vector.extract %slice3A_160[0] : i32 from vector<1xi32>
      %slice3A_162 = vector.extract_strided_slice %get3A_65 {offsets = [1], sizes = [1], strides = [1]} : vector<16xi32> to vector<1xi32>
      %squeeze3A_163 = vector.extract %slice3A_162[0] : i32 from vector<1xi32>
      %parallel_loop3A = arith.constant 0 : i32
      %parallel_loop3A_164 = arith.constant 16 : i32
      %parallel_loop3A_165 = arith.constant 1 : i32
      scf.for %parallel_loop3A_320 = %parallel_loop3A to %parallel_loop3A_164 step %parallel_loop3A_165  : i32 {
        %parallel_loop3A_321 = arith.constant 16 : i32
        %parallel_loop3A_322 = arith.muli %parallel_loop3A_320, %parallel_loop3A_321 : i32
        %parallel_loop3A_323 = arith.index_cast %squeeze3A : i32 to index
        %parallel_loop3A_324 = arith.index_cast %parallel_loop3A_322 : i32 to index
        %parallel_loop3A_325 = tpu.vector_load %arg6[%parallel_loop3A_323, %parallel_loop3A_324] {strides = array<i32>} : memref<256x256xi32, #tpu.memory_space<vmem>>, vector<16xi32>,
        %parallel_loop3A_326 = arith.index_cast %squeeze3A_67 : i32 to index
        %parallel_loop3A_327 = arith.index_cast %parallel_loop3A_322 : i32 to index
        %parallel_loop3A_328 = tpu.vector_load %arg6[%parallel_loop3A_326, %parallel_loop3A_327] {strides = array<i32>} : memref<256x256xi32, #tpu.memory_space<vmem>>, vector<16xi32>,
        %parallel_loop3A_329 = vector.bitcast %parallel_loop3A_325 : vector<16xi32> to vector<32xbf16>
        %parallel_loop3A_330 = vector.bitcast %parallel_loop3A_328 : vector<16xi32> to vector<32xbf16>
        %parallel_loop3A_331 = arith.addf %parallel_loop3A_329, %parallel_loop3A_330 : vector<32xbf16>
        %parallel_loop3A_332 = arith.index_cast %squeeze3A_69 : i32 to index
        %parallel_loop3A_333 = arith.index_cast %parallel_loop3A_322 : i32 to index
        %parallel_loop3A_334 = tpu.vector_load %arg6[%parallel_loop3A_332, %parallel_loop3A_333] {strides = array<i32>} : memref<256x256xi32, #tpu.memory_space<vmem>>, vector<16xi32>,
        %parallel_loop3A_335 = arith.index_cast %squeeze3A_71 : i32 to index
        %parallel_loop3A_336 = arith.index_cast %parallel_loop3A_322 : i32 to index
        %parallel_loop3A_337 = tpu.vector_load %arg6[%parallel_loop3A_335, %parallel_loop3A_336] {strides = array<i32>} : memref<256x256xi32, #tpu.memory_space<vmem>>, vector<16xi32>,
        %parallel_loop3A_338 = vector.bitcast %parallel_loop3A_334 : vector<16xi32> to vector<32xbf16>
        %parallel_loop3A_339 = vector.bitcast %parallel_loop3A_337 : vector<16xi32> to vector<32xbf16>
        %parallel_loop3A_340 = arith.addf %parallel_loop3A_338, %parallel_loop3A_339 : vector<32xbf16>
        %parallel_loop3A_341 = arith.index_cast %squeeze3A_73 : i32 to index
        %parallel_loop3A_342 = arith.index_cast %parallel_loop3A_322 : i32 to index
        %parallel_loop3A_343 = tpu.vector_load %arg6[%parallel_loop3A_341, %parallel_loop3A_342] {strides = array<i32>} : memref<256x256xi32, #tpu.memory_space<vmem>>, vector<16xi32>,
        %parallel_loop3A_344 = arith.index_cast %squeeze3A_75 : i32 to index
        %parallel_loop3A_345 = arith.index_cast %parallel_loop3A_322 : i32 to index
        %parallel_loop3A_346 = tpu.vector_load %arg6[%parallel_loop3A_344, %parallel_loop3A_345] {strides = array<i32>} : memref<256x256xi32, #tpu.memory_space<vmem>>, vector<16xi32>,
        %parallel_loop3A_347 = vector.bitcast %parallel_loop3A_343 : vector<16xi32> to vector<32xbf16>
        %parallel_loop3A_348 = vector.bitcast %parallel_loop3A_346 : vector<16xi32> to vector<32xbf16>
        %parallel_loop3A_349 = arith.addf %parallel_loop3A_347, %parallel_loop3A_348 : vector<32xbf16>
        %parallel_loop3A_350 = arith.index_cast %squeeze3A_77 : i32 to index
        %parallel_loop3A_351 = arith.index_cast %parallel_loop3A_322 : i32 to index
        %parallel_loop3A_352 = tpu.vector_load %arg6[%parallel_loop3A_350, %parallel_loop3A_351] {strides = array<i32>} : memref<256x256xi32, #tpu.memory_space<vmem>>, vector<16xi32>,
        %parallel_loop3A_353 = arith.index_cast %squeeze3A_79 : i32 to index
        %parallel_loop3A_354 = arith.index_cast %parallel_loop3A_322 : i32 to index
        %parallel_loop3A_355 = tpu.vector_load %arg6[%parallel_loop3A_353, %parallel_loop3A_354] {strides = array<i32>} : memref<256x256xi32, #tpu.memory_space<vmem>>, vector<16xi32>,
        %parallel_loop3A_356 = vector.bitcast %parallel_loop3A_352 : vector<16xi32> to vector<32xbf16>
        %parallel_loop3A_357 = vector.bitcast %parallel_loop3A_355 : vector<16xi32> to vector<32xbf16>
        %parallel_loop3A_358 = arith.addf %parallel_loop3A_356, %parallel_loop3A_357 : vector<32xbf16>
        %parallel_loop3A_359 = arith.index_cast %squeeze3A_81 : i32 to index
        %parallel_loop3A_360 = arith.index_cast %parallel_loop3A_322 : i32 to index
        %parallel_loop3A_361 = tpu.vector_load %arg6[%parallel_loop3A_359, %parallel_loop3A_360] {strides = array<i32>} : memref<256x256xi32, #tpu.memory_space<vmem>>, vector<16xi32>,
        %parallel_loop3A_362 = arith.index_cast %squeeze3A_83 : i32 to index
        %parallel_loop3A_363 = arith.index_cast %parallel_loop3A_322 : i32 to index
        %parallel_loop3A_364 = tpu.vector_load %arg6[%parallel_loop3A_362, %parallel_loop3A_363] {strides = array<i32>} : memref<256x256xi32, #tpu.memory_space<vmem>>, vector<16xi32>,
        %parallel_loop3A_365 = vector.bitcast %parallel_loop3A_361 : vector<16xi32> to vector<32xbf16>
        %parallel_loop3A_366 = vector.bitcast %parallel_loop3A_364 : vector<16xi32> to vector<32xbf16>
        %parallel_loop3A_367 = arith.addf %parallel_loop3A_365, %parallel_loop3A_366 : vector<32xbf16>
        %parallel_loop3A_368 = arith.index_cast %squeeze3A_85 : i32 to index
        %parallel_loop3A_369 = arith.index_cast %parallel_loop3A_322 : i32 to index
        %parallel_loop3A_370 = tpu.vector_load %arg6[%parallel_loop3A_368, %parallel_loop3A_369] {strides = array<i32>} : memref<256x256xi32, #tpu.memory_space<vmem>>, vector<16xi32>,
        %parallel_loop3A_371 = arith.index_cast %squeeze3A_87 : i32 to index
        %parallel_loop3A_372 = arith.index_cast %parallel_loop3A_322 : i32 to index
        %parallel_loop3A_373 = tpu.vector_load %arg6[%parallel_loop3A_371, %parallel_loop3A_372] {strides = array<i32>} : memref<256x256xi32, #tpu.memory_space<vmem>>, vector<16xi32>,
        %parallel_loop3A_374 = vector.bitcast %parallel_loop3A_370 : vector<16xi32> to vector<32xbf16>
        %parallel_loop3A_375 = vector.bitcast %parallel_loop3A_373 : vector<16xi32> to vector<32xbf16>
        %parallel_loop3A_376 = arith.addf %parallel_loop3A_374, %parallel_loop3A_375 : vector<32xbf16>
        %parallel_loop3A_377 = arith.index_cast %squeeze3A_89 : i32 to index
        %parallel_loop3A_378 = arith.index_cast %parallel_loop3A_322 : i32 to index
        %parallel_loop3A_379 = tpu.vector_load %arg6[%parallel_loop3A_377, %parallel_loop3A_378] {strides = array<i32>} : memref<256x256xi32, #tpu.memory_space<vmem>>, vector<16xi32>,
        %parallel_loop3A_380 = arith.index_cast %squeeze3A_91 : i32 to index
        %parallel_loop3A_381 = arith.index_cast %parallel_loop3A_322 : i32 to index
        %parallel_loop3A_382 = tpu.vector_load %arg6[%parallel_loop3A_380, %parallel_loop3A_381] {strides = array<i32>} : memref<256x256xi32, #tpu.memory_space<vmem>>, vector<16xi32>,
        %parallel_loop3A_383 = vector.bitcast %parallel_loop3A_379 : vector<16xi32> to vector<32xbf16>
        %parallel_loop3A_384 = vector.bitcast %parallel_loop3A_382 : vector<16xi32> to vector<32xbf16>
        %parallel_loop3A_385 = arith.addf %parallel_loop3A_383, %parallel_loop3A_384 : vector<32xbf16>
        %parallel_loop3A_386 = arith.index_cast %squeeze3A_93 : i32 to index
        %parallel_loop3A_387 = arith.index_cast %parallel_loop3A_322 : i32 to index
        %parallel_loop3A_388 = tpu.vector_load %arg6[%parallel_loop3A_386, %parallel_loop3A_387] {strides = array<i32>} : memref<256x256xi32, #tpu.memory_space<vmem>>, vector<16xi32>,
        %parallel_loop3A_389 = arith.index_cast %squeeze3A_95 : i32 to index
        %parallel_loop3A_390 = arith.index_cast %parallel_loop3A_322 : i32 to index
        %parallel_loop3A_391 = tpu.vector_load %arg6[%parallel_loop3A_389, %parallel_loop3A_390] {strides = array<i32>} : memref<256x256xi32, #tpu.memory_space<vmem>>, vector<16xi32>,
        %parallel_loop3A_392 = vector.bitcast %parallel_loop3A_388 : vector<16xi32> to vector<32xbf16>
        %parallel_loop3A_393 = vector.bitcast %parallel_loop3A_391 : vector<16xi32> to vector<32xbf16>
        %parallel_loop3A_394 = arith.addf %parallel_loop3A_392, %parallel_loop3A_393 : vector<32xbf16>
        %parallel_loop3A_395 = arith.index_cast %squeeze3A_97 : i32 to index
        %parallel_loop3A_396 = arith.index_cast %parallel_loop3A_322 : i32 to index
        %parallel_loop3A_397 = tpu.vector_load %arg6[%parallel_loop3A_395, %parallel_loop3A_396] {strides = array<i32>} : memref<256x256xi32, #tpu.memory_space<vmem>>, vector<16xi32>,
        %parallel_loop3A_398 = arith.index_cast %squeeze3A_99 : i32 to index
        %parallel_loop3A_399 = arith.index_cast %parallel_loop3A_322 : i32 to index
        %parallel_loop3A_400 = tpu.vector_load %arg6[%parallel_loop3A_398, %parallel_loop3A_399] {strides = array<i32>} : memref<256x256xi32, #tpu.memory_space<vmem>>, vector<16xi32>,
        %parallel_loop3A_401 = vector.bitcast %parallel_loop3A_397 : vector<16xi32> to vector<32xbf16>
        %parallel_loop3A_402 = vector.bitcast %parallel_loop3A_400 : vector<16xi32> to vector<32xbf16>
        %parallel_loop3A_403 = arith.addf %parallel_loop3A_401, %parallel_loop3A_402 : vector<32xbf16>
        %parallel_loop3A_404 = arith.index_cast %squeeze3A_101 : i32 to index
        %parallel_loop3A_405 = arith.index_cast %parallel_loop3A_322 : i32 to index
        %parallel_loop3A_406 = tpu.vector_load %arg6[%parallel_loop3A_404, %parallel_loop3A_405] {strides = array<i32>} : memref<256x256xi32, #tpu.memory_space<vmem>>, vector<16xi32>,
        %parallel_loop3A_407 = arith.index_cast %squeeze3A_103 : i32 to index
        %parallel_loop3A_408 = arith.index_cast %parallel_loop3A_322 : i32 to index
        %parallel_loop3A_409 = tpu.vector_load %arg6[%parallel_loop3A_407, %parallel_loop3A_408] {strides = array<i32>} : memref<256x256xi32, #tpu.memory_space<vmem>>, vector<16xi32>,
        %parallel_loop3A_410 = vector.bitcast %parallel_loop3A_406 : vector<16xi32> to vector<32xbf16>
        %parallel_loop3A_411 = vector.bitcast %parallel_loop3A_409 : vector<16xi32> to vector<32xbf16>
        %parallel_loop3A_412 = arith.addf %parallel_loop3A_410, %parallel_loop3A_411 : vector<32xbf16>
        %parallel_loop3A_413 = arith.index_cast %squeeze3A_105 : i32 to index
        %parallel_loop3A_414 = arith.index_cast %parallel_loop3A_322 : i32 to index
        %parallel_loop3A_415 = tpu.vector_load %arg6[%parallel_loop3A_413, %parallel_loop3A_414] {strides = array<i32>} : memref<256x256xi32, #tpu.memory_space<vmem>>, vector<16xi32>,
        %parallel_loop3A_416 = arith.index_cast %squeeze3A_107 : i32 to index
        %parallel_loop3A_417 = arith.index_cast %parallel_loop3A_322 : i32 to index
        %parallel_loop3A_418 = tpu.vector_load %arg6[%parallel_loop3A_416, %parallel_loop3A_417] {strides = array<i32>} : memref<256x256xi32, #tpu.memory_space<vmem>>, vector<16xi32>,
        %parallel_loop3A_419 = vector.bitcast %parallel_loop3A_415 : vector<16xi32> to vector<32xbf16>
        %parallel_loop3A_420 = vector.bitcast %parallel_loop3A_418 : vector<16xi32> to vector<32xbf16>
        %parallel_loop3A_421 = arith.addf %parallel_loop3A_419, %parallel_loop3A_420 : vector<32xbf16>
        %parallel_loop3A_422 = arith.index_cast %squeeze3A_109 : i32 to index
        %parallel_loop3A_423 = arith.index_cast %parallel_loop3A_322 : i32 to index
        %parallel_loop3A_424 = tpu.vector_load %arg6[%parallel_loop3A_422, %parallel_loop3A_423] {strides = array<i32>} : memref<256x256xi32, #tpu.memory_space<vmem>>, vector<16xi32>,
        %parallel_loop3A_425 = arith.index_cast %squeeze3A_111 : i32 to index
        %parallel_loop3A_426 = arith.index_cast %parallel_loop3A_322 : i32 to index
        %parallel_loop3A_427 = tpu.vector_load %arg6[%parallel_loop3A_425, %parallel_loop3A_426] {strides = array<i32>} : memref<256x256xi32, #tpu.memory_space<vmem>>, vector<16xi32>,
        %parallel_loop3A_428 = vector.bitcast %parallel_loop3A_424 : vector<16xi32> to vector<32xbf16>
        %parallel_loop3A_429 = vector.bitcast %parallel_loop3A_427 : vector<16xi32> to vector<32xbf16>
        %parallel_loop3A_430 = arith.addf %parallel_loop3A_428, %parallel_loop3A_429 : vector<32xbf16>
        %parallel_loop3A_431 = arith.index_cast %squeeze3A_113 : i32 to index
        %parallel_loop3A_432 = arith.index_cast %parallel_loop3A_322 : i32 to index
        %parallel_loop3A_433 = tpu.vector_load %arg6[%parallel_loop3A_431, %parallel_loop3A_432] {strides = array<i32>} : memref<256x256xi32, #tpu.memory_space<vmem>>, vector<16xi32>,
        %parallel_loop3A_434 = arith.index_cast %squeeze3A_115 : i32 to index
        %parallel_loop3A_435 = arith.index_cast %parallel_loop3A_322 : i32 to index
        %parallel_loop3A_436 = tpu.vector_load %arg6[%parallel_loop3A_434, %parallel_loop3A_435] {strides = array<i32>} : memref<256x256xi32, #tpu.memory_space<vmem>>, vector<16xi32>,
        %parallel_loop3A_437 = vector.bitcast %parallel_loop3A_433 : vector<16xi32> to vector<32xbf16>
        %parallel_loop3A_438 = vector.bitcast %parallel_loop3A_436 : vector<16xi32> to vector<32xbf16>
        %parallel_loop3A_439 = arith.addf %parallel_loop3A_437, %parallel_loop3A_438 : vector<32xbf16>
        %parallel_loop3A_440 = arith.index_cast %squeeze3A_117 : i32 to index
        %parallel_loop3A_441 = arith.index_cast %parallel_loop3A_322 : i32 to index
        %parallel_loop3A_442 = tpu.vector_load %arg6[%parallel_loop3A_440, %parallel_loop3A_441] {strides = array<i32>} : memref<256x256xi32, #tpu.memory_space<vmem>>, vector<16xi32>,
        %parallel_loop3A_443 = arith.index_cast %squeeze3A_119 : i32 to index
        %parallel_loop3A_444 = arith.index_cast %parallel_loop3A_322 : i32 to index
        %parallel_loop3A_445 = tpu.vector_load %arg6[%parallel_loop3A_443, %parallel_loop3A_444] {strides = array<i32>} : memref<256x256xi32, #tpu.memory_space<vmem>>, vector<16xi32>,
        %parallel_loop3A_446 = vector.bitcast %parallel_loop3A_442 : vector<16xi32> to vector<32xbf16>
        %parallel_loop3A_447 = vector.bitcast %parallel_loop3A_445 : vector<16xi32> to vector<32xbf16>
        %parallel_loop3A_448 = arith.addf %parallel_loop3A_446, %parallel_loop3A_447 : vector<32xbf16>
        %parallel_loop3A_449 = arith.index_cast %squeeze3A_121 : i32 to index
        %parallel_loop3A_450 = arith.index_cast %parallel_loop3A_322 : i32 to index
        %parallel_loop3A_451 = tpu.vector_load %arg6[%parallel_loop3A_449, %parallel_loop3A_450] {strides = array<i32>} : memref<256x256xi32, #tpu.memory_space<vmem>>, vector<16xi32>,
        %parallel_loop3A_452 = arith.index_cast %squeeze3A_123 : i32 to index
        %parallel_loop3A_453 = arith.index_cast %parallel_loop3A_322 : i32 to index
        %parallel_loop3A_454 = tpu.vector_load %arg6[%parallel_loop3A_452, %parallel_loop3A_453] {strides = array<i32>} : memref<256x256xi32, #tpu.memory_space<vmem>>, vector<16xi32>,
        %parallel_loop3A_455 = vector.bitcast %parallel_loop3A_451 : vector<16xi32> to vector<32xbf16>
        %parallel_loop3A_456 = vector.bitcast %parallel_loop3A_454 : vector<16xi32> to vector<32xbf16>
        %parallel_loop3A_457 = arith.addf %parallel_loop3A_455, %parallel_loop3A_456 : vector<32xbf16>
        %parallel_loop3A_458 = arith.index_cast %squeeze3A_125 : i32 to index
        %parallel_loop3A_459 = arith.index_cast %parallel_loop3A_322 : i32 to index
        %parallel_loop3A_460 = tpu.vector_load %arg6[%parallel_loop3A_458, %parallel_loop3A_459] {strides = array<i32>} : memref<256x256xi32, #tpu.memory_space<vmem>>, vector<16xi32>,
        %parallel_loop3A_461 = arith.index_cast %squeeze3A_127 : i32 to index
        %parallel_loop3A_462 = arith.index_cast %parallel_loop3A_322 : i32 to index
        %parallel_loop3A_463 = tpu.vector_load %arg6[%parallel_loop3A_461, %parallel_loop3A_462] {strides = array<i32>} : memref<256x256xi32, #tpu.memory_space<vmem>>, vector<16xi32>,
        %parallel_loop3A_464 = vector.bitcast %parallel_loop3A_460 : vector<16xi32> to vector<32xbf16>
        %parallel_loop3A_465 = vector.bitcast %parallel_loop3A_463 : vector<16xi32> to vector<32xbf16>
        %parallel_loop3A_466 = arith.addf %parallel_loop3A_464, %parallel_loop3A_465 : vector<32xbf16>
        %parallel_loop3A_467 = arith.index_cast %squeeze3A_129 : i32 to index
        %parallel_loop3A_468 = arith.index_cast %parallel_loop3A_322 : i32 to index
        %parallel_loop3A_469 = tpu.vector_load %arg6[%parallel_loop3A_467, %parallel_loop3A_468] {strides = array<i32>} : memref<256x256xi32, #tpu.memory_space<vmem>>, vector<16xi32>,
        %parallel_loop3A_470 = arith.index_cast %squeeze3A_131 : i32 to index
        %parallel_loop3A_471 = arith.index_cast %parallel_loop3A_322 : i32 to index
        %parallel_loop3A_472 = tpu.vector_load %arg6[%parallel_loop3A_470, %parallel_loop3A_471] {strides = array<i32>} : memref<256x256xi32, #tpu.memory_space<vmem>>, vector<16xi32>,
        %parallel_loop3A_473 = vector.bitcast %parallel_loop3A_469 : vector<16xi32> to vector<32xbf16>
        %parallel_loop3A_474 = vector.bitcast %parallel_loop3A_472 : vector<16xi32> to vector<32xbf16>
        %parallel_loop3A_475 = arith.addf %parallel_loop3A_473, %parallel_loop3A_474 : vector<32xbf16>
        %parallel_loop3A_476 = arith.index_cast %squeeze3A_133 : i32 to index
        %parallel_loop3A_477 = arith.index_cast %parallel_loop3A_322 : i32 to index
        %parallel_loop3A_478 = tpu.vector_load %arg6[%parallel_loop3A_476, %parallel_loop3A_477] {strides = array<i32>} : memref<256x256xi32, #tpu.memory_space<vmem>>, vector<16xi32>,
        %parallel_loop3A_479 = arith.index_cast %squeeze3A_135 : i32 to index
        %parallel_loop3A_480 = arith.index_cast %parallel_loop3A_322 : i32 to index
        %parallel_loop3A_481 = tpu.vector_load %arg6[%parallel_loop3A_479, %parallel_loop3A_480] {strides = array<i32>} : memref<256x256xi32, #tpu.memory_space<vmem>>, vector<16xi32>,
        %parallel_loop3A_482 = vector.bitcast %parallel_loop3A_478 : vector<16xi32> to vector<32xbf16>
        %parallel_loop3A_483 = vector.bitcast %parallel_loop3A_481 : vector<16xi32> to vector<32xbf16>
        %parallel_loop3A_484 = arith.addf %parallel_loop3A_482, %parallel_loop3A_483 : vector<32xbf16>
        %parallel_loop3A_485 = arith.index_cast %squeeze3A_137 : i32 to index
        %parallel_loop3A_486 = arith.index_cast %parallel_loop3A_322 : i32 to index
        %parallel_loop3A_487 = tpu.vector_load %arg6[%parallel_loop3A_485, %parallel_loop3A_486] {strides = array<i32>} : memref<256x256xi32, #tpu.memory_space<vmem>>, vector<16xi32>,
        %parallel_loop3A_488 = arith.index_cast %squeeze3A_139 : i32 to index
        %parallel_loop3A_489 = arith.index_cast %parallel_loop3A_322 : i32 to index
        %parallel_loop3A_490 = tpu.vector_load %arg6[%parallel_loop3A_488, %parallel_loop3A_489] {strides = array<i32>} : memref<256x256xi32, #tpu.memory_space<vmem>>, vector<16xi32>,
        %parallel_loop3A_491 = vector.bitcast %parallel_loop3A_487 : vector<16xi32> to vector<32xbf16>
        %parallel_loop3A_492 = vector.bitcast %parallel_loop3A_490 : vector<16xi32> to vector<32xbf16>
        %parallel_loop3A_493 = arith.addf %parallel_loop3A_491, %parallel_loop3A_492 : vector<32xbf16>
        %parallel_loop3A_494 = arith.index_cast %squeeze3A_141 : i32 to index
        %parallel_loop3A_495 = arith.index_cast %parallel_loop3A_322 : i32 to index
        %parallel_loop3A_496 = tpu.vector_load %arg6[%parallel_loop3A_494, %parallel_loop3A_495] {strides = array<i32>} : memref<256x256xi32, #tpu.memory_space<vmem>>, vector<16xi32>,
        %parallel_loop3A_497 = arith.index_cast %squeeze3A_143 : i32 to index
        %parallel_loop3A_498 = arith.index_cast %parallel_loop3A_322 : i32 to index
        %parallel_loop3A_499 = tpu.vector_load %arg6[%parallel_loop3A_497, %parallel_loop3A_498] {strides = array<i32>} : memref<256x256xi32, #tpu.memory_space<vmem>>, vector<16xi32>,
        %parallel_loop3A_500 = vector.bitcast %parallel_loop3A_496 : vector<16xi32> to vector<32xbf16>
        %parallel_loop3A_501 = vector.bitcast %parallel_loop3A_499 : vector<16xi32> to vector<32xbf16>
        %parallel_loop3A_502 = arith.addf %parallel_loop3A_500, %parallel_loop3A_501 : vector<32xbf16>
        %parallel_loop3A_503 = arith.index_cast %squeeze3A_145 : i32 to index
        %parallel_loop3A_504 = arith.index_cast %parallel_loop3A_322 : i32 to index
        %parallel_loop3A_505 = tpu.vector_load %arg6[%parallel_loop3A_503, %parallel_loop3A_504] {strides = array<i32>} : memref<256x256xi32, #tpu.memory_space<vmem>>, vector<16xi32>,
        %parallel_loop3A_506 = arith.index_cast %squeeze3A_147 : i32 to index
        %parallel_loop3A_507 = arith.index_cast %parallel_loop3A_322 : i32 to index
        %parallel_loop3A_508 = tpu.vector_load %arg6[%parallel_loop3A_506, %parallel_loop3A_507] {strides = array<i32>} : memref<256x256xi32, #tpu.memory_space<vmem>>, vector<16xi32>,
        %parallel_loop3A_509 = vector.bitcast %parallel_loop3A_505 : vector<16xi32> to vector<32xbf16>
        %parallel_loop3A_510 = vector.bitcast %parallel_loop3A_508 : vector<16xi32> to vector<32xbf16>
        %parallel_loop3A_511 = arith.addf %parallel_loop3A_509, %parallel_loop3A_510 : vector<32xbf16>
        %parallel_loop3A_512 = arith.index_cast %squeeze3A_149 : i32 to index
        %parallel_loop3A_513 = arith.index_cast %parallel_loop3A_322 : i32 to index
        %parallel_loop3A_514 = tpu.vector_load %arg6[%parallel_loop3A_512, %parallel_loop3A_513] {strides = array<i32>} : memref<256x256xi32, #tpu.memory_space<vmem>>, vector<16xi32>,
        %parallel_loop3A_515 = arith.index_cast %squeeze3A_151 : i32 to index
        %parallel_loop3A_516 = arith.index_cast %parallel_loop3A_322 : i32 to index
        %parallel_loop3A_517 = tpu.vector_load %arg6[%parallel_loop3A_515, %parallel_loop3A_516] {strides = array<i32>} : memref<256x256xi32, #tpu.memory_space<vmem>>, vector<16xi32>,
        %parallel_loop3A_518 = vector.bitcast %parallel_loop3A_514 : vector<16xi32> to vector<32xbf16>
        %parallel_loop3A_519 = vector.bitcast %parallel_loop3A_517 : vector<16xi32> to vector<32xbf16>
        %parallel_loop3A_520 = arith.addf %parallel_loop3A_518, %parallel_loop3A_519 : vector<32xbf16>
        %parallel_loop3A_521 = arith.index_cast %squeeze3A_153 : i32 to index
        %parallel_loop3A_522 = arith.index_cast %parallel_loop3A_322 : i32 to index
        %parallel_loop3A_523 = tpu.vector_load %arg6[%parallel_loop3A_521, %parallel_loop3A_522] {strides = array<i32>} : memref<256x256xi32, #tpu.memory_space<vmem>>, vector<16xi32>,
        %parallel_loop3A_524 = arith.index_cast %squeeze3A_155 : i32 to index
        %parallel_loop3A_525 = arith.index_cast %parallel_loop3A_322 : i32 to index
        %parallel_loop3A_526 = tpu.vector_load %arg6[%parallel_loop3A_524, %parallel_loop3A_525] {strides = array<i32>} : memref<256x256xi32, #tpu.memory_space<vmem>>, vector<16xi32>,
        %parallel_loop3A_527 = vector.bitcast %parallel_loop3A_523 : vector<16xi32> to vector<32xbf16>
        %parallel_loop3A_528 = vector.bitcast %parallel_loop3A_526 : vector<16xi32> to vector<32xbf16>
        %parallel_loop3A_529 = arith.addf %parallel_loop3A_527, %parallel_loop3A_528 : vector<32xbf16>
        %parallel_loop3A_530 = arith.index_cast %squeeze3A_157 : i32 to index
        %parallel_loop3A_531 = arith.index_cast %parallel_loop3A_322 : i32 to index
        %parallel_loop3A_532 = tpu.vector_load %arg6[%parallel_loop3A_530, %parallel_loop3A_531] {strides = array<i32>} : memref<256x256xi32, #tpu.memory_space<vmem>>, vector<16xi32>,
        %parallel_loop3A_533 = arith.index_cast %squeeze3A_159 : i32 to index
        %parallel_loop3A_534 = arith.index_cast %parallel_loop3A_322 : i32 to index
        %parallel_loop3A_535 = tpu.vector_load %arg6[%parallel_loop3A_533, %parallel_loop3A_534] {strides = array<i32>} : memref<256x256xi32, #tpu.memory_space<vmem>>, vector<16xi32>,
        %parallel_loop3A_536 = vector.bitcast %parallel_loop3A_532 : vector<16xi32> to vector<32xbf16>
        %parallel_loop3A_537 = vector.bitcast %parallel_loop3A_535 : vector<16xi32> to vector<32xbf16>
        %parallel_loop3A_538 = arith.addf %parallel_loop3A_536, %parallel_loop3A_537 : vector<32xbf16>
        %parallel_loop3A_539 = arith.index_cast %squeeze3A_161 : i32 to index
        %parallel_loop3A_540 = arith.index_cast %parallel_loop3A_322 : i32 to index
        %parallel_loop3A_541 = tpu.vector_load %arg6[%parallel_loop3A_539, %parallel_loop3A_540] {strides = array<i32>} : memref<256x256xi32, #tpu.memory_space<vmem>>, vector<16xi32>,
        %parallel_loop3A_542 = arith.index_cast %squeeze3A_163 : i32 to index
        %parallel_loop3A_543 = arith.index_cast %parallel_loop3A_322 : i32 to index
        %parallel_loop3A_544 = tpu.vector_load %arg6[%parallel_loop3A_542, %parallel_loop3A_543] {strides = array<i32>} : memref<256x256xi32, #tpu.memory_space<vmem>>, vector<16xi32>,
        %parallel_loop3A_545 = vector.bitcast %parallel_loop3A_541 : vector<16xi32> to vector<32xbf16>
        %parallel_loop3A_546 = vector.bitcast %parallel_loop3A_544 : vector<16xi32> to vector<32xbf16>
        %parallel_loop3A_547 = arith.addf %parallel_loop3A_545, %parallel_loop3A_546 : vector<32xbf16>
        %parallel_loop3A_548 = vector.bitcast %parallel_loop3A_331 : vector<32xbf16> to vector<16xi32>
        %parallel_loop3A_549 = arith.constant 16 : i32
        %parallel_loop3A_550 = vector.broadcast %parallel_loop3A_549 : i32 to vector<16xi32>
        %parallel_loop3A_551 = arith.shli %parallel_loop3A_548, %parallel_loop3A_550 : vector<16xi32>
        %parallel_loop3A_552 = vector.bitcast %parallel_loop3A_551 : vector<16xi32> to vector<16xf32>
        %parallel_loop3A_553 = arith.constant -65536 : i32
        %parallel_loop3A_554 = vector.broadcast %parallel_loop3A_553 : i32 to vector<16xi32>
        %parallel_loop3A_555 = arith.andi %parallel_loop3A_548, %parallel_loop3A_554 : vector<16xi32>
        %parallel_loop3A_556 = vector.bitcast %parallel_loop3A_555 : vector<16xi32> to vector<16xf32>
        %parallel_loop3A_557 = arith.constant 2 : i32
        %parallel_loop3A_558 = arith.muli %parallel_loop3A_320, %parallel_loop3A_557 : i32
        %parallel_loop3A_559 = arith.constant 16 : i32
        %parallel_loop3A_560 = arith.muli %parallel_loop3A_558, %parallel_loop3A_559 : i32
        %parallel_loop3A_561 = arith.constant 0 : i32
        %parallel_loop3A_562 = arith.index_cast %parallel_loop3A_561 : i32 to index
        %parallel_loop3A_563 = arith.index_cast %parallel_loop3A_560 : i32 to index
        %parallel_loop3A_564 = tpu.vector_load %arg9[%parallel_loop3A_562, %parallel_loop3A_563] {strides = array<i32>} : memref<25x512xf32, #tpu.memory_space<vmem>>, vector<16xf32>,
        tpu.vector_store %arg9[%parallel_loop3A_562, %parallel_loop3A_563], %parallel_loop3A_552 {strides = array<i32>} : memref<25x512xf32, #tpu.memory_space<vmem>>, vector<16xf32>,
        %parallel_loop3A_565 = arith.constant 2 : i32
        %parallel_loop3A_566 = arith.muli %parallel_loop3A_320, %parallel_loop3A_565 : i32
        %parallel_loop3A_567 = arith.constant 16 : i32
        %parallel_loop3A_568 = arith.muli %parallel_loop3A_566, %parallel_loop3A_567 : i32
        %parallel_loop3A_569 = arith.constant 16 : i32
        %parallel_loop3A_570 = arith.addi %parallel_loop3A_568, %parallel_loop3A_569 : i32
        %parallel_loop3A_571 = arith.constant 0 : i32
        %parallel_loop3A_572 = arith.index_cast %parallel_loop3A_571 : i32 to index
        %parallel_loop3A_573 = arith.index_cast %parallel_loop3A_570 : i32 to index
        %parallel_loop3A_574 = tpu.vector_load %arg9[%parallel_loop3A_572, %parallel_loop3A_573] {strides = array<i32>} : memref<25x512xf32, #tpu.memory_space<vmem>>, vector<16xf32>,
        tpu.vector_store %arg9[%parallel_loop3A_572, %parallel_loop3A_573], %parallel_loop3A_556 {strides = array<i32>} : memref<25x512xf32, #tpu.memory_space<vmem>>, vector<16xf32>,
        %parallel_loop3A_575 = vector.bitcast %parallel_loop3A_340 : vector<32xbf16> to vector<16xi32>
        %parallel_loop3A_576 = arith.constant 16 : i32
        %parallel_loop3A_577 = vector.broadcast %parallel_loop3A_576 : i32 to vector<16xi32>
        %parallel_loop3A_578 = arith.shli %parallel_loop3A_575, %parallel_loop3A_577 : vector<16xi32>
        %parallel_loop3A_579 = vector.bitcast %parallel_loop3A_578 : vector<16xi32> to vector<16xf32>
        %parallel_loop3A_580 = arith.constant -65536 : i32
        %parallel_loop3A_581 = vector.broadcast %parallel_loop3A_580 : i32 to vector<16xi32>
        %parallel_loop3A_582 = arith.andi %parallel_loop3A_575, %parallel_loop3A_581 : vector<16xi32>
        %parallel_loop3A_583 = vector.bitcast %parallel_loop3A_582 : vector<16xi32> to vector<16xf32>
        %parallel_loop3A_584 = arith.constant 2 : i32
        %parallel_loop3A_585 = arith.muli %parallel_loop3A_320, %parallel_loop3A_584 : i32
        %parallel_loop3A_586 = arith.constant 16 : i32
        %parallel_loop3A_587 = arith.muli %parallel_loop3A_585, %parallel_loop3A_586 : i32
        %parallel_loop3A_588 = arith.constant 1 : i32
        %parallel_loop3A_589 = arith.index_cast %parallel_loop3A_588 : i32 to index
        %parallel_loop3A_590 = arith.index_cast %parallel_loop3A_587 : i32 to index
        %parallel_loop3A_591 = tpu.vector_load %arg9[%parallel_loop3A_589, %parallel_loop3A_590] {strides = array<i32>} : memref<25x512xf32, #tpu.memory_space<vmem>>, vector<16xf32>,
        tpu.vector_store %arg9[%parallel_loop3A_589, %parallel_loop3A_590], %parallel_loop3A_579 {strides = array<i32>} : memref<25x512xf32, #tpu.memory_space<vmem>>, vector<16xf32>,
        %parallel_loop3A_592 = arith.constant 2 : i32
        %parallel_loop3A_593 = arith.muli %parallel_loop3A_320, %parallel_loop3A_592 : i32
        %parallel_loop3A_594 = arith.constant 16 : i32
        %parallel_loop3A_595 = arith.muli %parallel_loop3A_593, %parallel_loop3A_594 : i32
        %parallel_loop3A_596 = arith.constant 16 : i32
        %parallel_loop3A_597 = arith.addi %parallel_loop3A_595, %parallel_loop3A_596 : i32
        %parallel_loop3A_598 = arith.constant 1 : i32
        %parallel_loop3A_599 = arith.index_cast %parallel_loop3A_598 : i32 to index
        %parallel_loop3A_600 = arith.index_cast %parallel_loop3A_597 : i32 to index
        %parallel_loop3A_601 = tpu.vector_load %arg9[%parallel_loop3A_599, %parallel_loop3A_600] {strides = array<i32>} : memref<25x512xf32, #tpu.memory_space<vmem>>, vector<16xf32>,
        tpu.vector_store %arg9[%parallel_loop3A_599, %parallel_loop3A_600], %parallel_loop3A_583 {strides = array<i32>} : memref<25x512xf32, #tpu.memory_space<vmem>>, vector<16xf32>,
        %parallel_loop3A_602 = vector.bitcast %parallel_loop3A_349 : vector<32xbf16> to vector<16xi32>
        %parallel_loop3A_603 = arith.constant 16 : i32
        %parallel_loop3A_604 = vector.broadcast %parallel_loop3A_603 : i32 to vector<16xi32>
        %parallel_loop3A_605 = arith.shli %parallel_loop3A_602, %parallel_loop3A_604 : vector<16xi32>
        %parallel_loop3A_606 = vector.bitcast %parallel_loop3A_605 : vector<16xi32> to vector<16xf32>
        %parallel_loop3A_607 = arith.constant -65536 : i32
        %parallel_loop3A_608 = vector.broadcast %parallel_loop3A_607 : i32 to vector<16xi32>
        %parallel_loop3A_609 = arith.andi %parallel_loop3A_602, %parallel_loop3A_608 : vector<16xi32>
        %parallel_loop3A_610 = vector.bitcast %parallel_loop3A_609 : vector<16xi32> to vector<16xf32>
        %parallel_loop3A_611 = arith.constant 2 : i32
        %parallel_loop3A_612 = arith.muli %parallel_loop3A_320, %parallel_loop3A_611 : i32
        %parallel_loop3A_613 = arith.constant 16 : i32
        %parallel_loop3A_614 = arith.muli %parallel_loop3A_612, %parallel_loop3A_613 : i32
        %parallel_loop3A_615 = arith.constant 2 : i32
        %parallel_loop3A_616 = arith.index_cast %parallel_loop3A_615 : i32 to index
        %parallel_loop3A_617 = arith.index_cast %parallel_loop3A_614 : i32 to index
        %parallel_loop3A_618 = tpu.vector_load %arg9[%parallel_loop3A_616, %parallel_loop3A_617] {strides = array<i32>} : memref<25x512xf32, #tpu.memory_space<vmem>>, vector<16xf32>,
        tpu.vector_store %arg9[%parallel_loop3A_616, %parallel_loop3A_617], %parallel_loop3A_606 {strides = array<i32>} : memref<25x512xf32, #tpu.memory_space<vmem>>, vector<16xf32>,
        %parallel_loop3A_619 = arith.constant 2 : i32
        %parallel_loop3A_620 = arith.muli %parallel_loop3A_320, %parallel_loop3A_619 : i32
        %parallel_loop3A_621 = arith.constant 16 : i32
        %parallel_loop3A_622 = arith.muli %parallel_loop3A_620, %parallel_loop3A_621 : i32
        %parallel_loop3A_623 = arith.constant 16 : i32
        %parallel_loop3A_624 = arith.addi %parallel_loop3A_622, %parallel_loop3A_623 : i32
        %parallel_loop3A_625 = arith.constant 2 : i32
        %parallel_loop3A_626 = arith.index_cast %parallel_loop3A_625 : i32 to index
        %parallel_loop3A_627 = arith.index_cast %parallel_loop3A_624 : i32 to index
        %parallel_loop3A_628 = tpu.vector_load %arg9[%parallel_loop3A_626, %parallel_loop3A_627] {strides = array<i32>} : memref<25x512xf32, #tpu.memory_space<vmem>>, vector<16xf32>,
        tpu.vector_store %arg9[%parallel_loop3A_626, %parallel_loop3A_627], %parallel_loop3A_610 {strides = array<i32>} : memref<25x512xf32, #tpu.memory_space<vmem>>, vector<16xf32>,
        %parallel_loop3A_629 = vector.bitcast %parallel_loop3A_358 : vector<32xbf16> to vector<16xi32>
        %parallel_loop3A_630 = arith.constant 16 : i32
        %parallel_loop3A_631 = vector.broadcast %parallel_loop3A_630 : i32 to vector<16xi32>
        %parallel_loop3A_632 = arith.shli %parallel_loop3A_629, %parallel_loop3A_631 : vector<16xi32>
        %parallel_loop3A_633 = vector.bitcast %parallel_loop3A_632 : vector<16xi32> to vector<16xf32>
        %parallel_loop3A_634 = arith.constant -65536 : i32
        %parallel_loop3A_635 = vector.broadcast %parallel_loop3A_634 : i32 to vector<16xi32>
        %parallel_loop3A_636 = arith.andi %parallel_loop3A_629, %parallel_loop3A_635 : vector<16xi32>
        %parallel_loop3A_637 = vector.bitcast %parallel_loop3A_636 : vector<16xi32> to vector<16xf32>
        %parallel_loop3A_638 = arith.constant 2 : i32
        %parallel_loop3A_639 = arith.muli %parallel_loop3A_320, %parallel_loop3A_638 : i32
        %parallel_loop3A_640 = arith.constant 16 : i32
        %parallel_loop3A_641 = arith.muli %parallel_loop3A_639, %parallel_loop3A_640 : i32
        %parallel_loop3A_642 = arith.constant 3 : i32
        %parallel_loop3A_643 = arith.index_cast %parallel_loop3A_642 : i32 to index
        %parallel_loop3A_644 = arith.index_cast %parallel_loop3A_641 : i32 to index
        %parallel_loop3A_645 = tpu.vector_load %arg9[%parallel_loop3A_643, %parallel_loop3A_644] {strides = array<i32>} : memref<25x512xf32, #tpu.memory_space<vmem>>, vector<16xf32>,
        tpu.vector_store %arg9[%parallel_loop3A_643, %parallel_loop3A_644], %parallel_loop3A_633 {strides = array<i32>} : memref<25x512xf32, #tpu.memory_space<vmem>>, vector<16xf32>,
        %parallel_loop3A_646 = arith.constant 2 : i32
        %parallel_loop3A_647 = arith.muli %parallel_loop3A_320, %parallel_loop3A_646 : i32
        %parallel_loop3A_648 = arith.constant 16 : i32
        %parallel_loop3A_649 = arith.muli %parallel_loop3A_647, %parallel_loop3A_648 : i32
        %parallel_loop3A_650 = arith.constant 16 : i32
        %parallel_loop3A_651 = arith.addi %parallel_loop3A_649, %parallel_loop3A_650 : i32
        %parallel_loop3A_652 = arith.constant 3 : i32
        %parallel_loop3A_653 = arith.index_cast %parallel_loop3A_652 : i32 to index
        %parallel_loop3A_654 = arith.index_cast %parallel_loop3A_651 : i32 to index
        %parallel_loop3A_655 = tpu.vector_load %arg9[%parallel_loop3A_653, %parallel_loop3A_654] {strides = array<i32>} : memref<25x512xf32, #tpu.memory_space<vmem>>, vector<16xf32>,
        tpu.vector_store %arg9[%parallel_loop3A_653, %parallel_loop3A_654], %parallel_loop3A_637 {strides = array<i32>} : memref<25x512xf32, #tpu.memory_space<vmem>>, vector<16xf32>,
        %parallel_loop3A_656 = vector.bitcast %parallel_loop3A_367 : vector<32xbf16> to vector<16xi32>
        %parallel_loop3A_657 = arith.constant 16 : i32
        %parallel_loop3A_658 = vector.broadcast %parallel_loop3A_657 : i32 to vector<16xi32>
        %parallel_loop3A_659 = arith.shli %parallel_loop3A_656, %parallel_loop3A_658 : vector<16xi32>
        %parallel_loop3A_660 = vector.bitcast %parallel_loop3A_659 : vector<16xi32> to vector<16xf32>
        %parallel_loop3A_661 = arith.constant -65536 : i32
        %parallel_loop3A_662 = vector.broadcast %parallel_loop3A_661 : i32 to vector<16xi32>
        %parallel_loop3A_663 = arith.andi %parallel_loop3A_656, %parallel_loop3A_662 : vector<16xi32>
        %parallel_loop3A_664 = vector.bitcast %parallel_loop3A_663 : vector<16xi32> to vector<16xf32>
        %parallel_loop3A_665 = arith.constant 2 : i32
        %parallel_loop3A_666 = arith.muli %parallel_loop3A_320, %parallel_loop3A_665 : i32
        %parallel_loop3A_667 = arith.constant 16 : i32
        %parallel_loop3A_668 = arith.muli %parallel_loop3A_666, %parallel_loop3A_667 : i32
        %parallel_loop3A_669 = arith.constant 4 : i32
        %parallel_loop3A_670 = arith.index_cast %parallel_loop3A_669 : i32 to index
        %parallel_loop3A_671 = arith.index_cast %parallel_loop3A_668 : i32 to index
        %parallel_loop3A_672 = tpu.vector_load %arg9[%parallel_loop3A_670, %parallel_loop3A_671] {strides = array<i32>} : memref<25x512xf32, #tpu.memory_space<vmem>>, vector<16xf32>,
        tpu.vector_store %arg9[%parallel_loop3A_670, %parallel_loop3A_671], %parallel_loop3A_660 {strides = array<i32>} : memref<25x512xf32, #tpu.memory_space<vmem>>, vector<16xf32>,
        %parallel_loop3A_673 = arith.constant 2 : i32
        %parallel_loop3A_674 = arith.muli %parallel_loop3A_320, %parallel_loop3A_673 : i32
        %parallel_loop3A_675 = arith.constant 16 : i32
        %parallel_loop3A_676 = arith.muli %parallel_loop3A_674, %parallel_loop3A_675 : i32
        %parallel_loop3A_677 = arith.constant 16 : i32
        %parallel_loop3A_678 = arith.addi %parallel_loop3A_676, %parallel_loop3A_677 : i32
        %parallel_loop3A_679 = arith.constant 4 : i32
        %parallel_loop3A_680 = arith.index_cast %parallel_loop3A_679 : i32 to index
        %parallel_loop3A_681 = arith.index_cast %parallel_loop3A_678 : i32 to index
        %parallel_loop3A_682 = tpu.vector_load %arg9[%parallel_loop3A_680, %parallel_loop3A_681] {strides = array<i32>} : memref<25x512xf32, #tpu.memory_space<vmem>>, vector<16xf32>,
        tpu.vector_store %arg9[%parallel_loop3A_680, %parallel_loop3A_681], %parallel_loop3A_664 {strides = array<i32>} : memref<25x512xf32, #tpu.memory_space<vmem>>, vector<16xf32>,
        %parallel_loop3A_683 = arith.addf %parallel_loop3A_552, %parallel_loop3A_660 : vector<16xf32>
        %parallel_loop3A_684 = arith.addf %parallel_loop3A_556, %parallel_loop3A_664 : vector<16xf32>
        %parallel_loop3A_685 = vector.bitcast %parallel_loop3A_376 : vector<32xbf16> to vector<16xi32>
        %parallel_loop3A_686 = arith.constant 16 : i32
        %parallel_loop3A_687 = vector.broadcast %parallel_loop3A_686 : i32 to vector<16xi32>
        %parallel_loop3A_688 = arith.shli %parallel_loop3A_685, %parallel_loop3A_687 : vector<16xi32>
        %parallel_loop3A_689 = vector.bitcast %parallel_loop3A_688 : vector<16xi32> to vector<16xf32>
        %parallel_loop3A_690 = arith.constant -65536 : i32
        %parallel_loop3A_691 = vector.broadcast %parallel_loop3A_690 : i32 to vector<16xi32>
        %parallel_loop3A_692 = arith.andi %parallel_loop3A_685, %parallel_loop3A_691 : vector<16xi32>
        %parallel_loop3A_693 = vector.bitcast %parallel_loop3A_692 : vector<16xi32> to vector<16xf32>
        %parallel_loop3A_694 = arith.constant 2 : i32
        %parallel_loop3A_695 = arith.muli %parallel_loop3A_320, %parallel_loop3A_694 : i32
        %parallel_loop3A_696 = arith.constant 16 : i32
        %parallel_loop3A_697 = arith.muli %parallel_loop3A_695, %parallel_loop3A_696 : i32
        %parallel_loop3A_698 = arith.constant 5 : i32
        %parallel_loop3A_699 = arith.index_cast %parallel_loop3A_698 : i32 to index
        %parallel_loop3A_700 = arith.index_cast %parallel_loop3A_697 : i32 to index
        %parallel_loop3A_701 = tpu.vector_load %arg9[%parallel_loop3A_699, %parallel_loop3A_700] {strides = array<i32>} : memref<25x512xf32, #tpu.memory_space<vmem>>, vector<16xf32>,
        tpu.vector_store %arg9[%parallel_loop3A_699, %parallel_loop3A_700], %parallel_loop3A_689 {strides = array<i32>} : memref<25x512xf32, #tpu.memory_space<vmem>>, vector<16xf32>,
        %parallel_loop3A_702 = arith.constant 2 : i32
        %parallel_loop3A_703 = arith.muli %parallel_loop3A_320, %parallel_loop3A_702 : i32
        %parallel_loop3A_704 = arith.constant 16 : i32
        %parallel_loop3A_705 = arith.muli %parallel_loop3A_703, %parallel_loop3A_704 : i32
        %parallel_loop3A_706 = arith.constant 16 : i32
        %parallel_loop3A_707 = arith.addi %parallel_loop3A_705, %parallel_loop3A_706 : i32
        %parallel_loop3A_708 = arith.constant 5 : i32
        %parallel_loop3A_709 = arith.index_cast %parallel_loop3A_708 : i32 to index
        %parallel_loop3A_710 = arith.index_cast %parallel_loop3A_707 : i32 to index
        %parallel_loop3A_711 = tpu.vector_load %arg9[%parallel_loop3A_709, %parallel_loop3A_710] {strides = array<i32>} : memref<25x512xf32, #tpu.memory_space<vmem>>, vector<16xf32>,
        tpu.vector_store %arg9[%parallel_loop3A_709, %parallel_loop3A_710], %parallel_loop3A_693 {strides = array<i32>} : memref<25x512xf32, #tpu.memory_space<vmem>>, vector<16xf32>,
        %parallel_loop3A_712 = arith.addf %parallel_loop3A_579, %parallel_loop3A_689 : vector<16xf32>
        %parallel_loop3A_713 = arith.addf %parallel_loop3A_583, %parallel_loop3A_693 : vector<16xf32>
        %parallel_loop3A_714 = vector.bitcast %parallel_loop3A_385 : vector<32xbf16> to vector<16xi32>
        %parallel_loop3A_715 = arith.constant 16 : i32
        %parallel_loop3A_716 = vector.broadcast %parallel_loop3A_715 : i32 to vector<16xi32>
        %parallel_loop3A_717 = arith.shli %parallel_loop3A_714, %parallel_loop3A_716 : vector<16xi32>
        %parallel_loop3A_718 = vector.bitcast %parallel_loop3A_717 : vector<16xi32> to vector<16xf32>
        %parallel_loop3A_719 = arith.constant -65536 : i32
        %parallel_loop3A_720 = vector.broadcast %parallel_loop3A_719 : i32 to vector<16xi32>
        %parallel_loop3A_721 = arith.andi %parallel_loop3A_714, %parallel_loop3A_720 : vector<16xi32>
        %parallel_loop3A_722 = vector.bitcast %parallel_loop3A_721 : vector<16xi32> to vector<16xf32>
        %parallel_loop3A_723 = arith.constant 2 : i32
        %parallel_loop3A_724 = arith.muli %parallel_loop3A_320, %parallel_loop3A_723 : i32
        %parallel_loop3A_725 = arith.constant 16 : i32
        %parallel_loop3A_726 = arith.muli %parallel_loop3A_724, %parallel_loop3A_725 : i32
        %parallel_loop3A_727 = arith.constant 6 : i32
        %parallel_loop3A_728 = arith.index_cast %parallel_loop3A_727 : i32 to index
        %parallel_loop3A_729 = arith.index_cast %parallel_loop3A_726 : i32 to index
        %parallel_loop3A_730 = tpu.vector_load %arg9[%parallel_loop3A_728, %parallel_loop3A_729] {strides = array<i32>} : memref<25x512xf32, #tpu.memory_space<vmem>>, vector<16xf32>,
        tpu.vector_store %arg9[%parallel_loop3A_728, %parallel_loop3A_729], %parallel_loop3A_718 {strides = array<i32>} : memref<25x512xf32, #tpu.memory_space<vmem>>, vector<16xf32>,
        %parallel_loop3A_731 = arith.constant 2 : i32
        %parallel_loop3A_732 = arith.muli %parallel_loop3A_320, %parallel_loop3A_731 : i32
        %parallel_loop3A_733 = arith.constant 16 : i32
        %parallel_loop3A_734 = arith.muli %parallel_loop3A_732, %parallel_loop3A_733 : i32
        %parallel_loop3A_735 = arith.constant 16 : i32
        %parallel_loop3A_736 = arith.addi %parallel_loop3A_734, %parallel_loop3A_735 : i32
        %parallel_loop3A_737 = arith.constant 6 : i32
        %parallel_loop3A_738 = arith.index_cast %parallel_loop3A_737 : i32 to index
        %parallel_loop3A_739 = arith.index_cast %parallel_loop3A_736 : i32 to index
        %parallel_loop3A_740 = tpu.vector_load %arg9[%parallel_loop3A_738, %parallel_loop3A_739] {strides = array<i32>} : memref<25x512xf32, #tpu.memory_space<vmem>>, vector<16xf32>,
        tpu.vector_store %arg9[%parallel_loop3A_738, %parallel_loop3A_739], %parallel_loop3A_722 {strides = array<i32>} : memref<25x512xf32, #tpu.memory_space<vmem>>, vector<16xf32>,
        %parallel_loop3A_741 = arith.addf %parallel_loop3A_606, %parallel_loop3A_718 : vector<16xf32>
        %parallel_loop3A_742 = arith.addf %parallel_loop3A_610, %parallel_loop3A_722 : vector<16xf32>
        %parallel_loop3A_743 = vector.bitcast %parallel_loop3A_394 : vector<32xbf16> to vector<16xi32>
        %parallel_loop3A_744 = arith.constant 16 : i32
        %parallel_loop3A_745 = vector.broadcast %parallel_loop3A_744 : i32 to vector<16xi32>
        %parallel_loop3A_746 = arith.shli %parallel_loop3A_743, %parallel_loop3A_745 : vector<16xi32>
        %parallel_loop3A_747 = vector.bitcast %parallel_loop3A_746 : vector<16xi32> to vector<16xf32>
        %parallel_loop3A_748 = arith.constant -65536 : i32
        %parallel_loop3A_749 = vector.broadcast %parallel_loop3A_748 : i32 to vector<16xi32>
        %parallel_loop3A_750 = arith.andi %parallel_loop3A_743, %parallel_loop3A_749 : vector<16xi32>
        %parallel_loop3A_751 = vector.bitcast %parallel_loop3A_750 : vector<16xi32> to vector<16xf32>
        %parallel_loop3A_752 = arith.constant 2 : i32
        %parallel_loop3A_753 = arith.muli %parallel_loop3A_320, %parallel_loop3A_752 : i32
        %parallel_loop3A_754 = arith.constant 16 : i32
        %parallel_loop3A_755 = arith.muli %parallel_loop3A_753, %parallel_loop3A_754 : i32
        %parallel_loop3A_756 = arith.constant 7 : i32
        %parallel_loop3A_757 = arith.index_cast %parallel_loop3A_756 : i32 to index
        %parallel_loop3A_758 = arith.index_cast %parallel_loop3A_755 : i32 to index
        %parallel_loop3A_759 = tpu.vector_load %arg9[%parallel_loop3A_757, %parallel_loop3A_758] {strides = array<i32>} : memref<25x512xf32, #tpu.memory_space<vmem>>, vector<16xf32>,
        tpu.vector_store %arg9[%parallel_loop3A_757, %parallel_loop3A_758], %parallel_loop3A_747 {strides = array<i32>} : memref<25x512xf32, #tpu.memory_space<vmem>>, vector<16xf32>,
        %parallel_loop3A_760 = arith.constant 2 : i32
        %parallel_loop3A_761 = arith.muli %parallel_loop3A_320, %parallel_loop3A_760 : i32
        %parallel_loop3A_762 = arith.constant 16 : i32
        %parallel_loop3A_763 = arith.muli %parallel_loop3A_761, %parallel_loop3A_762 : i32
        %parallel_loop3A_764 = arith.constant 16 : i32
        %parallel_loop3A_765 = arith.addi %parallel_loop3A_763, %parallel_loop3A_764 : i32
        %parallel_loop3A_766 = arith.constant 7 : i32
        %parallel_loop3A_767 = arith.index_cast %parallel_loop3A_766 : i32 to index
        %parallel_loop3A_768 = arith.index_cast %parallel_loop3A_765 : i32 to index
        %parallel_loop3A_769 = tpu.vector_load %arg9[%parallel_loop3A_767, %parallel_loop3A_768] {strides = array<i32>} : memref<25x512xf32, #tpu.memory_space<vmem>>, vector<16xf32>,
        tpu.vector_store %arg9[%parallel_loop3A_767, %parallel_loop3A_768], %parallel_loop3A_751 {strides = array<i32>} : memref<25x512xf32, #tpu.memory_space<vmem>>, vector<16xf32>,
        %parallel_loop3A_770 = arith.addf %parallel_loop3A_633, %parallel_loop3A_747 : vector<16xf32>
        %parallel_loop3A_771 = arith.addf %parallel_loop3A_637, %parallel_loop3A_751 : vector<16xf32>
        %parallel_loop3A_772 = vector.bitcast %parallel_loop3A_403 : vector<32xbf16> to vector<16xi32>
        %parallel_loop3A_773 = arith.constant 16 : i32
        %parallel_loop3A_774 = vector.broadcast %parallel_loop3A_773 : i32 to vector<16xi32>
        %parallel_loop3A_775 = arith.shli %parallel_loop3A_772, %parallel_loop3A_774 : vector<16xi32>
        %parallel_loop3A_776 = vector.bitcast %parallel_loop3A_775 : vector<16xi32> to vector<16xf32>
        %parallel_loop3A_777 = arith.constant -65536 : i32
        %parallel_loop3A_778 = vector.broadcast %parallel_loop3A_777 : i32 to vector<16xi32>
        %parallel_loop3A_779 = arith.andi %parallel_loop3A_772, %parallel_loop3A_778 : vector<16xi32>
        %parallel_loop3A_780 = vector.bitcast %parallel_loop3A_779 : vector<16xi32> to vector<16xf32>
        %parallel_loop3A_781 = arith.constant 2 : i32
        %parallel_loop3A_782 = arith.muli %parallel_loop3A_320, %parallel_loop3A_781 : i32
        %parallel_loop3A_783 = arith.constant 16 : i32
        %parallel_loop3A_784 = arith.muli %parallel_loop3A_782, %parallel_loop3A_783 : i32
        %parallel_loop3A_785 = arith.constant 8 : i32
        %parallel_loop3A_786 = arith.index_cast %parallel_loop3A_785 : i32 to index
        %parallel_loop3A_787 = arith.index_cast %parallel_loop3A_784 : i32 to index
        %parallel_loop3A_788 = tpu.vector_load %arg9[%parallel_loop3A_786, %parallel_loop3A_787] {strides = array<i32>} : memref<25x512xf32, #tpu.memory_space<vmem>>, vector<16xf32>,
        tpu.vector_store %arg9[%parallel_loop3A_786, %parallel_loop3A_787], %parallel_loop3A_776 {strides = array<i32>} : memref<25x512xf32, #tpu.memory_space<vmem>>, vector<16xf32>,
        %parallel_loop3A_789 = arith.constant 2 : i32
        %parallel_loop3A_790 = arith.muli %parallel_loop3A_320, %parallel_loop3A_789 : i32
        %parallel_loop3A_791 = arith.constant 16 : i32
        %parallel_loop3A_792 = arith.muli %parallel_loop3A_790, %parallel_loop3A_791 : i32
        %parallel_loop3A_793 = arith.constant 16 : i32
        %parallel_loop3A_794 = arith.addi %parallel_loop3A_792, %parallel_loop3A_793 : i32
        %parallel_loop3A_795 = arith.constant 8 : i32
        %parallel_loop3A_796 = arith.index_cast %parallel_loop3A_795 : i32 to index
        %parallel_loop3A_797 = arith.index_cast %parallel_loop3A_794 : i32 to index
        %parallel_loop3A_798 = tpu.vector_load %arg9[%parallel_loop3A_796, %parallel_loop3A_797] {strides = array<i32>} : memref<25x512xf32, #tpu.memory_space<vmem>>, vector<16xf32>,
        tpu.vector_store %arg9[%parallel_loop3A_796, %parallel_loop3A_797], %parallel_loop3A_780 {strides = array<i32>} : memref<25x512xf32, #tpu.memory_space<vmem>>, vector<16xf32>,
        %parallel_loop3A_799 = arith.addf %parallel_loop3A_683, %parallel_loop3A_776 : vector<16xf32>
        %parallel_loop3A_800 = arith.addf %parallel_loop3A_684, %parallel_loop3A_780 : vector<16xf32>
        %parallel_loop3A_801 = vector.bitcast %parallel_loop3A_412 : vector<32xbf16> to vector<16xi32>
        %parallel_loop3A_802 = arith.constant 16 : i32
        %parallel_loop3A_803 = vector.broadcast %parallel_loop3A_802 : i32 to vector<16xi32>
        %parallel_loop3A_804 = arith.shli %parallel_loop3A_801, %parallel_loop3A_803 : vector<16xi32>
        %parallel_loop3A_805 = vector.bitcast %parallel_loop3A_804 : vector<16xi32> to vector<16xf32>
        %parallel_loop3A_806 = arith.constant -65536 : i32
        %parallel_loop3A_807 = vector.broadcast %parallel_loop3A_806 : i32 to vector<16xi32>
        %parallel_loop3A_808 = arith.andi %parallel_loop3A_801, %parallel_loop3A_807 : vector<16xi32>
        %parallel_loop3A_809 = vector.bitcast %parallel_loop3A_808 : vector<16xi32> to vector<16xf32>
        %parallel_loop3A_810 = arith.constant 2 : i32
        %parallel_loop3A_811 = arith.muli %parallel_loop3A_320, %parallel_loop3A_810 : i32
        %parallel_loop3A_812 = arith.constant 16 : i32
        %parallel_loop3A_813 = arith.muli %parallel_loop3A_811, %parallel_loop3A_812 : i32
        %parallel_loop3A_814 = arith.constant 9 : i32
        %parallel_loop3A_815 = arith.index_cast %parallel_loop3A_814 : i32 to index
        %parallel_loop3A_816 = arith.index_cast %parallel_loop3A_813 : i32 to index
        %parallel_loop3A_817 = tpu.vector_load %arg9[%parallel_loop3A_815, %parallel_loop3A_816] {strides = array<i32>} : memref<25x512xf32, #tpu.memory_space<vmem>>, vector<16xf32>,
        tpu.vector_store %arg9[%parallel_loop3A_815, %parallel_loop3A_816], %parallel_loop3A_805 {strides = array<i32>} : memref<25x512xf32, #tpu.memory_space<vmem>>, vector<16xf32>,
        %parallel_loop3A_818 = arith.constant 2 : i32
        %parallel_loop3A_819 = arith.muli %parallel_loop3A_320, %parallel_loop3A_818 : i32
        %parallel_loop3A_820 = arith.constant 16 : i32
        %parallel_loop3A_821 = arith.muli %parallel_loop3A_819, %parallel_loop3A_820 : i32
        %parallel_loop3A_822 = arith.constant 16 : i32
        %parallel_loop3A_823 = arith.addi %parallel_loop3A_821, %parallel_loop3A_822 : i32
        %parallel_loop3A_824 = arith.constant 9 : i32
        %parallel_loop3A_825 = arith.index_cast %parallel_loop3A_824 : i32 to index
        %parallel_loop3A_826 = arith.index_cast %parallel_loop3A_823 : i32 to index
        %parallel_loop3A_827 = tpu.vector_load %arg9[%parallel_loop3A_825, %parallel_loop3A_826] {strides = array<i32>} : memref<25x512xf32, #tpu.memory_space<vmem>>, vector<16xf32>,
        tpu.vector_store %arg9[%parallel_loop3A_825, %parallel_loop3A_826], %parallel_loop3A_809 {strides = array<i32>} : memref<25x512xf32, #tpu.memory_space<vmem>>, vector<16xf32>,
        %parallel_loop3A_828 = arith.addf %parallel_loop3A_712, %parallel_loop3A_805 : vector<16xf32>
        %parallel_loop3A_829 = arith.addf %parallel_loop3A_713, %parallel_loop3A_809 : vector<16xf32>
        %parallel_loop3A_830 = vector.bitcast %parallel_loop3A_421 : vector<32xbf16> to vector<16xi32>
        %parallel_loop3A_831 = arith.constant 16 : i32
        %parallel_loop3A_832 = vector.broadcast %parallel_loop3A_831 : i32 to vector<16xi32>
        %parallel_loop3A_833 = arith.shli %parallel_loop3A_830, %parallel_loop3A_832 : vector<16xi32>
        %parallel_loop3A_834 = vector.bitcast %parallel_loop3A_833 : vector<16xi32> to vector<16xf32>
        %parallel_loop3A_835 = arith.constant -65536 : i32
        %parallel_loop3A_836 = vector.broadcast %parallel_loop3A_835 : i32 to vector<16xi32>
        %parallel_loop3A_837 = arith.andi %parallel_loop3A_830, %parallel_loop3A_836 : vector<16xi32>
        %parallel_loop3A_838 = vector.bitcast %parallel_loop3A_837 : vector<16xi32> to vector<16xf32>
        %parallel_loop3A_839 = arith.constant 2 : i32
        %parallel_loop3A_840 = arith.muli %parallel_loop3A_320, %parallel_loop3A_839 : i32
        %parallel_loop3A_841 = arith.constant 16 : i32
        %parallel_loop3A_842 = arith.muli %parallel_loop3A_840, %parallel_loop3A_841 : i32
        %parallel_loop3A_843 = arith.constant 10 : i32
        %parallel_loop3A_844 = arith.index_cast %parallel_loop3A_843 : i32 to index
        %parallel_loop3A_845 = arith.index_cast %parallel_loop3A_842 : i32 to index
        %parallel_loop3A_846 = tpu.vector_load %arg9[%parallel_loop3A_844, %parallel_loop3A_845] {strides = array<i32>} : memref<25x512xf32, #tpu.memory_space<vmem>>, vector<16xf32>,
        tpu.vector_store %arg9[%parallel_loop3A_844, %parallel_loop3A_845], %parallel_loop3A_834 {strides = array<i32>} : memref<25x512xf32, #tpu.memory_space<vmem>>, vector<16xf32>,
        %parallel_loop3A_847 = arith.constant 2 : i32
        %parallel_loop3A_848 = arith.muli %parallel_loop3A_320, %parallel_loop3A_847 : i32
        %parallel_loop3A_849 = arith.constant 16 : i32
        %parallel_loop3A_850 = arith.muli %parallel_loop3A_848, %parallel_loop3A_849 : i32
        %parallel_loop3A_851 = arith.constant 16 : i32
        %parallel_loop3A_852 = arith.addi %parallel_loop3A_850, %parallel_loop3A_851 : i32
        %parallel_loop3A_853 = arith.constant 10 : i32
        %parallel_loop3A_854 = arith.index_cast %parallel_loop3A_853 : i32 to index
        %parallel_loop3A_855 = arith.index_cast %parallel_loop3A_852 : i32 to index
        %parallel_loop3A_856 = tpu.vector_load %arg9[%parallel_loop3A_854, %parallel_loop3A_855] {strides = array<i32>} : memref<25x512xf32, #tpu.memory_space<vmem>>, vector<16xf32>,
        tpu.vector_store %arg9[%parallel_loop3A_854, %parallel_loop3A_855], %parallel_loop3A_838 {strides = array<i32>} : memref<25x512xf32, #tpu.memory_space<vmem>>, vector<16xf32>,
        %parallel_loop3A_857 = arith.addf %parallel_loop3A_741, %parallel_loop3A_834 : vector<16xf32>
        %parallel_loop3A_858 = arith.addf %parallel_loop3A_742, %parallel_loop3A_838 : vector<16xf32>
        %parallel_loop3A_859 = vector.bitcast %parallel_loop3A_430 : vector<32xbf16> to vector<16xi32>
        %parallel_loop3A_860 = arith.constant 16 : i32
        %parallel_loop3A_861 = vector.broadcast %parallel_loop3A_860 : i32 to vector<16xi32>
        %parallel_loop3A_862 = arith.shli %parallel_loop3A_859, %parallel_loop3A_861 : vector<16xi32>
        %parallel_loop3A_863 = vector.bitcast %parallel_loop3A_862 : vector<16xi32> to vector<16xf32>
        %parallel_loop3A_864 = arith.constant -65536 : i32
        %parallel_loop3A_865 = vector.broadcast %parallel_loop3A_864 : i32 to vector<16xi32>
        %parallel_loop3A_866 = arith.andi %parallel_loop3A_859, %parallel_loop3A_865 : vector<16xi32>
        %parallel_loop3A_867 = vector.bitcast %parallel_loop3A_866 : vector<16xi32> to vector<16xf32>
        %parallel_loop3A_868 = arith.constant 2 : i32
        %parallel_loop3A_869 = arith.muli %parallel_loop3A_320, %parallel_loop3A_868 : i32
        %parallel_loop3A_870 = arith.constant 16 : i32
        %parallel_loop3A_871 = arith.muli %parallel_loop3A_869, %parallel_loop3A_870 : i32
        %parallel_loop3A_872 = arith.constant 11 : i32
        %parallel_loop3A_873 = arith.index_cast %parallel_loop3A_872 : i32 to index
        %parallel_loop3A_874 = arith.index_cast %parallel_loop3A_871 : i32 to index
        %parallel_loop3A_875 = tpu.vector_load %arg9[%parallel_loop3A_873, %parallel_loop3A_874] {strides = array<i32>} : memref<25x512xf32, #tpu.memory_space<vmem>>, vector<16xf32>,
        tpu.vector_store %arg9[%parallel_loop3A_873, %parallel_loop3A_874], %parallel_loop3A_863 {strides = array<i32>} : memref<25x512xf32, #tpu.memory_space<vmem>>, vector<16xf32>,
        %parallel_loop3A_876 = arith.constant 2 : i32
        %parallel_loop3A_877 = arith.muli %parallel_loop3A_320, %parallel_loop3A_876 : i32
        %parallel_loop3A_878 = arith.constant 16 : i32
        %parallel_loop3A_879 = arith.muli %parallel_loop3A_877, %parallel_loop3A_878 : i32
        %parallel_loop3A_880 = arith.constant 16 : i32
        %parallel_loop3A_881 = arith.addi %parallel_loop3A_879, %parallel_loop3A_880 : i32
        %parallel_loop3A_882 = arith.constant 11 : i32
        %parallel_loop3A_883 = arith.index_cast %parallel_loop3A_882 : i32 to index
        %parallel_loop3A_884 = arith.index_cast %parallel_loop3A_881 : i32 to index
        %parallel_loop3A_885 = tpu.vector_load %arg9[%parallel_loop3A_883, %parallel_loop3A_884] {strides = array<i32>} : memref<25x512xf32, #tpu.memory_space<vmem>>, vector<16xf32>,
        tpu.vector_store %arg9[%parallel_loop3A_883, %parallel_loop3A_884], %parallel_loop3A_867 {strides = array<i32>} : memref<25x512xf32, #tpu.memory_space<vmem>>, vector<16xf32>,
        %parallel_loop3A_886 = arith.addf %parallel_loop3A_770, %parallel_loop3A_863 : vector<16xf32>
        %parallel_loop3A_887 = arith.addf %parallel_loop3A_771, %parallel_loop3A_867 : vector<16xf32>
        %parallel_loop3A_888 = vector.bitcast %parallel_loop3A_439 : vector<32xbf16> to vector<16xi32>
        %parallel_loop3A_889 = arith.constant 16 : i32
        %parallel_loop3A_890 = vector.broadcast %parallel_loop3A_889 : i32 to vector<16xi32>
        %parallel_loop3A_891 = arith.shli %parallel_loop3A_888, %parallel_loop3A_890 : vector<16xi32>
        %parallel_loop3A_892 = vector.bitcast %parallel_loop3A_891 : vector<16xi32> to vector<16xf32>
        %parallel_loop3A_893 = arith.constant -65536 : i32
        %parallel_loop3A_894 = vector.broadcast %parallel_loop3A_893 : i32 to vector<16xi32>
        %parallel_loop3A_895 = arith.andi %parallel_loop3A_888, %parallel_loop3A_894 : vector<16xi32>
        %parallel_loop3A_896 = vector.bitcast %parallel_loop3A_895 : vector<16xi32> to vector<16xf32>
        %parallel_loop3A_897 = arith.constant 2 : i32
        %parallel_loop3A_898 = arith.muli %parallel_loop3A_320, %parallel_loop3A_897 : i32
        %parallel_loop3A_899 = arith.constant 16 : i32
        %parallel_loop3A_900 = arith.muli %parallel_loop3A_898, %parallel_loop3A_899 : i32
        %parallel_loop3A_901 = arith.constant 12 : i32
        %parallel_loop3A_902 = arith.index_cast %parallel_loop3A_901 : i32 to index
        %parallel_loop3A_903 = arith.index_cast %parallel_loop3A_900 : i32 to index
        %parallel_loop3A_904 = tpu.vector_load %arg9[%parallel_loop3A_902, %parallel_loop3A_903] {strides = array<i32>} : memref<25x512xf32, #tpu.memory_space<vmem>>, vector<16xf32>,
        tpu.vector_store %arg9[%parallel_loop3A_902, %parallel_loop3A_903], %parallel_loop3A_892 {strides = array<i32>} : memref<25x512xf32, #tpu.memory_space<vmem>>, vector<16xf32>,
        %parallel_loop3A_905 = arith.constant 2 : i32
        %parallel_loop3A_906 = arith.muli %parallel_loop3A_320, %parallel_loop3A_905 : i32
        %parallel_loop3A_907 = arith.constant 16 : i32
        %parallel_loop3A_908 = arith.muli %parallel_loop3A_906, %parallel_loop3A_907 : i32
        %parallel_loop3A_909 = arith.constant 16 : i32
        %parallel_loop3A_910 = arith.addi %parallel_loop3A_908, %parallel_loop3A_909 : i32
        %parallel_loop3A_911 = arith.constant 12 : i32
        %parallel_loop3A_912 = arith.index_cast %parallel_loop3A_911 : i32 to index
        %parallel_loop3A_913 = arith.index_cast %parallel_loop3A_910 : i32 to index
        %parallel_loop3A_914 = tpu.vector_load %arg9[%parallel_loop3A_912, %parallel_loop3A_913] {strides = array<i32>} : memref<25x512xf32, #tpu.memory_space<vmem>>, vector<16xf32>,
        tpu.vector_store %arg9[%parallel_loop3A_912, %parallel_loop3A_913], %parallel_loop3A_896 {strides = array<i32>} : memref<25x512xf32, #tpu.memory_space<vmem>>, vector<16xf32>,
        %parallel_loop3A_915 = arith.addf %parallel_loop3A_799, %parallel_loop3A_892 : vector<16xf32>
        %parallel_loop3A_916 = arith.addf %parallel_loop3A_800, %parallel_loop3A_896 : vector<16xf32>
        %parallel_loop3A_917 = vector.bitcast %parallel_loop3A_448 : vector<32xbf16> to vector<16xi32>
        %parallel_loop3A_918 = arith.constant 16 : i32
        %parallel_loop3A_919 = vector.broadcast %parallel_loop3A_918 : i32 to vector<16xi32>
        %parallel_loop3A_920 = arith.shli %parallel_loop3A_917, %parallel_loop3A_919 : vector<16xi32>
        %parallel_loop3A_921 = vector.bitcast %parallel_loop3A_920 : vector<16xi32> to vector<16xf32>
        %parallel_loop3A_922 = arith.constant -65536 : i32
        %parallel_loop3A_923 = vector.broadcast %parallel_loop3A_922 : i32 to vector<16xi32>
        %parallel_loop3A_924 = arith.andi %parallel_loop3A_917, %parallel_loop3A_923 : vector<16xi32>
        %parallel_loop3A_925 = vector.bitcast %parallel_loop3A_924 : vector<16xi32> to vector<16xf32>
        %parallel_loop3A_926 = arith.constant 2 : i32
        %parallel_loop3A_927 = arith.muli %parallel_loop3A_320, %parallel_loop3A_926 : i32
        %parallel_loop3A_928 = arith.constant 16 : i32
        %parallel_loop3A_929 = arith.muli %parallel_loop3A_927, %parallel_loop3A_928 : i32
        %parallel_loop3A_930 = arith.constant 13 : i32
        %parallel_loop3A_931 = arith.index_cast %parallel_loop3A_930 : i32 to index
        %parallel_loop3A_932 = arith.index_cast %parallel_loop3A_929 : i32 to index
        %parallel_loop3A_933 = tpu.vector_load %arg9[%parallel_loop3A_931, %parallel_loop3A_932] {strides = array<i32>} : memref<25x512xf32, #tpu.memory_space<vmem>>, vector<16xf32>,
        tpu.vector_store %arg9[%parallel_loop3A_931, %parallel_loop3A_932], %parallel_loop3A_921 {strides = array<i32>} : memref<25x512xf32, #tpu.memory_space<vmem>>, vector<16xf32>,
        %parallel_loop3A_934 = arith.constant 2 : i32
        %parallel_loop3A_935 = arith.muli %parallel_loop3A_320, %parallel_loop3A_934 : i32
        %parallel_loop3A_936 = arith.constant 16 : i32
        %parallel_loop3A_937 = arith.muli %parallel_loop3A_935, %parallel_loop3A_936 : i32
        %parallel_loop3A_938 = arith.constant 16 : i32
        %parallel_loop3A_939 = arith.addi %parallel_loop3A_937, %parallel_loop3A_938 : i32
        %parallel_loop3A_940 = arith.constant 13 : i32
        %parallel_loop3A_941 = arith.index_cast %parallel_loop3A_940 : i32 to index
        %parallel_loop3A_942 = arith.index_cast %parallel_loop3A_939 : i32 to index
        %parallel_loop3A_943 = tpu.vector_load %arg9[%parallel_loop3A_941, %parallel_loop3A_942] {strides = array<i32>} : memref<25x512xf32, #tpu.memory_space<vmem>>, vector<16xf32>,
        tpu.vector_store %arg9[%parallel_loop3A_941, %parallel_loop3A_942], %parallel_loop3A_925 {strides = array<i32>} : memref<25x512xf32, #tpu.memory_space<vmem>>, vector<16xf32>,
        %parallel_loop3A_944 = arith.addf %parallel_loop3A_828, %parallel_loop3A_921 : vector<16xf32>
        %parallel_loop3A_945 = arith.addf %parallel_loop3A_829, %parallel_loop3A_925 : vector<16xf32>
        %parallel_loop3A_946 = vector.bitcast %parallel_loop3A_457 : vector<32xbf16> to vector<16xi32>
        %parallel_loop3A_947 = arith.constant 16 : i32
        %parallel_loop3A_948 = vector.broadcast %parallel_loop3A_947 : i32 to vector<16xi32>
        %parallel_loop3A_949 = arith.shli %parallel_loop3A_946, %parallel_loop3A_948 : vector<16xi32>
        %parallel_loop3A_950 = vector.bitcast %parallel_loop3A_949 : vector<16xi32> to vector<16xf32>
        %parallel_loop3A_951 = arith.constant -65536 : i32
        %parallel_loop3A_952 = vector.broadcast %parallel_loop3A_951 : i32 to vector<16xi32>
        %parallel_loop3A_953 = arith.andi %parallel_loop3A_946, %parallel_loop3A_952 : vector<16xi32>
        %parallel_loop3A_954 = vector.bitcast %parallel_loop3A_953 : vector<16xi32> to vector<16xf32>
        %parallel_loop3A_955 = arith.constant 2 : i32
        %parallel_loop3A_956 = arith.muli %parallel_loop3A_320, %parallel_loop3A_955 : i32
        %parallel_loop3A_957 = arith.constant 16 : i32
        %parallel_loop3A_958 = arith.muli %parallel_loop3A_956, %parallel_loop3A_957 : i32
        %parallel_loop3A_959 = arith.constant 14 : i32
        %parallel_loop3A_960 = arith.index_cast %parallel_loop3A_959 : i32 to index
        %parallel_loop3A_961 = arith.index_cast %parallel_loop3A_958 : i32 to index
        %parallel_loop3A_962 = tpu.vector_load %arg9[%parallel_loop3A_960, %parallel_loop3A_961] {strides = array<i32>} : memref<25x512xf32, #tpu.memory_space<vmem>>, vector<16xf32>,
        tpu.vector_store %arg9[%parallel_loop3A_960, %parallel_loop3A_961], %parallel_loop3A_950 {strides = array<i32>} : memref<25x512xf32, #tpu.memory_space<vmem>>, vector<16xf32>,
        %parallel_loop3A_963 = arith.constant 2 : i32
        %parallel_loop3A_964 = arith.muli %parallel_loop3A_320, %parallel_loop3A_963 : i32
        %parallel_loop3A_965 = arith.constant 16 : i32
        %parallel_loop3A_966 = arith.muli %parallel_loop3A_964, %parallel_loop3A_965 : i32
        %parallel_loop3A_967 = arith.constant 16 : i32
        %parallel_loop3A_968 = arith.addi %parallel_loop3A_966, %parallel_loop3A_967 : i32
        %parallel_loop3A_969 = arith.constant 14 : i32
        %parallel_loop3A_970 = arith.index_cast %parallel_loop3A_969 : i32 to index
        %parallel_loop3A_971 = arith.index_cast %parallel_loop3A_968 : i32 to index
        %parallel_loop3A_972 = tpu.vector_load %arg9[%parallel_loop3A_970, %parallel_loop3A_971] {strides = array<i32>} : memref<25x512xf32, #tpu.memory_space<vmem>>, vector<16xf32>,
        tpu.vector_store %arg9[%parallel_loop3A_970, %parallel_loop3A_971], %parallel_loop3A_954 {strides = array<i32>} : memref<25x512xf32, #tpu.memory_space<vmem>>, vector<16xf32>,
        %parallel_loop3A_973 = arith.addf %parallel_loop3A_857, %parallel_loop3A_950 : vector<16xf32>
        %parallel_loop3A_974 = arith.addf %parallel_loop3A_858, %parallel_loop3A_954 : vector<16xf32>
        %parallel_loop3A_975 = vector.bitcast %parallel_loop3A_466 : vector<32xbf16> to vector<16xi32>
        %parallel_loop3A_976 = arith.constant 16 : i32
        %parallel_loop3A_977 = vector.broadcast %parallel_loop3A_976 : i32 to vector<16xi32>
        %parallel_loop3A_978 = arith.shli %parallel_loop3A_975, %parallel_loop3A_977 : vector<16xi32>
        %parallel_loop3A_979 = vector.bitcast %parallel_loop3A_978 : vector<16xi32> to vector<16xf32>
        %parallel_loop3A_980 = arith.constant -65536 : i32
        %parallel_loop3A_981 = vector.broadcast %parallel_loop3A_980 : i32 to vector<16xi32>
        %parallel_loop3A_982 = arith.andi %parallel_loop3A_975, %parallel_loop3A_981 : vector<16xi32>
        %parallel_loop3A_983 = vector.bitcast %parallel_loop3A_982 : vector<16xi32> to vector<16xf32>
        %parallel_loop3A_984 = arith.constant 2 : i32
        %parallel_loop3A_985 = arith.muli %parallel_loop3A_320, %parallel_loop3A_984 : i32
        %parallel_loop3A_986 = arith.constant 16 : i32
        %parallel_loop3A_987 = arith.muli %parallel_loop3A_985, %parallel_loop3A_986 : i32
        %parallel_loop3A_988 = arith.constant 15 : i32
        %parallel_loop3A_989 = arith.index_cast %parallel_loop3A_988 : i32 to index
        %parallel_loop3A_990 = arith.index_cast %parallel_loop3A_987 : i32 to index
        %parallel_loop3A_991 = tpu.vector_load %arg9[%parallel_loop3A_989, %parallel_loop3A_990] {strides = array<i32>} : memref<25x512xf32, #tpu.memory_space<vmem>>, vector<16xf32>,
        tpu.vector_store %arg9[%parallel_loop3A_989, %parallel_loop3A_990], %parallel_loop3A_979 {strides = array<i32>} : memref<25x512xf32, #tpu.memory_space<vmem>>, vector<16xf32>,
        %parallel_loop3A_992 = arith.constant 2 : i32
        %parallel_loop3A_993 = arith.muli %parallel_loop3A_320, %parallel_loop3A_992 : i32
        %parallel_loop3A_994 = arith.constant 16 : i32
        %parallel_loop3A_995 = arith.muli %parallel_loop3A_993, %parallel_loop3A_994 : i32
        %parallel_loop3A_996 = arith.constant 16 : i32
        %parallel_loop3A_997 = arith.addi %parallel_loop3A_995, %parallel_loop3A_996 : i32
        %parallel_loop3A_998 = arith.constant 15 : i32
        %parallel_loop3A_999 = arith.index_cast %parallel_loop3A_998 : i32 to index
        %parallel_loop3A_1000 = arith.index_cast %parallel_loop3A_997 : i32 to index
        %parallel_loop3A_1001 = tpu.vector_load %arg9[%parallel_loop3A_999, %parallel_loop3A_1000] {strides = array<i32>} : memref<25x512xf32, #tpu.memory_space<vmem>>, vector<16xf32>,
        tpu.vector_store %arg9[%parallel_loop3A_999, %parallel_loop3A_1000], %parallel_loop3A_983 {strides = array<i32>} : memref<25x512xf32, #tpu.memory_space<vmem>>, vector<16xf32>,
        %parallel_loop3A_1002 = arith.addf %parallel_loop3A_886, %parallel_loop3A_979 : vector<16xf32>
        %parallel_loop3A_1003 = arith.addf %parallel_loop3A_887, %parallel_loop3A_983 : vector<16xf32>
        %parallel_loop3A_1004 = vector.bitcast %parallel_loop3A_475 : vector<32xbf16> to vector<16xi32>
        %parallel_loop3A_1005 = arith.constant 16 : i32
        %parallel_loop3A_1006 = vector.broadcast %parallel_loop3A_1005 : i32 to vector<16xi32>
        %parallel_loop3A_1007 = arith.shli %parallel_loop3A_1004, %parallel_loop3A_1006 : vector<16xi32>
        %parallel_loop3A_1008 = vector.bitcast %parallel_loop3A_1007 : vector<16xi32> to vector<16xf32>
        %parallel_loop3A_1009 = arith.constant -65536 : i32
        %parallel_loop3A_1010 = vector.broadcast %parallel_loop3A_1009 : i32 to vector<16xi32>
        %parallel_loop3A_1011 = arith.andi %parallel_loop3A_1004, %parallel_loop3A_1010 : vector<16xi32>
        %parallel_loop3A_1012 = vector.bitcast %parallel_loop3A_1011 : vector<16xi32> to vector<16xf32>
        %parallel_loop3A_1013 = arith.constant 2 : i32
        %parallel_loop3A_1014 = arith.muli %parallel_loop3A_320, %parallel_loop3A_1013 : i32
        %parallel_loop3A_1015 = arith.constant 16 : i32
        %parallel_loop3A_1016 = arith.muli %parallel_loop3A_1014, %parallel_loop3A_1015 : i32
        %parallel_loop3A_1017 = arith.constant 16 : i32
        %parallel_loop3A_1018 = arith.index_cast %parallel_loop3A_1017 : i32 to index
        %parallel_loop3A_1019 = arith.index_cast %parallel_loop3A_1016 : i32 to index
        %parallel_loop3A_1020 = tpu.vector_load %arg9[%parallel_loop3A_1018, %parallel_loop3A_1019] {strides = array<i32>} : memref<25x512xf32, #tpu.memory_space<vmem>>, vector<16xf32>,
        tpu.vector_store %arg9[%parallel_loop3A_1018, %parallel_loop3A_1019], %parallel_loop3A_1008 {strides = array<i32>} : memref<25x512xf32, #tpu.memory_space<vmem>>, vector<16xf32>,
        %parallel_loop3A_1021 = arith.constant 2 : i32
        %parallel_loop3A_1022 = arith.muli %parallel_loop3A_320, %parallel_loop3A_1021 : i32
        %parallel_loop3A_1023 = arith.constant 16 : i32
        %parallel_loop3A_1024 = arith.muli %parallel_loop3A_1022, %parallel_loop3A_1023 : i32
        %parallel_loop3A_1025 = arith.constant 16 : i32
        %parallel_loop3A_1026 = arith.addi %parallel_loop3A_1024, %parallel_loop3A_1025 : i32
        %parallel_loop3A_1027 = arith.constant 16 : i32
        %parallel_loop3A_1028 = arith.index_cast %parallel_loop3A_1027 : i32 to index
        %parallel_loop3A_1029 = arith.index_cast %parallel_loop3A_1026 : i32 to index
        %parallel_loop3A_1030 = tpu.vector_load %arg9[%parallel_loop3A_1028, %parallel_loop3A_1029] {strides = array<i32>} : memref<25x512xf32, #tpu.memory_space<vmem>>, vector<16xf32>,
        tpu.vector_store %arg9[%parallel_loop3A_1028, %parallel_loop3A_1029], %parallel_loop3A_1012 {strides = array<i32>} : memref<25x512xf32, #tpu.memory_space<vmem>>, vector<16xf32>,
        %parallel_loop3A_1031 = arith.addf %parallel_loop3A_915, %parallel_loop3A_1008 : vector<16xf32>
        %parallel_loop3A_1032 = arith.addf %parallel_loop3A_916, %parallel_loop3A_1012 : vector<16xf32>
        %parallel_loop3A_1033 = vector.bitcast %parallel_loop3A_484 : vector<32xbf16> to vector<16xi32>
        %parallel_loop3A_1034 = arith.constant 16 : i32
        %parallel_loop3A_1035 = vector.broadcast %parallel_loop3A_1034 : i32 to vector<16xi32>
        %parallel_loop3A_1036 = arith.shli %parallel_loop3A_1033, %parallel_loop3A_1035 : vector<16xi32>
        %parallel_loop3A_1037 = vector.bitcast %parallel_loop3A_1036 : vector<16xi32> to vector<16xf32>
        %parallel_loop3A_1038 = arith.constant -65536 : i32
        %parallel_loop3A_1039 = vector.broadcast %parallel_loop3A_1038 : i32 to vector<16xi32>
        %parallel_loop3A_1040 = arith.andi %parallel_loop3A_1033, %parallel_loop3A_1039 : vector<16xi32>
        %parallel_loop3A_1041 = vector.bitcast %parallel_loop3A_1040 : vector<16xi32> to vector<16xf32>
        %parallel_loop3A_1042 = arith.constant 2 : i32
        %parallel_loop3A_1043 = arith.muli %parallel_loop3A_320, %parallel_loop3A_1042 : i32
        %parallel_loop3A_1044 = arith.constant 16 : i32
        %parallel_loop3A_1045 = arith.muli %parallel_loop3A_1043, %parallel_loop3A_1044 : i32
        %parallel_loop3A_1046 = arith.constant 17 : i32
        %parallel_loop3A_1047 = arith.index_cast %parallel_loop3A_1046 : i32 to index
        %parallel_loop3A_1048 = arith.index_cast %parallel_loop3A_1045 : i32 to index
        %parallel_loop3A_1049 = tpu.vector_load %arg9[%parallel_loop3A_1047, %parallel_loop3A_1048] {strides = array<i32>} : memref<25x512xf32, #tpu.memory_space<vmem>>, vector<16xf32>,
        tpu.vector_store %arg9[%parallel_loop3A_1047, %parallel_loop3A_1048], %parallel_loop3A_1037 {strides = array<i32>} : memref<25x512xf32, #tpu.memory_space<vmem>>, vector<16xf32>,
        %parallel_loop3A_1050 = arith.constant 2 : i32
        %parallel_loop3A_1051 = arith.muli %parallel_loop3A_320, %parallel_loop3A_1050 : i32
        %parallel_loop3A_1052 = arith.constant 16 : i32
        %parallel_loop3A_1053 = arith.muli %parallel_loop3A_1051, %parallel_loop3A_1052 : i32
        %parallel_loop3A_1054 = arith.constant 16 : i32
        %parallel_loop3A_1055 = arith.addi %parallel_loop3A_1053, %parallel_loop3A_1054 : i32
        %parallel_loop3A_1056 = arith.constant 17 : i32
        %parallel_loop3A_1057 = arith.index_cast %parallel_loop3A_1056 : i32 to index
        %parallel_loop3A_1058 = arith.index_cast %parallel_loop3A_1055 : i32 to index
        %parallel_loop3A_1059 = tpu.vector_load %arg9[%parallel_loop3A_1057, %parallel_loop3A_1058] {strides = array<i32>} : memref<25x512xf32, #tpu.memory_space<vmem>>, vector<16xf32>,
        tpu.vector_store %arg9[%parallel_loop3A_1057, %parallel_loop3A_1058], %parallel_loop3A_1041 {strides = array<i32>} : memref<25x512xf32, #tpu.memory_space<vmem>>, vector<16xf32>,
        %parallel_loop3A_1060 = arith.addf %parallel_loop3A_944, %parallel_loop3A_1037 : vector<16xf32>
        %parallel_loop3A_1061 = arith.addf %parallel_loop3A_945, %parallel_loop3A_1041 : vector<16xf32>
        %parallel_loop3A_1062 = vector.bitcast %parallel_loop3A_493 : vector<32xbf16> to vector<16xi32>
        %parallel_loop3A_1063 = arith.constant 16 : i32
        %parallel_loop3A_1064 = vector.broadcast %parallel_loop3A_1063 : i32 to vector<16xi32>
        %parallel_loop3A_1065 = arith.shli %parallel_loop3A_1062, %parallel_loop3A_1064 : vector<16xi32>
        %parallel_loop3A_1066 = vector.bitcast %parallel_loop3A_1065 : vector<16xi32> to vector<16xf32>
        %parallel_loop3A_1067 = arith.constant -65536 : i32
        %parallel_loop3A_1068 = vector.broadcast %parallel_loop3A_1067 : i32 to vector<16xi32>
        %parallel_loop3A_1069 = arith.andi %parallel_loop3A_1062, %parallel_loop3A_1068 : vector<16xi32>
        %parallel_loop3A_1070 = vector.bitcast %parallel_loop3A_1069 : vector<16xi32> to vector<16xf32>
        %parallel_loop3A_1071 = arith.constant 2 : i32
        %parallel_loop3A_1072 = arith.muli %parallel_loop3A_320, %parallel_loop3A_1071 : i32
        %parallel_loop3A_1073 = arith.constant 16 : i32
        %parallel_loop3A_1074 = arith.muli %parallel_loop3A_1072, %parallel_loop3A_1073 : i32
        %parallel_loop3A_1075 = arith.constant 18 : i32
        %parallel_loop3A_1076 = arith.index_cast %parallel_loop3A_1075 : i32 to index
        %parallel_loop3A_1077 = arith.index_cast %parallel_loop3A_1074 : i32 to index
        %parallel_loop3A_1078 = tpu.vector_load %arg9[%parallel_loop3A_1076, %parallel_loop3A_1077] {strides = array<i32>} : memref<25x512xf32, #tpu.memory_space<vmem>>, vector<16xf32>,
        tpu.vector_store %arg9[%parallel_loop3A_1076, %parallel_loop3A_1077], %parallel_loop3A_1066 {strides = array<i32>} : memref<25x512xf32, #tpu.memory_space<vmem>>, vector<16xf32>,
        %parallel_loop3A_1079 = arith.constant 2 : i32
        %parallel_loop3A_1080 = arith.muli %parallel_loop3A_320, %parallel_loop3A_1079 : i32
        %parallel_loop3A_1081 = arith.constant 16 : i32
        %parallel_loop3A_1082 = arith.muli %parallel_loop3A_1080, %parallel_loop3A_1081 : i32
        %parallel_loop3A_1083 = arith.constant 16 : i32
        %parallel_loop3A_1084 = arith.addi %parallel_loop3A_1082, %parallel_loop3A_1083 : i32
        %parallel_loop3A_1085 = arith.constant 18 : i32
        %parallel_loop3A_1086 = arith.index_cast %parallel_loop3A_1085 : i32 to index
        %parallel_loop3A_1087 = arith.index_cast %parallel_loop3A_1084 : i32 to index
        %parallel_loop3A_1088 = tpu.vector_load %arg9[%parallel_loop3A_1086, %parallel_loop3A_1087] {strides = array<i32>} : memref<25x512xf32, #tpu.memory_space<vmem>>, vector<16xf32>,
        tpu.vector_store %arg9[%parallel_loop3A_1086, %parallel_loop3A_1087], %parallel_loop3A_1070 {strides = array<i32>} : memref<25x512xf32, #tpu.memory_space<vmem>>, vector<16xf32>,
        %parallel_loop3A_1089 = arith.addf %parallel_loop3A_973, %parallel_loop3A_1066 : vector<16xf32>
        %parallel_loop3A_1090 = arith.addf %parallel_loop3A_974, %parallel_loop3A_1070 : vector<16xf32>
        %parallel_loop3A_1091 = vector.bitcast %parallel_loop3A_502 : vector<32xbf16> to vector<16xi32>
        %parallel_loop3A_1092 = arith.constant 16 : i32
        %parallel_loop3A_1093 = vector.broadcast %parallel_loop3A_1092 : i32 to vector<16xi32>
        %parallel_loop3A_1094 = arith.shli %parallel_loop3A_1091, %parallel_loop3A_1093 : vector<16xi32>
        %parallel_loop3A_1095 = vector.bitcast %parallel_loop3A_1094 : vector<16xi32> to vector<16xf32>
        %parallel_loop3A_1096 = arith.constant -65536 : i32
        %parallel_loop3A_1097 = vector.broadcast %parallel_loop3A_1096 : i32 to vector<16xi32>
        %parallel_loop3A_1098 = arith.andi %parallel_loop3A_1091, %parallel_loop3A_1097 : vector<16xi32>
        %parallel_loop3A_1099 = vector.bitcast %parallel_loop3A_1098 : vector<16xi32> to vector<16xf32>
        %parallel_loop3A_1100 = arith.constant 2 : i32
        %parallel_loop3A_1101 = arith.muli %parallel_loop3A_320, %parallel_loop3A_1100 : i32
        %parallel_loop3A_1102 = arith.constant 16 : i32
        %parallel_loop3A_1103 = arith.muli %parallel_loop3A_1101, %parallel_loop3A_1102 : i32
        %parallel_loop3A_1104 = arith.constant 19 : i32
        %parallel_loop3A_1105 = arith.index_cast %parallel_loop3A_1104 : i32 to index
        %parallel_loop3A_1106 = arith.index_cast %parallel_loop3A_1103 : i32 to index
        %parallel_loop3A_1107 = tpu.vector_load %arg9[%parallel_loop3A_1105, %parallel_loop3A_1106] {strides = array<i32>} : memref<25x512xf32, #tpu.memory_space<vmem>>, vector<16xf32>,
        tpu.vector_store %arg9[%parallel_loop3A_1105, %parallel_loop3A_1106], %parallel_loop3A_1095 {strides = array<i32>} : memref<25x512xf32, #tpu.memory_space<vmem>>, vector<16xf32>,
        %parallel_loop3A_1108 = arith.constant 2 : i32
        %parallel_loop3A_1109 = arith.muli %parallel_loop3A_320, %parallel_loop3A_1108 : i32
        %parallel_loop3A_1110 = arith.constant 16 : i32
        %parallel_loop3A_1111 = arith.muli %parallel_loop3A_1109, %parallel_loop3A_1110 : i32
        %parallel_loop3A_1112 = arith.constant 16 : i32
        %parallel_loop3A_1113 = arith.addi %parallel_loop3A_1111, %parallel_loop3A_1112 : i32
        %parallel_loop3A_1114 = arith.constant 19 : i32
        %parallel_loop3A_1115 = arith.index_cast %parallel_loop3A_1114 : i32 to index
        %parallel_loop3A_1116 = arith.index_cast %parallel_loop3A_1113 : i32 to index
        %parallel_loop3A_1117 = tpu.vector_load %arg9[%parallel_loop3A_1115, %parallel_loop3A_1116] {strides = array<i32>} : memref<25x512xf32, #tpu.memory_space<vmem>>, vector<16xf32>,
        tpu.vector_store %arg9[%parallel_loop3A_1115, %parallel_loop3A_1116], %parallel_loop3A_1099 {strides = array<i32>} : memref<25x512xf32, #tpu.memory_space<vmem>>, vector<16xf32>,
        %parallel_loop3A_1118 = arith.addf %parallel_loop3A_1002, %parallel_loop3A_1095 : vector<16xf32>
        %parallel_loop3A_1119 = arith.addf %parallel_loop3A_1003, %parallel_loop3A_1099 : vector<16xf32>
        %parallel_loop3A_1120 = vector.bitcast %parallel_loop3A_511 : vector<32xbf16> to vector<16xi32>
        %parallel_loop3A_1121 = arith.constant 16 : i32
        %parallel_loop3A_1122 = vector.broadcast %parallel_loop3A_1121 : i32 to vector<16xi32>
        %parallel_loop3A_1123 = arith.shli %parallel_loop3A_1120, %parallel_loop3A_1122 : vector<16xi32>
        %parallel_loop3A_1124 = vector.bitcast %parallel_loop3A_1123 : vector<16xi32> to vector<16xf32>
        %parallel_loop3A_1125 = arith.constant -65536 : i32
        %parallel_loop3A_1126 = vector.broadcast %parallel_loop3A_1125 : i32 to vector<16xi32>
        %parallel_loop3A_1127 = arith.andi %parallel_loop3A_1120, %parallel_loop3A_1126 : vector<16xi32>
        %parallel_loop3A_1128 = vector.bitcast %parallel_loop3A_1127 : vector<16xi32> to vector<16xf32>
        %parallel_loop3A_1129 = arith.constant 2 : i32
        %parallel_loop3A_1130 = arith.muli %parallel_loop3A_320, %parallel_loop3A_1129 : i32
        %parallel_loop3A_1131 = arith.constant 16 : i32
        %parallel_loop3A_1132 = arith.muli %parallel_loop3A_1130, %parallel_loop3A_1131 : i32
        %parallel_loop3A_1133 = arith.constant 20 : i32
        %parallel_loop3A_1134 = arith.index_cast %parallel_loop3A_1133 : i32 to index
        %parallel_loop3A_1135 = arith.index_cast %parallel_loop3A_1132 : i32 to index
        %parallel_loop3A_1136 = tpu.vector_load %arg9[%parallel_loop3A_1134, %parallel_loop3A_1135] {strides = array<i32>} : memref<25x512xf32, #tpu.memory_space<vmem>>, vector<16xf32>,
        tpu.vector_store %arg9[%parallel_loop3A_1134, %parallel_loop3A_1135], %parallel_loop3A_1124 {strides = array<i32>} : memref<25x512xf32, #tpu.memory_space<vmem>>, vector<16xf32>,
        %parallel_loop3A_1137 = arith.constant 2 : i32
        %parallel_loop3A_1138 = arith.muli %parallel_loop3A_320, %parallel_loop3A_1137 : i32
        %parallel_loop3A_1139 = arith.constant 16 : i32
        %parallel_loop3A_1140 = arith.muli %parallel_loop3A_1138, %parallel_loop3A_1139 : i32
        %parallel_loop3A_1141 = arith.constant 16 : i32
        %parallel_loop3A_1142 = arith.addi %parallel_loop3A_1140, %parallel_loop3A_1141 : i32
        %parallel_loop3A_1143 = arith.constant 20 : i32
        %parallel_loop3A_1144 = arith.index_cast %parallel_loop3A_1143 : i32 to index
        %parallel_loop3A_1145 = arith.index_cast %parallel_loop3A_1142 : i32 to index
        %parallel_loop3A_1146 = tpu.vector_load %arg9[%parallel_loop3A_1144, %parallel_loop3A_1145] {strides = array<i32>} : memref<25x512xf32, #tpu.memory_space<vmem>>, vector<16xf32>,
        tpu.vector_store %arg9[%parallel_loop3A_1144, %parallel_loop3A_1145], %parallel_loop3A_1128 {strides = array<i32>} : memref<25x512xf32, #tpu.memory_space<vmem>>, vector<16xf32>,
        %parallel_loop3A_1147 = arith.addf %parallel_loop3A_1031, %parallel_loop3A_1124 : vector<16xf32>
        %parallel_loop3A_1148 = arith.addf %parallel_loop3A_1032, %parallel_loop3A_1128 : vector<16xf32>
        %parallel_loop3A_1149 = vector.bitcast %parallel_loop3A_520 : vector<32xbf16> to vector<16xi32>
        %parallel_loop3A_1150 = arith.constant 16 : i32
        %parallel_loop3A_1151 = vector.broadcast %parallel_loop3A_1150 : i32 to vector<16xi32>
        %parallel_loop3A_1152 = arith.shli %parallel_loop3A_1149, %parallel_loop3A_1151 : vector<16xi32>
        %parallel_loop3A_1153 = vector.bitcast %parallel_loop3A_1152 : vector<16xi32> to vector<16xf32>
        %parallel_loop3A_1154 = arith.constant -65536 : i32
        %parallel_loop3A_1155 = vector.broadcast %parallel_loop3A_1154 : i32 to vector<16xi32>
        %parallel_loop3A_1156 = arith.andi %parallel_loop3A_1149, %parallel_loop3A_1155 : vector<16xi32>
        %parallel_loop3A_1157 = vector.bitcast %parallel_loop3A_1156 : vector<16xi32> to vector<16xf32>
        %parallel_loop3A_1158 = arith.constant 2 : i32
        %parallel_loop3A_1159 = arith.muli %parallel_loop3A_320, %parallel_loop3A_1158 : i32
        %parallel_loop3A_1160 = arith.constant 16 : i32
        %parallel_loop3A_1161 = arith.muli %parallel_loop3A_1159, %parallel_loop3A_1160 : i32
        %parallel_loop3A_1162 = arith.constant 21 : i32
        %parallel_loop3A_1163 = arith.index_cast %parallel_loop3A_1162 : i32 to index
        %parallel_loop3A_1164 = arith.index_cast %parallel_loop3A_1161 : i32 to index
        %parallel_loop3A_1165 = tpu.vector_load %arg9[%parallel_loop3A_1163, %parallel_loop3A_1164] {strides = array<i32>} : memref<25x512xf32, #tpu.memory_space<vmem>>, vector<16xf32>,
        tpu.vector_store %arg9[%parallel_loop3A_1163, %parallel_loop3A_1164], %parallel_loop3A_1153 {strides = array<i32>} : memref<25x512xf32, #tpu.memory_space<vmem>>, vector<16xf32>,
        %parallel_loop3A_1166 = arith.constant 2 : i32
        %parallel_loop3A_1167 = arith.muli %parallel_loop3A_320, %parallel_loop3A_1166 : i32
        %parallel_loop3A_1168 = arith.constant 16 : i32
        %parallel_loop3A_1169 = arith.muli %parallel_loop3A_1167, %parallel_loop3A_1168 : i32
        %parallel_loop3A_1170 = arith.constant 16 : i32
        %parallel_loop3A_1171 = arith.addi %parallel_loop3A_1169, %parallel_loop3A_1170 : i32
        %parallel_loop3A_1172 = arith.constant 21 : i32
        %parallel_loop3A_1173 = arith.index_cast %parallel_loop3A_1172 : i32 to index
        %parallel_loop3A_1174 = arith.index_cast %parallel_loop3A_1171 : i32 to index
        %parallel_loop3A_1175 = tpu.vector_load %arg9[%parallel_loop3A_1173, %parallel_loop3A_1174] {strides = array<i32>} : memref<25x512xf32, #tpu.memory_space<vmem>>, vector<16xf32>,
        tpu.vector_store %arg9[%parallel_loop3A_1173, %parallel_loop3A_1174], %parallel_loop3A_1157 {strides = array<i32>} : memref<25x512xf32, #tpu.memory_space<vmem>>, vector<16xf32>,
        %parallel_loop3A_1176 = arith.addf %parallel_loop3A_1060, %parallel_loop3A_1153 : vector<16xf32>
        %parallel_loop3A_1177 = arith.addf %parallel_loop3A_1061, %parallel_loop3A_1157 : vector<16xf32>
        %parallel_loop3A_1178 = vector.bitcast %parallel_loop3A_529 : vector<32xbf16> to vector<16xi32>
        %parallel_loop3A_1179 = arith.constant 16 : i32
        %parallel_loop3A_1180 = vector.broadcast %parallel_loop3A_1179 : i32 to vector<16xi32>
        %parallel_loop3A_1181 = arith.shli %parallel_loop3A_1178, %parallel_loop3A_1180 : vector<16xi32>
        %parallel_loop3A_1182 = vector.bitcast %parallel_loop3A_1181 : vector<16xi32> to vector<16xf32>
        %parallel_loop3A_1183 = arith.constant -65536 : i32
        %parallel_loop3A_1184 = vector.broadcast %parallel_loop3A_1183 : i32 to vector<16xi32>
        %parallel_loop3A_1185 = arith.andi %parallel_loop3A_1178, %parallel_loop3A_1184 : vector<16xi32>
        %parallel_loop3A_1186 = vector.bitcast %parallel_loop3A_1185 : vector<16xi32> to vector<16xf32>
        %parallel_loop3A_1187 = arith.constant 2 : i32
        %parallel_loop3A_1188 = arith.muli %parallel_loop3A_320, %parallel_loop3A_1187 : i32
        %parallel_loop3A_1189 = arith.constant 16 : i32
        %parallel_loop3A_1190 = arith.muli %parallel_loop3A_1188, %parallel_loop3A_1189 : i32
        %parallel_loop3A_1191 = arith.constant 22 : i32
        %parallel_loop3A_1192 = arith.index_cast %parallel_loop3A_1191 : i32 to index
        %parallel_loop3A_1193 = arith.index_cast %parallel_loop3A_1190 : i32 to index
        %parallel_loop3A_1194 = tpu.vector_load %arg9[%parallel_loop3A_1192, %parallel_loop3A_1193] {strides = array<i32>} : memref<25x512xf32, #tpu.memory_space<vmem>>, vector<16xf32>,
        tpu.vector_store %arg9[%parallel_loop3A_1192, %parallel_loop3A_1193], %parallel_loop3A_1182 {strides = array<i32>} : memref<25x512xf32, #tpu.memory_space<vmem>>, vector<16xf32>,
        %parallel_loop3A_1195 = arith.constant 2 : i32
        %parallel_loop3A_1196 = arith.muli %parallel_loop3A_320, %parallel_loop3A_1195 : i32
        %parallel_loop3A_1197 = arith.constant 16 : i32
        %parallel_loop3A_1198 = arith.muli %parallel_loop3A_1196, %parallel_loop3A_1197 : i32
        %parallel_loop3A_1199 = arith.constant 16 : i32
        %parallel_loop3A_1200 = arith.addi %parallel_loop3A_1198, %parallel_loop3A_1199 : i32
        %parallel_loop3A_1201 = arith.constant 22 : i32
        %parallel_loop3A_1202 = arith.index_cast %parallel_loop3A_1201 : i32 to index
        %parallel_loop3A_1203 = arith.index_cast %parallel_loop3A_1200 : i32 to index
        %parallel_loop3A_1204 = tpu.vector_load %arg9[%parallel_loop3A_1202, %parallel_loop3A_1203] {strides = array<i32>} : memref<25x512xf32, #tpu.memory_space<vmem>>, vector<16xf32>,
        tpu.vector_store %arg9[%parallel_loop3A_1202, %parallel_loop3A_1203], %parallel_loop3A_1186 {strides = array<i32>} : memref<25x512xf32, #tpu.memory_space<vmem>>, vector<16xf32>,
        %parallel_loop3A_1205 = arith.addf %parallel_loop3A_1089, %parallel_loop3A_1182 : vector<16xf32>
        %parallel_loop3A_1206 = arith.addf %parallel_loop3A_1090, %parallel_loop3A_1186 : vector<16xf32>
        %parallel_loop3A_1207 = vector.bitcast %parallel_loop3A_538 : vector<32xbf16> to vector<16xi32>
        %parallel_loop3A_1208 = arith.constant 16 : i32
        %parallel_loop3A_1209 = vector.broadcast %parallel_loop3A_1208 : i32 to vector<16xi32>
        %parallel_loop3A_1210 = arith.shli %parallel_loop3A_1207, %parallel_loop3A_1209 : vector<16xi32>
        %parallel_loop3A_1211 = vector.bitcast %parallel_loop3A_1210 : vector<16xi32> to vector<16xf32>
        %parallel_loop3A_1212 = arith.constant -65536 : i32
        %parallel_loop3A_1213 = vector.broadcast %parallel_loop3A_1212 : i32 to vector<16xi32>
        %parallel_loop3A_1214 = arith.andi %parallel_loop3A_1207, %parallel_loop3A_1213 : vector<16xi32>
        %parallel_loop3A_1215 = vector.bitcast %parallel_loop3A_1214 : vector<16xi32> to vector<16xf32>
        %parallel_loop3A_1216 = arith.constant 2 : i32
        %parallel_loop3A_1217 = arith.muli %parallel_loop3A_320, %parallel_loop3A_1216 : i32
        %parallel_loop3A_1218 = arith.constant 16 : i32
        %parallel_loop3A_1219 = arith.muli %parallel_loop3A_1217, %parallel_loop3A_1218 : i32
        %parallel_loop3A_1220 = arith.constant 23 : i32
        %parallel_loop3A_1221 = arith.index_cast %parallel_loop3A_1220 : i32 to index
        %parallel_loop3A_1222 = arith.index_cast %parallel_loop3A_1219 : i32 to index
        %parallel_loop3A_1223 = tpu.vector_load %arg9[%parallel_loop3A_1221, %parallel_loop3A_1222] {strides = array<i32>} : memref<25x512xf32, #tpu.memory_space<vmem>>, vector<16xf32>,
        tpu.vector_store %arg9[%parallel_loop3A_1221, %parallel_loop3A_1222], %parallel_loop3A_1211 {strides = array<i32>} : memref<25x512xf32, #tpu.memory_space<vmem>>, vector<16xf32>,
        %parallel_loop3A_1224 = arith.constant 2 : i32
        %parallel_loop3A_1225 = arith.muli %parallel_loop3A_320, %parallel_loop3A_1224 : i32
        %parallel_loop3A_1226 = arith.constant 16 : i32
        %parallel_loop3A_1227 = arith.muli %parallel_loop3A_1225, %parallel_loop3A_1226 : i32
        %parallel_loop3A_1228 = arith.constant 16 : i32
        %parallel_loop3A_1229 = arith.addi %parallel_loop3A_1227, %parallel_loop3A_1228 : i32
        %parallel_loop3A_1230 = arith.constant 23 : i32
        %parallel_loop3A_1231 = arith.index_cast %parallel_loop3A_1230 : i32 to index
        %parallel_loop3A_1232 = arith.index_cast %parallel_loop3A_1229 : i32 to index
        %parallel_loop3A_1233 = tpu.vector_load %arg9[%parallel_loop3A_1231, %parallel_loop3A_1232] {strides = array<i32>} : memref<25x512xf32, #tpu.memory_space<vmem>>, vector<16xf32>,
        tpu.vector_store %arg9[%parallel_loop3A_1231, %parallel_loop3A_1232], %parallel_loop3A_1215 {strides = array<i32>} : memref<25x512xf32, #tpu.memory_space<vmem>>, vector<16xf32>,
        %parallel_loop3A_1234 = arith.addf %parallel_loop3A_1118, %parallel_loop3A_1211 : vector<16xf32>
        %parallel_loop3A_1235 = arith.addf %parallel_loop3A_1119, %parallel_loop3A_1215 : vector<16xf32>
        %parallel_loop3A_1236 = vector.bitcast %parallel_loop3A_547 : vector<32xbf16> to vector<16xi32>
        %parallel_loop3A_1237 = arith.constant 16 : i32
        %parallel_loop3A_1238 = vector.broadcast %parallel_loop3A_1237 : i32 to vector<16xi32>
        %parallel_loop3A_1239 = arith.shli %parallel_loop3A_1236, %parallel_loop3A_1238 : vector<16xi32>
        %parallel_loop3A_1240 = vector.bitcast %parallel_loop3A_1239 : vector<16xi32> to vector<16xf32>
        %parallel_loop3A_1241 = arith.constant -65536 : i32
        %parallel_loop3A_1242 = vector.broadcast %parallel_loop3A_1241 : i32 to vector<16xi32>
        %parallel_loop3A_1243 = arith.andi %parallel_loop3A_1236, %parallel_loop3A_1242 : vector<16xi32>
        %parallel_loop3A_1244 = vector.bitcast %parallel_loop3A_1243 : vector<16xi32> to vector<16xf32>
        %parallel_loop3A_1245 = arith.constant 2 : i32
        %parallel_loop3A_1246 = arith.muli %parallel_loop3A_320, %parallel_loop3A_1245 : i32
        %parallel_loop3A_1247 = arith.constant 16 : i32
        %parallel_loop3A_1248 = arith.muli %parallel_loop3A_1246, %parallel_loop3A_1247 : i32
        %parallel_loop3A_1249 = arith.constant 24 : i32
        %parallel_loop3A_1250 = arith.index_cast %parallel_loop3A_1249 : i32 to index
        %parallel_loop3A_1251 = arith.index_cast %parallel_loop3A_1248 : i32 to index
        %parallel_loop3A_1252 = tpu.vector_load %arg9[%parallel_loop3A_1250, %parallel_loop3A_1251] {strides = array<i32>} : memref<25x512xf32, #tpu.memory_space<vmem>>, vector<16xf32>,
        tpu.vector_store %arg9[%parallel_loop3A_1250, %parallel_loop3A_1251], %parallel_loop3A_1240 {strides = array<i32>} : memref<25x512xf32, #tpu.memory_space<vmem>>, vector<16xf32>,
        %parallel_loop3A_1253 = arith.constant 2 : i32
        %parallel_loop3A_1254 = arith.muli %parallel_loop3A_320, %parallel_loop3A_1253 : i32
        %parallel_loop3A_1255 = arith.constant 16 : i32
        %parallel_loop3A_1256 = arith.muli %parallel_loop3A_1254, %parallel_loop3A_1255 : i32
        %parallel_loop3A_1257 = arith.constant 16 : i32
        %parallel_loop3A_1258 = arith.addi %parallel_loop3A_1256, %parallel_loop3A_1257 : i32
        %parallel_loop3A_1259 = arith.constant 24 : i32
        %parallel_loop3A_1260 = arith.index_cast %parallel_loop3A_1259 : i32 to index
        %parallel_loop3A_1261 = arith.index_cast %parallel_loop3A_1258 : i32 to index
        %parallel_loop3A_1262 = tpu.vector_load %arg9[%parallel_loop3A_1260, %parallel_loop3A_1261] {strides = array<i32>} : memref<25x512xf32, #tpu.memory_space<vmem>>, vector<16xf32>,
        tpu.vector_store %arg9[%parallel_loop3A_1260, %parallel_loop3A_1261], %parallel_loop3A_1244 {strides = array<i32>} : memref<25x512xf32, #tpu.memory_space<vmem>>, vector<16xf32>,
        %parallel_loop3A_1263 = arith.addf %parallel_loop3A_1147, %parallel_loop3A_1240 : vector<16xf32>
        %parallel_loop3A_1264 = arith.addf %parallel_loop3A_1148, %parallel_loop3A_1244 : vector<16xf32>
        %parallel_loop3A_1265 = arith.addf %parallel_loop3A_1263, %parallel_loop3A_1176 : vector<16xf32>
        %parallel_loop3A_1266 = arith.addf %parallel_loop3A_1205, %parallel_loop3A_1234 : vector<16xf32>
        %parallel_loop3A_1267 = arith.addf %parallel_loop3A_1265, %parallel_loop3A_1266 : vector<16xf32>
        %parallel_loop3A_1268 = arith.addf %parallel_loop3A_1264, %parallel_loop3A_1177 : vector<16xf32>
        %parallel_loop3A_1269 = arith.addf %parallel_loop3A_1206, %parallel_loop3A_1235 : vector<16xf32>
        %parallel_loop3A_1270 = arith.addf %parallel_loop3A_1268, %parallel_loop3A_1269 : vector<16xf32>
        %parallel_loop3A_1271 = arith.constant 4.000000e-02 : f32
        %parallel_loop3A_1272 = vector.broadcast %parallel_loop3A_1271 : f32 to vector<16xf32>
        %parallel_loop3A_1273 = arith.mulf %parallel_loop3A_1267, %parallel_loop3A_1272 : vector<16xf32>
        %parallel_loop3A_1274 = arith.constant 2 : i32
        %parallel_loop3A_1275 = arith.muli %parallel_loop3A_320, %parallel_loop3A_1274 : i32
        %parallel_loop3A_1276 = arith.constant 16 : i32
        %parallel_loop3A_1277 = arith.muli %parallel_loop3A_1275, %parallel_loop3A_1276 : i32
        %parallel_loop3A_1278 = arith.index_cast %parallel_loop3A_1277 : i32 to index
        %parallel_loop3A_1279 = tpu.vector_load %arg11[%parallel_loop3A_1278] {strides = array<i32>} : memref<512xf32, #tpu.memory_space<vmem>>, vector<16xf32>,
        tpu.vector_store %arg11[%parallel_loop3A_1278], %parallel_loop3A_1273 {strides = array<i32>} : memref<512xf32, #tpu.memory_space<vmem>>, vector<16xf32>,
        %parallel_loop3A_1280 = arith.constant 4.000000e-02 : f32
        %parallel_loop3A_1281 = vector.broadcast %parallel_loop3A_1280 : f32 to vector<16xf32>
        %parallel_loop3A_1282 = arith.mulf %parallel_loop3A_1270, %parallel_loop3A_1281 : vector<16xf32>
        %parallel_loop3A_1283 = arith.constant 2 : i32
        %parallel_loop3A_1284 = arith.muli %parallel_loop3A_320, %parallel_loop3A_1283 : i32
        %parallel_loop3A_1285 = arith.constant 16 : i32
        %parallel_loop3A_1286 = arith.muli %parallel_loop3A_1284, %parallel_loop3A_1285 : i32
        %parallel_loop3A_1287 = arith.constant 16 : i32
        %parallel_loop3A_1288 = arith.addi %parallel_loop3A_1286, %parallel_loop3A_1287 : i32
        %parallel_loop3A_1289 = arith.index_cast %parallel_loop3A_1288 : i32 to index
        %parallel_loop3A_1290 = tpu.vector_load %arg11[%parallel_loop3A_1289] {strides = array<i32>} : memref<512xf32, #tpu.memory_space<vmem>>, vector<16xf32>,
        tpu.vector_store %arg11[%parallel_loop3A_1289], %parallel_loop3A_1282 {strides = array<i32>} : memref<512xf32, #tpu.memory_space<vmem>>, vector<16xf32>,
      } {sc.loop_unroll_factor = 1 : i64, sc.parallel_access}
      %dma_start3A = arith.constant 0 : i32
      %dma_start3A_166 = arith.constant 0 : i32
      %dma_start3A_167 = tpu.memref_slice %arg4[%add3A_52, %dma_start3A, %dma_start3A_166] : memref<4096x25x512xf32, #tpu.memory_space<hbm>> -> memref<1x25x512xf32, #tpu.memory_space<hbm>>
      %dma_start3A_168 = tpu.memref_squeeze %dma_start3A_167 : memref<1x25x512xf32, #tpu.memory_space<hbm>> -> memref<25x512xf32, #tpu.memory_space<hbm>>
      %dma_start3A_169 = arith.constant 0 : i32
      %dma_start3A_170 = arith.constant 0 : i32
      %dma_start3A_171 = tpu.memref_slice %arg4[%add3A_52, %dma_start3A_169, %dma_start3A_170] : memref<4096x25x512xf32, #tpu.memory_space<hbm>> -> memref<1x25x512xf32, #tpu.memory_space<hbm>>
      %dma_start3A_172 = tpu.memref_squeeze %dma_start3A_171 : memref<1x25x512xf32, #tpu.memory_space<hbm>> -> memref<25x512xf32, #tpu.memory_space<hbm>>
      tpu.enqueue_dma source(%arg9 : memref<25x512xf32, #tpu.memory_space<vmem>>) target(%dma_start3A_172 : memref<25x512xf32, #tpu.memory_space<hbm>>) target_semaphore(%arg13 : memref<!tpu.dma_semaphore, #tpu.memory_space<semaphore_mem>>)
      %dma_start3A_173 = arith.constant 0 : i32
      %dma_start3A_174 = tpu.memref_slice %arg5[%add3A_52, %dma_start3A_173] : memref<4096x512xf32, #tpu.memory_space<hbm>> -> memref<1x512xf32, #tpu.memory_space<hbm>>
      %dma_start3A_175 = tpu.memref_squeeze %dma_start3A_174 : memref<1x512xf32, #tpu.memory_space<hbm>> -> memref<512xf32, #tpu.memory_space<hbm>>
      %dma_start3A_176 = arith.constant 0 : i32
      %dma_start3A_177 = tpu.memref_slice %arg5[%add3A_52, %dma_start3A_176] : memref<4096x512xf32, #tpu.memory_space<hbm>> -> memref<1x512xf32, #tpu.memory_space<hbm>>
      %dma_start3A_178 = tpu.memref_squeeze %dma_start3A_177 : memref<1x512xf32, #tpu.memory_space<hbm>> -> memref<512xf32, #tpu.memory_space<hbm>>
      tpu.enqueue_dma source(%arg11 : memref<512xf32, #tpu.memory_space<vmem>>) target(%dma_start3A_178 : memref<512xf32, #tpu.memory_space<hbm>>) target_semaphore(%arg13 : memref<!tpu.dma_semaphore, #tpu.memory_space<semaphore_mem>>)
      %mul3A_179 = arith.constant 2 : i32
      %mul3A_180 = arith.muli %mul3A_179, %scan3A_48 : i32
      %add3A_181 = arith.constant 1 : i32
      %add3A_182 = arith.addi %mul3A_180, %add3A_181 : i32
      %eq3A_183 = arith.constant 0 : i32
      %eq3A_184 = arith.cmpi eq, %scan3A_48, %eq3A_183 : i32
      %add3A_185 = arith.addi %mul3A_2, %add3A_182 : i32
      %not3A_186 = arith.constant true
      %not3A_187 = arith.xori %eq3A_184, %not3A_186 : i1
      %convert_element_type3A_188 = arith.extui %not3A_187 : i1 to i32
      %cond3A_189 = arith.constant 0 : i32
      %cond3A_190 = arith.cmpi ne, %convert_element_type3A_188, %cond3A_189 : i32
      scf.if %cond3A_190 {
        %dma_wait3A_320 = arith.constant 0 : i32
        %dma_wait3A_321 = arith.constant 0 : i32
        %dma_wait3A_322 = tpu.memref_slice %arg4[%add3A_185, %dma_wait3A_320, %dma_wait3A_321] : memref<4096x25x512xf32, #tpu.memory_space<hbm>> -> memref<1x25x512xf32, #tpu.memory_space<hbm>>
        %dma_wait3A_323 = tpu.memref_squeeze %dma_wait3A_322 : memref<1x25x512xf32, #tpu.memory_space<hbm>> -> memref<25x512xf32, #tpu.memory_space<hbm>>
        %dma_wait3A_324 = arith.constant 0 : i32
        %dma_wait3A_325 = arith.constant 0 : i32
        %dma_wait3A_326 = tpu.memref_slice %arg4[%add3A_185, %dma_wait3A_324, %dma_wait3A_325] : memref<4096x25x512xf32, #tpu.memory_space<hbm>> -> memref<1x25x512xf32, #tpu.memory_space<hbm>>
        %dma_wait3A_327 = tpu.memref_squeeze %dma_wait3A_326 : memref<1x25x512xf32, #tpu.memory_space<hbm>> -> memref<25x512xf32, #tpu.memory_space<hbm>>
        tpu.wait_dma2 semaphore(%arg14 : memref<!tpu.dma_semaphore, #tpu.memory_space<semaphore_mem>>) src(%arg10 : memref<25x512xf32, #tpu.memory_space<vmem>>) dst(%dma_wait3A_327 : memref<25x512xf32, #tpu.memory_space<hbm>>)
        %dma_wait3A_328 = arith.constant 0 : i32
        %dma_wait3A_329 = tpu.memref_slice %arg5[%add3A_185, %dma_wait3A_328] : memref<4096x512xf32, #tpu.memory_space<hbm>> -> memref<1x512xf32, #tpu.memory_space<hbm>>
        %dma_wait3A_330 = tpu.memref_squeeze %dma_wait3A_329 : memref<1x512xf32, #tpu.memory_space<hbm>> -> memref<512xf32, #tpu.memory_space<hbm>>
        %dma_wait3A_331 = arith.constant 0 : i32
        %dma_wait3A_332 = tpu.memref_slice %arg5[%add3A_185, %dma_wait3A_331] : memref<4096x512xf32, #tpu.memory_space<hbm>> -> memref<1x512xf32, #tpu.memory_space<hbm>>
        %dma_wait3A_333 = tpu.memref_squeeze %dma_wait3A_332 : memref<1x512xf32, #tpu.memory_space<hbm>> -> memref<512xf32, #tpu.memory_space<hbm>>
        tpu.wait_dma2 semaphore(%arg14 : memref<!tpu.dma_semaphore, #tpu.memory_space<semaphore_mem>>) src(%arg12 : memref<512xf32, #tpu.memory_space<vmem>>) dst(%dma_wait3A_333 : memref<512xf32, #tpu.memory_space<hbm>>)
      } else {
      }
      %get3A_191 = arith.index_cast %add3A_182 : i32 to index
      %get3A_192 = arith.constant 0 : index
      %get3A_193 = tpu.vector_load %arg8[%get3A_191, %get3A_192] {strides = array<i32>} : memref<128x64xi32, #tpu.memory_space<vmem>>, vector<16xi32>,
      %get3A_194 = arith.index_cast %add3A_182 : i32 to index
      %get3A_195 = arith.constant 16 : index
      %get3A_196 = tpu.vector_load %arg8[%get3A_194, %get3A_195] {strides = array<i32>} : memref<128x64xi32, #tpu.memory_space<vmem>>, vector<16xi32>,
      %get3A_197 = arith.index_cast %add3A_182 : i32 to index
      %get3A_198 = arith.constant 32 : index
      %get3A_199 = tpu.vector_load %arg8[%get3A_197, %get3A_198] {strides = array<i32>} : memref<128x64xi32, #tpu.memory_space<vmem>>, vector<16xi32>,
      %get3A_200 = arith.index_cast %add3A_182 : i32 to index
      %get3A_201 = arith.constant 48 : index
      %get3A_202 = tpu.vector_load %arg8[%get3A_200, %get3A_201] {strides = array<i32>} : memref<128x64xi32, #tpu.memory_space<vmem>>, vector<16xi32>,
      %slice3A_203 = vector.extract_strided_slice %get3A_193 {offsets = [0], sizes = [1], strides = [1]} : vector<16xi32> to vector<1xi32>
      %squeeze3A_204 = vector.extract %slice3A_203[0] : i32 from vector<1xi32>
      %slice3A_205 = vector.extract_strided_slice %get3A_193 {offsets = [1], sizes = [1], strides = [1]} : vector<16xi32> to vector<1xi32>
      %squeeze3A_206 = vector.extract %slice3A_205[0] : i32 from vector<1xi32>
      %slice3A_207 = vector.extract_strided_slice %get3A_193 {offsets = [2], sizes = [1], strides = [1]} : vector<16xi32> to vector<1xi32>
      %squeeze3A_208 = vector.extract %slice3A_207[0] : i32 from vector<1xi32>
      %slice3A_209 = vector.extract_strided_slice %get3A_193 {offsets = [3], sizes = [1], strides = [1]} : vector<16xi32> to vector<1xi32>
      %squeeze3A_210 = vector.extract %slice3A_209[0] : i32 from vector<1xi32>
      %slice3A_211 = vector.extract_strided_slice %get3A_193 {offsets = [4], sizes = [1], strides = [1]} : vector<16xi32> to vector<1xi32>
      %squeeze3A_212 = vector.extract %slice3A_211[0] : i32 from vector<1xi32>
      %slice3A_213 = vector.extract_strided_slice %get3A_193 {offsets = [5], sizes = [1], strides = [1]} : vector<16xi32> to vector<1xi32>
      %squeeze3A_214 = vector.extract %slice3A_213[0] : i32 from vector<1xi32>
      %slice3A_215 = vector.extract_strided_slice %get3A_193 {offsets = [6], sizes = [1], strides = [1]} : vector<16xi32> to vector<1xi32>
      %squeeze3A_216 = vector.extract %slice3A_215[0] : i32 from vector<1xi32>
      %slice3A_217 = vector.extract_strided_slice %get3A_193 {offsets = [7], sizes = [1], strides = [1]} : vector<16xi32> to vector<1xi32>
      %squeeze3A_218 = vector.extract %slice3A_217[0] : i32 from vector<1xi32>
      %slice3A_219 = vector.extract_strided_slice %get3A_193 {offsets = [8], sizes = [1], strides = [1]} : vector<16xi32> to vector<1xi32>
      %squeeze3A_220 = vector.extract %slice3A_219[0] : i32 from vector<1xi32>
      %slice3A_221 = vector.extract_strided_slice %get3A_193 {offsets = [9], sizes = [1], strides = [1]} : vector<16xi32> to vector<1xi32>
      %squeeze3A_222 = vector.extract %slice3A_221[0] : i32 from vector<1xi32>
      %slice3A_223 = vector.extract_strided_slice %get3A_193 {offsets = [10], sizes = [1], strides = [1]} : vector<16xi32> to vector<1xi32>
      %squeeze3A_224 = vector.extract %slice3A_223[0] : i32 from vector<1xi32>
      %slice3A_225 = vector.extract_strided_slice %get3A_193 {offsets = [11], sizes = [1], strides = [1]} : vector<16xi32> to vector<1xi32>
      %squeeze3A_226 = vector.extract %slice3A_225[0] : i32 from vector<1xi32>
      %slice3A_227 = vector.extract_strided_slice %get3A_193 {offsets = [12], sizes = [1], strides = [1]} : vector<16xi32> to vector<1xi32>
      %squeeze3A_228 = vector.extract %slice3A_227[0] : i32 from vector<1xi32>
      %slice3A_229 = vector.extract_strided_slice %get3A_193 {offsets = [13], sizes = [1], strides = [1]} : vector<16xi32> to vector<1xi32>
      %squeeze3A_230 = vector.extract %slice3A_229[0] : i32 from vector<1xi32>
      %slice3A_231 = vector.extract_strided_slice %get3A_193 {offsets = [14], sizes = [1], strides = [1]} : vector<16xi32> to vector<1xi32>
      %squeeze3A_232 = vector.extract %slice3A_231[0] : i32 from vector<1xi32>
      %slice3A_233 = vector.extract_strided_slice %get3A_193 {offsets = [15], sizes = [1], strides = [1]} : vector<16xi32> to vector<1xi32>
      %squeeze3A_234 = vector.extract %slice3A_233[0] : i32 from vector<1xi32>
      %slice3A_235 = vector.extract_strided_slice %get3A_196 {offsets = [0], sizes = [1], strides = [1]} : vector<16xi32> to vector<1xi32>
      %squeeze3A_236 = vector.extract %slice3A_235[0] : i32 from vector<1xi32>
      %slice3A_237 = vector.extract_strided_slice %get3A_196 {offsets = [1], sizes = [1], strides = [1]} : vector<16xi32> to vector<1xi32>
      %squeeze3A_238 = vector.extract %slice3A_237[0] : i32 from vector<1xi32>
      %slice3A_239 = vector.extract_strided_slice %get3A_196 {offsets = [2], sizes = [1], strides = [1]} : vector<16xi32> to vector<1xi32>
      %squeeze3A_240 = vector.extract %slice3A_239[0] : i32 from vector<1xi32>
      %slice3A_241 = vector.extract_strided_slice %get3A_196 {offsets = [3], sizes = [1], strides = [1]} : vector<16xi32> to vector<1xi32>
      %squeeze3A_242 = vector.extract %slice3A_241[0] : i32 from vector<1xi32>
      %slice3A_243 = vector.extract_strided_slice %get3A_196 {offsets = [4], sizes = [1], strides = [1]} : vector<16xi32> to vector<1xi32>
      %squeeze3A_244 = vector.extract %slice3A_243[0] : i32 from vector<1xi32>
      %slice3A_245 = vector.extract_strided_slice %get3A_196 {offsets = [5], sizes = [1], strides = [1]} : vector<16xi32> to vector<1xi32>
      %squeeze3A_246 = vector.extract %slice3A_245[0] : i32 from vector<1xi32>
      %slice3A_247 = vector.extract_strided_slice %get3A_196 {offsets = [6], sizes = [1], strides = [1]} : vector<16xi32> to vector<1xi32>
      %squeeze3A_248 = vector.extract %slice3A_247[0] : i32 from vector<1xi32>
      %slice3A_249 = vector.extract_strided_slice %get3A_196 {offsets = [7], sizes = [1], strides = [1]} : vector<16xi32> to vector<1xi32>
      %squeeze3A_250 = vector.extract %slice3A_249[0] : i32 from vector<1xi32>
      %slice3A_251 = vector.extract_strided_slice %get3A_196 {offsets = [8], sizes = [1], strides = [1]} : vector<16xi32> to vector<1xi32>
      %squeeze3A_252 = vector.extract %slice3A_251[0] : i32 from vector<1xi32>
      %slice3A_253 = vector.extract_strided_slice %get3A_196 {offsets = [9], sizes = [1], strides = [1]} : vector<16xi32> to vector<1xi32>
      %squeeze3A_254 = vector.extract %slice3A_253[0] : i32 from vector<1xi32>
      %slice3A_255 = vector.extract_strided_slice %get3A_196 {offsets = [10], sizes = [1], strides = [1]} : vector<16xi32> to vector<1xi32>
      %squeeze3A_256 = vector.extract %slice3A_255[0] : i32 from vector<1xi32>
      %slice3A_257 = vector.extract_strided_slice %get3A_196 {offsets = [11], sizes = [1], strides = [1]} : vector<16xi32> to vector<1xi32>
      %squeeze3A_258 = vector.extract %slice3A_257[0] : i32 from vector<1xi32>
      %slice3A_259 = vector.extract_strided_slice %get3A_196 {offsets = [12], sizes = [1], strides = [1]} : vector<16xi32> to vector<1xi32>
      %squeeze3A_260 = vector.extract %slice3A_259[0] : i32 from vector<1xi32>
      %slice3A_261 = vector.extract_strided_slice %get3A_196 {offsets = [13], sizes = [1], strides = [1]} : vector<16xi32> to vector<1xi32>
      %squeeze3A_262 = vector.extract %slice3A_261[0] : i32 from vector<1xi32>
      %slice3A_263 = vector.extract_strided_slice %get3A_196 {offsets = [14], sizes = [1], strides = [1]} : vector<16xi32> to vector<1xi32>
      %squeeze3A_264 = vector.extract %slice3A_263[0] : i32 from vector<1xi32>
      %slice3A_265 = vector.extract_strided_slice %get3A_196 {offsets = [15], sizes = [1], strides = [1]} : vector<16xi32> to vector<1xi32>
      %squeeze3A_266 = vector.extract %slice3A_265[0] : i32 from vector<1xi32>
      %slice3A_267 = vector.extract_strided_slice %get3A_199 {offsets = [0], sizes = [1], strides = [1]} : vector<16xi32> to vector<1xi32>
      %squeeze3A_268 = vector.extract %slice3A_267[0] : i32 from vector<1xi32>
      %slice3A_269 = vector.extract_strided_slice %get3A_199 {offsets = [1], sizes = [1], strides = [1]} : vector<16xi32> to vector<1xi32>
      %squeeze3A_270 = vector.extract %slice3A_269[0] : i32 from vector<1xi32>
      %slice3A_271 = vector.extract_strided_slice %get3A_199 {offsets = [2], sizes = [1], strides = [1]} : vector<16xi32> to vector<1xi32>
      %squeeze3A_272 = vector.extract %slice3A_271[0] : i32 from vector<1xi32>
      %slice3A_273 = vector.extract_strided_slice %get3A_199 {offsets = [3], sizes = [1], strides = [1]} : vector<16xi32> to vector<1xi32>
      %squeeze3A_274 = vector.extract %slice3A_273[0] : i32 from vector<1xi32>
      %slice3A_275 = vector.extract_strided_slice %get3A_199 {offsets = [4], sizes = [1], strides = [1]} : vector<16xi32> to vector<1xi32>
      %squeeze3A_276 = vector.extract %slice3A_275[0] : i32 from vector<1xi32>
      %slice3A_277 = vector.extract_strided_slice %get3A_199 {offsets = [5], sizes = [1], strides = [1]} : vector<16xi32> to vector<1xi32>
      %squeeze3A_278 = vector.extract %slice3A_277[0] : i32 from vector<1xi32>
      %slice3A_279 = vector.extract_strided_slice %get3A_199 {offsets = [6], sizes = [1], strides = [1]} : vector<16xi32> to vector<1xi32>
      %squeeze3A_280 = vector.extract %slice3A_279[0] : i32 from vector<1xi32>
      %slice3A_281 = vector.extract_strided_slice %get3A_199 {offsets = [7], sizes = [1], strides = [1]} : vector<16xi32> to vector<1xi32>
      %squeeze3A_282 = vector.extract %slice3A_281[0] : i32 from vector<1xi32>
      %slice3A_283 = vector.extract_strided_slice %get3A_199 {offsets = [8], sizes = [1], strides = [1]} : vector<16xi32> to vector<1xi32>
      %squeeze3A_284 = vector.extract %slice3A_283[0] : i32 from vector<1xi32>
      %slice3A_285 = vector.extract_strided_slice %get3A_199 {offsets = [9], sizes = [1], strides = [1]} : vector<16xi32> to vector<1xi32>
      %squeeze3A_286 = vector.extract %slice3A_285[0] : i32 from vector<1xi32>
      %slice3A_287 = vector.extract_strided_slice %get3A_199 {offsets = [10], sizes = [1], strides = [1]} : vector<16xi32> to vector<1xi32>
      %squeeze3A_288 = vector.extract %slice3A_287[0] : i32 from vector<1xi32>
      %slice3A_289 = vector.extract_strided_slice %get3A_199 {offsets = [11], sizes = [1], strides = [1]} : vector<16xi32> to vector<1xi32>
      %squeeze3A_290 = vector.extract %slice3A_289[0] : i32 from vector<1xi32>
      %slice3A_291 = vector.extract_strided_slice %get3A_199 {offsets = [12], sizes = [1], strides = [1]} : vector<16xi32> to vector<1xi32>
      %squeeze3A_292 = vector.extract %slice3A_291[0] : i32 from vector<1xi32>
      %slice3A_293 = vector.extract_strided_slice %get3A_199 {offsets = [13], sizes = [1], strides = [1]} : vector<16xi32> to vector<1xi32>
      %squeeze3A_294 = vector.extract %slice3A_293[0] : i32 from vector<1xi32>
      %slice3A_295 = vector.extract_strided_slice %get3A_199 {offsets = [14], sizes = [1], strides = [1]} : vector<16xi32> to vector<1xi32>
      %squeeze3A_296 = vector.extract %slice3A_295[0] : i32 from vector<1xi32>
      %slice3A_297 = vector.extract_strided_slice %get3A_199 {offsets = [15], sizes = [1], strides = [1]} : vector<16xi32> to vector<1xi32>
      %squeeze3A_298 = vector.extract %slice3A_297[0] : i32 from vector<1xi32>
      %slice3A_299 = vector.extract_strided_slice %get3A_202 {offsets = [0], sizes = [1], strides = [1]} : vector<16xi32> to vector<1xi32>
      %squeeze3A_300 = vector.extract %slice3A_299[0] : i32 from vector<1xi32>
      %slice3A_301 = vector.extract_strided_slice %get3A_202 {offsets = [1], sizes = [1], strides = [1]} : vector<16xi32> to vector<1xi32>
      %squeeze3A_302 = vector.extract %slice3A_301[0] : i32 from vector<1xi32>
      %parallel_loop3A_303 = arith.constant 0 : i32
      %parallel_loop3A_304 = arith.constant 16 : i32
      %parallel_loop3A_305 = arith.constant 1 : i32
      scf.for %parallel_loop3A_320 = %parallel_loop3A_303 to %parallel_loop3A_304 step %parallel_loop3A_305  : i32 {
        %parallel_loop3A_321 = arith.constant 16 : i32
        %parallel_loop3A_322 = arith.muli %parallel_loop3A_320, %parallel_loop3A_321 : i32
        %parallel_loop3A_323 = arith.index_cast %squeeze3A_204 : i32 to index
        %parallel_loop3A_324 = arith.index_cast %parallel_loop3A_322 : i32 to index
        %parallel_loop3A_325 = tpu.vector_load %arg6[%parallel_loop3A_323, %parallel_loop3A_324] {strides = array<i32>} : memref<256x256xi32, #tpu.memory_space<vmem>>, vector<16xi32>,
        %parallel_loop3A_326 = arith.index_cast %squeeze3A_206 : i32 to index
        %parallel_loop3A_327 = arith.index_cast %parallel_loop3A_322 : i32 to index
        %parallel_loop3A_328 = tpu.vector_load %arg6[%parallel_loop3A_326, %parallel_loop3A_327] {strides = array<i32>} : memref<256x256xi32, #tpu.memory_space<vmem>>, vector<16xi32>,
        %parallel_loop3A_329 = vector.bitcast %parallel_loop3A_325 : vector<16xi32> to vector<32xbf16>
        %parallel_loop3A_330 = vector.bitcast %parallel_loop3A_328 : vector<16xi32> to vector<32xbf16>
        %parallel_loop3A_331 = arith.addf %parallel_loop3A_329, %parallel_loop3A_330 : vector<32xbf16>
        %parallel_loop3A_332 = arith.index_cast %squeeze3A_208 : i32 to index
        %parallel_loop3A_333 = arith.index_cast %parallel_loop3A_322 : i32 to index
        %parallel_loop3A_334 = tpu.vector_load %arg6[%parallel_loop3A_332, %parallel_loop3A_333] {strides = array<i32>} : memref<256x256xi32, #tpu.memory_space<vmem>>, vector<16xi32>,
        %parallel_loop3A_335 = arith.index_cast %squeeze3A_210 : i32 to index
        %parallel_loop3A_336 = arith.index_cast %parallel_loop3A_322 : i32 to index
        %parallel_loop3A_337 = tpu.vector_load %arg6[%parallel_loop3A_335, %parallel_loop3A_336] {strides = array<i32>} : memref<256x256xi32, #tpu.memory_space<vmem>>, vector<16xi32>,
        %parallel_loop3A_338 = vector.bitcast %parallel_loop3A_334 : vector<16xi32> to vector<32xbf16>
        %parallel_loop3A_339 = vector.bitcast %parallel_loop3A_337 : vector<16xi32> to vector<32xbf16>
        %parallel_loop3A_340 = arith.addf %parallel_loop3A_338, %parallel_loop3A_339 : vector<32xbf16>
        %parallel_loop3A_341 = arith.index_cast %squeeze3A_212 : i32 to index
        %parallel_loop3A_342 = arith.index_cast %parallel_loop3A_322 : i32 to index
        %parallel_loop3A_343 = tpu.vector_load %arg6[%parallel_loop3A_341, %parallel_loop3A_342] {strides = array<i32>} : memref<256x256xi32, #tpu.memory_space<vmem>>, vector<16xi32>,
        %parallel_loop3A_344 = arith.index_cast %squeeze3A_214 : i32 to index
        %parallel_loop3A_345 = arith.index_cast %parallel_loop3A_322 : i32 to index
        %parallel_loop3A_346 = tpu.vector_load %arg6[%parallel_loop3A_344, %parallel_loop3A_345] {strides = array<i32>} : memref<256x256xi32, #tpu.memory_space<vmem>>, vector<16xi32>,
        %parallel_loop3A_347 = vector.bitcast %parallel_loop3A_343 : vector<16xi32> to vector<32xbf16>
        %parallel_loop3A_348 = vector.bitcast %parallel_loop3A_346 : vector<16xi32> to vector<32xbf16>
        %parallel_loop3A_349 = arith.addf %parallel_loop3A_347, %parallel_loop3A_348 : vector<32xbf16>
        %parallel_loop3A_350 = arith.index_cast %squeeze3A_216 : i32 to index
        %parallel_loop3A_351 = arith.index_cast %parallel_loop3A_322 : i32 to index
        %parallel_loop3A_352 = tpu.vector_load %arg6[%parallel_loop3A_350, %parallel_loop3A_351] {strides = array<i32>} : memref<256x256xi32, #tpu.memory_space<vmem>>, vector<16xi32>,
        %parallel_loop3A_353 = arith.index_cast %squeeze3A_218 : i32 to index
        %parallel_loop3A_354 = arith.index_cast %parallel_loop3A_322 : i32 to index
        %parallel_loop3A_355 = tpu.vector_load %arg6[%parallel_loop3A_353, %parallel_loop3A_354] {strides = array<i32>} : memref<256x256xi32, #tpu.memory_space<vmem>>, vector<16xi32>,
        %parallel_loop3A_356 = vector.bitcast %parallel_loop3A_352 : vector<16xi32> to vector<32xbf16>
        %parallel_loop3A_357 = vector.bitcast %parallel_loop3A_355 : vector<16xi32> to vector<32xbf16>
        %parallel_loop3A_358 = arith.addf %parallel_loop3A_356, %parallel_loop3A_357 : vector<32xbf16>
        %parallel_loop3A_359 = arith.index_cast %squeeze3A_220 : i32 to index
        %parallel_loop3A_360 = arith.index_cast %parallel_loop3A_322 : i32 to index
        %parallel_loop3A_361 = tpu.vector_load %arg6[%parallel_loop3A_359, %parallel_loop3A_360] {strides = array<i32>} : memref<256x256xi32, #tpu.memory_space<vmem>>, vector<16xi32>,
        %parallel_loop3A_362 = arith.index_cast %squeeze3A_222 : i32 to index
        %parallel_loop3A_363 = arith.index_cast %parallel_loop3A_322 : i32 to index
        %parallel_loop3A_364 = tpu.vector_load %arg6[%parallel_loop3A_362, %parallel_loop3A_363] {strides = array<i32>} : memref<256x256xi32, #tpu.memory_space<vmem>>, vector<16xi32>,
        %parallel_loop3A_365 = vector.bitcast %parallel_loop3A_361 : vector<16xi32> to vector<32xbf16>
        %parallel_loop3A_366 = vector.bitcast %parallel_loop3A_364 : vector<16xi32> to vector<32xbf16>
        %parallel_loop3A_367 = arith.addf %parallel_loop3A_365, %parallel_loop3A_366 : vector<32xbf16>
        %parallel_loop3A_368 = arith.index_cast %squeeze3A_224 : i32 to index
        %parallel_loop3A_369 = arith.index_cast %parallel_loop3A_322 : i32 to index
        %parallel_loop3A_370 = tpu.vector_load %arg6[%parallel_loop3A_368, %parallel_loop3A_369] {strides = array<i32>} : memref<256x256xi32, #tpu.memory_space<vmem>>, vector<16xi32>,
        %parallel_loop3A_371 = arith.index_cast %squeeze3A_226 : i32 to index
        %parallel_loop3A_372 = arith.index_cast %parallel_loop3A_322 : i32 to index
        %parallel_loop3A_373 = tpu.vector_load %arg6[%parallel_loop3A_371, %parallel_loop3A_372] {strides = array<i32>} : memref<256x256xi32, #tpu.memory_space<vmem>>, vector<16xi32>,
        %parallel_loop3A_374 = vector.bitcast %parallel_loop3A_370 : vector<16xi32> to vector<32xbf16>
        %parallel_loop3A_375 = vector.bitcast %parallel_loop3A_373 : vector<16xi32> to vector<32xbf16>
        %parallel_loop3A_376 = arith.addf %parallel_loop3A_374, %parallel_loop3A_375 : vector<32xbf16>
        %parallel_loop3A_377 = arith.index_cast %squeeze3A_228 : i32 to index
        %parallel_loop3A_378 = arith.index_cast %parallel_loop3A_322 : i32 to index
        %parallel_loop3A_379 = tpu.vector_load %arg6[%parallel_loop3A_377, %parallel_loop3A_378] {strides = array<i32>} : memref<256x256xi32, #tpu.memory_space<vmem>>, vector<16xi32>,
        %parallel_loop3A_380 = arith.index_cast %squeeze3A_230 : i32 to index
        %parallel_loop3A_381 = arith.index_cast %parallel_loop3A_322 : i32 to index
        %parallel_loop3A_382 = tpu.vector_load %arg6[%parallel_loop3A_380, %parallel_loop3A_381] {strides = array<i32>} : memref<256x256xi32, #tpu.memory_space<vmem>>, vector<16xi32>,
        %parallel_loop3A_383 = vector.bitcast %parallel_loop3A_379 : vector<16xi32> to vector<32xbf16>
        %parallel_loop3A_384 = vector.bitcast %parallel_loop3A_382 : vector<16xi32> to vector<32xbf16>
        %parallel_loop3A_385 = arith.addf %parallel_loop3A_383, %parallel_loop3A_384 : vector<32xbf16>
        %parallel_loop3A_386 = arith.index_cast %squeeze3A_232 : i32 to index
        %parallel_loop3A_387 = arith.index_cast %parallel_loop3A_322 : i32 to index
        %parallel_loop3A_388 = tpu.vector_load %arg6[%parallel_loop3A_386, %parallel_loop3A_387] {strides = array<i32>} : memref<256x256xi32, #tpu.memory_space<vmem>>, vector<16xi32>,
        %parallel_loop3A_389 = arith.index_cast %squeeze3A_234 : i32 to index
        %parallel_loop3A_390 = arith.index_cast %parallel_loop3A_322 : i32 to index
        %parallel_loop3A_391 = tpu.vector_load %arg6[%parallel_loop3A_389, %parallel_loop3A_390] {strides = array<i32>} : memref<256x256xi32, #tpu.memory_space<vmem>>, vector<16xi32>,
        %parallel_loop3A_392 = vector.bitcast %parallel_loop3A_388 : vector<16xi32> to vector<32xbf16>
        %parallel_loop3A_393 = vector.bitcast %parallel_loop3A_391 : vector<16xi32> to vector<32xbf16>
        %parallel_loop3A_394 = arith.addf %parallel_loop3A_392, %parallel_loop3A_393 : vector<32xbf16>
        %parallel_loop3A_395 = arith.index_cast %squeeze3A_236 : i32 to index
        %parallel_loop3A_396 = arith.index_cast %parallel_loop3A_322 : i32 to index
        %parallel_loop3A_397 = tpu.vector_load %arg6[%parallel_loop3A_395, %parallel_loop3A_396] {strides = array<i32>} : memref<256x256xi32, #tpu.memory_space<vmem>>, vector<16xi32>,
        %parallel_loop3A_398 = arith.index_cast %squeeze3A_238 : i32 to index
        %parallel_loop3A_399 = arith.index_cast %parallel_loop3A_322 : i32 to index
        %parallel_loop3A_400 = tpu.vector_load %arg6[%parallel_loop3A_398, %parallel_loop3A_399] {strides = array<i32>} : memref<256x256xi32, #tpu.memory_space<vmem>>, vector<16xi32>,
        %parallel_loop3A_401 = vector.bitcast %parallel_loop3A_397 : vector<16xi32> to vector<32xbf16>
        %parallel_loop3A_402 = vector.bitcast %parallel_loop3A_400 : vector<16xi32> to vector<32xbf16>
        %parallel_loop3A_403 = arith.addf %parallel_loop3A_401, %parallel_loop3A_402 : vector<32xbf16>
        %parallel_loop3A_404 = arith.index_cast %squeeze3A_240 : i32 to index
        %parallel_loop3A_405 = arith.index_cast %parallel_loop3A_322 : i32 to index
        %parallel_loop3A_406 = tpu.vector_load %arg6[%parallel_loop3A_404, %parallel_loop3A_405] {strides = array<i32>} : memref<256x256xi32, #tpu.memory_space<vmem>>, vector<16xi32>,
        %parallel_loop3A_407 = arith.index_cast %squeeze3A_242 : i32 to index
        %parallel_loop3A_408 = arith.index_cast %parallel_loop3A_322 : i32 to index
        %parallel_loop3A_409 = tpu.vector_load %arg6[%parallel_loop3A_407, %parallel_loop3A_408] {strides = array<i32>} : memref<256x256xi32, #tpu.memory_space<vmem>>, vector<16xi32>,
        %parallel_loop3A_410 = vector.bitcast %parallel_loop3A_406 : vector<16xi32> to vector<32xbf16>
        %parallel_loop3A_411 = vector.bitcast %parallel_loop3A_409 : vector<16xi32> to vector<32xbf16>
        %parallel_loop3A_412 = arith.addf %parallel_loop3A_410, %parallel_loop3A_411 : vector<32xbf16>
        %parallel_loop3A_413 = arith.index_cast %squeeze3A_244 : i32 to index
        %parallel_loop3A_414 = arith.index_cast %parallel_loop3A_322 : i32 to index
        %parallel_loop3A_415 = tpu.vector_load %arg6[%parallel_loop3A_413, %parallel_loop3A_414] {strides = array<i32>} : memref<256x256xi32, #tpu.memory_space<vmem>>, vector<16xi32>,
        %parallel_loop3A_416 = arith.index_cast %squeeze3A_246 : i32 to index
        %parallel_loop3A_417 = arith.index_cast %parallel_loop3A_322 : i32 to index
        %parallel_loop3A_418 = tpu.vector_load %arg6[%parallel_loop3A_416, %parallel_loop3A_417] {strides = array<i32>} : memref<256x256xi32, #tpu.memory_space<vmem>>, vector<16xi32>,
        %parallel_loop3A_419 = vector.bitcast %parallel_loop3A_415 : vector<16xi32> to vector<32xbf16>
        %parallel_loop3A_420 = vector.bitcast %parallel_loop3A_418 : vector<16xi32> to vector<32xbf16>
        %parallel_loop3A_421 = arith.addf %parallel_loop3A_419, %parallel_loop3A_420 : vector<32xbf16>
        %parallel_loop3A_422 = arith.index_cast %squeeze3A_248 : i32 to index
        %parallel_loop3A_423 = arith.index_cast %parallel_loop3A_322 : i32 to index
        %parallel_loop3A_424 = tpu.vector_load %arg6[%parallel_loop3A_422, %parallel_loop3A_423] {strides = array<i32>} : memref<256x256xi32, #tpu.memory_space<vmem>>, vector<16xi32>,
        %parallel_loop3A_425 = arith.index_cast %squeeze3A_250 : i32 to index
        %parallel_loop3A_426 = arith.index_cast %parallel_loop3A_322 : i32 to index
        %parallel_loop3A_427 = tpu.vector_load %arg6[%parallel_loop3A_425, %parallel_loop3A_426] {strides = array<i32>} : memref<256x256xi32, #tpu.memory_space<vmem>>, vector<16xi32>,
        %parallel_loop3A_428 = vector.bitcast %parallel_loop3A_424 : vector<16xi32> to vector<32xbf16>
        %parallel_loop3A_429 = vector.bitcast %parallel_loop3A_427 : vector<16xi32> to vector<32xbf16>
        %parallel_loop3A_430 = arith.addf %parallel_loop3A_428, %parallel_loop3A_429 : vector<32xbf16>
        %parallel_loop3A_431 = arith.index_cast %squeeze3A_252 : i32 to index
        %parallel_loop3A_432 = arith.index_cast %parallel_loop3A_322 : i32 to index
        %parallel_loop3A_433 = tpu.vector_load %arg6[%parallel_loop3A_431, %parallel_loop3A_432] {strides = array<i32>} : memref<256x256xi32, #tpu.memory_space<vmem>>, vector<16xi32>,
        %parallel_loop3A_434 = arith.index_cast %squeeze3A_254 : i32 to index
        %parallel_loop3A_435 = arith.index_cast %parallel_loop3A_322 : i32 to index
        %parallel_loop3A_436 = tpu.vector_load %arg6[%parallel_loop3A_434, %parallel_loop3A_435] {strides = array<i32>} : memref<256x256xi32, #tpu.memory_space<vmem>>, vector<16xi32>,
        %parallel_loop3A_437 = vector.bitcast %parallel_loop3A_433 : vector<16xi32> to vector<32xbf16>
        %parallel_loop3A_438 = vector.bitcast %parallel_loop3A_436 : vector<16xi32> to vector<32xbf16>
        %parallel_loop3A_439 = arith.addf %parallel_loop3A_437, %parallel_loop3A_438 : vector<32xbf16>
        %parallel_loop3A_440 = arith.index_cast %squeeze3A_256 : i32 to index
        %parallel_loop3A_441 = arith.index_cast %parallel_loop3A_322 : i32 to index
        %parallel_loop3A_442 = tpu.vector_load %arg6[%parallel_loop3A_440, %parallel_loop3A_441] {strides = array<i32>} : memref<256x256xi32, #tpu.memory_space<vmem>>, vector<16xi32>,
        %parallel_loop3A_443 = arith.index_cast %squeeze3A_258 : i32 to index
        %parallel_loop3A_444 = arith.index_cast %parallel_loop3A_322 : i32 to index
        %parallel_loop3A_445 = tpu.vector_load %arg6[%parallel_loop3A_443, %parallel_loop3A_444] {strides = array<i32>} : memref<256x256xi32, #tpu.memory_space<vmem>>, vector<16xi32>,
        %parallel_loop3A_446 = vector.bitcast %parallel_loop3A_442 : vector<16xi32> to vector<32xbf16>
        %parallel_loop3A_447 = vector.bitcast %parallel_loop3A_445 : vector<16xi32> to vector<32xbf16>
        %parallel_loop3A_448 = arith.addf %parallel_loop3A_446, %parallel_loop3A_447 : vector<32xbf16>
        %parallel_loop3A_449 = arith.index_cast %squeeze3A_260 : i32 to index
        %parallel_loop3A_450 = arith.index_cast %parallel_loop3A_322 : i32 to index
        %parallel_loop3A_451 = tpu.vector_load %arg6[%parallel_loop3A_449, %parallel_loop3A_450] {strides = array<i32>} : memref<256x256xi32, #tpu.memory_space<vmem>>, vector<16xi32>,
        %parallel_loop3A_452 = arith.index_cast %squeeze3A_262 : i32 to index
        %parallel_loop3A_453 = arith.index_cast %parallel_loop3A_322 : i32 to index
        %parallel_loop3A_454 = tpu.vector_load %arg6[%parallel_loop3A_452, %parallel_loop3A_453] {strides = array<i32>} : memref<256x256xi32, #tpu.memory_space<vmem>>, vector<16xi32>,
        %parallel_loop3A_455 = vector.bitcast %parallel_loop3A_451 : vector<16xi32> to vector<32xbf16>
        %parallel_loop3A_456 = vector.bitcast %parallel_loop3A_454 : vector<16xi32> to vector<32xbf16>
        %parallel_loop3A_457 = arith.addf %parallel_loop3A_455, %parallel_loop3A_456 : vector<32xbf16>
        %parallel_loop3A_458 = arith.index_cast %squeeze3A_264 : i32 to index
        %parallel_loop3A_459 = arith.index_cast %parallel_loop3A_322 : i32 to index
        %parallel_loop3A_460 = tpu.vector_load %arg6[%parallel_loop3A_458, %parallel_loop3A_459] {strides = array<i32>} : memref<256x256xi32, #tpu.memory_space<vmem>>, vector<16xi32>,
        %parallel_loop3A_461 = arith.index_cast %squeeze3A_266 : i32 to index
        %parallel_loop3A_462 = arith.index_cast %parallel_loop3A_322 : i32 to index
        %parallel_loop3A_463 = tpu.vector_load %arg6[%parallel_loop3A_461, %parallel_loop3A_462] {strides = array<i32>} : memref<256x256xi32, #tpu.memory_space<vmem>>, vector<16xi32>,
        %parallel_loop3A_464 = vector.bitcast %parallel_loop3A_460 : vector<16xi32> to vector<32xbf16>
        %parallel_loop3A_465 = vector.bitcast %parallel_loop3A_463 : vector<16xi32> to vector<32xbf16>
        %parallel_loop3A_466 = arith.addf %parallel_loop3A_464, %parallel_loop3A_465 : vector<32xbf16>
        %parallel_loop3A_467 = arith.index_cast %squeeze3A_268 : i32 to index
        %parallel_loop3A_468 = arith.index_cast %parallel_loop3A_322 : i32 to index
        %parallel_loop3A_469 = tpu.vector_load %arg6[%parallel_loop3A_467, %parallel_loop3A_468] {strides = array<i32>} : memref<256x256xi32, #tpu.memory_space<vmem>>, vector<16xi32>,
        %parallel_loop3A_470 = arith.index_cast %squeeze3A_270 : i32 to index
        %parallel_loop3A_471 = arith.index_cast %parallel_loop3A_322 : i32 to index
        %parallel_loop3A_472 = tpu.vector_load %arg6[%parallel_loop3A_470, %parallel_loop3A_471] {strides = array<i32>} : memref<256x256xi32, #tpu.memory_space<vmem>>, vector<16xi32>,
        %parallel_loop3A_473 = vector.bitcast %parallel_loop3A_469 : vector<16xi32> to vector<32xbf16>
        %parallel_loop3A_474 = vector.bitcast %parallel_loop3A_472 : vector<16xi32> to vector<32xbf16>
        %parallel_loop3A_475 = arith.addf %parallel_loop3A_473, %parallel_loop3A_474 : vector<32xbf16>
        %parallel_loop3A_476 = arith.index_cast %squeeze3A_272 : i32 to index
        %parallel_loop3A_477 = arith.index_cast %parallel_loop3A_322 : i32 to index
        %parallel_loop3A_478 = tpu.vector_load %arg6[%parallel_loop3A_476, %parallel_loop3A_477] {strides = array<i32>} : memref<256x256xi32, #tpu.memory_space<vmem>>, vector<16xi32>,
        %parallel_loop3A_479 = arith.index_cast %squeeze3A_274 : i32 to index
        %parallel_loop3A_480 = arith.index_cast %parallel_loop3A_322 : i32 to index
        %parallel_loop3A_481 = tpu.vector_load %arg6[%parallel_loop3A_479, %parallel_loop3A_480] {strides = array<i32>} : memref<256x256xi32, #tpu.memory_space<vmem>>, vector<16xi32>,
        %parallel_loop3A_482 = vector.bitcast %parallel_loop3A_478 : vector<16xi32> to vector<32xbf16>
        %parallel_loop3A_483 = vector.bitcast %parallel_loop3A_481 : vector<16xi32> to vector<32xbf16>
        %parallel_loop3A_484 = arith.addf %parallel_loop3A_482, %parallel_loop3A_483 : vector<32xbf16>
        %parallel_loop3A_485 = arith.index_cast %squeeze3A_276 : i32 to index
        %parallel_loop3A_486 = arith.index_cast %parallel_loop3A_322 : i32 to index
        %parallel_loop3A_487 = tpu.vector_load %arg6[%parallel_loop3A_485, %parallel_loop3A_486] {strides = array<i32>} : memref<256x256xi32, #tpu.memory_space<vmem>>, vector<16xi32>,
        %parallel_loop3A_488 = arith.index_cast %squeeze3A_278 : i32 to index
        %parallel_loop3A_489 = arith.index_cast %parallel_loop3A_322 : i32 to index
        %parallel_loop3A_490 = tpu.vector_load %arg6[%parallel_loop3A_488, %parallel_loop3A_489] {strides = array<i32>} : memref<256x256xi32, #tpu.memory_space<vmem>>, vector<16xi32>,
        %parallel_loop3A_491 = vector.bitcast %parallel_loop3A_487 : vector<16xi32> to vector<32xbf16>
        %parallel_loop3A_492 = vector.bitcast %parallel_loop3A_490 : vector<16xi32> to vector<32xbf16>
        %parallel_loop3A_493 = arith.addf %parallel_loop3A_491, %parallel_loop3A_492 : vector<32xbf16>
        %parallel_loop3A_494 = arith.index_cast %squeeze3A_280 : i32 to index
        %parallel_loop3A_495 = arith.index_cast %parallel_loop3A_322 : i32 to index
        %parallel_loop3A_496 = tpu.vector_load %arg6[%parallel_loop3A_494, %parallel_loop3A_495] {strides = array<i32>} : memref<256x256xi32, #tpu.memory_space<vmem>>, vector<16xi32>,
        %parallel_loop3A_497 = arith.index_cast %squeeze3A_282 : i32 to index
        %parallel_loop3A_498 = arith.index_cast %parallel_loop3A_322 : i32 to index
        %parallel_loop3A_499 = tpu.vector_load %arg6[%parallel_loop3A_497, %parallel_loop3A_498] {strides = array<i32>} : memref<256x256xi32, #tpu.memory_space<vmem>>, vector<16xi32>,
        %parallel_loop3A_500 = vector.bitcast %parallel_loop3A_496 : vector<16xi32> to vector<32xbf16>
        %parallel_loop3A_501 = vector.bitcast %parallel_loop3A_499 : vector<16xi32> to vector<32xbf16>
        %parallel_loop3A_502 = arith.addf %parallel_loop3A_500, %parallel_loop3A_501 : vector<32xbf16>
        %parallel_loop3A_503 = arith.index_cast %squeeze3A_284 : i32 to index
        %parallel_loop3A_504 = arith.index_cast %parallel_loop3A_322 : i32 to index
        %parallel_loop3A_505 = tpu.vector_load %arg6[%parallel_loop3A_503, %parallel_loop3A_504] {strides = array<i32>} : memref<256x256xi32, #tpu.memory_space<vmem>>, vector<16xi32>,
        %parallel_loop3A_506 = arith.index_cast %squeeze3A_286 : i32 to index
        %parallel_loop3A_507 = arith.index_cast %parallel_loop3A_322 : i32 to index
        %parallel_loop3A_508 = tpu.vector_load %arg6[%parallel_loop3A_506, %parallel_loop3A_507] {strides = array<i32>} : memref<256x256xi32, #tpu.memory_space<vmem>>, vector<16xi32>,
        %parallel_loop3A_509 = vector.bitcast %parallel_loop3A_505 : vector<16xi32> to vector<32xbf16>
        %parallel_loop3A_510 = vector.bitcast %parallel_loop3A_508 : vector<16xi32> to vector<32xbf16>
        %parallel_loop3A_511 = arith.addf %parallel_loop3A_509, %parallel_loop3A_510 : vector<32xbf16>
        %parallel_loop3A_512 = arith.index_cast %squeeze3A_288 : i32 to index
        %parallel_loop3A_513 = arith.index_cast %parallel_loop3A_322 : i32 to index
        %parallel_loop3A_514 = tpu.vector_load %arg6[%parallel_loop3A_512, %parallel_loop3A_513] {strides = array<i32>} : memref<256x256xi32, #tpu.memory_space<vmem>>, vector<16xi32>,
        %parallel_loop3A_515 = arith.index_cast %squeeze3A_290 : i32 to index
        %parallel_loop3A_516 = arith.index_cast %parallel_loop3A_322 : i32 to index
        %parallel_loop3A_517 = tpu.vector_load %arg6[%parallel_loop3A_515, %parallel_loop3A_516] {strides = array<i32>} : memref<256x256xi32, #tpu.memory_space<vmem>>, vector<16xi32>,
        %parallel_loop3A_518 = vector.bitcast %parallel_loop3A_514 : vector<16xi32> to vector<32xbf16>
        %parallel_loop3A_519 = vector.bitcast %parallel_loop3A_517 : vector<16xi32> to vector<32xbf16>
        %parallel_loop3A_520 = arith.addf %parallel_loop3A_518, %parallel_loop3A_519 : vector<32xbf16>
        %parallel_loop3A_521 = arith.index_cast %squeeze3A_292 : i32 to index
        %parallel_loop3A_522 = arith.index_cast %parallel_loop3A_322 : i32 to index
        %parallel_loop3A_523 = tpu.vector_load %arg6[%parallel_loop3A_521, %parallel_loop3A_522] {strides = array<i32>} : memref<256x256xi32, #tpu.memory_space<vmem>>, vector<16xi32>,
        %parallel_loop3A_524 = arith.index_cast %squeeze3A_294 : i32 to index
        %parallel_loop3A_525 = arith.index_cast %parallel_loop3A_322 : i32 to index
        %parallel_loop3A_526 = tpu.vector_load %arg6[%parallel_loop3A_524, %parallel_loop3A_525] {strides = array<i32>} : memref<256x256xi32, #tpu.memory_space<vmem>>, vector<16xi32>,
        %parallel_loop3A_527 = vector.bitcast %parallel_loop3A_523 : vector<16xi32> to vector<32xbf16>
        %parallel_loop3A_528 = vector.bitcast %parallel_loop3A_526 : vector<16xi32> to vector<32xbf16>
        %parallel_loop3A_529 = arith.addf %parallel_loop3A_527, %parallel_loop3A_528 : vector<32xbf16>
        %parallel_loop3A_530 = arith.index_cast %squeeze3A_296 : i32 to index
        %parallel_loop3A_531 = arith.index_cast %parallel_loop3A_322 : i32 to index
        %parallel_loop3A_532 = tpu.vector_load %arg6[%parallel_loop3A_530, %parallel_loop3A_531] {strides = array<i32>} : memref<256x256xi32, #tpu.memory_space<vmem>>, vector<16xi32>,
        %parallel_loop3A_533 = arith.index_cast %squeeze3A_298 : i32 to index
        %parallel_loop3A_534 = arith.index_cast %parallel_loop3A_322 : i32 to index
        %parallel_loop3A_535 = tpu.vector_load %arg6[%parallel_loop3A_533, %parallel_loop3A_534] {strides = array<i32>} : memref<256x256xi32, #tpu.memory_space<vmem>>, vector<16xi32>,
        %parallel_loop3A_536 = vector.bitcast %parallel_loop3A_532 : vector<16xi32> to vector<32xbf16>
        %parallel_loop3A_537 = vector.bitcast %parallel_loop3A_535 : vector<16xi32> to vector<32xbf16>
        %parallel_loop3A_538 = arith.addf %parallel_loop3A_536, %parallel_loop3A_537 : vector<32xbf16>
        %parallel_loop3A_539 = arith.index_cast %squeeze3A_300 : i32 to index
        %parallel_loop3A_540 = arith.index_cast %parallel_loop3A_322 : i32 to index
        %parallel_loop3A_541 = tpu.vector_load %arg6[%parallel_loop3A_539, %parallel_loop3A_540] {strides = array<i32>} : memref<256x256xi32, #tpu.memory_space<vmem>>, vector<16xi32>,
        %parallel_loop3A_542 = arith.index_cast %squeeze3A_302 : i32 to index
        %parallel_loop3A_543 = arith.index_cast %parallel_loop3A_322 : i32 to index
        %parallel_loop3A_544 = tpu.vector_load %arg6[%parallel_loop3A_542, %parallel_loop3A_543] {strides = array<i32>} : memref<256x256xi32, #tpu.memory_space<vmem>>, vector<16xi32>,
        %parallel_loop3A_545 = vector.bitcast %parallel_loop3A_541 : vector<16xi32> to vector<32xbf16>
        %parallel_loop3A_546 = vector.bitcast %parallel_loop3A_544 : vector<16xi32> to vector<32xbf16>
        %parallel_loop3A_547 = arith.addf %parallel_loop3A_545, %parallel_loop3A_546 : vector<32xbf16>
        %parallel_loop3A_548 = vector.bitcast %parallel_loop3A_331 : vector<32xbf16> to vector<16xi32>
        %parallel_loop3A_549 = arith.constant 16 : i32
        %parallel_loop3A_550 = vector.broadcast %parallel_loop3A_549 : i32 to vector<16xi32>
        %parallel_loop3A_551 = arith.shli %parallel_loop3A_548, %parallel_loop3A_550 : vector<16xi32>
        %parallel_loop3A_552 = vector.bitcast %parallel_loop3A_551 : vector<16xi32> to vector<16xf32>
        %parallel_loop3A_553 = arith.constant -65536 : i32
        %parallel_loop3A_554 = vector.broadcast %parallel_loop3A_553 : i32 to vector<16xi32>
        %parallel_loop3A_555 = arith.andi %parallel_loop3A_548, %parallel_loop3A_554 : vector<16xi32>
        %parallel_loop3A_556 = vector.bitcast %parallel_loop3A_555 : vector<16xi32> to vector<16xf32>
        %parallel_loop3A_557 = arith.constant 2 : i32
        %parallel_loop3A_558 = arith.muli %parallel_loop3A_320, %parallel_loop3A_557 : i32
        %parallel_loop3A_559 = arith.constant 16 : i32
        %parallel_loop3A_560 = arith.muli %parallel_loop3A_558, %parallel_loop3A_559 : i32
        %parallel_loop3A_561 = arith.constant 0 : i32
        %parallel_loop3A_562 = arith.index_cast %parallel_loop3A_561 : i32 to index
        %parallel_loop3A_563 = arith.index_cast %parallel_loop3A_560 : i32 to index
        %parallel_loop3A_564 = tpu.vector_load %arg10[%parallel_loop3A_562, %parallel_loop3A_563] {strides = array<i32>} : memref<25x512xf32, #tpu.memory_space<vmem>>, vector<16xf32>,
        tpu.vector_store %arg10[%parallel_loop3A_562, %parallel_loop3A_563], %parallel_loop3A_552 {strides = array<i32>} : memref<25x512xf32, #tpu.memory_space<vmem>>, vector<16xf32>,
        %parallel_loop3A_565 = arith.constant 2 : i32
        %parallel_loop3A_566 = arith.muli %parallel_loop3A_320, %parallel_loop3A_565 : i32
        %parallel_loop3A_567 = arith.constant 16 : i32
        %parallel_loop3A_568 = arith.muli %parallel_loop3A_566, %parallel_loop3A_567 : i32
        %parallel_loop3A_569 = arith.constant 16 : i32
        %parallel_loop3A_570 = arith.addi %parallel_loop3A_568, %parallel_loop3A_569 : i32
        %parallel_loop3A_571 = arith.constant 0 : i32
        %parallel_loop3A_572 = arith.index_cast %parallel_loop3A_571 : i32 to index
        %parallel_loop3A_573 = arith.index_cast %parallel_loop3A_570 : i32 to index
        %parallel_loop3A_574 = tpu.vector_load %arg10[%parallel_loop3A_572, %parallel_loop3A_573] {strides = array<i32>} : memref<25x512xf32, #tpu.memory_space<vmem>>, vector<16xf32>,
        tpu.vector_store %arg10[%parallel_loop3A_572, %parallel_loop3A_573], %parallel_loop3A_556 {strides = array<i32>} : memref<25x512xf32, #tpu.memory_space<vmem>>, vector<16xf32>,
        %parallel_loop3A_575 = vector.bitcast %parallel_loop3A_340 : vector<32xbf16> to vector<16xi32>
        %parallel_loop3A_576 = arith.constant 16 : i32
        %parallel_loop3A_577 = vector.broadcast %parallel_loop3A_576 : i32 to vector<16xi32>
        %parallel_loop3A_578 = arith.shli %parallel_loop3A_575, %parallel_loop3A_577 : vector<16xi32>
        %parallel_loop3A_579 = vector.bitcast %parallel_loop3A_578 : vector<16xi32> to vector<16xf32>
        %parallel_loop3A_580 = arith.constant -65536 : i32
        %parallel_loop3A_581 = vector.broadcast %parallel_loop3A_580 : i32 to vector<16xi32>
        %parallel_loop3A_582 = arith.andi %parallel_loop3A_575, %parallel_loop3A_581 : vector<16xi32>
        %parallel_loop3A_583 = vector.bitcast %parallel_loop3A_582 : vector<16xi32> to vector<16xf32>
        %parallel_loop3A_584 = arith.constant 2 : i32
        %parallel_loop3A_585 = arith.muli %parallel_loop3A_320, %parallel_loop3A_584 : i32
        %parallel_loop3A_586 = arith.constant 16 : i32
        %parallel_loop3A_587 = arith.muli %parallel_loop3A_585, %parallel_loop3A_586 : i32
        %parallel_loop3A_588 = arith.constant 1 : i32
        %parallel_loop3A_589 = arith.index_cast %parallel_loop3A_588 : i32 to index
        %parallel_loop3A_590 = arith.index_cast %parallel_loop3A_587 : i32 to index
        %parallel_loop3A_591 = tpu.vector_load %arg10[%parallel_loop3A_589, %parallel_loop3A_590] {strides = array<i32>} : memref<25x512xf32, #tpu.memory_space<vmem>>, vector<16xf32>,
        tpu.vector_store %arg10[%parallel_loop3A_589, %parallel_loop3A_590], %parallel_loop3A_579 {strides = array<i32>} : memref<25x512xf32, #tpu.memory_space<vmem>>, vector<16xf32>,
        %parallel_loop3A_592 = arith.constant 2 : i32
        %parallel_loop3A_593 = arith.muli %parallel_loop3A_320, %parallel_loop3A_592 : i32
        %parallel_loop3A_594 = arith.constant 16 : i32
        %parallel_loop3A_595 = arith.muli %parallel_loop3A_593, %parallel_loop3A_594 : i32
        %parallel_loop3A_596 = arith.constant 16 : i32
        %parallel_loop3A_597 = arith.addi %parallel_loop3A_595, %parallel_loop3A_596 : i32
        %parallel_loop3A_598 = arith.constant 1 : i32
        %parallel_loop3A_599 = arith.index_cast %parallel_loop3A_598 : i32 to index
        %parallel_loop3A_600 = arith.index_cast %parallel_loop3A_597 : i32 to index
        %parallel_loop3A_601 = tpu.vector_load %arg10[%parallel_loop3A_599, %parallel_loop3A_600] {strides = array<i32>} : memref<25x512xf32, #tpu.memory_space<vmem>>, vector<16xf32>,
        tpu.vector_store %arg10[%parallel_loop3A_599, %parallel_loop3A_600], %parallel_loop3A_583 {strides = array<i32>} : memref<25x512xf32, #tpu.memory_space<vmem>>, vector<16xf32>,
        %parallel_loop3A_602 = vector.bitcast %parallel_loop3A_349 : vector<32xbf16> to vector<16xi32>
        %parallel_loop3A_603 = arith.constant 16 : i32
        %parallel_loop3A_604 = vector.broadcast %parallel_loop3A_603 : i32 to vector<16xi32>
        %parallel_loop3A_605 = arith.shli %parallel_loop3A_602, %parallel_loop3A_604 : vector<16xi32>
        %parallel_loop3A_606 = vector.bitcast %parallel_loop3A_605 : vector<16xi32> to vector<16xf32>
        %parallel_loop3A_607 = arith.constant -65536 : i32
        %parallel_loop3A_608 = vector.broadcast %parallel_loop3A_607 : i32 to vector<16xi32>
        %parallel_loop3A_609 = arith.andi %parallel_loop3A_602, %parallel_loop3A_608 : vector<16xi32>
        %parallel_loop3A_610 = vector.bitcast %parallel_loop3A_609 : vector<16xi32> to vector<16xf32>
        %parallel_loop3A_611 = arith.constant 2 : i32
        %parallel_loop3A_612 = arith.muli %parallel_loop3A_320, %parallel_loop3A_611 : i32
        %parallel_loop3A_613 = arith.constant 16 : i32
        %parallel_loop3A_614 = arith.muli %parallel_loop3A_612, %parallel_loop3A_613 : i32
        %parallel_loop3A_615 = arith.constant 2 : i32
        %parallel_loop3A_616 = arith.index_cast %parallel_loop3A_615 : i32 to index
        %parallel_loop3A_617 = arith.index_cast %parallel_loop3A_614 : i32 to index
        %parallel_loop3A_618 = tpu.vector_load %arg10[%parallel_loop3A_616, %parallel_loop3A_617] {strides = array<i32>} : memref<25x512xf32, #tpu.memory_space<vmem>>, vector<16xf32>,
        tpu.vector_store %arg10[%parallel_loop3A_616, %parallel_loop3A_617], %parallel_loop3A_606 {strides = array<i32>} : memref<25x512xf32, #tpu.memory_space<vmem>>, vector<16xf32>,
        %parallel_loop3A_619 = arith.constant 2 : i32
        %parallel_loop3A_620 = arith.muli %parallel_loop3A_320, %parallel_loop3A_619 : i32
        %parallel_loop3A_621 = arith.constant 16 : i32
        %parallel_loop3A_622 = arith.muli %parallel_loop3A_620, %parallel_loop3A_621 : i32
        %parallel_loop3A_623 = arith.constant 16 : i32
        %parallel_loop3A_624 = arith.addi %parallel_loop3A_622, %parallel_loop3A_623 : i32
        %parallel_loop3A_625 = arith.constant 2 : i32
        %parallel_loop3A_626 = arith.index_cast %parallel_loop3A_625 : i32 to index
        %parallel_loop3A_627 = arith.index_cast %parallel_loop3A_624 : i32 to index
        %parallel_loop3A_628 = tpu.vector_load %arg10[%parallel_loop3A_626, %parallel_loop3A_627] {strides = array<i32>} : memref<25x512xf32, #tpu.memory_space<vmem>>, vector<16xf32>,
        tpu.vector_store %arg10[%parallel_loop3A_626, %parallel_loop3A_627], %parallel_loop3A_610 {strides = array<i32>} : memref<25x512xf32, #tpu.memory_space<vmem>>, vector<16xf32>,
        %parallel_loop3A_629 = vector.bitcast %parallel_loop3A_358 : vector<32xbf16> to vector<16xi32>
        %parallel_loop3A_630 = arith.constant 16 : i32
        %parallel_loop3A_631 = vector.broadcast %parallel_loop3A_630 : i32 to vector<16xi32>
        %parallel_loop3A_632 = arith.shli %parallel_loop3A_629, %parallel_loop3A_631 : vector<16xi32>
        %parallel_loop3A_633 = vector.bitcast %parallel_loop3A_632 : vector<16xi32> to vector<16xf32>
        %parallel_loop3A_634 = arith.constant -65536 : i32
        %parallel_loop3A_635 = vector.broadcast %parallel_loop3A_634 : i32 to vector<16xi32>
        %parallel_loop3A_636 = arith.andi %parallel_loop3A_629, %parallel_loop3A_635 : vector<16xi32>
        %parallel_loop3A_637 = vector.bitcast %parallel_loop3A_636 : vector<16xi32> to vector<16xf32>
        %parallel_loop3A_638 = arith.constant 2 : i32
        %parallel_loop3A_639 = arith.muli %parallel_loop3A_320, %parallel_loop3A_638 : i32
        %parallel_loop3A_640 = arith.constant 16 : i32
        %parallel_loop3A_641 = arith.muli %parallel_loop3A_639, %parallel_loop3A_640 : i32
        %parallel_loop3A_642 = arith.constant 3 : i32
        %parallel_loop3A_643 = arith.index_cast %parallel_loop3A_642 : i32 to index
        %parallel_loop3A_644 = arith.index_cast %parallel_loop3A_641 : i32 to index
        %parallel_loop3A_645 = tpu.vector_load %arg10[%parallel_loop3A_643, %parallel_loop3A_644] {strides = array<i32>} : memref<25x512xf32, #tpu.memory_space<vmem>>, vector<16xf32>,
        tpu.vector_store %arg10[%parallel_loop3A_643, %parallel_loop3A_644], %parallel_loop3A_633 {strides = array<i32>} : memref<25x512xf32, #tpu.memory_space<vmem>>, vector<16xf32>,
        %parallel_loop3A_646 = arith.constant 2 : i32
        %parallel_loop3A_647 = arith.muli %parallel_loop3A_320, %parallel_loop3A_646 : i32
        %parallel_loop3A_648 = arith.constant 16 : i32
        %parallel_loop3A_649 = arith.muli %parallel_loop3A_647, %parallel_loop3A_648 : i32
        %parallel_loop3A_650 = arith.constant 16 : i32
        %parallel_loop3A_651 = arith.addi %parallel_loop3A_649, %parallel_loop3A_650 : i32
        %parallel_loop3A_652 = arith.constant 3 : i32
        %parallel_loop3A_653 = arith.index_cast %parallel_loop3A_652 : i32 to index
        %parallel_loop3A_654 = arith.index_cast %parallel_loop3A_651 : i32 to index
        %parallel_loop3A_655 = tpu.vector_load %arg10[%parallel_loop3A_653, %parallel_loop3A_654] {strides = array<i32>} : memref<25x512xf32, #tpu.memory_space<vmem>>, vector<16xf32>,
        tpu.vector_store %arg10[%parallel_loop3A_653, %parallel_loop3A_654], %parallel_loop3A_637 {strides = array<i32>} : memref<25x512xf32, #tpu.memory_space<vmem>>, vector<16xf32>,
        %parallel_loop3A_656 = vector.bitcast %parallel_loop3A_367 : vector<32xbf16> to vector<16xi32>
        %parallel_loop3A_657 = arith.constant 16 : i32
        %parallel_loop3A_658 = vector.broadcast %parallel_loop3A_657 : i32 to vector<16xi32>
        %parallel_loop3A_659 = arith.shli %parallel_loop3A_656, %parallel_loop3A_658 : vector<16xi32>
        %parallel_loop3A_660 = vector.bitcast %parallel_loop3A_659 : vector<16xi32> to vector<16xf32>
        %parallel_loop3A_661 = arith.constant -65536 : i32
        %parallel_loop3A_662 = vector.broadcast %parallel_loop3A_661 : i32 to vector<16xi32>
        %parallel_loop3A_663 = arith.andi %parallel_loop3A_656, %parallel_loop3A_662 : vector<16xi32>
        %parallel_loop3A_664 = vector.bitcast %parallel_loop3A_663 : vector<16xi32> to vector<16xf32>
        %parallel_loop3A_665 = arith.constant 2 : i32
        %parallel_loop3A_666 = arith.muli %parallel_loop3A_320, %parallel_loop3A_665 : i32
        %parallel_loop3A_667 = arith.constant 16 : i32
        %parallel_loop3A_668 = arith.muli %parallel_loop3A_666, %parallel_loop3A_667 : i32
        %parallel_loop3A_669 = arith.constant 4 : i32
        %parallel_loop3A_670 = arith.index_cast %parallel_loop3A_669 : i32 to index
        %parallel_loop3A_671 = arith.index_cast %parallel_loop3A_668 : i32 to index
        %parallel_loop3A_672 = tpu.vector_load %arg10[%parallel_loop3A_670, %parallel_loop3A_671] {strides = array<i32>} : memref<25x512xf32, #tpu.memory_space<vmem>>, vector<16xf32>,
        tpu.vector_store %arg10[%parallel_loop3A_670, %parallel_loop3A_671], %parallel_loop3A_660 {strides = array<i32>} : memref<25x512xf32, #tpu.memory_space<vmem>>, vector<16xf32>,
        %parallel_loop3A_673 = arith.constant 2 : i32
        %parallel_loop3A_674 = arith.muli %parallel_loop3A_320, %parallel_loop3A_673 : i32
        %parallel_loop3A_675 = arith.constant 16 : i32
        %parallel_loop3A_676 = arith.muli %parallel_loop3A_674, %parallel_loop3A_675 : i32
        %parallel_loop3A_677 = arith.constant 16 : i32
        %parallel_loop3A_678 = arith.addi %parallel_loop3A_676, %parallel_loop3A_677 : i32
        %parallel_loop3A_679 = arith.constant 4 : i32
        %parallel_loop3A_680 = arith.index_cast %parallel_loop3A_679 : i32 to index
        %parallel_loop3A_681 = arith.index_cast %parallel_loop3A_678 : i32 to index
        %parallel_loop3A_682 = tpu.vector_load %arg10[%parallel_loop3A_680, %parallel_loop3A_681] {strides = array<i32>} : memref<25x512xf32, #tpu.memory_space<vmem>>, vector<16xf32>,
        tpu.vector_store %arg10[%parallel_loop3A_680, %parallel_loop3A_681], %parallel_loop3A_664 {strides = array<i32>} : memref<25x512xf32, #tpu.memory_space<vmem>>, vector<16xf32>,
        %parallel_loop3A_683 = arith.addf %parallel_loop3A_552, %parallel_loop3A_660 : vector<16xf32>
        %parallel_loop3A_684 = arith.addf %parallel_loop3A_556, %parallel_loop3A_664 : vector<16xf32>
        %parallel_loop3A_685 = vector.bitcast %parallel_loop3A_376 : vector<32xbf16> to vector<16xi32>
        %parallel_loop3A_686 = arith.constant 16 : i32
        %parallel_loop3A_687 = vector.broadcast %parallel_loop3A_686 : i32 to vector<16xi32>
        %parallel_loop3A_688 = arith.shli %parallel_loop3A_685, %parallel_loop3A_687 : vector<16xi32>
        %parallel_loop3A_689 = vector.bitcast %parallel_loop3A_688 : vector<16xi32> to vector<16xf32>
        %parallel_loop3A_690 = arith.constant -65536 : i32
        %parallel_loop3A_691 = vector.broadcast %parallel_loop3A_690 : i32 to vector<16xi32>
        %parallel_loop3A_692 = arith.andi %parallel_loop3A_685, %parallel_loop3A_691 : vector<16xi32>
        %parallel_loop3A_693 = vector.bitcast %parallel_loop3A_692 : vector<16xi32> to vector<16xf32>
        %parallel_loop3A_694 = arith.constant 2 : i32
        %parallel_loop3A_695 = arith.muli %parallel_loop3A_320, %parallel_loop3A_694 : i32
        %parallel_loop3A_696 = arith.constant 16 : i32
        %parallel_loop3A_697 = arith.muli %parallel_loop3A_695, %parallel_loop3A_696 : i32
        %parallel_loop3A_698 = arith.constant 5 : i32
        %parallel_loop3A_699 = arith.index_cast %parallel_loop3A_698 : i32 to index
        %parallel_loop3A_700 = arith.index_cast %parallel_loop3A_697 : i32 to index
        %parallel_loop3A_701 = tpu.vector_load %arg10[%parallel_loop3A_699, %parallel_loop3A_700] {strides = array<i32>} : memref<25x512xf32, #tpu.memory_space<vmem>>, vector<16xf32>,
        tpu.vector_store %arg10[%parallel_loop3A_699, %parallel_loop3A_700], %parallel_loop3A_689 {strides = array<i32>} : memref<25x512xf32, #tpu.memory_space<vmem>>, vector<16xf32>,
        %parallel_loop3A_702 = arith.constant 2 : i32
        %parallel_loop3A_703 = arith.muli %parallel_loop3A_320, %parallel_loop3A_702 : i32
        %parallel_loop3A_704 = arith.constant 16 : i32
        %parallel_loop3A_705 = arith.muli %parallel_loop3A_703, %parallel_loop3A_704 : i32
        %parallel_loop3A_706 = arith.constant 16 : i32
        %parallel_loop3A_707 = arith.addi %parallel_loop3A_705, %parallel_loop3A_706 : i32
        %parallel_loop3A_708 = arith.constant 5 : i32
        %parallel_loop3A_709 = arith.index_cast %parallel_loop3A_708 : i32 to index
        %parallel_loop3A_710 = arith.index_cast %parallel_loop3A_707 : i32 to index
        %parallel_loop3A_711 = tpu.vector_load %arg10[%parallel_loop3A_709, %parallel_loop3A_710] {strides = array<i32>} : memref<25x512xf32, #tpu.memory_space<vmem>>, vector<16xf32>,
        tpu.vector_store %arg10[%parallel_loop3A_709, %parallel_loop3A_710], %parallel_loop3A_693 {strides = array<i32>} : memref<25x512xf32, #tpu.memory_space<vmem>>, vector<16xf32>,
        %parallel_loop3A_712 = arith.addf %parallel_loop3A_579, %parallel_loop3A_689 : vector<16xf32>
        %parallel_loop3A_713 = arith.addf %parallel_loop3A_583, %parallel_loop3A_693 : vector<16xf32>
        %parallel_loop3A_714 = vector.bitcast %parallel_loop3A_385 : vector<32xbf16> to vector<16xi32>
        %parallel_loop3A_715 = arith.constant 16 : i32
        %parallel_loop3A_716 = vector.broadcast %parallel_loop3A_715 : i32 to vector<16xi32>
        %parallel_loop3A_717 = arith.shli %parallel_loop3A_714, %parallel_loop3A_716 : vector<16xi32>
        %parallel_loop3A_718 = vector.bitcast %parallel_loop3A_717 : vector<16xi32> to vector<16xf32>
        %parallel_loop3A_719 = arith.constant -65536 : i32
        %parallel_loop3A_720 = vector.broadcast %parallel_loop3A_719 : i32 to vector<16xi32>
        %parallel_loop3A_721 = arith.andi %parallel_loop3A_714, %parallel_loop3A_720 : vector<16xi32>
        %parallel_loop3A_722 = vector.bitcast %parallel_loop3A_721 : vector<16xi32> to vector<16xf32>
        %parallel_loop3A_723 = arith.constant 2 : i32
        %parallel_loop3A_724 = arith.muli %parallel_loop3A_320, %parallel_loop3A_723 : i32
        %parallel_loop3A_725 = arith.constant 16 : i32
        %parallel_loop3A_726 = arith.muli %parallel_loop3A_724, %parallel_loop3A_725 : i32
        %parallel_loop3A_727 = arith.constant 6 : i32
        %parallel_loop3A_728 = arith.index_cast %parallel_loop3A_727 : i32 to index
        %parallel_loop3A_729 = arith.index_cast %parallel_loop3A_726 : i32 to index
        %parallel_loop3A_730 = tpu.vector_load %arg10[%parallel_loop3A_728, %parallel_loop3A_729] {strides = array<i32>} : memref<25x512xf32, #tpu.memory_space<vmem>>, vector<16xf32>,
        tpu.vector_store %arg10[%parallel_loop3A_728, %parallel_loop3A_729], %parallel_loop3A_718 {strides = array<i32>} : memref<25x512xf32, #tpu.memory_space<vmem>>, vector<16xf32>,
        %parallel_loop3A_731 = arith.constant 2 : i32
        %parallel_loop3A_732 = arith.muli %parallel_loop3A_320, %parallel_loop3A_731 : i32
        %parallel_loop3A_733 = arith.constant 16 : i32
        %parallel_loop3A_734 = arith.muli %parallel_loop3A_732, %parallel_loop3A_733 : i32
        %parallel_loop3A_735 = arith.constant 16 : i32
        %parallel_loop3A_736 = arith.addi %parallel_loop3A_734, %parallel_loop3A_735 : i32
        %parallel_loop3A_737 = arith.constant 6 : i32
        %parallel_loop3A_738 = arith.index_cast %parallel_loop3A_737 : i32 to index
        %parallel_loop3A_739 = arith.index_cast %parallel_loop3A_736 : i32 to index
        %parallel_loop3A_740 = tpu.vector_load %arg10[%parallel_loop3A_738, %parallel_loop3A_739] {strides = array<i32>} : memref<25x512xf32, #tpu.memory_space<vmem>>, vector<16xf32>,
        tpu.vector_store %arg10[%parallel_loop3A_738, %parallel_loop3A_739], %parallel_loop3A_722 {strides = array<i32>} : memref<25x512xf32, #tpu.memory_space<vmem>>, vector<16xf32>,
        %parallel_loop3A_741 = arith.addf %parallel_loop3A_606, %parallel_loop3A_718 : vector<16xf32>
        %parallel_loop3A_742 = arith.addf %parallel_loop3A_610, %parallel_loop3A_722 : vector<16xf32>
        %parallel_loop3A_743 = vector.bitcast %parallel_loop3A_394 : vector<32xbf16> to vector<16xi32>
        %parallel_loop3A_744 = arith.constant 16 : i32
        %parallel_loop3A_745 = vector.broadcast %parallel_loop3A_744 : i32 to vector<16xi32>
        %parallel_loop3A_746 = arith.shli %parallel_loop3A_743, %parallel_loop3A_745 : vector<16xi32>
        %parallel_loop3A_747 = vector.bitcast %parallel_loop3A_746 : vector<16xi32> to vector<16xf32>
        %parallel_loop3A_748 = arith.constant -65536 : i32
        %parallel_loop3A_749 = vector.broadcast %parallel_loop3A_748 : i32 to vector<16xi32>
        %parallel_loop3A_750 = arith.andi %parallel_loop3A_743, %parallel_loop3A_749 : vector<16xi32>
        %parallel_loop3A_751 = vector.bitcast %parallel_loop3A_750 : vector<16xi32> to vector<16xf32>
        %parallel_loop3A_752 = arith.constant 2 : i32
        %parallel_loop3A_753 = arith.muli %parallel_loop3A_320, %parallel_loop3A_752 : i32
        %parallel_loop3A_754 = arith.constant 16 : i32
        %parallel_loop3A_755 = arith.muli %parallel_loop3A_753, %parallel_loop3A_754 : i32
        %parallel_loop3A_756 = arith.constant 7 : i32
        %parallel_loop3A_757 = arith.index_cast %parallel_loop3A_756 : i32 to index
        %parallel_loop3A_758 = arith.index_cast %parallel_loop3A_755 : i32 to index
        %parallel_loop3A_759 = tpu.vector_load %arg10[%parallel_loop3A_757, %parallel_loop3A_758] {strides = array<i32>} : memref<25x512xf32, #tpu.memory_space<vmem>>, vector<16xf32>,
        tpu.vector_store %arg10[%parallel_loop3A_757, %parallel_loop3A_758], %parallel_loop3A_747 {strides = array<i32>} : memref<25x512xf32, #tpu.memory_space<vmem>>, vector<16xf32>,
        %parallel_loop3A_760 = arith.constant 2 : i32
        %parallel_loop3A_761 = arith.muli %parallel_loop3A_320, %parallel_loop3A_760 : i32
        %parallel_loop3A_762 = arith.constant 16 : i32
        %parallel_loop3A_763 = arith.muli %parallel_loop3A_761, %parallel_loop3A_762 : i32
        %parallel_loop3A_764 = arith.constant 16 : i32
        %parallel_loop3A_765 = arith.addi %parallel_loop3A_763, %parallel_loop3A_764 : i32
        %parallel_loop3A_766 = arith.constant 7 : i32
        %parallel_loop3A_767 = arith.index_cast %parallel_loop3A_766 : i32 to index
        %parallel_loop3A_768 = arith.index_cast %parallel_loop3A_765 : i32 to index
        %parallel_loop3A_769 = tpu.vector_load %arg10[%parallel_loop3A_767, %parallel_loop3A_768] {strides = array<i32>} : memref<25x512xf32, #tpu.memory_space<vmem>>, vector<16xf32>,
        tpu.vector_store %arg10[%parallel_loop3A_767, %parallel_loop3A_768], %parallel_loop3A_751 {strides = array<i32>} : memref<25x512xf32, #tpu.memory_space<vmem>>, vector<16xf32>,
        %parallel_loop3A_770 = arith.addf %parallel_loop3A_633, %parallel_loop3A_747 : vector<16xf32>
        %parallel_loop3A_771 = arith.addf %parallel_loop3A_637, %parallel_loop3A_751 : vector<16xf32>
        %parallel_loop3A_772 = vector.bitcast %parallel_loop3A_403 : vector<32xbf16> to vector<16xi32>
        %parallel_loop3A_773 = arith.constant 16 : i32
        %parallel_loop3A_774 = vector.broadcast %parallel_loop3A_773 : i32 to vector<16xi32>
        %parallel_loop3A_775 = arith.shli %parallel_loop3A_772, %parallel_loop3A_774 : vector<16xi32>
        %parallel_loop3A_776 = vector.bitcast %parallel_loop3A_775 : vector<16xi32> to vector<16xf32>
        %parallel_loop3A_777 = arith.constant -65536 : i32
        %parallel_loop3A_778 = vector.broadcast %parallel_loop3A_777 : i32 to vector<16xi32>
        %parallel_loop3A_779 = arith.andi %parallel_loop3A_772, %parallel_loop3A_778 : vector<16xi32>
        %parallel_loop3A_780 = vector.bitcast %parallel_loop3A_779 : vector<16xi32> to vector<16xf32>
        %parallel_loop3A_781 = arith.constant 2 : i32
        %parallel_loop3A_782 = arith.muli %parallel_loop3A_320, %parallel_loop3A_781 : i32
        %parallel_loop3A_783 = arith.constant 16 : i32
        %parallel_loop3A_784 = arith.muli %parallel_loop3A_782, %parallel_loop3A_783 : i32
        %parallel_loop3A_785 = arith.constant 8 : i32
        %parallel_loop3A_786 = arith.index_cast %parallel_loop3A_785 : i32 to index
        %parallel_loop3A_787 = arith.index_cast %parallel_loop3A_784 : i32 to index
        %parallel_loop3A_788 = tpu.vector_load %arg10[%parallel_loop3A_786, %parallel_loop3A_787] {strides = array<i32>} : memref<25x512xf32, #tpu.memory_space<vmem>>, vector<16xf32>,
        tpu.vector_store %arg10[%parallel_loop3A_786, %parallel_loop3A_787], %parallel_loop3A_776 {strides = array<i32>} : memref<25x512xf32, #tpu.memory_space<vmem>>, vector<16xf32>,
        %parallel_loop3A_789 = arith.constant 2 : i32
        %parallel_loop3A_790 = arith.muli %parallel_loop3A_320, %parallel_loop3A_789 : i32
        %parallel_loop3A_791 = arith.constant 16 : i32
        %parallel_loop3A_792 = arith.muli %parallel_loop3A_790, %parallel_loop3A_791 : i32
        %parallel_loop3A_793 = arith.constant 16 : i32
        %parallel_loop3A_794 = arith.addi %parallel_loop3A_792, %parallel_loop3A_793 : i32
        %parallel_loop3A_795 = arith.constant 8 : i32
        %parallel_loop3A_796 = arith.index_cast %parallel_loop3A_795 : i32 to index
        %parallel_loop3A_797 = arith.index_cast %parallel_loop3A_794 : i32 to index
        %parallel_loop3A_798 = tpu.vector_load %arg10[%parallel_loop3A_796, %parallel_loop3A_797] {strides = array<i32>} : memref<25x512xf32, #tpu.memory_space<vmem>>, vector<16xf32>,
        tpu.vector_store %arg10[%parallel_loop3A_796, %parallel_loop3A_797], %parallel_loop3A_780 {strides = array<i32>} : memref<25x512xf32, #tpu.memory_space<vmem>>, vector<16xf32>,
        %parallel_loop3A_799 = arith.addf %parallel_loop3A_683, %parallel_loop3A_776 : vector<16xf32>
        %parallel_loop3A_800 = arith.addf %parallel_loop3A_684, %parallel_loop3A_780 : vector<16xf32>
        %parallel_loop3A_801 = vector.bitcast %parallel_loop3A_412 : vector<32xbf16> to vector<16xi32>
        %parallel_loop3A_802 = arith.constant 16 : i32
        %parallel_loop3A_803 = vector.broadcast %parallel_loop3A_802 : i32 to vector<16xi32>
        %parallel_loop3A_804 = arith.shli %parallel_loop3A_801, %parallel_loop3A_803 : vector<16xi32>
        %parallel_loop3A_805 = vector.bitcast %parallel_loop3A_804 : vector<16xi32> to vector<16xf32>
        %parallel_loop3A_806 = arith.constant -65536 : i32
        %parallel_loop3A_807 = vector.broadcast %parallel_loop3A_806 : i32 to vector<16xi32>
        %parallel_loop3A_808 = arith.andi %parallel_loop3A_801, %parallel_loop3A_807 : vector<16xi32>
        %parallel_loop3A_809 = vector.bitcast %parallel_loop3A_808 : vector<16xi32> to vector<16xf32>
        %parallel_loop3A_810 = arith.constant 2 : i32
        %parallel_loop3A_811 = arith.muli %parallel_loop3A_320, %parallel_loop3A_810 : i32
        %parallel_loop3A_812 = arith.constant 16 : i32
        %parallel_loop3A_813 = arith.muli %parallel_loop3A_811, %parallel_loop3A_812 : i32
        %parallel_loop3A_814 = arith.constant 9 : i32
        %parallel_loop3A_815 = arith.index_cast %parallel_loop3A_814 : i32 to index
        %parallel_loop3A_816 = arith.index_cast %parallel_loop3A_813 : i32 to index
        %parallel_loop3A_817 = tpu.vector_load %arg10[%parallel_loop3A_815, %parallel_loop3A_816] {strides = array<i32>} : memref<25x512xf32, #tpu.memory_space<vmem>>, vector<16xf32>,
        tpu.vector_store %arg10[%parallel_loop3A_815, %parallel_loop3A_816], %parallel_loop3A_805 {strides = array<i32>} : memref<25x512xf32, #tpu.memory_space<vmem>>, vector<16xf32>,
        %parallel_loop3A_818 = arith.constant 2 : i32
        %parallel_loop3A_819 = arith.muli %parallel_loop3A_320, %parallel_loop3A_818 : i32
        %parallel_loop3A_820 = arith.constant 16 : i32
        %parallel_loop3A_821 = arith.muli %parallel_loop3A_819, %parallel_loop3A_820 : i32
        %parallel_loop3A_822 = arith.constant 16 : i32
        %parallel_loop3A_823 = arith.addi %parallel_loop3A_821, %parallel_loop3A_822 : i32
        %parallel_loop3A_824 = arith.constant 9 : i32
        %parallel_loop3A_825 = arith.index_cast %parallel_loop3A_824 : i32 to index
        %parallel_loop3A_826 = arith.index_cast %parallel_loop3A_823 : i32 to index
        %parallel_loop3A_827 = tpu.vector_load %arg10[%parallel_loop3A_825, %parallel_loop3A_826] {strides = array<i32>} : memref<25x512xf32, #tpu.memory_space<vmem>>, vector<16xf32>,
        tpu.vector_store %arg10[%parallel_loop3A_825, %parallel_loop3A_826], %parallel_loop3A_809 {strides = array<i32>} : memref<25x512xf32, #tpu.memory_space<vmem>>, vector<16xf32>,
        %parallel_loop3A_828 = arith.addf %parallel_loop3A_712, %parallel_loop3A_805 : vector<16xf32>
        %parallel_loop3A_829 = arith.addf %parallel_loop3A_713, %parallel_loop3A_809 : vector<16xf32>
        %parallel_loop3A_830 = vector.bitcast %parallel_loop3A_421 : vector<32xbf16> to vector<16xi32>
        %parallel_loop3A_831 = arith.constant 16 : i32
        %parallel_loop3A_832 = vector.broadcast %parallel_loop3A_831 : i32 to vector<16xi32>
        %parallel_loop3A_833 = arith.shli %parallel_loop3A_830, %parallel_loop3A_832 : vector<16xi32>
        %parallel_loop3A_834 = vector.bitcast %parallel_loop3A_833 : vector<16xi32> to vector<16xf32>
        %parallel_loop3A_835 = arith.constant -65536 : i32
        %parallel_loop3A_836 = vector.broadcast %parallel_loop3A_835 : i32 to vector<16xi32>
        %parallel_loop3A_837 = arith.andi %parallel_loop3A_830, %parallel_loop3A_836 : vector<16xi32>
        %parallel_loop3A_838 = vector.bitcast %parallel_loop3A_837 : vector<16xi32> to vector<16xf32>
        %parallel_loop3A_839 = arith.constant 2 : i32
        %parallel_loop3A_840 = arith.muli %parallel_loop3A_320, %parallel_loop3A_839 : i32
        %parallel_loop3A_841 = arith.constant 16 : i32
        %parallel_loop3A_842 = arith.muli %parallel_loop3A_840, %parallel_loop3A_841 : i32
        %parallel_loop3A_843 = arith.constant 10 : i32
        %parallel_loop3A_844 = arith.index_cast %parallel_loop3A_843 : i32 to index
        %parallel_loop3A_845 = arith.index_cast %parallel_loop3A_842 : i32 to index
        %parallel_loop3A_846 = tpu.vector_load %arg10[%parallel_loop3A_844, %parallel_loop3A_845] {strides = array<i32>} : memref<25x512xf32, #tpu.memory_space<vmem>>, vector<16xf32>,
        tpu.vector_store %arg10[%parallel_loop3A_844, %parallel_loop3A_845], %parallel_loop3A_834 {strides = array<i32>} : memref<25x512xf32, #tpu.memory_space<vmem>>, vector<16xf32>,
        %parallel_loop3A_847 = arith.constant 2 : i32
        %parallel_loop3A_848 = arith.muli %parallel_loop3A_320, %parallel_loop3A_847 : i32
        %parallel_loop3A_849 = arith.constant 16 : i32
        %parallel_loop3A_850 = arith.muli %parallel_loop3A_848, %parallel_loop3A_849 : i32
        %parallel_loop3A_851 = arith.constant 16 : i32
        %parallel_loop3A_852 = arith.addi %parallel_loop3A_850, %parallel_loop3A_851 : i32
        %parallel_loop3A_853 = arith.constant 10 : i32
        %parallel_loop3A_854 = arith.index_cast %parallel_loop3A_853 : i32 to index
        %parallel_loop3A_855 = arith.index_cast %parallel_loop3A_852 : i32 to index
        %parallel_loop3A_856 = tpu.vector_load %arg10[%parallel_loop3A_854, %parallel_loop3A_855] {strides = array<i32>} : memref<25x512xf32, #tpu.memory_space<vmem>>, vector<16xf32>,
        tpu.vector_store %arg10[%parallel_loop3A_854, %parallel_loop3A_855], %parallel_loop3A_838 {strides = array<i32>} : memref<25x512xf32, #tpu.memory_space<vmem>>, vector<16xf32>,
        %parallel_loop3A_857 = arith.addf %parallel_loop3A_741, %parallel_loop3A_834 : vector<16xf32>
        %parallel_loop3A_858 = arith.addf %parallel_loop3A_742, %parallel_loop3A_838 : vector<16xf32>
        %parallel_loop3A_859 = vector.bitcast %parallel_loop3A_430 : vector<32xbf16> to vector<16xi32>
        %parallel_loop3A_860 = arith.constant 16 : i32
        %parallel_loop3A_861 = vector.broadcast %parallel_loop3A_860 : i32 to vector<16xi32>
        %parallel_loop3A_862 = arith.shli %parallel_loop3A_859, %parallel_loop3A_861 : vector<16xi32>
        %parallel_loop3A_863 = vector.bitcast %parallel_loop3A_862 : vector<16xi32> to vector<16xf32>
        %parallel_loop3A_864 = arith.constant -65536 : i32
        %parallel_loop3A_865 = vector.broadcast %parallel_loop3A_864 : i32 to vector<16xi32>
        %parallel_loop3A_866 = arith.andi %parallel_loop3A_859, %parallel_loop3A_865 : vector<16xi32>
        %parallel_loop3A_867 = vector.bitcast %parallel_loop3A_866 : vector<16xi32> to vector<16xf32>
        %parallel_loop3A_868 = arith.constant 2 : i32
        %parallel_loop3A_869 = arith.muli %parallel_loop3A_320, %parallel_loop3A_868 : i32
        %parallel_loop3A_870 = arith.constant 16 : i32
        %parallel_loop3A_871 = arith.muli %parallel_loop3A_869, %parallel_loop3A_870 : i32
        %parallel_loop3A_872 = arith.constant 11 : i32
        %parallel_loop3A_873 = arith.index_cast %parallel_loop3A_872 : i32 to index
        %parallel_loop3A_874 = arith.index_cast %parallel_loop3A_871 : i32 to index
        %parallel_loop3A_875 = tpu.vector_load %arg10[%parallel_loop3A_873, %parallel_loop3A_874] {strides = array<i32>} : memref<25x512xf32, #tpu.memory_space<vmem>>, vector<16xf32>,
        tpu.vector_store %arg10[%parallel_loop3A_873, %parallel_loop3A_874], %parallel_loop3A_863 {strides = array<i32>} : memref<25x512xf32, #tpu.memory_space<vmem>>, vector<16xf32>,
        %parallel_loop3A_876 = arith.constant 2 : i32
        %parallel_loop3A_877 = arith.muli %parallel_loop3A_320, %parallel_loop3A_876 : i32
        %parallel_loop3A_878 = arith.constant 16 : i32
        %parallel_loop3A_879 = arith.muli %parallel_loop3A_877, %parallel_loop3A_878 : i32
        %parallel_loop3A_880 = arith.constant 16 : i32
        %parallel_loop3A_881 = arith.addi %parallel_loop3A_879, %parallel_loop3A_880 : i32
        %parallel_loop3A_882 = arith.constant 11 : i32
        %parallel_loop3A_883 = arith.index_cast %parallel_loop3A_882 : i32 to index
        %parallel_loop3A_884 = arith.index_cast %parallel_loop3A_881 : i32 to index
        %parallel_loop3A_885 = tpu.vector_load %arg10[%parallel_loop3A_883, %parallel_loop3A_884] {strides = array<i32>} : memref<25x512xf32, #tpu.memory_space<vmem>>, vector<16xf32>,
        tpu.vector_store %arg10[%parallel_loop3A_883, %parallel_loop3A_884], %parallel_loop3A_867 {strides = array<i32>} : memref<25x512xf32, #tpu.memory_space<vmem>>, vector<16xf32>,
        %parallel_loop3A_886 = arith.addf %parallel_loop3A_770, %parallel_loop3A_863 : vector<16xf32>
        %parallel_loop3A_887 = arith.addf %parallel_loop3A_771, %parallel_loop3A_867 : vector<16xf32>
        %parallel_loop3A_888 = vector.bitcast %parallel_loop3A_439 : vector<32xbf16> to vector<16xi32>
        %parallel_loop3A_889 = arith.constant 16 : i32
        %parallel_loop3A_890 = vector.broadcast %parallel_loop3A_889 : i32 to vector<16xi32>
        %parallel_loop3A_891 = arith.shli %parallel_loop3A_888, %parallel_loop3A_890 : vector<16xi32>
        %parallel_loop3A_892 = vector.bitcast %parallel_loop3A_891 : vector<16xi32> to vector<16xf32>
        %parallel_loop3A_893 = arith.constant -65536 : i32
        %parallel_loop3A_894 = vector.broadcast %parallel_loop3A_893 : i32 to vector<16xi32>
        %parallel_loop3A_895 = arith.andi %parallel_loop3A_888, %parallel_loop3A_894 : vector<16xi32>
        %parallel_loop3A_896 = vector.bitcast %parallel_loop3A_895 : vector<16xi32> to vector<16xf32>
        %parallel_loop3A_897 = arith.constant 2 : i32
        %parallel_loop3A_898 = arith.muli %parallel_loop3A_320, %parallel_loop3A_897 : i32
        %parallel_loop3A_899 = arith.constant 16 : i32
        %parallel_loop3A_900 = arith.muli %parallel_loop3A_898, %parallel_loop3A_899 : i32
        %parallel_loop3A_901 = arith.constant 12 : i32
        %parallel_loop3A_902 = arith.index_cast %parallel_loop3A_901 : i32 to index
        %parallel_loop3A_903 = arith.index_cast %parallel_loop3A_900 : i32 to index
        %parallel_loop3A_904 = tpu.vector_load %arg10[%parallel_loop3A_902, %parallel_loop3A_903] {strides = array<i32>} : memref<25x512xf32, #tpu.memory_space<vmem>>, vector<16xf32>,
        tpu.vector_store %arg10[%parallel_loop3A_902, %parallel_loop3A_903], %parallel_loop3A_892 {strides = array<i32>} : memref<25x512xf32, #tpu.memory_space<vmem>>, vector<16xf32>,
        %parallel_loop3A_905 = arith.constant 2 : i32
        %parallel_loop3A_906 = arith.muli %parallel_loop3A_320, %parallel_loop3A_905 : i32
        %parallel_loop3A_907 = arith.constant 16 : i32
        %parallel_loop3A_908 = arith.muli %parallel_loop3A_906, %parallel_loop3A_907 : i32
        %parallel_loop3A_909 = arith.constant 16 : i32
        %parallel_loop3A_910 = arith.addi %parallel_loop3A_908, %parallel_loop3A_909 : i32
        %parallel_loop3A_911 = arith.constant 12 : i32
        %parallel_loop3A_912 = arith.index_cast %parallel_loop3A_911 : i32 to index
        %parallel_loop3A_913 = arith.index_cast %parallel_loop3A_910 : i32 to index
        %parallel_loop3A_914 = tpu.vector_load %arg10[%parallel_loop3A_912, %parallel_loop3A_913] {strides = array<i32>} : memref<25x512xf32, #tpu.memory_space<vmem>>, vector<16xf32>,
        tpu.vector_store %arg10[%parallel_loop3A_912, %parallel_loop3A_913], %parallel_loop3A_896 {strides = array<i32>} : memref<25x512xf32, #tpu.memory_space<vmem>>, vector<16xf32>,
        %parallel_loop3A_915 = arith.addf %parallel_loop3A_799, %parallel_loop3A_892 : vector<16xf32>
        %parallel_loop3A_916 = arith.addf %parallel_loop3A_800, %parallel_loop3A_896 : vector<16xf32>
        %parallel_loop3A_917 = vector.bitcast %parallel_loop3A_448 : vector<32xbf16> to vector<16xi32>
        %parallel_loop3A_918 = arith.constant 16 : i32
        %parallel_loop3A_919 = vector.broadcast %parallel_loop3A_918 : i32 to vector<16xi32>
        %parallel_loop3A_920 = arith.shli %parallel_loop3A_917, %parallel_loop3A_919 : vector<16xi32>
        %parallel_loop3A_921 = vector.bitcast %parallel_loop3A_920 : vector<16xi32> to vector<16xf32>
        %parallel_loop3A_922 = arith.constant -65536 : i32
        %parallel_loop3A_923 = vector.broadcast %parallel_loop3A_922 : i32 to vector<16xi32>
        %parallel_loop3A_924 = arith.andi %parallel_loop3A_917, %parallel_loop3A_923 : vector<16xi32>
        %parallel_loop3A_925 = vector.bitcast %parallel_loop3A_924 : vector<16xi32> to vector<16xf32>
        %parallel_loop3A_926 = arith.constant 2 : i32
        %parallel_loop3A_927 = arith.muli %parallel_loop3A_320, %parallel_loop3A_926 : i32
        %parallel_loop3A_928 = arith.constant 16 : i32
        %parallel_loop3A_929 = arith.muli %parallel_loop3A_927, %parallel_loop3A_928 : i32
        %parallel_loop3A_930 = arith.constant 13 : i32
        %parallel_loop3A_931 = arith.index_cast %parallel_loop3A_930 : i32 to index
        %parallel_loop3A_932 = arith.index_cast %parallel_loop3A_929 : i32 to index
        %parallel_loop3A_933 = tpu.vector_load %arg10[%parallel_loop3A_931, %parallel_loop3A_932] {strides = array<i32>} : memref<25x512xf32, #tpu.memory_space<vmem>>, vector<16xf32>,
        tpu.vector_store %arg10[%parallel_loop3A_931, %parallel_loop3A_932], %parallel_loop3A_921 {strides = array<i32>} : memref<25x512xf32, #tpu.memory_space<vmem>>, vector<16xf32>,
        %parallel_loop3A_934 = arith.constant 2 : i32
        %parallel_loop3A_935 = arith.muli %parallel_loop3A_320, %parallel_loop3A_934 : i32
        %parallel_loop3A_936 = arith.constant 16 : i32
        %parallel_loop3A_937 = arith.muli %parallel_loop3A_935, %parallel_loop3A_936 : i32
        %parallel_loop3A_938 = arith.constant 16 : i32
        %parallel_loop3A_939 = arith.addi %parallel_loop3A_937, %parallel_loop3A_938 : i32
        %parallel_loop3A_940 = arith.constant 13 : i32
        %parallel_loop3A_941 = arith.index_cast %parallel_loop3A_940 : i32 to index
        %parallel_loop3A_942 = arith.index_cast %parallel_loop3A_939 : i32 to index
        %parallel_loop3A_943 = tpu.vector_load %arg10[%parallel_loop3A_941, %parallel_loop3A_942] {strides = array<i32>} : memref<25x512xf32, #tpu.memory_space<vmem>>, vector<16xf32>,
        tpu.vector_store %arg10[%parallel_loop3A_941, %parallel_loop3A_942], %parallel_loop3A_925 {strides = array<i32>} : memref<25x512xf32, #tpu.memory_space<vmem>>, vector<16xf32>,
        %parallel_loop3A_944 = arith.addf %parallel_loop3A_828, %parallel_loop3A_921 : vector<16xf32>
        %parallel_loop3A_945 = arith.addf %parallel_loop3A_829, %parallel_loop3A_925 : vector<16xf32>
        %parallel_loop3A_946 = vector.bitcast %parallel_loop3A_457 : vector<32xbf16> to vector<16xi32>
        %parallel_loop3A_947 = arith.constant 16 : i32
        %parallel_loop3A_948 = vector.broadcast %parallel_loop3A_947 : i32 to vector<16xi32>
        %parallel_loop3A_949 = arith.shli %parallel_loop3A_946, %parallel_loop3A_948 : vector<16xi32>
        %parallel_loop3A_950 = vector.bitcast %parallel_loop3A_949 : vector<16xi32> to vector<16xf32>
        %parallel_loop3A_951 = arith.constant -65536 : i32
        %parallel_loop3A_952 = vector.broadcast %parallel_loop3A_951 : i32 to vector<16xi32>
        %parallel_loop3A_953 = arith.andi %parallel_loop3A_946, %parallel_loop3A_952 : vector<16xi32>
        %parallel_loop3A_954 = vector.bitcast %parallel_loop3A_953 : vector<16xi32> to vector<16xf32>
        %parallel_loop3A_955 = arith.constant 2 : i32
        %parallel_loop3A_956 = arith.muli %parallel_loop3A_320, %parallel_loop3A_955 : i32
        %parallel_loop3A_957 = arith.constant 16 : i32
        %parallel_loop3A_958 = arith.muli %parallel_loop3A_956, %parallel_loop3A_957 : i32
        %parallel_loop3A_959 = arith.constant 14 : i32
        %parallel_loop3A_960 = arith.index_cast %parallel_loop3A_959 : i32 to index
        %parallel_loop3A_961 = arith.index_cast %parallel_loop3A_958 : i32 to index
        %parallel_loop3A_962 = tpu.vector_load %arg10[%parallel_loop3A_960, %parallel_loop3A_961] {strides = array<i32>} : memref<25x512xf32, #tpu.memory_space<vmem>>, vector<16xf32>,
        tpu.vector_store %arg10[%parallel_loop3A_960, %parallel_loop3A_961], %parallel_loop3A_950 {strides = array<i32>} : memref<25x512xf32, #tpu.memory_space<vmem>>, vector<16xf32>,
        %parallel_loop3A_963 = arith.constant 2 : i32
        %parallel_loop3A_964 = arith.muli %parallel_loop3A_320, %parallel_loop3A_963 : i32
        %parallel_loop3A_965 = arith.constant 16 : i32
        %parallel_loop3A_966 = arith.muli %parallel_loop3A_964, %parallel_loop3A_965 : i32
        %parallel_loop3A_967 = arith.constant 16 : i32
        %parallel_loop3A_968 = arith.addi %parallel_loop3A_966, %parallel_loop3A_967 : i32
        %parallel_loop3A_969 = arith.constant 14 : i32
        %parallel_loop3A_970 = arith.index_cast %parallel_loop3A_969 : i32 to index
        %parallel_loop3A_971 = arith.index_cast %parallel_loop3A_968 : i32 to index
        %parallel_loop3A_972 = tpu.vector_load %arg10[%parallel_loop3A_970, %parallel_loop3A_971] {strides = array<i32>} : memref<25x512xf32, #tpu.memory_space<vmem>>, vector<16xf32>,
        tpu.vector_store %arg10[%parallel_loop3A_970, %parallel_loop3A_971], %parallel_loop3A_954 {strides = array<i32>} : memref<25x512xf32, #tpu.memory_space<vmem>>, vector<16xf32>,
        %parallel_loop3A_973 = arith.addf %parallel_loop3A_857, %parallel_loop3A_950 : vector<16xf32>
        %parallel_loop3A_974 = arith.addf %parallel_loop3A_858, %parallel_loop3A_954 : vector<16xf32>
        %parallel_loop3A_975 = vector.bitcast %parallel_loop3A_466 : vector<32xbf16> to vector<16xi32>
        %parallel_loop3A_976 = arith.constant 16 : i32
        %parallel_loop3A_977 = vector.broadcast %parallel_loop3A_976 : i32 to vector<16xi32>
        %parallel_loop3A_978 = arith.shli %parallel_loop3A_975, %parallel_loop3A_977 : vector<16xi32>
        %parallel_loop3A_979 = vector.bitcast %parallel_loop3A_978 : vector<16xi32> to vector<16xf32>
        %parallel_loop3A_980 = arith.constant -65536 : i32
        %parallel_loop3A_981 = vector.broadcast %parallel_loop3A_980 : i32 to vector<16xi32>
        %parallel_loop3A_982 = arith.andi %parallel_loop3A_975, %parallel_loop3A_981 : vector<16xi32>
        %parallel_loop3A_983 = vector.bitcast %parallel_loop3A_982 : vector<16xi32> to vector<16xf32>
        %parallel_loop3A_984 = arith.constant 2 : i32
        %parallel_loop3A_985 = arith.muli %parallel_loop3A_320, %parallel_loop3A_984 : i32
        %parallel_loop3A_986 = arith.constant 16 : i32
        %parallel_loop3A_987 = arith.muli %parallel_loop3A_985, %parallel_loop3A_986 : i32
        %parallel_loop3A_988 = arith.constant 15 : i32
        %parallel_loop3A_989 = arith.index_cast %parallel_loop3A_988 : i32 to index
        %parallel_loop3A_990 = arith.index_cast %parallel_loop3A_987 : i32 to index
        %parallel_loop3A_991 = tpu.vector_load %arg10[%parallel_loop3A_989, %parallel_loop3A_990] {strides = array<i32>} : memref<25x512xf32, #tpu.memory_space<vmem>>, vector<16xf32>,
        tpu.vector_store %arg10[%parallel_loop3A_989, %parallel_loop3A_990], %parallel_loop3A_979 {strides = array<i32>} : memref<25x512xf32, #tpu.memory_space<vmem>>, vector<16xf32>,
        %parallel_loop3A_992 = arith.constant 2 : i32
        %parallel_loop3A_993 = arith.muli %parallel_loop3A_320, %parallel_loop3A_992 : i32
        %parallel_loop3A_994 = arith.constant 16 : i32
        %parallel_loop3A_995 = arith.muli %parallel_loop3A_993, %parallel_loop3A_994 : i32
        %parallel_loop3A_996 = arith.constant 16 : i32
        %parallel_loop3A_997 = arith.addi %parallel_loop3A_995, %parallel_loop3A_996 : i32
        %parallel_loop3A_998 = arith.constant 15 : i32
        %parallel_loop3A_999 = arith.index_cast %parallel_loop3A_998 : i32 to index
        %parallel_loop3A_1000 = arith.index_cast %parallel_loop3A_997 : i32 to index
        %parallel_loop3A_1001 = tpu.vector_load %arg10[%parallel_loop3A_999, %parallel_loop3A_1000] {strides = array<i32>} : memref<25x512xf32, #tpu.memory_space<vmem>>, vector<16xf32>,
        tpu.vector_store %arg10[%parallel_loop3A_999, %parallel_loop3A_1000], %parallel_loop3A_983 {strides = array<i32>} : memref<25x512xf32, #tpu.memory_space<vmem>>, vector<16xf32>,
        %parallel_loop3A_1002 = arith.addf %parallel_loop3A_886, %parallel_loop3A_979 : vector<16xf32>
        %parallel_loop3A_1003 = arith.addf %parallel_loop3A_887, %parallel_loop3A_983 : vector<16xf32>
        %parallel_loop3A_1004 = vector.bitcast %parallel_loop3A_475 : vector<32xbf16> to vector<16xi32>
        %parallel_loop3A_1005 = arith.constant 16 : i32
        %parallel_loop3A_1006 = vector.broadcast %parallel_loop3A_1005 : i32 to vector<16xi32>
        %parallel_loop3A_1007 = arith.shli %parallel_loop3A_1004, %parallel_loop3A_1006 : vector<16xi32>
        %parallel_loop3A_1008 = vector.bitcast %parallel_loop3A_1007 : vector<16xi32> to vector<16xf32>
        %parallel_loop3A_1009 = arith.constant -65536 : i32
        %parallel_loop3A_1010 = vector.broadcast %parallel_loop3A_1009 : i32 to vector<16xi32>
        %parallel_loop3A_1011 = arith.andi %parallel_loop3A_1004, %parallel_loop3A_1010 : vector<16xi32>
        %parallel_loop3A_1012 = vector.bitcast %parallel_loop3A_1011 : vector<16xi32> to vector<16xf32>
        %parallel_loop3A_1013 = arith.constant 2 : i32
        %parallel_loop3A_1014 = arith.muli %parallel_loop3A_320, %parallel_loop3A_1013 : i32
        %parallel_loop3A_1015 = arith.constant 16 : i32
        %parallel_loop3A_1016 = arith.muli %parallel_loop3A_1014, %parallel_loop3A_1015 : i32
        %parallel_loop3A_1017 = arith.constant 16 : i32
        %parallel_loop3A_1018 = arith.index_cast %parallel_loop3A_1017 : i32 to index
        %parallel_loop3A_1019 = arith.index_cast %parallel_loop3A_1016 : i32 to index
        %parallel_loop3A_1020 = tpu.vector_load %arg10[%parallel_loop3A_1018, %parallel_loop3A_1019] {strides = array<i32>} : memref<25x512xf32, #tpu.memory_space<vmem>>, vector<16xf32>,
        tpu.vector_store %arg10[%parallel_loop3A_1018, %parallel_loop3A_1019], %parallel_loop3A_1008 {strides = array<i32>} : memref<25x512xf32, #tpu.memory_space<vmem>>, vector<16xf32>,
        %parallel_loop3A_1021 = arith.constant 2 : i32
        %parallel_loop3A_1022 = arith.muli %parallel_loop3A_320, %parallel_loop3A_1021 : i32
        %parallel_loop3A_1023 = arith.constant 16 : i32
        %parallel_loop3A_1024 = arith.muli %parallel_loop3A_1022, %parallel_loop3A_1023 : i32
        %parallel_loop3A_1025 = arith.constant 16 : i32
        %parallel_loop3A_1026 = arith.addi %parallel_loop3A_1024, %parallel_loop3A_1025 : i32
        %parallel_loop3A_1027 = arith.constant 16 : i32
        %parallel_loop3A_1028 = arith.index_cast %parallel_loop3A_1027 : i32 to index
        %parallel_loop3A_1029 = arith.index_cast %parallel_loop3A_1026 : i32 to index
        %parallel_loop3A_1030 = tpu.vector_load %arg10[%parallel_loop3A_1028, %parallel_loop3A_1029] {strides = array<i32>} : memref<25x512xf32, #tpu.memory_space<vmem>>, vector<16xf32>,
        tpu.vector_store %arg10[%parallel_loop3A_1028, %parallel_loop3A_1029], %parallel_loop3A_1012 {strides = array<i32>} : memref<25x512xf32, #tpu.memory_space<vmem>>, vector<16xf32>,
        %parallel_loop3A_1031 = arith.addf %parallel_loop3A_915, %parallel_loop3A_1008 : vector<16xf32>
        %parallel_loop3A_1032 = arith.addf %parallel_loop3A_916, %parallel_loop3A_1012 : vector<16xf32>
        %parallel_loop3A_1033 = vector.bitcast %parallel_loop3A_484 : vector<32xbf16> to vector<16xi32>
        %parallel_loop3A_1034 = arith.constant 16 : i32
        %parallel_loop3A_1035 = vector.broadcast %parallel_loop3A_1034 : i32 to vector<16xi32>
        %parallel_loop3A_1036 = arith.shli %parallel_loop3A_1033, %parallel_loop3A_1035 : vector<16xi32>
        %parallel_loop3A_1037 = vector.bitcast %parallel_loop3A_1036 : vector<16xi32> to vector<16xf32>
        %parallel_loop3A_1038 = arith.constant -65536 : i32
        %parallel_loop3A_1039 = vector.broadcast %parallel_loop3A_1038 : i32 to vector<16xi32>
        %parallel_loop3A_1040 = arith.andi %parallel_loop3A_1033, %parallel_loop3A_1039 : vector<16xi32>
        %parallel_loop3A_1041 = vector.bitcast %parallel_loop3A_1040 : vector<16xi32> to vector<16xf32>
        %parallel_loop3A_1042 = arith.constant 2 : i32
        %parallel_loop3A_1043 = arith.muli %parallel_loop3A_320, %parallel_loop3A_1042 : i32
        %parallel_loop3A_1044 = arith.constant 16 : i32
        %parallel_loop3A_1045 = arith.muli %parallel_loop3A_1043, %parallel_loop3A_1044 : i32
        %parallel_loop3A_1046 = arith.constant 17 : i32
        %parallel_loop3A_1047 = arith.index_cast %parallel_loop3A_1046 : i32 to index
        %parallel_loop3A_1048 = arith.index_cast %parallel_loop3A_1045 : i32 to index
        %parallel_loop3A_1049 = tpu.vector_load %arg10[%parallel_loop3A_1047, %parallel_loop3A_1048] {strides = array<i32>} : memref<25x512xf32, #tpu.memory_space<vmem>>, vector<16xf32>,
        tpu.vector_store %arg10[%parallel_loop3A_1047, %parallel_loop3A_1048], %parallel_loop3A_1037 {strides = array<i32>} : memref<25x512xf32, #tpu.memory_space<vmem>>, vector<16xf32>,
        %parallel_loop3A_1050 = arith.constant 2 : i32
        %parallel_loop3A_1051 = arith.muli %parallel_loop3A_320, %parallel_loop3A_1050 : i32
        %parallel_loop3A_1052 = arith.constant 16 : i32
        %parallel_loop3A_1053 = arith.muli %parallel_loop3A_1051, %parallel_loop3A_1052 : i32
        %parallel_loop3A_1054 = arith.constant 16 : i32
        %parallel_loop3A_1055 = arith.addi %parallel_loop3A_1053, %parallel_loop3A_1054 : i32
        %parallel_loop3A_1056 = arith.constant 17 : i32
        %parallel_loop3A_1057 = arith.index_cast %parallel_loop3A_1056 : i32 to index
        %parallel_loop3A_1058 = arith.index_cast %parallel_loop3A_1055 : i32 to index
        %parallel_loop3A_1059 = tpu.vector_load %arg10[%parallel_loop3A_1057, %parallel_loop3A_1058] {strides = array<i32>} : memref<25x512xf32, #tpu.memory_space<vmem>>, vector<16xf32>,
        tpu.vector_store %arg10[%parallel_loop3A_1057, %parallel_loop3A_1058], %parallel_loop3A_1041 {strides = array<i32>} : memref<25x512xf32, #tpu.memory_space<vmem>>, vector<16xf32>,
        %parallel_loop3A_1060 = arith.addf %parallel_loop3A_944, %parallel_loop3A_1037 : vector<16xf32>
        %parallel_loop3A_1061 = arith.addf %parallel_loop3A_945, %parallel_loop3A_1041 : vector<16xf32>
        %parallel_loop3A_1062 = vector.bitcast %parallel_loop3A_493 : vector<32xbf16> to vector<16xi32>
        %parallel_loop3A_1063 = arith.constant 16 : i32
        %parallel_loop3A_1064 = vector.broadcast %parallel_loop3A_1063 : i32 to vector<16xi32>
        %parallel_loop3A_1065 = arith.shli %parallel_loop3A_1062, %parallel_loop3A_1064 : vector<16xi32>
        %parallel_loop3A_1066 = vector.bitcast %parallel_loop3A_1065 : vector<16xi32> to vector<16xf32>
        %parallel_loop3A_1067 = arith.constant -65536 : i32
        %parallel_loop3A_1068 = vector.broadcast %parallel_loop3A_1067 : i32 to vector<16xi32>
        %parallel_loop3A_1069 = arith.andi %parallel_loop3A_1062, %parallel_loop3A_1068 : vector<16xi32>
        %parallel_loop3A_1070 = vector.bitcast %parallel_loop3A_1069 : vector<16xi32> to vector<16xf32>
        %parallel_loop3A_1071 = arith.constant 2 : i32
        %parallel_loop3A_1072 = arith.muli %parallel_loop3A_320, %parallel_loop3A_1071 : i32
        %parallel_loop3A_1073 = arith.constant 16 : i32
        %parallel_loop3A_1074 = arith.muli %parallel_loop3A_1072, %parallel_loop3A_1073 : i32
        %parallel_loop3A_1075 = arith.constant 18 : i32
        %parallel_loop3A_1076 = arith.index_cast %parallel_loop3A_1075 : i32 to index
        %parallel_loop3A_1077 = arith.index_cast %parallel_loop3A_1074 : i32 to index
        %parallel_loop3A_1078 = tpu.vector_load %arg10[%parallel_loop3A_1076, %parallel_loop3A_1077] {strides = array<i32>} : memref<25x512xf32, #tpu.memory_space<vmem>>, vector<16xf32>,
        tpu.vector_store %arg10[%parallel_loop3A_1076, %parallel_loop3A_1077], %parallel_loop3A_1066 {strides = array<i32>} : memref<25x512xf32, #tpu.memory_space<vmem>>, vector<16xf32>,
        %parallel_loop3A_1079 = arith.constant 2 : i32
        %parallel_loop3A_1080 = arith.muli %parallel_loop3A_320, %parallel_loop3A_1079 : i32
        %parallel_loop3A_1081 = arith.constant 16 : i32
        %parallel_loop3A_1082 = arith.muli %parallel_loop3A_1080, %parallel_loop3A_1081 : i32
        %parallel_loop3A_1083 = arith.constant 16 : i32
        %parallel_loop3A_1084 = arith.addi %parallel_loop3A_1082, %parallel_loop3A_1083 : i32
        %parallel_loop3A_1085 = arith.constant 18 : i32
        %parallel_loop3A_1086 = arith.index_cast %parallel_loop3A_1085 : i32 to index
        %parallel_loop3A_1087 = arith.index_cast %parallel_loop3A_1084 : i32 to index
        %parallel_loop3A_1088 = tpu.vector_load %arg10[%parallel_loop3A_1086, %parallel_loop3A_1087] {strides = array<i32>} : memref<25x512xf32, #tpu.memory_space<vmem>>, vector<16xf32>,
        tpu.vector_store %arg10[%parallel_loop3A_1086, %parallel_loop3A_1087], %parallel_loop3A_1070 {strides = array<i32>} : memref<25x512xf32, #tpu.memory_space<vmem>>, vector<16xf32>,
        %parallel_loop3A_1089 = arith.addf %parallel_loop3A_973, %parallel_loop3A_1066 : vector<16xf32>
        %parallel_loop3A_1090 = arith.addf %parallel_loop3A_974, %parallel_loop3A_1070 : vector<16xf32>
        %parallel_loop3A_1091 = vector.bitcast %parallel_loop3A_502 : vector<32xbf16> to vector<16xi32>
        %parallel_loop3A_1092 = arith.constant 16 : i32
        %parallel_loop3A_1093 = vector.broadcast %parallel_loop3A_1092 : i32 to vector<16xi32>
        %parallel_loop3A_1094 = arith.shli %parallel_loop3A_1091, %parallel_loop3A_1093 : vector<16xi32>
        %parallel_loop3A_1095 = vector.bitcast %parallel_loop3A_1094 : vector<16xi32> to vector<16xf32>
        %parallel_loop3A_1096 = arith.constant -65536 : i32
        %parallel_loop3A_1097 = vector.broadcast %parallel_loop3A_1096 : i32 to vector<16xi32>
        %parallel_loop3A_1098 = arith.andi %parallel_loop3A_1091, %parallel_loop3A_1097 : vector<16xi32>
        %parallel_loop3A_1099 = vector.bitcast %parallel_loop3A_1098 : vector<16xi32> to vector<16xf32>
        %parallel_loop3A_1100 = arith.constant 2 : i32
        %parallel_loop3A_1101 = arith.muli %parallel_loop3A_320, %parallel_loop3A_1100 : i32
        %parallel_loop3A_1102 = arith.constant 16 : i32
        %parallel_loop3A_1103 = arith.muli %parallel_loop3A_1101, %parallel_loop3A_1102 : i32
        %parallel_loop3A_1104 = arith.constant 19 : i32
        %parallel_loop3A_1105 = arith.index_cast %parallel_loop3A_1104 : i32 to index
        %parallel_loop3A_1106 = arith.index_cast %parallel_loop3A_1103 : i32 to index
        %parallel_loop3A_1107 = tpu.vector_load %arg10[%parallel_loop3A_1105, %parallel_loop3A_1106] {strides = array<i32>} : memref<25x512xf32, #tpu.memory_space<vmem>>, vector<16xf32>,
        tpu.vector_store %arg10[%parallel_loop3A_1105, %parallel_loop3A_1106], %parallel_loop3A_1095 {strides = array<i32>} : memref<25x512xf32, #tpu.memory_space<vmem>>, vector<16xf32>,
        %parallel_loop3A_1108 = arith.constant 2 : i32
        %parallel_loop3A_1109 = arith.muli %parallel_loop3A_320, %parallel_loop3A_1108 : i32
        %parallel_loop3A_1110 = arith.constant 16 : i32
        %parallel_loop3A_1111 = arith.muli %parallel_loop3A_1109, %parallel_loop3A_1110 : i32
        %parallel_loop3A_1112 = arith.constant 16 : i32
        %parallel_loop3A_1113 = arith.addi %parallel_loop3A_1111, %parallel_loop3A_1112 : i32
        %parallel_loop3A_1114 = arith.constant 19 : i32
        %parallel_loop3A_1115 = arith.index_cast %parallel_loop3A_1114 : i32 to index
        %parallel_loop3A_1116 = arith.index_cast %parallel_loop3A_1113 : i32 to index
        %parallel_loop3A_1117 = tpu.vector_load %arg10[%parallel_loop3A_1115, %parallel_loop3A_1116] {strides = array<i32>} : memref<25x512xf32, #tpu.memory_space<vmem>>, vector<16xf32>,
        tpu.vector_store %arg10[%parallel_loop3A_1115, %parallel_loop3A_1116], %parallel_loop3A_1099 {strides = array<i32>} : memref<25x512xf32, #tpu.memory_space<vmem>>, vector<16xf32>,
        %parallel_loop3A_1118 = arith.addf %parallel_loop3A_1002, %parallel_loop3A_1095 : vector<16xf32>
        %parallel_loop3A_1119 = arith.addf %parallel_loop3A_1003, %parallel_loop3A_1099 : vector<16xf32>
        %parallel_loop3A_1120 = vector.bitcast %parallel_loop3A_511 : vector<32xbf16> to vector<16xi32>
        %parallel_loop3A_1121 = arith.constant 16 : i32
        %parallel_loop3A_1122 = vector.broadcast %parallel_loop3A_1121 : i32 to vector<16xi32>
        %parallel_loop3A_1123 = arith.shli %parallel_loop3A_1120, %parallel_loop3A_1122 : vector<16xi32>
        %parallel_loop3A_1124 = vector.bitcast %parallel_loop3A_1123 : vector<16xi32> to vector<16xf32>
        %parallel_loop3A_1125 = arith.constant -65536 : i32
        %parallel_loop3A_1126 = vector.broadcast %parallel_loop3A_1125 : i32 to vector<16xi32>
        %parallel_loop3A_1127 = arith.andi %parallel_loop3A_1120, %parallel_loop3A_1126 : vector<16xi32>
        %parallel_loop3A_1128 = vector.bitcast %parallel_loop3A_1127 : vector<16xi32> to vector<16xf32>
        %parallel_loop3A_1129 = arith.constant 2 : i32
        %parallel_loop3A_1130 = arith.muli %parallel_loop3A_320, %parallel_loop3A_1129 : i32
        %parallel_loop3A_1131 = arith.constant 16 : i32
        %parallel_loop3A_1132 = arith.muli %parallel_loop3A_1130, %parallel_loop3A_1131 : i32
        %parallel_loop3A_1133 = arith.constant 20 : i32
        %parallel_loop3A_1134 = arith.index_cast %parallel_loop3A_1133 : i32 to index
        %parallel_loop3A_1135 = arith.index_cast %parallel_loop3A_1132 : i32 to index
        %parallel_loop3A_1136 = tpu.vector_load %arg10[%parallel_loop3A_1134, %parallel_loop3A_1135] {strides = array<i32>} : memref<25x512xf32, #tpu.memory_space<vmem>>, vector<16xf32>,
        tpu.vector_store %arg10[%parallel_loop3A_1134, %parallel_loop3A_1135], %parallel_loop3A_1124 {strides = array<i32>} : memref<25x512xf32, #tpu.memory_space<vmem>>, vector<16xf32>,
        %parallel_loop3A_1137 = arith.constant 2 : i32
        %parallel_loop3A_1138 = arith.muli %parallel_loop3A_320, %parallel_loop3A_1137 : i32
        %parallel_loop3A_1139 = arith.constant 16 : i32
        %parallel_loop3A_1140 = arith.muli %parallel_loop3A_1138, %parallel_loop3A_1139 : i32
        %parallel_loop3A_1141 = arith.constant 16 : i32
        %parallel_loop3A_1142 = arith.addi %parallel_loop3A_1140, %parallel_loop3A_1141 : i32
        %parallel_loop3A_1143 = arith.constant 20 : i32
        %parallel_loop3A_1144 = arith.index_cast %parallel_loop3A_1143 : i32 to index
        %parallel_loop3A_1145 = arith.index_cast %parallel_loop3A_1142 : i32 to index
        %parallel_loop3A_1146 = tpu.vector_load %arg10[%parallel_loop3A_1144, %parallel_loop3A_1145] {strides = array<i32>} : memref<25x512xf32, #tpu.memory_space<vmem>>, vector<16xf32>,
        tpu.vector_store %arg10[%parallel_loop3A_1144, %parallel_loop3A_1145], %parallel_loop3A_1128 {strides = array<i32>} : memref<25x512xf32, #tpu.memory_space<vmem>>, vector<16xf32>,
        %parallel_loop3A_1147 = arith.addf %parallel_loop3A_1031, %parallel_loop3A_1124 : vector<16xf32>
        %parallel_loop3A_1148 = arith.addf %parallel_loop3A_1032, %parallel_loop3A_1128 : vector<16xf32>
        %parallel_loop3A_1149 = vector.bitcast %parallel_loop3A_520 : vector<32xbf16> to vector<16xi32>
        %parallel_loop3A_1150 = arith.constant 16 : i32
        %parallel_loop3A_1151 = vector.broadcast %parallel_loop3A_1150 : i32 to vector<16xi32>
        %parallel_loop3A_1152 = arith.shli %parallel_loop3A_1149, %parallel_loop3A_1151 : vector<16xi32>
        %parallel_loop3A_1153 = vector.bitcast %parallel_loop3A_1152 : vector<16xi32> to vector<16xf32>
        %parallel_loop3A_1154 = arith.constant -65536 : i32
        %parallel_loop3A_1155 = vector.broadcast %parallel_loop3A_1154 : i32 to vector<16xi32>
        %parallel_loop3A_1156 = arith.andi %parallel_loop3A_1149, %parallel_loop3A_1155 : vector<16xi32>
        %parallel_loop3A_1157 = vector.bitcast %parallel_loop3A_1156 : vector<16xi32> to vector<16xf32>
        %parallel_loop3A_1158 = arith.constant 2 : i32
        %parallel_loop3A_1159 = arith.muli %parallel_loop3A_320, %parallel_loop3A_1158 : i32
        %parallel_loop3A_1160 = arith.constant 16 : i32
        %parallel_loop3A_1161 = arith.muli %parallel_loop3A_1159, %parallel_loop3A_1160 : i32
        %parallel_loop3A_1162 = arith.constant 21 : i32
        %parallel_loop3A_1163 = arith.index_cast %parallel_loop3A_1162 : i32 to index
        %parallel_loop3A_1164 = arith.index_cast %parallel_loop3A_1161 : i32 to index
        %parallel_loop3A_1165 = tpu.vector_load %arg10[%parallel_loop3A_1163, %parallel_loop3A_1164] {strides = array<i32>} : memref<25x512xf32, #tpu.memory_space<vmem>>, vector<16xf32>,
        tpu.vector_store %arg10[%parallel_loop3A_1163, %parallel_loop3A_1164], %parallel_loop3A_1153 {strides = array<i32>} : memref<25x512xf32, #tpu.memory_space<vmem>>, vector<16xf32>,
        %parallel_loop3A_1166 = arith.constant 2 : i32
        %parallel_loop3A_1167 = arith.muli %parallel_loop3A_320, %parallel_loop3A_1166 : i32
        %parallel_loop3A_1168 = arith.constant 16 : i32
        %parallel_loop3A_1169 = arith.muli %parallel_loop3A_1167, %parallel_loop3A_1168 : i32
        %parallel_loop3A_1170 = arith.constant 16 : i32
        %parallel_loop3A_1171 = arith.addi %parallel_loop3A_1169, %parallel_loop3A_1170 : i32
        %parallel_loop3A_1172 = arith.constant 21 : i32
        %parallel_loop3A_1173 = arith.index_cast %parallel_loop3A_1172 : i32 to index
        %parallel_loop3A_1174 = arith.index_cast %parallel_loop3A_1171 : i32 to index
        %parallel_loop3A_1175 = tpu.vector_load %arg10[%parallel_loop3A_1173, %parallel_loop3A_1174] {strides = array<i32>} : memref<25x512xf32, #tpu.memory_space<vmem>>, vector<16xf32>,
        tpu.vector_store %arg10[%parallel_loop3A_1173, %parallel_loop3A_1174], %parallel_loop3A_1157 {strides = array<i32>} : memref<25x512xf32, #tpu.memory_space<vmem>>, vector<16xf32>,
        %parallel_loop3A_1176 = arith.addf %parallel_loop3A_1060, %parallel_loop3A_1153 : vector<16xf32>
        %parallel_loop3A_1177 = arith.addf %parallel_loop3A_1061, %parallel_loop3A_1157 : vector<16xf32>
        %parallel_loop3A_1178 = vector.bitcast %parallel_loop3A_529 : vector<32xbf16> to vector<16xi32>
        %parallel_loop3A_1179 = arith.constant 16 : i32
        %parallel_loop3A_1180 = vector.broadcast %parallel_loop3A_1179 : i32 to vector<16xi32>
        %parallel_loop3A_1181 = arith.shli %parallel_loop3A_1178, %parallel_loop3A_1180 : vector<16xi32>
        %parallel_loop3A_1182 = vector.bitcast %parallel_loop3A_1181 : vector<16xi32> to vector<16xf32>
        %parallel_loop3A_1183 = arith.constant -65536 : i32
        %parallel_loop3A_1184 = vector.broadcast %parallel_loop3A_1183 : i32 to vector<16xi32>
        %parallel_loop3A_1185 = arith.andi %parallel_loop3A_1178, %parallel_loop3A_1184 : vector<16xi32>
        %parallel_loop3A_1186 = vector.bitcast %parallel_loop3A_1185 : vector<16xi32> to vector<16xf32>
        %parallel_loop3A_1187 = arith.constant 2 : i32
        %parallel_loop3A_1188 = arith.muli %parallel_loop3A_320, %parallel_loop3A_1187 : i32
        %parallel_loop3A_1189 = arith.constant 16 : i32
        %parallel_loop3A_1190 = arith.muli %parallel_loop3A_1188, %parallel_loop3A_1189 : i32
        %parallel_loop3A_1191 = arith.constant 22 : i32
        %parallel_loop3A_1192 = arith.index_cast %parallel_loop3A_1191 : i32 to index
        %parallel_loop3A_1193 = arith.index_cast %parallel_loop3A_1190 : i32 to index
        %parallel_loop3A_1194 = tpu.vector_load %arg10[%parallel_loop3A_1192, %parallel_loop3A_1193] {strides = array<i32>} : memref<25x512xf32, #tpu.memory_space<vmem>>, vector<16xf32>,
        tpu.vector_store %arg10[%parallel_loop3A_1192, %parallel_loop3A_1193], %parallel_loop3A_1182 {strides = array<i32>} : memref<25x512xf32, #tpu.memory_space<vmem>>, vector<16xf32>,
        %parallel_loop3A_1195 = arith.constant 2 : i32
        %parallel_loop3A_1196 = arith.muli %parallel_loop3A_320, %parallel_loop3A_1195 : i32
        %parallel_loop3A_1197 = arith.constant 16 : i32
        %parallel_loop3A_1198 = arith.muli %parallel_loop3A_1196, %parallel_loop3A_1197 : i32
        %parallel_loop3A_1199 = arith.constant 16 : i32
        %parallel_loop3A_1200 = arith.addi %parallel_loop3A_1198, %parallel_loop3A_1199 : i32
        %parallel_loop3A_1201 = arith.constant 22 : i32
        %parallel_loop3A_1202 = arith.index_cast %parallel_loop3A_1201 : i32 to index
        %parallel_loop3A_1203 = arith.index_cast %parallel_loop3A_1200 : i32 to index
        %parallel_loop3A_1204 = tpu.vector_load %arg10[%parallel_loop3A_1202, %parallel_loop3A_1203] {strides = array<i32>} : memref<25x512xf32, #tpu.memory_space<vmem>>, vector<16xf32>,
        tpu.vector_store %arg10[%parallel_loop3A_1202, %parallel_loop3A_1203], %parallel_loop3A_1186 {strides = array<i32>} : memref<25x512xf32, #tpu.memory_space<vmem>>, vector<16xf32>,
        %parallel_loop3A_1205 = arith.addf %parallel_loop3A_1089, %parallel_loop3A_1182 : vector<16xf32>
        %parallel_loop3A_1206 = arith.addf %parallel_loop3A_1090, %parallel_loop3A_1186 : vector<16xf32>
        %parallel_loop3A_1207 = vector.bitcast %parallel_loop3A_538 : vector<32xbf16> to vector<16xi32>
        %parallel_loop3A_1208 = arith.constant 16 : i32
        %parallel_loop3A_1209 = vector.broadcast %parallel_loop3A_1208 : i32 to vector<16xi32>
        %parallel_loop3A_1210 = arith.shli %parallel_loop3A_1207, %parallel_loop3A_1209 : vector<16xi32>
        %parallel_loop3A_1211 = vector.bitcast %parallel_loop3A_1210 : vector<16xi32> to vector<16xf32>
        %parallel_loop3A_1212 = arith.constant -65536 : i32
        %parallel_loop3A_1213 = vector.broadcast %parallel_loop3A_1212 : i32 to vector<16xi32>
        %parallel_loop3A_1214 = arith.andi %parallel_loop3A_1207, %parallel_loop3A_1213 : vector<16xi32>
        %parallel_loop3A_1215 = vector.bitcast %parallel_loop3A_1214 : vector<16xi32> to vector<16xf32>
        %parallel_loop3A_1216 = arith.constant 2 : i32
        %parallel_loop3A_1217 = arith.muli %parallel_loop3A_320, %parallel_loop3A_1216 : i32
        %parallel_loop3A_1218 = arith.constant 16 : i32
        %parallel_loop3A_1219 = arith.muli %parallel_loop3A_1217, %parallel_loop3A_1218 : i32
        %parallel_loop3A_1220 = arith.constant 23 : i32
        %parallel_loop3A_1221 = arith.index_cast %parallel_loop3A_1220 : i32 to index
        %parallel_loop3A_1222 = arith.index_cast %parallel_loop3A_1219 : i32 to index
        %parallel_loop3A_1223 = tpu.vector_load %arg10[%parallel_loop3A_1221, %parallel_loop3A_1222] {strides = array<i32>} : memref<25x512xf32, #tpu.memory_space<vmem>>, vector<16xf32>,
        tpu.vector_store %arg10[%parallel_loop3A_1221, %parallel_loop3A_1222], %parallel_loop3A_1211 {strides = array<i32>} : memref<25x512xf32, #tpu.memory_space<vmem>>, vector<16xf32>,
        %parallel_loop3A_1224 = arith.constant 2 : i32
        %parallel_loop3A_1225 = arith.muli %parallel_loop3A_320, %parallel_loop3A_1224 : i32
        %parallel_loop3A_1226 = arith.constant 16 : i32
        %parallel_loop3A_1227 = arith.muli %parallel_loop3A_1225, %parallel_loop3A_1226 : i32
        %parallel_loop3A_1228 = arith.constant 16 : i32
        %parallel_loop3A_1229 = arith.addi %parallel_loop3A_1227, %parallel_loop3A_1228 : i32
        %parallel_loop3A_1230 = arith.constant 23 : i32
        %parallel_loop3A_1231 = arith.index_cast %parallel_loop3A_1230 : i32 to index
        %parallel_loop3A_1232 = arith.index_cast %parallel_loop3A_1229 : i32 to index
        %parallel_loop3A_1233 = tpu.vector_load %arg10[%parallel_loop3A_1231, %parallel_loop3A_1232] {strides = array<i32>} : memref<25x512xf32, #tpu.memory_space<vmem>>, vector<16xf32>,
        tpu.vector_store %arg10[%parallel_loop3A_1231, %parallel_loop3A_1232], %parallel_loop3A_1215 {strides = array<i32>} : memref<25x512xf32, #tpu.memory_space<vmem>>, vector<16xf32>,
        %parallel_loop3A_1234 = arith.addf %parallel_loop3A_1118, %parallel_loop3A_1211 : vector<16xf32>
        %parallel_loop3A_1235 = arith.addf %parallel_loop3A_1119, %parallel_loop3A_1215 : vector<16xf32>
        %parallel_loop3A_1236 = vector.bitcast %parallel_loop3A_547 : vector<32xbf16> to vector<16xi32>
        %parallel_loop3A_1237 = arith.constant 16 : i32
        %parallel_loop3A_1238 = vector.broadcast %parallel_loop3A_1237 : i32 to vector<16xi32>
        %parallel_loop3A_1239 = arith.shli %parallel_loop3A_1236, %parallel_loop3A_1238 : vector<16xi32>
        %parallel_loop3A_1240 = vector.bitcast %parallel_loop3A_1239 : vector<16xi32> to vector<16xf32>
        %parallel_loop3A_1241 = arith.constant -65536 : i32
        %parallel_loop3A_1242 = vector.broadcast %parallel_loop3A_1241 : i32 to vector<16xi32>
        %parallel_loop3A_1243 = arith.andi %parallel_loop3A_1236, %parallel_loop3A_1242 : vector<16xi32>
        %parallel_loop3A_1244 = vector.bitcast %parallel_loop3A_1243 : vector<16xi32> to vector<16xf32>
        %parallel_loop3A_1245 = arith.constant 2 : i32
        %parallel_loop3A_1246 = arith.muli %parallel_loop3A_320, %parallel_loop3A_1245 : i32
        %parallel_loop3A_1247 = arith.constant 16 : i32
        %parallel_loop3A_1248 = arith.muli %parallel_loop3A_1246, %parallel_loop3A_1247 : i32
        %parallel_loop3A_1249 = arith.constant 24 : i32
        %parallel_loop3A_1250 = arith.index_cast %parallel_loop3A_1249 : i32 to index
        %parallel_loop3A_1251 = arith.index_cast %parallel_loop3A_1248 : i32 to index
        %parallel_loop3A_1252 = tpu.vector_load %arg10[%parallel_loop3A_1250, %parallel_loop3A_1251] {strides = array<i32>} : memref<25x512xf32, #tpu.memory_space<vmem>>, vector<16xf32>,
        tpu.vector_store %arg10[%parallel_loop3A_1250, %parallel_loop3A_1251], %parallel_loop3A_1240 {strides = array<i32>} : memref<25x512xf32, #tpu.memory_space<vmem>>, vector<16xf32>,
        %parallel_loop3A_1253 = arith.constant 2 : i32
        %parallel_loop3A_1254 = arith.muli %parallel_loop3A_320, %parallel_loop3A_1253 : i32
        %parallel_loop3A_1255 = arith.constant 16 : i32
        %parallel_loop3A_1256 = arith.muli %parallel_loop3A_1254, %parallel_loop3A_1255 : i32
        %parallel_loop3A_1257 = arith.constant 16 : i32
        %parallel_loop3A_1258 = arith.addi %parallel_loop3A_1256, %parallel_loop3A_1257 : i32
        %parallel_loop3A_1259 = arith.constant 24 : i32
        %parallel_loop3A_1260 = arith.index_cast %parallel_loop3A_1259 : i32 to index
        %parallel_loop3A_1261 = arith.index_cast %parallel_loop3A_1258 : i32 to index
        %parallel_loop3A_1262 = tpu.vector_load %arg10[%parallel_loop3A_1260, %parallel_loop3A_1261] {strides = array<i32>} : memref<25x512xf32, #tpu.memory_space<vmem>>, vector<16xf32>,
        tpu.vector_store %arg10[%parallel_loop3A_1260, %parallel_loop3A_1261], %parallel_loop3A_1244 {strides = array<i32>} : memref<25x512xf32, #tpu.memory_space<vmem>>, vector<16xf32>,
        %parallel_loop3A_1263 = arith.addf %parallel_loop3A_1147, %parallel_loop3A_1240 : vector<16xf32>
        %parallel_loop3A_1264 = arith.addf %parallel_loop3A_1148, %parallel_loop3A_1244 : vector<16xf32>
        %parallel_loop3A_1265 = arith.addf %parallel_loop3A_1263, %parallel_loop3A_1176 : vector<16xf32>
        %parallel_loop3A_1266 = arith.addf %parallel_loop3A_1205, %parallel_loop3A_1234 : vector<16xf32>
        %parallel_loop3A_1267 = arith.addf %parallel_loop3A_1265, %parallel_loop3A_1266 : vector<16xf32>
        %parallel_loop3A_1268 = arith.addf %parallel_loop3A_1264, %parallel_loop3A_1177 : vector<16xf32>
        %parallel_loop3A_1269 = arith.addf %parallel_loop3A_1206, %parallel_loop3A_1235 : vector<16xf32>
        %parallel_loop3A_1270 = arith.addf %parallel_loop3A_1268, %parallel_loop3A_1269 : vector<16xf32>
        %parallel_loop3A_1271 = arith.constant 4.000000e-02 : f32
        %parallel_loop3A_1272 = vector.broadcast %parallel_loop3A_1271 : f32 to vector<16xf32>
        %parallel_loop3A_1273 = arith.mulf %parallel_loop3A_1267, %parallel_loop3A_1272 : vector<16xf32>
        %parallel_loop3A_1274 = arith.constant 2 : i32
        %parallel_loop3A_1275 = arith.muli %parallel_loop3A_320, %parallel_loop3A_1274 : i32
        %parallel_loop3A_1276 = arith.constant 16 : i32
        %parallel_loop3A_1277 = arith.muli %parallel_loop3A_1275, %parallel_loop3A_1276 : i32
        %parallel_loop3A_1278 = arith.index_cast %parallel_loop3A_1277 : i32 to index
        %parallel_loop3A_1279 = tpu.vector_load %arg12[%parallel_loop3A_1278] {strides = array<i32>} : memref<512xf32, #tpu.memory_space<vmem>>, vector<16xf32>,
        tpu.vector_store %arg12[%parallel_loop3A_1278], %parallel_loop3A_1273 {strides = array<i32>} : memref<512xf32, #tpu.memory_space<vmem>>, vector<16xf32>,
        %parallel_loop3A_1280 = arith.constant 4.000000e-02 : f32
        %parallel_loop3A_1281 = vector.broadcast %parallel_loop3A_1280 : f32 to vector<16xf32>
        %parallel_loop3A_1282 = arith.mulf %parallel_loop3A_1270, %parallel_loop3A_1281 : vector<16xf32>
        %parallel_loop3A_1283 = arith.constant 2 : i32
        %parallel_loop3A_1284 = arith.muli %parallel_loop3A_320, %parallel_loop3A_1283 : i32
        %parallel_loop3A_1285 = arith.constant 16 : i32
        %parallel_loop3A_1286 = arith.muli %parallel_loop3A_1284, %parallel_loop3A_1285 : i32
        %parallel_loop3A_1287 = arith.constant 16 : i32
        %parallel_loop3A_1288 = arith.addi %parallel_loop3A_1286, %parallel_loop3A_1287 : i32
        %parallel_loop3A_1289 = arith.index_cast %parallel_loop3A_1288 : i32 to index
        %parallel_loop3A_1290 = tpu.vector_load %arg12[%parallel_loop3A_1289] {strides = array<i32>} : memref<512xf32, #tpu.memory_space<vmem>>, vector<16xf32>,
        tpu.vector_store %arg12[%parallel_loop3A_1289], %parallel_loop3A_1282 {strides = array<i32>} : memref<512xf32, #tpu.memory_space<vmem>>, vector<16xf32>,
      } {sc.loop_unroll_factor = 1 : i64, sc.parallel_access}
      %dma_start3A_306 = arith.constant 0 : i32
      %dma_start3A_307 = arith.constant 0 : i32
      %dma_start3A_308 = tpu.memref_slice %arg4[%add3A_185, %dma_start3A_306, %dma_start3A_307] : memref<4096x25x512xf32, #tpu.memory_space<hbm>> -> memref<1x25x512xf32, #tpu.memory_space<hbm>>
      %dma_start3A_309 = tpu.memref_squeeze %dma_start3A_308 : memref<1x25x512xf32, #tpu.memory_space<hbm>> -> memref<25x512xf32, #tpu.memory_space<hbm>>
      %dma_start3A_310 = arith.constant 0 : i32
      %dma_start3A_311 = arith.constant 0 : i32
      %dma_start3A_312 = tpu.memref_slice %arg4[%add3A_185, %dma_start3A_310, %dma_start3A_311] : memref<4096x25x512xf32, #tpu.memory_space<hbm>> -> memref<1x25x512xf32, #tpu.memory_space<hbm>>
      %dma_start3A_313 = tpu.memref_squeeze %dma_start3A_312 : memref<1x25x512xf32, #tpu.memory_space<hbm>> -> memref<25x512xf32, #tpu.memory_space<hbm>>
      tpu.enqueue_dma source(%arg10 : memref<25x512xf32, #tpu.memory_space<vmem>>) target(%dma_start3A_313 : memref<25x512xf32, #tpu.memory_space<hbm>>) target_semaphore(%arg14 : memref<!tpu.dma_semaphore, #tpu.memory_space<semaphore_mem>>)
      %dma_start3A_314 = arith.constant 0 : i32
      %dma_start3A_315 = tpu.memref_slice %arg5[%add3A_185, %dma_start3A_314] : memref<4096x512xf32, #tpu.memory_space<hbm>> -> memref<1x512xf32, #tpu.memory_space<hbm>>
      %dma_start3A_316 = tpu.memref_squeeze %dma_start3A_315 : memref<1x512xf32, #tpu.memory_space<hbm>> -> memref<512xf32, #tpu.memory_space<hbm>>
      %dma_start3A_317 = arith.constant 0 : i32
      %dma_start3A_318 = tpu.memref_slice %arg5[%add3A_185, %dma_start3A_317] : memref<4096x512xf32, #tpu.memory_space<hbm>> -> memref<1x512xf32, #tpu.memory_space<hbm>>
      %dma_start3A_319 = tpu.memref_squeeze %dma_start3A_318 : memref<1x512xf32, #tpu.memory_space<hbm>> -> memref<512xf32, #tpu.memory_space<hbm>>
      tpu.enqueue_dma source(%arg12 : memref<512xf32, #tpu.memory_space<vmem>>) target(%dma_start3A_319 : memref<512xf32, #tpu.memory_space<hbm>>) target_semaphore(%arg14 : memref<!tpu.dma_semaphore, #tpu.memory_space<semaphore_mem>>)
    }
    %scan3A_13 = arith.constant 64 : i32
    %add3A_14 = arith.constant 128 : i32
    %add3A_15 = arith.addi %mul3A_2, %add3A_14 : i32
    %sub3A = arith.constant 2 : i32
    %sub3A_16 = arith.subi %add3A_15, %sub3A : i32
    %dma_wait3A = arith.constant 0 : i32
    %dma_wait3A_17 = arith.constant 0 : i32
    %dma_wait3A_18 = tpu.memref_slice %arg4[%sub3A_16, %dma_wait3A, %dma_wait3A_17] : memref<4096x25x512xf32, #tpu.memory_space<hbm>> -> memref<1x25x512xf32, #tpu.memory_space<hbm>>
    %dma_wait3A_19 = tpu.memref_squeeze %dma_wait3A_18 : memref<1x25x512xf32, #tpu.memory_space<hbm>> -> memref<25x512xf32, #tpu.memory_space<hbm>>
    %dma_wait3A_20 = arith.constant 0 : i32
    %dma_wait3A_21 = arith.constant 0 : i32
    %dma_wait3A_22 = tpu.memref_slice %arg4[%sub3A_16, %dma_wait3A_20, %dma_wait3A_21] : memref<4096x25x512xf32, #tpu.memory_space<hbm>> -> memref<1x25x512xf32, #tpu.memory_space<hbm>>
    %dma_wait3A_23 = tpu.memref_squeeze %dma_wait3A_22 : memref<1x25x512xf32, #tpu.memory_space<hbm>> -> memref<25x512xf32, #tpu.memory_space<hbm>>
    tpu.wait_dma2 semaphore(%arg13 : memref<!tpu.dma_semaphore, #tpu.memory_space<semaphore_mem>>) src(%arg9 : memref<25x512xf32, #tpu.memory_space<vmem>>) dst(%dma_wait3A_23 : memref<25x512xf32, #tpu.memory_space<hbm>>)
    %dma_wait3A_24 = arith.constant 0 : i32
    %dma_wait3A_25 = tpu.memref_slice %arg5[%sub3A_16, %dma_wait3A_24] : memref<4096x512xf32, #tpu.memory_space<hbm>> -> memref<1x512xf32, #tpu.memory_space<hbm>>
    %dma_wait3A_26 = tpu.memref_squeeze %dma_wait3A_25 : memref<1x512xf32, #tpu.memory_space<hbm>> -> memref<512xf32, #tpu.memory_space<hbm>>
    %dma_wait3A_27 = arith.constant 0 : i32
    %dma_wait3A_28 = tpu.memref_slice %arg5[%sub3A_16, %dma_wait3A_27] : memref<4096x512xf32, #tpu.memory_space<hbm>> -> memref<1x512xf32, #tpu.memory_space<hbm>>
    %dma_wait3A_29 = tpu.memref_squeeze %dma_wait3A_28 : memref<1x512xf32, #tpu.memory_space<hbm>> -> memref<512xf32, #tpu.memory_space<hbm>>
    tpu.wait_dma2 semaphore(%arg13 : memref<!tpu.dma_semaphore, #tpu.memory_space<semaphore_mem>>) src(%arg11 : memref<512xf32, #tpu.memory_space<vmem>>) dst(%dma_wait3A_29 : memref<512xf32, #tpu.memory_space<hbm>>)
    %add3A_30 = arith.constant 1 : i32
    %add3A_31 = arith.addi %sub3A_16, %add3A_30 : i32
    %dma_wait3A_32 = arith.constant 0 : i32
    %dma_wait3A_33 = arith.constant 0 : i32
    %dma_wait3A_34 = tpu.memref_slice %arg4[%add3A_31, %dma_wait3A_32, %dma_wait3A_33] : memref<4096x25x512xf32, #tpu.memory_space<hbm>> -> memref<1x25x512xf32, #tpu.memory_space<hbm>>
    %dma_wait3A_35 = tpu.memref_squeeze %dma_wait3A_34 : memref<1x25x512xf32, #tpu.memory_space<hbm>> -> memref<25x512xf32, #tpu.memory_space<hbm>>
    %dma_wait3A_36 = arith.constant 0 : i32
    %dma_wait3A_37 = arith.constant 0 : i32
    %dma_wait3A_38 = tpu.memref_slice %arg4[%add3A_31, %dma_wait3A_36, %dma_wait3A_37] : memref<4096x25x512xf32, #tpu.memory_space<hbm>> -> memref<1x25x512xf32, #tpu.memory_space<hbm>>
    %dma_wait3A_39 = tpu.memref_squeeze %dma_wait3A_38 : memref<1x25x512xf32, #tpu.memory_space<hbm>> -> memref<25x512xf32, #tpu.memory_space<hbm>>
    tpu.wait_dma2 semaphore(%arg14 : memref<!tpu.dma_semaphore, #tpu.memory_space<semaphore_mem>>) src(%arg10 : memref<25x512xf32, #tpu.memory_space<vmem>>) dst(%dma_wait3A_39 : memref<25x512xf32, #tpu.memory_space<hbm>>)
    %add3A_40 = arith.constant 1 : i32
    %add3A_41 = arith.addi %sub3A_16, %add3A_40 : i32
    %dma_wait3A_42 = arith.constant 0 : i32
    %dma_wait3A_43 = tpu.memref_slice %arg5[%add3A_41, %dma_wait3A_42] : memref<4096x512xf32, #tpu.memory_space<hbm>> -> memref<1x512xf32, #tpu.memory_space<hbm>>
    %dma_wait3A_44 = tpu.memref_squeeze %dma_wait3A_43 : memref<1x512xf32, #tpu.memory_space<hbm>> -> memref<512xf32, #tpu.memory_space<hbm>>
    %dma_wait3A_45 = arith.constant 0 : i32
    %dma_wait3A_46 = tpu.memref_slice %arg5[%add3A_41, %dma_wait3A_45] : memref<4096x512xf32, #tpu.memory_space<hbm>> -> memref<1x512xf32, #tpu.memory_space<hbm>>
    %dma_wait3A_47 = tpu.memref_squeeze %dma_wait3A_46 : memref<1x512xf32, #tpu.memory_space<hbm>> -> memref<512xf32, #tpu.memory_space<hbm>>
    tpu.wait_dma2 semaphore(%arg14 : memref<!tpu.dma_semaphore, #tpu.memory_space<semaphore_mem>>) src(%arg12 : memref<512xf32, #tpu.memory_space<vmem>>) dst(%dma_wait3A_47 : memref<512xf32, #tpu.memory_space<hbm>>)
    return
  }
}

module attributes {stable_mosaic.version = 14 : i64} {
  func.func @_tc_loss_body(%arg0: memref<4096x512xf32, #tpu.memory_space<vmem>>, %arg1: memref<4096x768xf32, #tpu.memory_space<vmem>>, %arg2: memref<512x768xf32, #tpu.memory_space<vmem>>, %arg3: memref<768xf32, #tpu.memory_space<vmem>>, %arg4: memref<768x768xf32, #tpu.memory_space<vmem>>, %arg5: memref<768xf32, #tpu.memory_space<vmem>>, %arg6: memref<1x1xf32, #tpu.memory_space<vmem>>) attributes {dimension_semantics = [], scalar_prefetch = 0 : i64, scratch_operands = 0 : i64, tpu.core_type = #tpu.core_type<tc>} {
    %get3A = arith.constant 0 : index
    %get3A_0 = arith.constant 0 : index
    %get3A_1 = vector.load %arg0[%get3A, %get3A_0] : memref<4096x512xf32, #tpu.memory_space<vmem>>, vector<4096x512xf32>
    %get3A_2 = arith.constant 0 : index
    %get3A_3 = arith.constant 0 : index
    %get3A_4 = vector.load %arg2[%get3A_2, %get3A_3] : memref<512x768xf32, #tpu.memory_space<vmem>>, vector<512x768xf32>
    %dot_general3A = arith.constant dense<0.000000e+00> : vector<4096x768xf32>
    %dot_general3A_5 = tpu.matmul %get3A_1, %get3A_4, %dot_general3A {dimension_numbers = #tpu.dot_dimension_numbers<[1], [0], [0], [1], [0, 0, 1, 1], [], []>, transpose_lhs_hint = false} : vector<4096x512xf32>, vector<512x768xf32>, vector<4096x768xf32> -> vector<4096x768xf32>
    %get3A_6 = arith.constant 0 : index
    %get3A_7 = vector.load %arg3[%get3A_6] : memref<768xf32, #tpu.memory_space<vmem>>, vector<768xf32>
    %broadcast_in_dim3A = vector.shape_cast %get3A_7 : vector<768xf32> to vector<1x768xf32>
    %add3A = vector.broadcast %broadcast_in_dim3A : vector<1x768xf32> to vector<4096x768xf32>
    %add3A_8 = arith.addf %dot_general3A_5, %add3A : vector<4096x768xf32>
    %max3A = arith.constant 0.000000e+00 : f32
    %max3A_9 = vector.broadcast %max3A : f32 to vector<4096x768xf32>
    %max3A_10 = arith.maximumf %add3A_8, %max3A_9 : vector<4096x768xf32>
    %reduce_sum3A = arith.constant dense<0.000000e+00> : vector<768xf32>
    %reduce_sum3A_11 = vector.multi_reduction <add>, %max3A_10, %reduce_sum3A [0] : vector<4096x768xf32> to vector<768xf32>
    %broadcast_in_dim3A_12 = vector.shape_cast %reduce_sum3A_11 : vector<768xf32> to vector<1x768xf32>
    %div3A = arith.constant 4.096000e+03 : f32
    %div3A_13 = vector.broadcast %div3A : f32 to vector<1x768xf32>
    %div3A_14 = arith.divf %broadcast_in_dim3A_12, %div3A_13 : vector<1x768xf32>
    %get3A_15 = arith.constant 0 : index
    %get3A_16 = arith.constant 0 : index
    %get3A_17 = vector.load %arg4[%get3A_15, %get3A_16] : memref<768x768xf32, #tpu.memory_space<vmem>>, vector<768x768xf32>
    %dot_general3A_18 = arith.constant dense<0.000000e+00> : vector<1x768xf32>
    %dot_general3A_19 = tpu.matmul %div3A_14, %get3A_17, %dot_general3A_18 {dimension_numbers = #tpu.dot_dimension_numbers<[1], [0], [0], [1], [0, 0, 1, 1], [], []>, transpose_lhs_hint = false} : vector<1x768xf32>, vector<768x768xf32>, vector<1x768xf32> -> vector<1x768xf32>
    %get3A_20 = arith.constant 0 : index
    %get3A_21 = vector.load %arg5[%get3A_20] : memref<768xf32, #tpu.memory_space<vmem>>, vector<768xf32>
    %broadcast_in_dim3A_22 = vector.shape_cast %get3A_21 : vector<768xf32> to vector<1x768xf32>
    %add3A_23 = arith.addf %dot_general3A_19, %broadcast_in_dim3A_22 : vector<1x768xf32>
    %get3A_24 = arith.constant 0 : index
    %get3A_25 = arith.constant 0 : index
    %get3A_26 = vector.load %arg1[%get3A_24, %get3A_25] : memref<4096x768xf32, #tpu.memory_space<vmem>>, vector<4096x768xf32>
    %reduce_sum3A_27 = arith.constant dense<0.000000e+00> : vector<768xf32>
    %reduce_sum3A_28 = vector.multi_reduction <add>, %get3A_26, %reduce_sum3A_27 [0] : vector<4096x768xf32> to vector<768xf32>
    %broadcast_in_dim3A_29 = vector.shape_cast %reduce_sum3A_28 : vector<768xf32> to vector<1x768xf32>
    %div3A_30 = arith.constant 4.096000e+03 : f32
    %div3A_31 = vector.broadcast %div3A_30 : f32 to vector<1x768xf32>
    %div3A_32 = arith.divf %broadcast_in_dim3A_29, %div3A_31 : vector<1x768xf32>
    %sub3A = arith.subf %add3A_23, %div3A_32 : vector<1x768xf32>
    %mul3A = arith.mulf %sub3A, %sub3A : vector<1x768xf32>
    %reduce_sum3A_33 = vector.shape_cast %mul3A : vector<1x768xf32> to vector<1x1x768xf32>
    %reduce_sum3A_34 = arith.constant dense<0.000000e+00> : vector<1xf32>
    %reduce_sum3A_35 = vector.multi_reduction <add>, %reduce_sum3A_33, %reduce_sum3A_34 [1, 2] : vector<1x1x768xf32> to vector<1xf32>
    %reduce_sum3A_36 = vector.shape_cast %reduce_sum3A_35 : vector<1xf32> to vector<1x1x1xf32>
    %reduce_sum3A_37 = vector.extract %reduce_sum3A_36[0, 0, 0] : f32 from vector<1x1x1xf32>
    %div3A_38 = arith.constant 7.680000e+02 : f32
    %div3A_39 = arith.divf %reduce_sum3A_37, %div3A_38 : f32
    %reshape3A = vector.broadcast %div3A_39 : f32 to vector<1x1xf32>
    %swap3A = arith.constant 0 : index
    %swap3A_40 = arith.constant 0 : index
    %swap3A_41 = vector.load %arg6[%swap3A, %swap3A_40] : memref<1x1xf32, #tpu.memory_space<vmem>>, vector<1x1xf32>
    tpu.vector_store %arg6[%swap3A, %swap3A_40], %reshape3A {strides = array<i32>} : memref<1x1xf32, #tpu.memory_space<vmem>>, vector<1x1xf32>,
    return
  }
}

</mosaic_0001>

<sc_bundles>
// kernel: kernel.4.cloned.1.call-start
scs
__scs_entry_jumppad:
0x0: {  	(pc) =	sbr.rel $0x88, $3  }
0x1: {  	(tag) =	ssettag $0x0;
	lr =	simm.s32 $0x1  }
0x2: {  	[smem:$0x3F9A] =	sst lr;
	_ =	strace $0xD0000000  }
0x3: {  	_ = 	snop  }
0x4: {  	_ = 	snop  }
0x5: {  	_ = 	snop  }
0x6: {  	_ = 	snop  }
0x7: {  	_ = 	snop  }
__scs_overlays_trampoline_lowered:
0x8: {  	[smem:$0x3FA9] =	sst s0  }
0x9: {  	[smem:$0x3FAA] =	sst s1  }
0xa: {  	[smem:$0x3FAB] =	sst s2  }
0xb: {  	[smem:$0x3FAC] =	sst s3  }
0xc: {  	[smem:$0x3FAD] =	sst s4  }
0xd: {  	[smem:$0x3FAE] =	sst s5  }
0xe: {  	[smem:$0x3FAF] =	sst s6  }
0xf: {  	[smem:$0x3FB0] =	sst s7  }
0x10: {  	[smem:$0x3FB1] =	sst s8  }
0x11: {  	[smem:$0x3FB2] =	sst s9;
	s0 =	simm.s32 @!p0 $0x0  }
0x12: {  	s1 =	sld [smem:$0x3F98];
	s0 =	simm.s32 @p0 $0x1  }
0x13: {  	[smem:$0x3FB3] =	sst s0;
	s0 =	simm.s32 @!p1 $0x0  }
0x14: {  	s2 =	sld [smem:$0x3F97];
	s0 =	simm.s32 @p1 $0x1  }
0x15: {  	[smem:$0x3FB4] =	sst s0;
	s0 =	simm.s32 @!p2 $0x0  }
0x16: {  	s3 =	sld [smem:$0x3FDB];
	s0 =	simm.s32 @p2 $0x1  }
0x17: {  	s4 =	simm.s32 $0x1BF5;
	[smem:$0x3FB6] =	sst s0  }
0x18: {  	s0 =	sld [smem:$0x3F99];
	_ =	swait.ge [sflag:s4], $0x0  }
0x19: {  	s7 =	sld [smem:$0x3F9A]  }
0x1a: {  	s8 =	sadd.s32 $0xFFFFE003, lr  }
0x1b: {  	s9 =	sadd.s32 $0xFFFFFEF7, lr;
	s5 =	simm.s32 $0xFFFFFFFF;
	p2 =	slt.u32 s8, $0xFFFFF086  }
0x1c: {  	p1 =	slt.u32 s9, $0xF7A;
	s5 =	simm.s32 @!p2 $0x0  }
0x1d: {  	s5 =	simm.s32 @p1 $0x1;
	p0 =	seq.s32 s7, s2  }
0x1e: {  	s7 =	smul.u32 @!p0 $0xF7A, s2;
	p2 =	seq.s32 @!p0 s5, $0x0  }
0x1f: {  	s9 =	smul.u32 $0xF7A, s1;
	s8 =	simm.s32 @!p0 $0x1BF5;
	p2 =	por !p2, p0  }
0x20: {  	[sflag:s8] =	ssyncset.s32 @!p0 $0xFFFFF086;
	s6 =	sadd.s32 @!p0 s3, s7;
	s7 =	simm.s32 @!p0 $0x108  }
0x21: {  	s3 =	sadd.s32 s3, s9;
	s6 =	sadd.s32 @!p0 $0x88, s6;
	s7 =	simm.s32 @p2 $0x1082  }
0x22: {  	[simem:s7], [sflag:s8] =	dma.local @!p0 [hbm:s6], $0xF7A  }
0x23: {  	s9 =	sor.u32 $0xD0000000, s2;
	s6 =	simm.s32 $0x108;
	_ =	swait.ge @!p0 [sflag:s8], $0x0  }
0x24: {  	s3 =	sadd.s32 $0x88, s3;
	s6 =	simm.s32 @!p1 $0x1082;
	[sflag:s4] =	ssyncset.s32 $0xFFFFF086  }
0x25: {  	[simem:s6], [sflag:s4] =	dma.local [hbm:s3], $0xF7A  }
0x26: {  	[smem:$0x3F9A] =	sst s1;
	(tag) =	ssettag s2;
	_ =	strace s9  }
0x27: {  	s1 =	sld [smem:$0x3FAA]  }
0x28: {  	s2 =	sld [smem:$0x3FAB]  }
0x29: {  	s4 =	sld [smem:$0x3FAD]  }
0x2a: {  	p0 =	seq.s32 s5, $0x0;
	s5 =	sld [smem:$0x3FAE]  }
0x2b: {  	s6 =	sld [smem:$0x3FAF]  }
0x2c: {  	s7 =	sld [smem:$0x3FB0]  }
0x2d: {  	s3 =	simm.s32 $0x108;
	s8 =	sld [smem:$0x3FB1]  }
0x2e: {  	s3 =	simm.s32 @!p0 $0x1082;
	s9 =	sld [smem:$0x3FB2]  }
0x2f: {  	lr =	sadd.s32 s0, s3;
	s0 =	sld [smem:$0x3FA9]  }
0x30: {  	s3 =	sld [smem:$0x3FAC]  }
0x31: {  	[smem:$0x3FB5] =	sst s10  }
0x32: {  	s10 =	sld [smem:$0x3FB3];
	_ =	sdelay $0x3  }
0x33: {  	p0 =	seq.s32 s10, $0x1;
	s10 =	sld [smem:$0x3FB5];
	_ =	sdelay $0x3  }
0x34: {  	[smem:$0x3FB5] =	sst s10  }
0x35: {  	s10 =	sld [smem:$0x3FB4];
	_ =	sdelay $0x3  }
0x36: {  	p1 =	seq.s32 s10, $0x1;
	s10 =	sld [smem:$0x3FB5];
	_ =	sdelay $0x3  }
0x37: {  	[smem:$0x3FB5] =	sst s10  }
0x38: {  	s10 =	sld [smem:$0x3FB6]  }
0x39: {  	_ = 	snop;
	(pc) =	sbr.ind lr, $3  }
0x3a: {  	_ = 	snop  }
0x3b: {  	_ = 	snop  }
0x3c: {  	p2 =	seq.s32 s10, $0x1;
	s10 =	sld [smem:$0x3FB5]  }
0x3d: {  	_ =	shalt  }
0x3e: {  	_ =	shalt  }
0x3f: {  	_ =	shalt  }
0x40: {  	_ =	shalt  }
0x41: {  	_ =	shalt  }
0x42: {  	_ =	shalt  }
0x43: {  	_ =	shalt  }
0x44: {  	_ =	shalt  }
0x45: {  	_ =	shalt  }
0x46: {  	_ =	shalt  }
0x47: {  	_ =	shalt  }
0x48: {  	_ =	shalt  }
0x49: {  	_ =	shalt  }
0x4a: {  	_ =	shalt  }
0x4b: {  	_ =	shalt  }
0x4c: {  	_ =	shalt  }
0x4d: {  	_ =	shalt  }
0x4e: {  	_ =	shalt  }
0x4f: {  	_ =	shalt  }
0x50: {  	_ =	shalt  }
0x51: {  	_ =	shalt  }
0x52: {  	_ =	shalt  }
0x53: {  	_ =	shalt  }
0x54: {  	_ =	shalt  }
0x55: {  	_ =	shalt  }
0x56: {  	_ =	shalt  }
0x57: {  	_ =	shalt  }
0x58: {  	_ =	shalt  }
0x59: {  	_ =	shalt  }
0x5a: {  	_ =	shalt  }
0x5b: {  	_ =	shalt  }
0x5c: {  	_ =	shalt  }
0x5d: {  	_ =	shalt  }
0x5e: {  	_ =	shalt  }
0x5f: {  	_ =	shalt  }
0x60: {  	_ =	shalt  }
0x61: {  	_ =	shalt  }
0x62: {  	_ =	shalt  }
0x63: {  	_ =	shalt  }
0x64: {  	_ =	shalt  }
0x65: {  	_ =	shalt  }
0x66: {  	_ =	shalt  }
0x67: {  	_ =	shalt  }
0x68: {  	_ =	shalt  }
0x69: {  	_ =	shalt  }
0x6a: {  	_ =	shalt  }
0x6b: {  	_ =	shalt  }
0x6c: {  	_ =	shalt  }
0x6d: {  	_ =	shalt  }
0x6e: {  	_ =	shalt  }
0x6f: {  	_ =	shalt  }
0x70: {  	_ =	shalt  }
0x71: {  	_ =	shalt  }
0x72: {  	_ =	shalt  }
0x73: {  	_ =	shalt  }
0x74: {  	_ =	shalt  }
0x75: {  	_ =	shalt  }
0x76: {  	_ =	shalt  }
0x77: {  	_ =	shalt  }
0x78: {  	_ =	shalt  }
0x79: {  	_ =	shalt  }
0x7a: {  	_ =	shalt  }
0x7b: {  	_ =	shalt  }
0x7c: {  	_ =	shalt  }
0x7d: {  	_ =	shalt  }
0x7e: {  	_ =	shalt  }
0x7f: {  	_ =	shalt  }
0x80: {  	_ =	shalt  }
0x81: {  	_ =	shalt  }
0x82: {  	_ =	shalt  }
0x83: {  	_ =	shalt  }
0x84: {  	_ =	shalt  }
0x85: {  	_ =	shalt  }
0x86: {  	_ =	shalt  }
0x87: {  	_ =	shalt  }
.Lfunc_end0:
.L_simem_size_0:
called_computation_lowered:
.L_overlay_start_0:
0x88: {  	s2 =	sld [smem:$0x3FD9]  }
0x89: {  	s3 =	sld [smem:$0x3FFE];
	_ =	sdelay $0x1  }
0x8a: {  	s1 =	srdreg.scid  }
0x8b: {  	s0 =	sand.u32 $0x1, s1  }
0x8c: {  	s14 =	sshll.u32 s0, $0xA;
	s2 =	sadd.s32 s3, s2  }
0x8d: {  	s2 =	sadd.s32 s2, s14  }
0x8e: {  	[smem:$0x3FC1] =	sst s2  }
0x8f: {  	_ = 	snop  }
0x90: {  	s2 =	sld [smem:$0x3FD0];
	_ =	sdelay $0x2  }
0x91: {  	s4 =	simm.s32 $0xA;
	s5 =	simm.s32 $0x10;
	s15 =	sld [smem:$0x3FC7]  }
0x92: {  	[smem:s5], [sflag:s4] =	dma.local [hbm:s2], $0x1  }
0x93: {  	_ =	swait.eq [sflag:s4], $0x1  }
0x94: {  	[sflag:s4] =	ssyncset.done $0x0  }
0x95: {  	[sflag:s4] =	ssyncadd.s32 $0xFFFFFFFF  }
0x96: {  	s16 =	sld [smem:$0x10];
	(tm) =	ssettm $0x1  }
0x97: {  	s17 =	sld [smem:$0x3FFB];
	_ =	sdelay $0x3  }
0x98: {  	_ =	strace s17  }
0x99: {  	s4 =	sld [smem:$0x3FFC];
	_ =	sdelay $0x3  }
0x9a: {  	_ =	strace s4  }
0x9b: {  	s4 =	sld [smem:$0x3FFD];
	_ =	sdelay $0x3  }
0x9c: {  	_ =	strace s4  }
0x9d: {  	_ =	strace $0x8FFFFFFF  }
0x9e: {  	s18 =	sld [smem:$0x3FDB];
	_ =	sdelay $0x1  }
0x9f: {  	s19 =	simm.s32 $_scs_section_size  }
0xa0: {  	s6 =	simm.s32 $_size__tile_overlayer_lowered;
	s7 =	simm.s32 $_tile_overlayer_lowered  }
0xa1: {  	s22 =	simm.s32 $0x1BFF;
	s21 =	sshll.u32 s7, $0x1;
	s4 =	sadd.s32 s19, s18  }
0xa2: {  	s8 =	simm.s32 $0x0;
	s20 =	sshll.u32 s6, $0x1;
	s6 =	sadd.s32 s21, s4  }
0xa3: {  	[timem:s8], [sflag:s22] =	dma.local [hbm:s6], s20  }
0xa4: {  	_ =	swait.ge [sflag:s22], s20  }
0xa5: {  	s5 =	ssub.s32 $0x0, s20;
	[sflag:s22] =	ssyncset.done $0x0  }
0xa6: {  	[sflag:s22] =	ssyncadd.s32 s5;
	_ =	sdelay $0x1  }
0xa7: {  	s23 =	simm.s32 $0x1B8B  }
0xa8: {  	_ =	swait.ge [sflag:s23], $0x1  }
0xa9: {  	[sflag:s23] =	ssyncset.done $0x0  }
0xaa: {  	s25 =	simm.s32 $0x1B8E;
	s24 =	sld [smem:$0x3FFE];
	[sflag:s23] =	ssyncadd.s32 $0xFFFFFFFF  }
0xab: {  	s26 =	simm.s32 $execute0_lowered;
	[smem:$0x3FD2] =	sst s25  }
0xac: {  	s6 =	sshll.u32 s26, $0x1;
	_ =	strace $0x80000046;
	[dreg:$0x1] =	wrdreg $0xFFFFFFFF  }
0xad: {  	s28 =	simm.s32 $_size_execute0_lowered;
	s4 =	sadd.s32 s4, s6;
	[dreg:$0x0] =	wrdreg $0x0  }
0xae: {  	s6 =	sshll.u32 s28, $0x1;
	[dreg:$0x2] =	wrdreg s4  }
0xaf: {  	[dreg:$0x3] =	wrdreg s6  }
0xb0: {  	[dreg:$0x4] =	wrdreg $0xC0  }
0xb1: {  	_ =	task [dreg:s8], $0x5FFFF  }
0xb2: {  	[dreg:$0x1] =	wrdreg $0xFFFFFFFF  }
0xb3: {  	[dreg:$0x0] =	wrdreg $0x60  }
0xb4: {  	[dreg:$0x2] =	wrdreg s16  }
0xb5: {  	[dreg:$0x3] =	wrdreg s15  }
0xb6: {  	[dreg:$0x4] =	wrdreg s24  }
0xb7: {  	[dreg:$0x5] =	wrdreg $0x9  }
0xb8: {  	_ =	task.clear_ibuf [dreg:s8], $0x6FFFF;
	_ =	strace $0x90000046  }
0xb9: {  	s29 =	simm.s32 $0x9;
	_ =	strace $0x80000048  }
0xba: {  	_ =	swait.ge [sflag:s29], $0x1  }
0xbb: {  	[sflag:s29] =	ssyncadd.s32 $0xFFFFFFFF  }
0xbc: {  	_ =	strace $0x90000048  }
0xbd: {  	_ =	sfence  }
0xbe: {  	s30 =	sld [smem:$0x0];
	_ =	sdelay $0x2  }
0xbf: {  	s31 =	sshll.u32 s1, $0xD;
	s1 =	sshrl.u32 s1, $0x2  }
0xc0: {  	s3 =	sand.u32 $0x4000, s31;
	s1 =	sadd.s32 s1, s30  }
0xc1: {  	s0 =	sor.u32 s3, s0;
	s1 =	sshll.u32 s1, $0x11  }
0xc2: {  	s0 =	sor.u32 s1, s0  }
0xc3: {  	s0 =	sadd.s32 $0x8F2B, s0  }
0xc4: {  	[sflag:s0] =	ssyncadd.remote.s32 $0x1  }
0xc5: {  	_ =	sfence.sel $0xFFFF  }
0xc6: {  	[dreg:$0x0] =	wrdreg $0xFFFFFFFF;
	(pc) =	sbr.abs _section_cstart, $3  }
0xc7: {  	[dreg:$0x1] =	wrdreg $0xFFFFFFFF  }
0xc8: {  	_ =	task.clear_ibuf [dreg:s8], $0x2FFFF;
	_ =	strace $0x9FFFFFFF  }
0xc9: {  	(tm) =	ssettm $0x7FFFFFFF  }
tec
execute0_lowered:
.L_overlay_start_1:
0x0: {  	(tag) =	ssettag $0x1  }
0x1: {  	s0 =	rddreg [dreg:$0x0]  }
0x2: {  	s6 =	rddreg [dreg:$0x1]  }
0x3: {  	s1 =	rddreg [dreg:$0x2];
	s3 =	simm.s32 $0x0;
	s2 =	srdreg.scid  }
0x4: {  	s4 =	stileid.u32;
	[smem:$0x7FF] =	sst s3  }
0x5: {  	s2 =	sand.u32 $0x1, s2;
	s4 =	sshll.u32 s4, $0x8;
	s28 =	sadd.s32 $0x1200, s1  }
0x6: {  	s1 =	sadd.s32 $0x801200, s1;
	s26 =	ssub.s32 $0x2, s2;
	s2 =	sshll.u32 s2, $0x7  }
0x7: {  	_ =	strace $0x80000047;
	[smem:$0x7F9] =	sst s28;
	s4 =	sor.u32 s2, s4  }
0x8: {  	[smem:$0x7FB] =	sst s1;
	s5 =	sshrl.u32 s26, $0x1;
	s30 =	sshll.u32 s4, $0x4  }
0x9: {  	s29 =	ssub.s32 s26, s5;
	[smem:$0x7FA] =	sst s4;
	s0 =	sadd.s32 s0, s30  }
0xa: {  	s2 =	simm.s32 $0x0;
	s31 =	smax.u32 s29, $0x1;
	[smem:$0x7FC] =	sst s0  }
0xb: {  	s4 =	simm.s32 $0x10000;
	s5 =	simm.s32 $0x3;
	[smem:$0x7FD] =	sst s31  }
.LBB2_1:
0xc: {  	[smem:$0x7F8] =	sst s2;
	s21 =	simm.s32 $0x0  }
.LBB2_2:
0xd: {  	s0 =	sshll.u32 s21, $0xA  }
0xe: {  	s22 =	simm.s32 $0x0;
	s0 =	sadd.s32 s6, s0  }
0xf: {  	[tilespmem:s4], [sflag:$0x3] =	stream.linear.gather [hbm4b:s0+s22], $0x2000, $0x38;
	[tilespmem:$0x1E400] =	vst v63  }
0x10: {  	_ =	swait.ge [sflag:s5], $0x2000  }
0x11: {  	s30 =	sand.u32 $0x1000, s22;
	s1 =	sand.u32 $0x380, s22;
	[sflag:s5] =	ssyncset.done $0x0  }
0x12: {  	s0 =	sor.u32 s1, s30;
	[sflag:s5] =	ssyncadd.s32 $0xFFFFE000  }
0x13: {  	v0 =	vld [tilespmem:s0+$0x10010]  }
0x14: {  	v1 =	vld [tilespmem:s0+$0x10000];
	_ =	sdelay $0x4  }
0x15: {  	v0 =	vmul.f32 $5.000000000e-01, v0;
	v1 =	vmul.f32 $5.000000000e-01, v1  }
0x16: {  	s2 =	sshll.u32 s21, $0xC  }
0x17: {  	s23 =	sand.u32 $0x3FFFF000, s2;
	s31 =	sand.u32 $0x800, s22;
	v0 =	vadd.s32 $0x8000, v0;
	v1 =	vadd.s32 $0x8000, v1  }
0x18: {  	s2 =	sadd.s32 s31, s23;
	v0 =	vand.u32 $0xFFFF0000, v0;
	v1 =	vshrl.u32 v1, $0x10  }
0x19: {  	s24 =	sadd.s32 s1, s2;
	v0 =	vor.u32 v1, v0  }
0x1a: {  	[tilespmem:s24+$0x0] =	vst v0  }
0x1b: {  	v0 =	vld [tilespmem:s0+$0x10020]  }
0x1c: {  	v1 =	vld [tilespmem:s0+$0x10030];
	_ =	sdelay $0x4  }
0x1d: {  	v0 =	vmul.f32 $5.000000000e-01, v0;
	v1 =	vmul.f32 $5.000000000e-01, v1;
	_ =	sdelay $0x1  }
0x1e: {  	v0 =	vadd.s32 $0x8000, v0;
	v1 =	vadd.s32 $0x8000, v1  }
0x1f: {  	v0 =	vshrl.u32 v0, $0x10;
	v1 =	vand.u32 $0xFFFF0000, v1  }
0x20: {  	v0 =	vor.u32 v0, v1  }
0x21: {  	[tilespmem:s24+$0x10] =	vst v0  }
0x22: {  	v0 =	vld [tilespmem:s0+$0x10040]  }
0x23: {  	v1 =	vld [tilespmem:s0+$0x10050];
	_ =	sdelay $0x4  }
0x24: {  	v0 =	vmul.f32 $5.000000000e-01, v0;
	v1 =	vmul.f32 $5.000000000e-01, v1;
	_ =	sdelay $0x1  }
0x25: {  	v0 =	vadd.s32 $0x8000, v0;
	v1 =	vadd.s32 $0x8000, v1  }
0x26: {  	v0 =	vshrl.u32 v0, $0x10;
	v1 =	vand.u32 $0xFFFF0000, v1  }
0x27: {  	v0 =	vor.u32 v0, v1  }
0x28: {  	[tilespmem:s24+$0x20] =	vst v0  }
0x29: {  	v0 =	vld [tilespmem:s0+$0x10060]  }
0x2a: {  	v1 =	vld [tilespmem:s0+$0x10070];
	_ =	sdelay $0x4  }
0x2b: {  	v0 =	vmul.f32 $5.000000000e-01, v0;
	v1 =	vmul.f32 $5.000000000e-01, v1;
	_ =	sdelay $0x1  }
0x2c: {  	v0 =	vadd.s32 $0x8000, v0;
	v1 =	vadd.s32 $0x8000, v1  }
0x2d: {  	v0 =	vshrl.u32 v0, $0x10;
	v1 =	vand.u32 $0xFFFF0000, v1  }
0x2e: {  	v0 =	vor.u32 v0, v1  }
0x2f: {  	[tilespmem:s24+$0x30] =	vst v0  }
0x30: {  	v0 =	vld [tilespmem:s0+$0x10400]  }
0x31: {  	v1 =	vld [tilespmem:s0+$0x10410];
	_ =	sdelay $0x4  }
0x32: {  	v0 =	vmul.f32 $5.000000000e-01, v0;
	v1 =	vmul.f32 $5.000000000e-01, v1;
	_ =	sdelay $0x1  }
0x33: {  	v0 =	vadd.s32 $0x8000, v0;
	v1 =	vadd.s32 $0x8000, v1  }
0x34: {  	v0 =	vshrl.u32 v0, $0x10;
	v1 =	vand.u32 $0xFFFF0000, v1  }
0x35: {  	v0 =	vor.u32 v0, v1  }
0x36: {  	[tilespmem:s24+$0x40] =	vst v0  }
0x37: {  	v0 =	vld [tilespmem:s0+$0x10420]  }
0x38: {  	v1 =	vld [tilespmem:s0+$0x10430];
	_ =	sdelay $0x4  }
0x39: {  	v0 =	vmul.f32 $5.000000000e-01, v0;
	v1 =	vmul.f32 $5.000000000e-01, v1;
	_ =	sdelay $0x1  }
0x3a: {  	v0 =	vadd.s32 $0x8000, v0;
	v1 =	vadd.s32 $0x8000, v1  }
0x3b: {  	v0 =	vshrl.u32 v0, $0x10;
	v1 =	vand.u32 $0xFFFF0000, v1  }
0x3c: {  	v0 =	vor.u32 v0, v1  }
0x3d: {  	[tilespmem:s24+$0x50] =	vst v0  }
0x3e: {  	v0 =	vld [tilespmem:s0+$0x10440]  }
0x3f: {  	v1 =	vld [tilespmem:s0+$0x10450];
	_ =	sdelay $0x4  }
0x40: {  	v0 =	vmul.f32 $5.000000000e-01, v0;
	v1 =	vmul.f32 $5.000000000e-01, v1;
	_ =	sdelay $0x1  }
0x41: {  	v0 =	vadd.s32 $0x8000, v0;
	v1 =	vadd.s32 $0x8000, v1  }
0x42: {  	v0 =	vshrl.u32 v0, $0x10;
	v1 =	vand.u32 $0xFFFF0000, v1  }
0x43: {  	v0 =	vor.u32 v0, v1  }
0x44: {  	[tilespmem:s24+$0x60] =	vst v0  }
0x45: {  	v0 =	vld [tilespmem:s0+$0x10460]  }
0x46: {  	v1 =	vld [tilespmem:s0+$0x10470];
	_ =	sdelay $0x4  }
0x47: {  	v0 =	vmul.f32 $5.000000000e-01, v0;
	v1 =	vmul.f32 $5.000000000e-01, v1;
	_ =	sdelay $0x1  }
0x48: {  	v0 =	vadd.s32 $0x8000, v0;
	v1 =	vadd.s32 $0x8000, v1  }
0x49: {  	v0 =	vshrl.u32 v0, $0x10;
	v1 =	vand.u32 $0xFFFF0000, v1  }
0x4a: {  	v0 =	vor.u32 v0, v1  }
0x4b: {  	[tilespmem:s24+$0x70] =	vst v0  }
0x4c: {  	v0 =	vld [tilespmem:s0+$0x10800]  }
0x4d: {  	v1 =	vld [tilespmem:s0+$0x10810];
	_ =	sdelay $0x4  }
0x4e: {  	v0 =	vmul.f32 $5.000000000e-01, v0;
	v1 =	vmul.f32 $5.000000000e-01, v1;
	_ =	sdelay $0x1  }
0x4f: {  	v0 =	vadd.s32 $0x8000, v0;
	v1 =	vadd.s32 $0x8000, v1  }
0x50: {  	v0 =	vshrl.u32 v0, $0x10;
	v1 =	vand.u32 $0xFFFF0000, v1  }
0x51: {  	v0 =	vor.u32 v0, v1  }
0x52: {  	[tilespmem:s24+$0x400] =	vst v0  }
0x53: {  	v0 =	vld [tilespmem:s0+$0x10820]  }
0x54: {  	v1 =	vld [tilespmem:s0+$0x10830];
	_ =	sdelay $0x4  }
0x55: {  	v0 =	vmul.f32 $5.000000000e-01, v0;
	v1 =	vmul.f32 $5.000000000e-01, v1;
	_ =	sdelay $0x1  }
0x56: {  	v0 =	vadd.s32 $0x8000, v0;
	v1 =	vadd.s32 $0x8000, v1  }
0x57: {  	v0 =	vshrl.u32 v0, $0x10;
	v1 =	vand.u32 $0xFFFF0000, v1  }
0x58: {  	v0 =	vor.u32 v0, v1  }
0x59: {  	[tilespmem:s24+$0x410] =	vst v0  }
0x5a: {  	v0 =	vld [tilespmem:s0+$0x10840]  }
0x5b: {  	v1 =	vld [tilespmem:s0+$0x10850];
	_ =	sdelay $0x4  }
0x5c: {  	v0 =	vmul.f32 $5.000000000e-01, v0;
	v1 =	vmul.f32 $5.000000000e-01, v1;
	_ =	sdelay $0x1  }
0x5d: {  	v0 =	vadd.s32 $0x8000, v0;
	v1 =	vadd.s32 $0x8000, v1  }
0x5e: {  	v0 =	vshrl.u32 v0, $0x10;
	v1 =	vand.u32 $0xFFFF0000, v1  }
0x5f: {  	v0 =	vor.u32 v0, v1  }
0x60: {  	[tilespmem:s24+$0x420] =	vst v0  }
0x61: {  	v0 =	vld [tilespmem:s0+$0x10860]  }
0x62: {  	v1 =	vld [tilespmem:s0+$0x10870];
	_ =	sdelay $0x4  }
0x63: {  	v0 =	vmul.f32 $5.000000000e-01, v0;
	v1 =	vmul.f32 $5.000000000e-01, v1;
	_ =	sdelay $0x1  }
0x64: {  	v0 =	vadd.s32 $0x8000, v0;
	v1 =	vadd.s32 $0x8000, v1  }
0x65: {  	v0 =	vshrl.u32 v0, $0x10;
	v1 =	vand.u32 $0xFFFF0000, v1  }
0x66: {  	v0 =	vor.u32 v0, v1  }
0x67: {  	[tilespmem:s24+$0x430] =	vst v0  }
0x68: {  	v0 =	vld [tilespmem:s0+$0x10C00]  }
0x69: {  	v1 =	vld [tilespmem:s0+$0x10C10];
	_ =	sdelay $0x4  }
0x6a: {  	v0 =	vmul.f32 $5.000000000e-01, v0;
	v1 =	vmul.f32 $5.000000000e-01, v1;
	_ =	sdelay $0x1  }
0x6b: {  	v0 =	vadd.s32 $0x8000, v0;
	v1 =	vadd.s32 $0x8000, v1  }
0x6c: {  	v0 =	vshrl.u32 v0, $0x10;
	v1 =	vand.u32 $0xFFFF0000, v1  }
0x6d: {  	v0 =	vor.u32 v0, v1  }
0x6e: {  	[tilespmem:s24+$0x440] =	vst v0  }
0x6f: {  	v0 =	vld [tilespmem:s0+$0x10C20]  }
0x70: {  	v1 =	vld [tilespmem:s0+$0x10C30];
	_ =	sdelay $0x4  }
0x71: {  	v0 =	vmul.f32 $5.000000000e-01, v0;
	v1 =	vmul.f32 $5.000000000e-01, v1;
	_ =	sdelay $0x1  }
0x72: {  	v0 =	vadd.s32 $0x8000, v0;
	v1 =	vadd.s32 $0x8000, v1  }
0x73: {  	v0 =	vshrl.u32 v0, $0x10;
	v1 =	vand.u32 $0xFFFF0000, v1  }
0x74: {  	v0 =	vor.u32 v0, v1  }
0x75: {  	[tilespmem:s24+$0x450] =	vst v0  }
0x76: {  	v0 =	vld [tilespmem:s0+$0x10C40]  }
0x77: {  	v2 =	vld [tilespmem:s0+$0x10C50];
	_ =	sdelay $0x3  }
0x78: {  	v1 =	vmul.f32 $5.000000000e-01, v0  }
0x79: {  	s11 =	simm.s32 $0x0;
	s2 =	simm.s32 $0x200;
	v0 =	vmul.f32 $5.000000000e-01, v2  }
.LBB2_3:
0x7a: {  	p0 =	sne.s32 s2, $0x1E00;
	v1 =	vadd.s32 $0x8000, v1;
	s22 =	sadd.s32 $0x100, s22;
	s11 =	sadd.s32 $0x80, s11  }
0x7b: {  	s1 =	smov.u32 s2;
	s2 =	sadd.s32 $0x200, s2;
	v1 =	vshrl.u32 v1, $0x10;
	v0 =	vadd.s32 $0x8000, v0  }
0x7c: {  	v0 =	vand.u32 $0xFFFF0000, v0  }
0x7d: {  	v0 =	vor.u32 v1, v0  }
0x7e: {  	[tilespmem:s24+$0x460] =	vst v0  }
0x7f: {  	v0 =	vld [tilespmem:s0+$0x10C60]  }
0x80: {  	v1 =	vld [tilespmem:s0+$0x10C70];
	_ =	sdelay $0x3  }
0x81: {  	v0 =	vmul.f32 $5.000000000e-01, v0  }
0x82: {  	v1 =	vmul.f32 $5.000000000e-01, v1  }
0x83: {  	v0 =	vadd.s32 $0x8000, v0  }
0x84: {  	v0 =	vshrl.u32 v0, $0x10;
	v1 =	vadd.s32 $0x8000, v1  }
0x85: {  	v1 =	vand.u32 $0xFFFF0000, v1  }
0x86: {  	s0 =	sand.u32 $0x1000, s1;
	s1 =	sand.u32 $0x380, s11;
	v0 =	vor.u32 v0, v1  }
0x87: {  	s0 =	sor.u32 s1, s0;
	[tilespmem:s24+$0x470] =	vst v0  }
0x88: {  	v0 =	vld [tilespmem:s0+$0x10010]  }
0x89: {  	v1 =	vld [tilespmem:s0+$0x10000];
	_ =	sdelay $0x3  }
0x8a: {  	v0 =	vmul.f32 $5.000000000e-01, v0  }
0x8b: {  	v1 =	vmul.f32 $5.000000000e-01, v1  }
0x8c: {  	s3 =	sand.u32 $0x800, s22;
	v0 =	vadd.s32 $0x8000, v0  }
0x8d: {  	s3 =	sadd.s32 s3, s23;
	v1 =	vadd.s32 $0x8000, v1;
	v0 =	vand.u32 $0xFFFF0000, v0  }
0x8e: {  	s24 =	sadd.s32 s1, s3;
	v1 =	vshrl.u32 v1, $0x10  }
0x8f: {  	v0 =	vor.u32 v1, v0  }
0x90: {  	[tilespmem:s24+$0x0] =	vst v0  }
0x91: {  	v0 =	vld [tilespmem:s0+$0x10020]  }
0x92: {  	v1 =	vld [tilespmem:s0+$0x10030];
	_ =	sdelay $0x3  }
0x93: {  	v0 =	vmul.f32 $5.000000000e-01, v0  }
0x94: {  	v1 =	vmul.f32 $5.000000000e-01, v1  }
0x95: {  	v0 =	vadd.s32 $0x8000, v0  }
0x96: {  	v0 =	vshrl.u32 v0, $0x10;
	v1 =	vadd.s32 $0x8000, v1  }
0x97: {  	v1 =	vand.u32 $0xFFFF0000, v1  }
0x98: {  	v0 =	vor.u32 v0, v1  }
0x99: {  	[tilespmem:s24+$0x10] =	vst v0  }
0x9a: {  	v0 =	vld [tilespmem:s0+$0x10040]  }
0x9b: {  	v1 =	vld [tilespmem:s0+$0x10050];
	_ =	sdelay $0x3  }
0x9c: {  	v0 =	vmul.f32 $5.000000000e-01, v0  }
0x9d: {  	v1 =	vmul.f32 $5.000000000e-01, v1  }
0x9e: {  	v0 =	vadd.s32 $0x8000, v0  }
0x9f: {  	v0 =	vshrl.u32 v0, $0x10;
	v1 =	vadd.s32 $0x8000, v1  }
0xa0: {  	v1 =	vand.u32 $0xFFFF0000, v1  }
0xa1: {  	v0 =	vor.u32 v0, v1  }
0xa2: {  	[tilespmem:s24+$0x20] =	vst v0  }
0xa3: {  	v0 =	vld [tilespmem:s0+$0x10060]  }
0xa4: {  	v1 =	vld [tilespmem:s0+$0x10070];
	_ =	sdelay $0x3  }
0xa5: {  	v0 =	vmul.f32 $5.000000000e-01, v0  }
0xa6: {  	v1 =	vmul.f32 $5.000000000e-01, v1  }
0xa7: {  	v0 =	vadd.s32 $0x8000, v0  }
0xa8: {  	v0 =	vshrl.u32 v0, $0x10;
	v1 =	vadd.s32 $0x8000, v1  }
0xa9: {  	v1 =	vand.u32 $0xFFFF0000, v1  }
0xaa: {  	v0 =	vor.u32 v0, v1  }
0xab: {  	[tilespmem:s24+$0x30] =	vst v0  }
0xac: {  	v0 =	vld [tilespmem:s0+$0x10400]  }
0xad: {  	v1 =	vld [tilespmem:s0+$0x10410];
	_ =	sdelay $0x3  }
0xae: {  	v0 =	vmul.f32 $5.000000000e-01, v0  }
0xaf: {  	v1 =	vmul.f32 $5.000000000e-01, v1  }
0xb0: {  	v0 =	vadd.s32 $0x8000, v0  }
0xb1: {  	v0 =	vshrl.u32 v0, $0x10;
	v1 =	vadd.s32 $0x8000, v1  }
0xb2: {  	v1 =	vand.u32 $0xFFFF0000, v1  }
0xb3: {  	v0 =	vor.u32 v0, v1  }
0xb4: {  	[tilespmem:s24+$0x40] =	vst v0  }
0xb5: {  	v0 =	vld [tilespmem:s0+$0x10420]  }
0xb6: {  	v1 =	vld [tilespmem:s0+$0x10430];
	_ =	sdelay $0x3  }
0xb7: {  	v0 =	vmul.f32 $5.000000000e-01, v0  }
0xb8: {  	v1 =	vmul.f32 $5.000000000e-01, v1  }
0xb9: {  	v0 =	vadd.s32 $0x8000, v0  }
0xba: {  	v0 =	vshrl.u32 v0, $0x10;
	v1 =	vadd.s32 $0x8000, v1  }
0xbb: {  	v1 =	vand.u32 $0xFFFF0000, v1  }
0xbc: {  	v0 =	vor.u32 v0, v1  }
0xbd: {  	[tilespmem:s24+$0x50] =	vst v0  }
0xbe: {  	v0 =	vld [tilespmem:s0+$0x10440]  }
0xbf: {  	v1 =	vld [tilespmem:s0+$0x10450];
	_ =	sdelay $0x3  }
0xc0: {  	v0 =	vmul.f32 $5.000000000e-01, v0  }
0xc1: {  	v1 =	vmul.f32 $5.000000000e-01, v1  }
0xc2: {  	v0 =	vadd.s32 $0x8000, v0  }
0xc3: {  	v0 =	vshrl.u32 v0, $0x10;
	v1 =	vadd.s32 $0x8000, v1  }
0xc4: {  	v1 =	vand.u32 $0xFFFF0000, v1  }
0xc5: {  	v0 =	vor.u32 v0, v1  }
0xc6: {  	[tilespmem:s24+$0x60] =	vst v0  }
0xc7: {  	v0 =	vld [tilespmem:s0+$0x10460]  }
0xc8: {  	v1 =	vld [tilespmem:s0+$0x10470];
	_ =	sdelay $0x3  }
0xc9: {  	v0 =	vmul.f32 $5.000000000e-01, v0  }
0xca: {  	v1 =	vmul.f32 $5.000000000e-01, v1  }
0xcb: {  	v0 =	vadd.s32 $0x8000, v0  }
0xcc: {  	v0 =	vshrl.u32 v0, $0x10;
	v1 =	vadd.s32 $0x8000, v1  }
0xcd: {  	v1 =	vand.u32 $0xFFFF0000, v1  }
0xce: {  	v0 =	vor.u32 v0, v1  }
0xcf: {  	[tilespmem:s24+$0x70] =	vst v0  }
0xd0: {  	v0 =	vld [tilespmem:s0+$0x10800]  }
0xd1: {  	v1 =	vld [tilespmem:s0+$0x10810];
	_ =	sdelay $0x3  }
0xd2: {  	v0 =	vmul.f32 $5.000000000e-01, v0  }
0xd3: {  	v1 =	vmul.f32 $5.000000000e-01, v1  }
0xd4: {  	v0 =	vadd.s32 $0x8000, v0  }
0xd5: {  	v0 =	vshrl.u32 v0, $0x10;
	v1 =	vadd.s32 $0x8000, v1  }
0xd6: {  	v1 =	vand.u32 $0xFFFF0000, v1  }
0xd7: {  	v0 =	vor.u32 v0, v1  }
0xd8: {  	[tilespmem:s24+$0x400] =	vst v0  }
0xd9: {  	v0 =	vld [tilespmem:s0+$0x10820]  }
0xda: {  	v1 =	vld [tilespmem:s0+$0x10830];
	_ =	sdelay $0x3  }
0xdb: {  	v0 =	vmul.f32 $5.000000000e-01, v0  }
0xdc: {  	v1 =	vmul.f32 $5.000000000e-01, v1  }
0xdd: {  	v0 =	vadd.s32 $0x8000, v0  }
0xde: {  	v0 =	vshrl.u32 v0, $0x10;
	v1 =	vadd.s32 $0x8000, v1  }
0xdf: {  	v1 =	vand.u32 $0xFFFF0000, v1  }
0xe0: {  	v0 =	vor.u32 v0, v1  }
0xe1: {  	[tilespmem:s24+$0x410] =	vst v0  }
0xe2: {  	v0 =	vld [tilespmem:s0+$0x10840]  }
0xe3: {  	v1 =	vld [tilespmem:s0+$0x10850];
	_ =	sdelay $0x3  }
0xe4: {  	v0 =	vmul.f32 $5.000000000e-01, v0  }
0xe5: {  	v1 =	vmul.f32 $5.000000000e-01, v1  }
0xe6: {  	v0 =	vadd.s32 $0x8000, v0  }
0xe7: {  	v0 =	vshrl.u32 v0, $0x10;
	v1 =	vadd.s32 $0x8000, v1  }
0xe8: {  	v1 =	vand.u32 $0xFFFF0000, v1  }
0xe9: {  	v0 =	vor.u32 v0, v1  }
0xea: {  	[tilespmem:s24+$0x420] =	vst v0  }
0xeb: {  	v0 =	vld [tilespmem:s0+$0x10860]  }
0xec: {  	v1 =	vld [tilespmem:s0+$0x10870];
	_ =	sdelay $0x3  }
0xed: {  	v0 =	vmul.f32 $5.000000000e-01, v0  }
0xee: {  	v1 =	vmul.f32 $5.000000000e-01, v1  }
0xef: {  	v0 =	vadd.s32 $0x8000, v0  }
0xf0: {  	v0 =	vshrl.u32 v0, $0x10;
	v1 =	vadd.s32 $0x8000, v1  }
0xf1: {  	v1 =	vand.u32 $0xFFFF0000, v1  }
0xf2: {  	v0 =	vor.u32 v0, v1  }
0xf3: {  	[tilespmem:s24+$0x430] =	vst v0  }
0xf4: {  	v0 =	vld [tilespmem:s0+$0x10C00]  }
0xf5: {  	v1 =	vld [tilespmem:s0+$0x10C10];
	_ =	sdelay $0x3  }
0xf6: {  	v0 =	vmul.f32 $5.000000000e-01, v0  }
0xf7: {  	v1 =	vmul.f32 $5.000000000e-01, v1  }
0xf8: {  	v0 =	vadd.s32 $0x8000, v0  }
0xf9: {  	v0 =	vshrl.u32 v0, $0x10;
	v1 =	vadd.s32 $0x8000, v1  }
0xfa: {  	v1 =	vand.u32 $0xFFFF0000, v1  }
0xfb: {  	v0 =	vor.u32 v0, v1  }
0xfc: {  	[tilespmem:s24+$0x440] =	vst v0  }
0xfd: {  	v0 =	vld [tilespmem:s0+$0x10C20]  }
0xfe: {  	v1 =	vld [tilespmem:s0+$0x10C30];
	_ =	sdelay $0x3  }
0xff: {  	v0 =	vmul.f32 $5.000000000e-01, v0  }
0x100: {  	v1 =	vmul.f32 $5.000000000e-01, v1  }
0x101: {  	v0 =	vadd.s32 $0x8000, v0  }
0x102: {  	v0 =	vshrl.u32 v0, $0x10;
	v1 =	vadd.s32 $0x8000, v1  }
0x103: {  	v1 =	vand.u32 $0xFFFF0000, v1  }
0x104: {  	v0 =	vor.u32 v0, v1  }
0x105: {  	[tilespmem:s24+$0x450] =	vst v0  }
0x106: {  	v0 =	vld [tilespmem:s0+$0x10C40]  }
0x107: {  	v2 =	vld [tilespmem:s0+$0x10C50]  }
.Ltmp0:
0x108: {  	(pc) =	sbr.rel @p0 .LBB2_3-.Ltmp0, $3  }
0x109: {  	_ =	sdelay $0x1  }
0x10a: {  	v1 =	vmul.f32 $5.000000000e-01, v0  }
0x10b: {  	v0 =	vmul.f32 $5.000000000e-01, v2  }
0x10c: {  	_ = 	snop  }
0x10d: {  	v1 =	vadd.s32 $0x8000, v1;
	v0 =	vadd.s32 $0x8000, v0  }
0x10e: {  	v1 =	vshrl.u32 v1, $0x10;
	v0 =	vand.u32 $0xFFFF0000, v0  }
0x10f: {  	v0 =	vor.u32 v1, v0  }
0x110: {  	[tilespmem:s24+$0x460] =	vst v0  }
0x111: {  	v0 =	vld [tilespmem:s0+$0x10C60]  }
0x112: {  	v63 =	vld [tilespmem:s0+$0x10C70];
	_ =	sdelay $0x3  }
0x113: {  	s21 =	sadd.s32 $0x1, s21  }
0x114: {  	p0 =	sne.s32 s21, $0x10;
	v0 =	vmul.f32 $5.000000000e-01, v0;
	v1 =	vmul.f32 $5.000000000e-01, v63  }
.Ltmp1:
0x115: {  	_ = 	snop;
	(pc) =	sbr.rel @p0 .LBB2_2-.Ltmp1, $4  }
0x116: {  	v0 =	vadd.s32 $0x8000, v0;
	v1 =	vadd.s32 $0x8000, v1  }
0x117: {  	v0 =	vshrl.u32 v0, $0x10;
	v1 =	vand.u32 $0xFFFF0000, v1  }
0x118: {  	v0 =	vor.u32 v0, v1  }
0x119: {  	[tilespmem:s24+$0x470] =	vst v0  }
0x11a: {  	s0 =	sld [smem:$0x7FC];
	_ =	sdelay $0x1  }
0x11b: {  	s2 =	simm.s32 $0x0;
	s1 =	simm.s32 $0x12000  }
0x11c: {  	[tilespmem:s1], [sflag:$0x3] =	stream.linear.gather [hbm4b:s0+s2], $0x4000, $0x38;
	[tilespmem:$0x1E400] =	vst v63  }
0x11d: {  	_ =	swait.ge [sflag:s5], $0x4000  }
0x11e: {  	[sflag:s5] =	ssyncset.done $0x0  }
0x11f: {  	s6 =	simm.s32 $0x0;
	[sflag:s5] =	ssyncadd.s32 $0xFFFFC000  }
.LBB2_6:
0x120: {  	p0 =	seq.s32 s6, $0x0  }
0x121: {  	s0 =	simm.s32 @!p0 $0x1  }
0x122: {  	_ =	swait.ge @!p0 [sflag:s0], $0x4000  }
0x123: {  	[sflag:s0] =	ssyncset.done @!p0 $0x0  }
0x124: {  	[sflag:s0] =	ssyncadd.s32 @!p0 $0xFFFFC000  }
0x125: {  	_ =	swait.ge @!p0 [sflag:s0], $0x200  }
0x126: {  	s1 =	sshll.u32 s6, $0x8;
	[sflag:s0] =	ssyncset.done @!p0 $0x0  }
0x127: {  	[sflag:s0] =	ssyncadd.s32 @!p0 $0xFFFFFE00;
	s0 =	sand.u32 $0x3FFFFF00, s1  }
0x128: {  	v0 =	vld [tilespmem:s0+$0x12000];
	_ =	sdelay $0x4  }
0x129: {  	(v2sf) =	vpush v0, $0x0  }
0x12a: {  	(v2sf) =	vpush v0, $0x1  }
0x12b: {  	(v2sf) =	vpush v0, $0x2;
	_ =	sdelay $0x1  }
0x12c: {  	(v2sf) =	vpush v0, $0x3;
	_ =	sdelay $0x1  }
0x12d: {  	(v2sf) =	vpush v0, $0x4;
	_ =	sdelay $0x1  }
0x12e: {  	(v2sf) =	vpush v0, $0x5  }
0x12f: {  	(v2sf) =	vpush v0, $0x6;
	_ =	sdelay $0x2  }
0x130: {  	(v2sf) =	vpush v0, $0x7;
	_ =	sdelay $0x2  }
0x131: {  	(v2sf) =	vpush v0, $0x8;
	s22 =	spop (v2sf)  }
0x132: {  	s5 =	spop (v2sf)  }
0x133: {  	(v2sf) =	vpush v0, $0x9;
	s10 =	sshll.u32 s22, $0x8;
	s1 =	sshll.u32 s22, $0x7;
	s7 =	spop (v2sf)  }
0x134: {  	s11 =	sand.u32 $0xFFFFF800, s10;
	s1 =	sand.u32 $0x380, s1;
	s23 =	sshll.u32 s5, $0x8  }
0x135: {  	s24 =	sshll.u32 s5, $0x7;
	s8 =	spop (v2sf);
	s1 =	sor.u32 s1, s11  }
0x136: {  	(v2sf) =	vpush v0, $0xA;
	s11 =	sand.u32 $0x380, s24;
	s25 =	sshll.u32 s7, $0x8;
	s7 =	sshll.u32 s7, $0x7  }
0x137: {  	s12 =	spop (v2sf);
	[dreg:$0x4] =	wrdreg s1;
	s1 =	sand.u32 $0xFFFFF800, s23  }
0x138: {  	(v2sf) =	vpush v0, $0xB;
	s26 =	sand.u32 $0xFFFFF800, s25;
	s7 =	sand.u32 $0x380, s7;
	s4 =	sshll.u32 s8, $0x8  }
0x139: {  	s8 =	sshll.u32 s8, $0x7;
	s14 =	spop (v2sf);
	s1 =	sor.u32 s11, s1  }
0x13a: {  	(v2sf) =	vpush v0, $0xC;
	s16 =	sand.u32 $0xFFFFF800, s4;
	s8 =	sand.u32 $0x380, s8;
	s15 =	spop (v2sf)  }
0x13b: {  	[dreg:$0x5] =	wrdreg s1;
	s1 =	sor.u32 s7, s26;
	s8 =	sor.u32 s8, s16  }
0x13c: {  	s16 =	sshll.u32 s12, $0x8;
	s12 =	sshll.u32 s12, $0x7;
	s17 =	sshll.u32 s14, $0x8  }
0x13d: {  	s14 =	sshll.u32 s14, $0x7;
	s2 =	spop (v2sf);
	[dreg:$0x6] =	wrdreg s1  }
0x13e: {  	[dreg:$0x7] =	wrdreg s8;
	s8 =	sand.u32 $0xFFFFF800, s16;
	s12 =	sand.u32 $0x380, s12  }
0x13f: {  	v1 =	vld [tilespmem:s0+$0x12010];
	s18 =	sand.u32 $0xFFFFF800, s17;
	s19 =	sand.u32 $0x380, s14;
	s20 =	sshll.u32 s15, $0x8  }
0x140: {  	(v2sf) =	vpush v0, $0xD;
	s15 =	sshll.u32 s15, $0x7;
	s13 =	spop (v2sf);
	s8 =	sor.u32 s12, s8  }
0x141: {  	(v2sf) =	vpush v0, $0xE;
	s14 =	sand.u32 $0xFFFFF800, s20;
	s15 =	sand.u32 $0x380, s15;
	s21 =	sshll.u32 s2, $0x8  }
0x142: {  	s22 =	sshll.u32 s2, $0x7;
	s9 =	spop (v2sf);
	[dreg:$0x8] =	wrdreg s8  }
0x143: {  	(v2sf) =	vpush v0, $0xF;
	s8 =	sor.u32 s19, s18;
	s14 =	sor.u32 s15, s14;
	s15 =	sand.u32 $0x380, s22  }
0x144: {  	(v2sf) =	vpush v1, $0x0;
	s23 =	sshll.u32 s13, $0x8;
	s13 =	sshll.u32 s13, $0x7;
	[dreg:$0x9] =	wrdreg s8  }
0x145: {  	s3 =	spop (v2sf);
	[dreg:$0xa] =	wrdreg s14;
	s14 =	sand.u32 $0xFFFFF800, s21  }
0x146: {  	(v2sf) =	vpush v1, $0x1;
	s24 =	sand.u32 $0xFFFFF800, s23;
	s13 =	sand.u32 $0x380, s13;
	s25 =	sshll.u32 s9, $0x8  }
0x147: {  	s9 =	sshll.u32 s9, $0x7;
	s10 =	spop (v2sf);
	s14 =	sor.u32 s15, s14  }
0x148: {  	s15 =	sand.u32 $0xFFFFF800, s25;
	s26 =	sand.u32 $0x380, s9;
	s16 =	sshll.u32 s3, $0x7  }
0x149: {  	(v2sf) =	vpush v1, $0x2;
	s5 =	spop (v2sf);
	[dreg:$0xb] =	wrdreg s14;
	s14 =	sor.u32 s13, s24  }
0x14a: {  	s4 =	sor.u32 s26, s15;
	s15 =	sshll.u32 s3, $0x8;
	[dreg:$0xc] =	wrdreg s14  }
0x14b: {  	(v2sf) =	vpush v1, $0x3;
	s17 =	sshll.u32 s10, $0x8;
	s10 =	sshll.u32 s10, $0x7;
	[dreg:$0xd] =	wrdreg s4  }
0x14c: {  	s14 =	sand.u32 $0xFFFFF800, s15;
	s15 =	sand.u32 $0x380, s16;
	s18 =	sand.u32 $0xFFFFF800, s17  }
0x14d: {  	s10 =	sand.u32 $0x380, s10;
	s19 =	sshll.u32 s5, $0x8;
	s5 =	sshll.u32 s5, $0x7  }
0x14e: {  	s14 =	sor.u32 s15, s14;
	s10 =	sor.u32 s10, s18;
	s15 =	sand.u32 $0xFFFFF800, s19  }
0x14f: {  	s20 =	sand.u32 $0x380, s5;
	s11 =	spop (v2sf);
	[dreg:$0xe] =	wrdreg s14  }
0x150: {  	[dreg:$0xf] =	wrdreg s10;
	s21 =	sor.u32 s20, s15;
	s7 =	spop (v2sf)  }
0x151: {  	[dreg:$0x10] =	wrdreg s21;
	s22 =	sshll.u32 s11, $0x8;
	s11 =	sshll.u32 s11, $0x7  }
0x152: {  	(v2sf) =	vpush v1, $0x4;
	s1 =	spop (v2sf);
	s15 =	sand.u32 $0xFFFFF800, s22;
	s11 =	sand.u32 $0x380, s11  }
0x153: {  	(v2sf) =	vpush v1, $0x5;
	s23 =	sshll.u32 s7, $0x8;
	s7 =	sshll.u32 s7, $0x7;
	s12 =	spop (v2sf)  }
0x154: {  	(v2sf) =	vpush v1, $0x6;
	s11 =	sor.u32 s11, s15;
	s24 =	sand.u32 $0xFFFFF800, s23;
	s7 =	sand.u32 $0x380, s7  }
0x155: {  	(v2sf) =	vpush v1, $0x7;
	s25 =	sshll.u32 s1, $0x8;
	s1 =	sshll.u32 s1, $0x7;
	s8 =	spop (v2sf)  }
0x156: {  	[dreg:$0x11] =	wrdreg s11;
	s7 =	sor.u32 s7, s24;
	s26 =	sand.u32 $0xFFFFF800, s25  }
0x157: {  	(v2sf) =	vpush v1, $0x8;
	s1 =	sand.u32 $0x380, s1;
	s4 =	sshll.u32 s12, $0x8;
	s12 =	sshll.u32 s12, $0x7  }
0x158: {  	s2 =	spop (v2sf);
	[dreg:$0x12] =	wrdreg s7;
	s1 =	sor.u32 s1, s26  }
0x159: {  	s12 =	sand.u32 $0x380, s12;
	s16 =	sshll.u32 s8, $0x8;
	s8 =	sshll.u32 s8, $0x7  }
0x15a: {  	(v2sf) =	vpush v1, $0x9;
	s13 =	spop (v2sf);
	[dreg:$0x13] =	wrdreg s1;
	s1 =	sand.u32 $0xFFFFF800, s4  }
0x15b: {  	s17 =	sand.u32 $0xFFFFF800, s16;
	s8 =	sand.u32 $0x380, s8;
	s18 =	sshll.u32 s2, $0x8  }
0x15c: {  	(v2sf) =	vpush v1, $0xA;
	s2 =	sshll.u32 s2, $0x7;
	s1 =	sor.u32 s12, s1;
	s19 =	sand.u32 $0xFFFFF800, s18  }
0x15d: {  	s2 =	sand.u32 $0x380, s2;
	s21 =	sshll.u32 s13, $0x8;
	s13 =	sshll.u32 s13, $0x7  }
0x15e: {  	[dreg:$0x14] =	wrdreg s1;
	s1 =	sor.u32 s8, s17;
	s20 =	sor.u32 s2, s19  }
0x15f: {  	s2 =	sand.u32 $0xFFFFF800, s21;
	s13 =	sand.u32 $0x380, s13;
	[dreg:$0x15] =	wrdreg s1  }
0x160: {  	[dreg:$0x16] =	wrdreg s20;
	s2 =	sor.u32 s13, s2  }
0x161: {  	[dreg:$0x17] =	wrdreg s2;
	s9 =	spop (v2sf)  }
0x162: {  	s3 =	spop (v2sf);
	s22 =	sshll.u32 s9, $0x8;
	s9 =	sshll.u32 s9, $0x7  }
0x163: {  	(v2sf) =	vpush v1, $0xB;
	s14 =	spop (v2sf);
	s23 =	sand.u32 $0xFFFFF800, s22;
	s9 =	sand.u32 $0x380, s9  }
0x164: {  	(v2sf) =	vpush v1, $0xC;
	s24 =	sshll.u32 s3, $0x8;
	s3 =	sshll.u32 s3, $0x7;
	s5 =	spop (v2sf)  }
0x165: {  	(v2sf) =	vpush v1, $0xD;
	s2 =	sor.u32 s9, s23;
	s13 =	sand.u32 $0xFFFFF800, s24;
	s25 =	sand.u32 $0x380, s3  }
0x166: {  	v0 =	vld [tilespmem:s0+$0x12020];
	(v2sf) =	vpush v1, $0xE;
	s4 =	sshll.u32 s14, $0x8;
	s14 =	sshll.u32 s14, $0x7;
	s10 =	spop (v2sf)  }
0x167: {  	[dreg:$0x18] =	wrdreg s2;
	s26 =	sor.u32 s25, s13;
	s13 =	sand.u32 $0xFFFFF800, s4  }
0x168: {  	(v2sf) =	vpush v1, $0xF;
	s14 =	sand.u32 $0x380, s14;
	s16 =	sshll.u32 s5, $0x8;
	s5 =	sshll.u32 s5, $0x7  }
0x169: {  	s15 =	spop (v2sf);
	[dreg:$0x19] =	wrdreg s26;
	s13 =	sor.u32 s14, s13  }
0x16a: {  	s17 =	sand.u32 $0xFFFFF800, s16;
	s5 =	sand.u32 $0x380, s5;
	s18 =	sshll.u32 s10, $0x8  }
0x16b: {  	(v2sf) =	vpush v0, $0x0;
	s10 =	sshll.u32 s10, $0x7;
	s11 =	spop (v2sf);
	[dreg:$0x1a] =	wrdreg s13  }
0x16c: {  	s5 =	sor.u32 s5, s17;
	s14 =	sand.u32 $0xFFFFF800, s18;
	s10 =	sand.u32 $0x380, s10  }
0x16d: {  	(v2sf) =	vpush v0, $0x1;
	s19 =	sshll.u32 s15, $0x8;
	s15 =	sshll.u32 s15, $0x7;
	[dreg:$0x1b] =	wrdreg s5  }
0x16e: {  	s10 =	sor.u32 s10, s14;
	s14 =	sand.u32 $0xFFFFF800, s19;
	s15 =	sand.u32 $0x380, s15  }
0x16f: {  	s20 =	sshll.u32 s11, $0x8;
	s11 =	sshll.u32 s11, $0x7;
	[dreg:$0x1c] =	wrdreg s10  }
0x170: {  	s14 =	sor.u32 s15, s14;
	s21 =	sand.u32 $0xFFFFF800, s20;
	s11 =	sand.u32 $0x380, s11  }
0x171: {  	[dreg:$0x1d] =	wrdreg s14;
	s11 =	sor.u32 s11, s21  }
0x172: {  	[dreg:$0x1e] =	wrdreg s11;
	s7 =	spop (v2sf)  }
0x173: {  	s12 =	spop (v2sf);
	s22 =	sshll.u32 s7, $0x8;
	s7 =	sshll.u32 s7, $0x7  }
0x174: {  	(v2sf) =	vpush v0, $0x2;
	s8 =	spop (v2sf);
	s15 =	sand.u32 $0xFFFFF800, s22;
	s23 =	sand.u32 $0x380, s7  }
0x175: {  	(v2sf) =	vpush v0, $0x3;
	s25 =	sshll.u32 s12, $0x8;
	s12 =	sshll.u32 s12, $0x7;
	s1 =	spop (v2sf)  }
0x176: {  	(v2sf) =	vpush v0, $0x4;
	s24 =	sor.u32 s23, s15;
	s15 =	sand.u32 $0xFFFFF800, s25;
	s12 =	sand.u32 $0x380, s12  }
0x177: {  	(v2sf) =	vpush v0, $0x5;
	s4 =	sshll.u32 s8, $0x8;
	s8 =	sshll.u32 s8, $0x7;
	s9 =	spop (v2sf)  }
0x178: {  	[dreg:$0x1f] =	wrdreg s24;
	s26 =	sor.u32 s12, s15;
	s15 =	sand.u32 $0xFFFFF800, s4  }
0x179: {  	(v2sf) =	vpush v0, $0x6;
	s8 =	sand.u32 $0x380, s8;
	s16 =	sshll.u32 s1, $0x8;
	s17 =	sshll.u32 s1, $0x7  }
0x17a: {  	v1 =	vld [tilespmem:s0+$0x12030];
	s3 =	spop (v2sf);
	[smem:$0x7F0] =	sst s26;
	s0 =	sor.u32 s8, s15  }
0x17b: {  	s18 =	sand.u32 $0xFFFFF800, s16;
	s12 =	sand.u32 $0x380, s17;
	s20 =	sshll.u32 s9, $0x8  }
0x17c: {  	(v2sf) =	vpush v0, $0x7;
	s9 =	sshll.u32 s9, $0x7;
	s2 =	spop (v2sf);
	[smem:$0x7F1] =	sst s0  }
0x17d: {  	s19 =	sor.u32 s12, s18;
	s12 =	sand.u32 $0xFFFFF800, s20;
	s9 =	sand.u32 $0x380, s9  }
0x17e: {  	(v2sf) =	vpush v0, $0x8;
	s21 =	sshll.u32 s3, $0x8;
	s3 =	sshll.u32 s3, $0x7;
	[smem:$0x7F2] =	sst s19  }
0x17f: {  	s9 =	sor.u32 s9, s12;
	s22 =	sand.u32 $0xFFFFF800, s21;
	s3 =	sand.u32 $0x380, s3  }
0x180: {  	s23 =	sshll.u32 s2, $0x8;
	s2 =	sshll.u32 s2, $0x7;
	[smem:$0x7F3] =	sst s9  }
0x181: {  	s3 =	sor.u32 s3, s22;
	s12 =	sand.u32 $0xFFFFF800, s23;
	s24 =	sand.u32 $0x380, s2  }
0x182: {  	[smem:$0x7F4] =	sst s3;
	s25 =	sor.u32 s24, s12  }
0x183: {  	[smem:$0x7F5] =	sst s25;
	s13 =	spop (v2sf)  }
0x184: {  	(v2sf) =	vpush v0, $0x9;
	s5 =	spop (v2sf);
	s26 =	sshll.u32 s13, $0x8;
	s13 =	sshll.u32 s13, $0x7  }
0x185: {  	(v2sf) =	vpush v0, $0xA;
	s10 =	spop (v2sf);
	s12 =	sand.u32 $0xFFFFF800, s26;
	s13 =	sand.u32 $0x380, s13  }
0x186: {  	(v2sf) =	vpush v0, $0xB;
	s4 =	sshll.u32 s5, $0x8;
	s5 =	sshll.u32 s5, $0x7;
	s14 =	spop (v2sf)  }
0x187: {  	s12 =	sor.u32 s13, s12;
	s13 =	sand.u32 $0xFFFFF800, s4;
	s5 =	sand.u32 $0x380, s5  }
0x188: {  	(v2sf) =	vpush v0, $0xC;
	s15 =	sshll.u32 s10, $0x8;
	s16 =	sshll.u32 s10, $0x7;
	s7 =	spop (v2sf)  }
0x189: {  	[smem:$0x7E8] =	sst s12;
	s5 =	sor.u32 s5, s13;
	s17 =	sand.u32 $0xFFFFF800, s15  }
0x18a: {  	(v2sf) =	vpush v0, $0xD;
	s13 =	sand.u32 $0x380, s16;
	s19 =	sshll.u32 s14, $0x8;
	s14 =	sshll.u32 s14, $0x7  }
0x18b: {  	s11 =	spop (v2sf);
	[smem:$0x7E9] =	sst s5;
	s18 =	sor.u32 s13, s17  }
0x18c: {  	(v2sf) =	vpush v0, $0xE;
	s13 =	sand.u32 $0xFFFFF800, s19;
	s14 =	sand.u32 $0x380, s14;
	s20 =	sshll.u32 s7, $0x8  }
0x18d: {  	s7 =	sshll.u32 s7, $0x7;
	s1 =	spop (v2sf);
	[smem:$0x7EA] =	sst s18  }
0x18e: {  	s13 =	sor.u32 s14, s13;
	s21 =	sand.u32 $0xFFFFF800, s20;
	s7 =	sand.u32 $0x380, s7  }
0x18f: {  	(v2sf) =	vpush v0, $0xF;
	s22 =	sshll.u32 s11, $0x8;
	s11 =	sshll.u32 s11, $0x7;
	[smem:$0x7EB] =	sst s13  }
0x190: {  	s7 =	sor.u32 s7, s21;
	s13 =	sand.u32 $0xFFFFF800, s22;
	s11 =	sand.u32 $0x380, s11  }
0x191: {  	s24 =	sshll.u32 s1, $0x8;
	s1 =	sshll.u32 s1, $0x7;
	[smem:$0x7EC] =	sst s7  }
0x192: {  	s23 =	sor.u32 s11, s13;
	s25 =	sand.u32 $0xFFFFF800, s24;
	s1 =	sand.u32 $0x380, s1  }
0x193: {  	[smem:$0x7ED] =	sst s23;
	s1 =	sor.u32 s1, s25;
	s8 =	spop (v2sf)  }
0x194: {  	[smem:$0x7EE] =	sst s1;
	s0 =	spop (v2sf)  }
0x195: {  	s26 =	sshll.u32 s8, $0x8;
	s8 =	sshll.u32 s8, $0x7;
	s9 =	spop (v2sf)  }
0x196: {  	s4 =	sand.u32 $0xFFFFF800, s26;
	s8 =	sand.u32 $0x380, s8;
	s13 =	sshll.u32 s0, $0x8  }
0x197: {  	s0 =	sshll.u32 s0, $0x7;
	s2 =	spop (v2sf);
	s11 =	sor.u32 s8, s4  }
0x198: {  	s15 =	sand.u32 $0xFFFFF800, s13;
	s0 =	sand.u32 $0x380, s0;
	s16 =	sshll.u32 s9, $0x8  }
0x199: {  	s17 =	sshll.u32 s9, $0x7;
	s3 =	spop (v2sf);
	[smem:$0x7EF] =	sst s11  }
0x19a: {  	(v2sf) =	vpush v1, $0x0;
	s0 =	sor.u32 s0, s15;
	s18 =	sand.u32 $0xFFFFF800, s16;
	s19 =	sand.u32 $0x380, s17  }
0x19b: {  	s21 =	sshll.u32 s2, $0x8;
	s23 =	sshll.u32 s2, $0x7;
	s10 =	spop (v2sf)  }
0x19c: {  	(v2sf) =	vpush v1, $0x1;
	[smem:$0x7E0] =	sst s0;
	s20 =	sor.u32 s19, s18;
	s22 =	sand.u32 $0xFFFFF800, s21  }
0x19d: {  	s1 =	sand.u32 $0x380, s23;
	s24 =	sshll.u32 s3, $0x8;
	s3 =	sshll.u32 s3, $0x7  }
0x19e: {  	s12 =	spop (v2sf);
	[smem:$0x7E1] =	sst s20;
	s0 =	sor.u32 s1, s22  }
0x19f: {  	s25 =	sand.u32 $0xFFFFF800, s24;
	s26 =	sand.u32 $0x380, s3;
	s21 =	sld [smem:$0x7E0]  }
0x1a0: {  	s2 =	sshll.u32 s10, $0x8;
	s4 =	sshll.u32 s10, $0x7;
	[smem:$0x7E2] =	sst s0  }
0x1a1: {  	s1 =	sor.u32 s26, s25;
	s3 =	sand.u32 $0xFFFFF800, s2;
	s22 =	sld [smem:$0x7E1]  }
0x1a2: {  	s7 =	sshll.u32 s12, $0x8;
	s8 =	sshll.u32 s12, $0x7;
	[smem:$0x7E3] =	sst s1  }
0x1a3: {  	s1 =	sand.u32 $0x380, s4;
	s9 =	sand.u32 $0xFFFFF800, s7;
	s23 =	sld [smem:$0x7E2]  }
0x1a4: {  	s10 =	sand.u32 $0x380, s8;
	s0 =	sor.u32 s1, s3;
	s24 =	sld [smem:$0x7E3]  }
0x1a5: {  	s4 =	simm.s32 $0x0;
	s11 =	sor.u32 s10, s9;
	[smem:$0x7E4] =	sst s0  }
0x1a6: {  	s7 =	sand.u32 $0x400, s4;
	[smem:$0x7E5] =	sst s11  }
0x1a7: {  	s10 =	sadd.s32 s7, s23;
	s23 =	sld [smem:$0x7EA]  }
0x1a8: {  	s25 =	sld [smem:$0x7E4]  }
0x1a9: {  	s2 =	sand.u32 $0x70, s4;
	s26 =	sld [smem:$0x7E5];
	s5 =	spop (v2sf)  }
0x1aa: {  	s3 =	sadd.s32 s7, s23;
	s23 =	sld [smem:$0x7F1];
	s12 =	sshll.u32 s5, $0x8  }
0x1ab: {  	s14 =	spop (v2sf);
	s15 =	sshll.u32 s5, $0x7;
	s13 =	sand.u32 $0xFFFFF800, s12  }
0x1ac: {  	s1 =	sand.u32 $0x380, s15;
	s16 =	sshll.u32 s14, $0x8;
	s17 =	sshll.u32 s14, $0x7  }
0x1ad: {  	s0 =	sor.u32 s1, s13;
	s18 =	sand.u32 $0xFFFFF800, s16;
	s19 =	sand.u32 $0x380, s17  }
0x1ae: {  	[smem:$0x7E6] =	sst s0;
	s20 =	sor.u32 s19, s18;
	s0 =	sadd.s32 s7, s21  }
0x1af: {  	s1 =	sadd.s32 s7, s22;
	[smem:$0x7E7] =	sst s20;
	s0 =	sadd.s32 s2, s0  }
0x1b0: {  	s12 =	sadd.s32 s2, s10;
	s10 =	sld [smem:$0x7EC];
	s1 =	sadd.s32 s2, s1;
	v0 =	vld [tilespmem:s0+$0x0]  }
0x1b1: {  	s13 =	sadd.s32 s7, s24;
	s17 =	sld [smem:$0x7E8];
	v1 =	vld [tilespmem:s1+$0x0]  }
0x1b2: {  	s16 =	sadd.s32 s7, s25;
	s15 =	sadd.s32 s2, s13;
	s13 =	sld [smem:$0x7EE];
	v2 =	vld [tilespmem:s12+$0x0]  }
0x1b3: {  	s18 =	sadd.s32 s2, s16;
	s19 =	sadd.s32 s7, s26;
	s11 =	sld [smem:$0x7E6];
	v3 =	vld [tilespmem:s15+$0x0]  }
0x1b4: {  	s20 =	sld [smem:$0x7E9];
	s21 =	sadd.s32 s2, s19;
	v4 =	vld [tilespmem:s18+$0x0]  }
0x1b5: {  	s3 =	sadd.s32 s2, s3;
	s26 =	sld [smem:$0x7EB];
	v5 =	vld [tilespmem:s21+$0x0];
	s8 =	sadd.s32 s7, s17  }
0x1b6: {  	s14 =	sld [smem:$0x7E7];
	v12 =	vld [tilespmem:s3+$0x0];
	s8 =	sadd.s32 s2, s8;
	s18 =	sadd.s32 s7, s13  }
0x1b7: {  	s22 =	sadd.s32 s7, s11;
	s9 =	sadd.s32 s7, s20;
	v7 =	vld [tilespmem:s8+$0x0];
	s20 =	sadd.s32 s2, s18  }
0x1b8: {  	s15 =	sld [smem:$0x7EF];
	s24 =	sadd.s32 s2, s22;
	v15 =	vld [tilespmem:s20+$0x0]  }
0x1b9: {  	s16 =	rddreg [dreg:$0x1e];
	s5 =	sadd.s32 s7, s26;
	s12 =	sadd.s32 s2, s9;
	v6 =	vld [tilespmem:s24+$0x0]  }
0x1ba: {  	s26 =	sld [smem:$0x7F2];
	s25 =	sadd.s32 s7, s14;
	s14 =	sadd.s32 s2, s5;
	v10 =	vld [tilespmem:s12+$0x0]  }
0x1bb: {  	s17 =	rddreg [dreg:$0x1f];
	s21 =	sadd.s32 s7, s15;
	s1 =	sadd.s32 s2, s25;
	v14 =	vld [tilespmem:s14+$0x0]  }
0x1bc: {  	s11 =	sld [smem:$0x7ED];
	s22 =	sadd.s32 s7, s16;
	s24 =	sadd.s32 s2, s21;
	v8 =	vld [tilespmem:s1+$0x0]  }
0x1bd: {  	s3 =	sadd.s32 s7, s17;
	s25 =	sadd.s32 s2, s22;
	s14 =	sadd.s32 s7, s26;
	v17 =	vld [tilespmem:s24+$0x0]  }
0x1be: {  	s8 =	sld [smem:$0x7F3];
	s1 =	sadd.s32 s7, s10;
	v18 =	vld [tilespmem:s25+$0x0];
	s17 =	sadd.s32 s2, s14  }
0x1bf: {  	s19 =	sld [smem:$0x7F0];
	s0 =	sadd.s32 s7, s11;
	s1 =	sadd.s32 s2, s1;
	v21 =	vld [tilespmem:s17+$0x0]  }
0x1c0: {  	s15 =	sld [smem:$0x7F5];
	s11 =	sadd.s32 s7, s23;
	s0 =	sadd.s32 s2, s0;
	v13 =	vld [tilespmem:s1+$0x0]  }
0x1c1: {  	s16 =	rddreg [dreg:$0x16];
	s18 =	sadd.s32 s7, s8;
	s13 =	sadd.s32 s2, s11;
	v16 =	vld [tilespmem:s0+$0x0]  }
0x1c2: {  	s12 =	sld [smem:$0x7F4];
	s25 =	sadd.s32 s7, s16;
	s20 =	sadd.s32 s2, s18;
	v22 =	vld [tilespmem:s13+$0x0]  }
0x1c3: {  	s26 =	rddreg [dreg:$0x19];
	s5 =	sadd.s32 s2, s25;
	v23 =	vld [tilespmem:s20+$0x0]  }
0x1c4: {  	s24 =	sadd.s32 s7, s15;
	s15 =	sadd.s32 s7, s26;
	s1 =	sadd.s32 s2, s3;
	v38 =	vld [tilespmem:s5+$0x0]  }
0x1c5: {  	s22 =	rddreg [dreg:$0x18];
	s3 =	sadd.s32 s7, s19;
	s17 =	sadd.s32 s2, s15;
	v20 =	vld [tilespmem:s1+$0x0]  }
0x1c6: {  	s16 =	rddreg [dreg:$0x1c];
	s21 =	sadd.s32 s7, s12;
	s10 =	sadd.s32 s2, s3;
	v39 =	vld [tilespmem:s17+$0x0]  }
0x1c7: {  	s25 =	sadd.s32 s7, s16;
	s26 =	rddreg [dreg:$0x8];
	s23 =	sadd.s32 s2, s21;
	v19 =	vld [tilespmem:s10+$0x0]  }
0x1c8: {  	s19 =	rddreg [dreg:$0x17];
	s12 =	sadd.s32 s7, s22;
	s1 =	sadd.s32 s2, s24;
	v24 =	vld [tilespmem:s23+$0x0]  }
0x1c9: {  	s13 =	rddreg [dreg:$0x1b];
	s3 =	sadd.s32 s7, s19;
	s14 =	sadd.s32 s2, s12;
	v25 =	vld [tilespmem:s1+$0x0]  }
0x1ca: {  	s20 =	rddreg [dreg:$0x6];
	s22 =	sadd.s32 s7, s13;
	s11 =	sadd.s32 s2, s3;
	v36 =	vld [tilespmem:s14+$0x0]  }
0x1cb: {  	s16 =	rddreg [dreg:$0xa];
	s12 =	sadd.s32 s7, s20;
	s24 =	sadd.s32 s2, s22;
	v40 =	vld [tilespmem:s11+$0x0]  }
0x1cc: {  	s10 =	rddreg [dreg:$0x1a];
	s15 =	sadd.s32 s2, s12;
	v35 =	vld [tilespmem:s24+$0x0]  }
0x1cd: {  	s19 =	rddreg [dreg:$0x1d];
	s18 =	sadd.s32 s7, s10;
	s10 =	sadd.s32 s2, s25;
	v9 =	vld [tilespmem:s15+$0x0]  }
0x1ce: {  	s23 =	rddreg [dreg:$0x7];
	s11 =	sadd.s32 s7, s19;
	s21 =	sadd.s32 s2, s18;
	v37 =	vld [tilespmem:s10+$0x0]  }
0x1cf: {  	s13 =	rddreg [dreg:$0x9];
	s3 =	sadd.s32 s7, s23;
	s14 =	sadd.s32 s2, s11;
	v34 =	vld [tilespmem:s21+$0x0]  }
0x1d0: {  	s22 =	rddreg [dreg:$0xe];
	s24 =	sadd.s32 s7, s16;
	s17 =	sadd.s32 s2, s3;
	v41 =	vld [tilespmem:s14+$0x0]  }
0x1d1: {  	s19 =	rddreg [dreg:$0xb];
	s18 =	sadd.s32 s7, s26;
	s1 =	sadd.s32 s2, s24;
	v11 =	vld [tilespmem:s17+$0x0]  }
0x1d2: {  	s25 =	rddreg [dreg:$0xf];
	s3 =	sadd.s32 s7, s19;
	s20 =	sadd.s32 s2, s18;
	v28 =	vld [tilespmem:s1+$0x0]  }
0x1d3: {  	s12 =	sadd.s32 s7, s22;
	s15 =	rddreg [dreg:$0x10];
	s11 =	sadd.s32 s2, s3;
	v26 =	vld [tilespmem:s20+$0x0]  }
0x1d4: {  	s22 =	rddreg [dreg:$0x14];
	s21 =	sadd.s32 s7, s13;
	s13 =	sadd.s32 s2, s12;
	v29 =	vld [tilespmem:s11+$0x0]  }
0x1d5: {  	s26 =	rddreg [dreg:$0x4];
	s14 =	sadd.s32 s7, s25;
	s23 =	sadd.s32 s2, s21;
	v42 =	vld [tilespmem:s13+$0x0]  }
0x1d6: {  	s10 =	rddreg [dreg:$0x5];
	s16 =	sadd.s32 s7, s26;
	s17 =	sadd.s32 s2, s14;
	v27 =	vld [tilespmem:s23+$0x0]  }
0x1d7: {  	s19 =	rddreg [dreg:$0x12];
	s3 =	sadd.s32 s7, s10;
	s8 =	sadd.s32 s2, s16;
	v43 =	vld [tilespmem:s17+$0x0]  }
0x1d8: {  	s5 =	sadd.s32 s7, s15;
	s24 =	rddreg [dreg:$0xc];
	s3 =	sadd.s32 s2, s3;
	v30 =	vld [tilespmem:s8+$0x0]  }
0x1d9: {  	s18 =	rddreg [dreg:$0x11];
	s0 =	sadd.s32 s7, s19;
	s21 =	sadd.s32 s2, s5;
	v31 =	vld [tilespmem:s3+$0x0]  }
0x1da: {  	s26 =	rddreg [dreg:$0xd];
	s1 =	sadd.s32 s7, s18;
	s0 =	sadd.s32 s2, s0;
	v44 =	vld [tilespmem:s21+$0x0]  }
0x1db: {  	s12 =	sadd.s32 s7, s24;
	s5 =	sadd.s32 s7, s22;
	s1 =	sadd.s32 s2, s1;
	v46 =	vld [tilespmem:s0+$0x0]  }
0x1dc: {  	s20 =	rddreg [dreg:$0x13];
	s13 =	sadd.s32 s7, s26;
	s10 =	sadd.s32 s2, s5;
	v45 =	vld [tilespmem:s1+$0x0]  }
0x1dd: {  	s23 =	rddreg [dreg:$0x15];
	s25 =	sadd.s32 s7, s20;
	s3 =	sadd.s32 s2, s12;
	v49 =	vld [tilespmem:s10+$0x0]  }
0x1de: {  	s0 =	sand.u32 $0xC00, s4;
	s1 =	sadd.s32 s2, s25;
	s11 =	sadd.s32 s7, s23;
	v48 =	vld [tilespmem:s3+$0x0];
	v30 =	vadd.bf16 v31, v30  }
0x1df: {  	s26 =	sand.u32 $0x60, s4;
	s14 =	sor.u32 $0x16000, s0;
	v47 =	vld [tilespmem:s1+$0x0];
	s1 =	sadd.s32 s2, s11  }
0x1e0: {  	s25 =	sor.u32 $0x10, s26;
	s2 =	sadd.s32 s2, s13;
	s15 =	sor.u32 s26, s14;
	v50 =	vld [tilespmem:s1+$0x0];
	v31 =	vadd.bf16 v11, v9;
	v9 =	vshll.u32 v30, $0x10  }
0x1e1: {  	v51 =	vld [tilespmem:s2+$0x0];
	s1 =	sor.u32 s25, s14;
	v11 =	vand.u32 $0xFFFF0000, v30;
	[tilespmem:s15+$0x0] =	vst v9  }
0x1e2: {  	v26 =	vadd.bf16 v27, v26;
	v30 =	vshll.u32 v31, $0x10;
	[tilespmem:s1+$0x0] =	vst v11  }
0x1e3: {  	v32 =	vand.u32 $0xFFFF0000, v31;
	[tilespmem:s15+$0x80] =	vst v30  }
0x1e4: {  	v27 =	vadd.bf16 v29, v28;
	v31 =	vshll.u32 v26, $0x10;
	[tilespmem:s1+$0x80] =	vst v32  }
0x1e5: {  	v33 =	vand.u32 $0xFFFF0000, v26;
	[tilespmem:s15+$0x100] =	vst v31  }
0x1e6: {  	v26 =	vshll.u32 v27, $0x10;
	v29 =	vadd.bf16 v51, v48;
	[tilespmem:s1+$0x100] =	vst v33  }
0x1e7: {  	v28 =	vand.u32 $0xFFFF0000, v27;
	[tilespmem:s15+$0x180] =	vst v26  }
0x1e8: {  	v43 =	vadd.bf16 v43, v42;
	v27 =	vshll.u32 v29, $0x10;
	[tilespmem:s1+$0x180] =	vst v28  }
0x1e9: {  	v29 =	vand.u32 $0xFFFF0000, v29;
	[tilespmem:s15+$0x200] =	vst v27  }
0x1ea: {  	v45 =	vadd.bf16 v45, v44;
	v42 =	vshll.u32 v43, $0x10;
	[tilespmem:s1+$0x200] =	vst v29  }
0x1eb: {  	v43 =	vand.u32 $0xFFFF0000, v43;
	[tilespmem:s15+$0x280] =	vst v42  }
0x1ec: {  	v47 =	vadd.bf16 v47, v46;
	v44 =	vshll.u32 v45, $0x10;
	[tilespmem:s1+$0x280] =	vst v43  }
0x1ed: {  	v46 =	vand.u32 $0xFFFF0000, v45;
	[tilespmem:s15+$0x300] =	vst v44  }
0x1ee: {  	v63 =	vadd.bf16 v1, v0;
	v45 =	vshll.u32 v47, $0x10;
	[tilespmem:s1+$0x300] =	vst v46  }
0x1ef: {  	v1 =	vadd.bf16 v5, v4;
	v0 =	vadd.bf16 v8, v6;
	[tilespmem:s15+$0x380] =	vst v45  }
0x1f0: {  	v48 =	vadd.bf16 v3, v2;
	v3 =	vadd.bf16 v50, v49;
	v47 =	vand.u32 $0xFFFF0000, v47;
	[smem:$0x7F6] =	sst s6  }
0x1f1: {  	v6 =	vadd.bf16 v14, v12;
	v5 =	vadd.bf16 v16, v13;
	s17 =	sshll.u32 s6, $0x1;
	s16 =	sor.u32 $0x17000, s0;
	[tilespmem:s1+$0x380] =	vst v47  }
0x1f2: {  	s28 =	simm.s32 $0x10;
	v4 =	vadd.bf16 v40, v38;
	s18 =	sor.u32 s26, s16;
	v49 =	vadd.bf16 v10, v7;
	v7 =	vshll.u32 v3, $0x10;
	[smem:$0x7F7] =	sst s17  }
0x1f3: {  	v14 =	vadd.bf16 v23, v21;
	v18 =	vadd.bf16 v20, v18;
	s20 =	sor.u32 $0x17080, s0;
	s19 =	sor.u32 s25, s16;
	v10 =	vand.u32 $0xFFFF0000, v3;
	s3 =	sld [smem:$0x7FA];
	[tilespmem:s18+$0x0] =	vst v7  }
0x1f4: {  	s29 =	simm.s32 $0x0;
	s30 =	simm.s32 $0x0;
	v8 =	vadd.bf16 v25, v24;
	s21 =	sor.u32 s26, s20;
	v16 =	vshll.u32 v4, $0x10;
	v3 =	vadd.bf16 v39, v36;
	[tilespmem:s19+$0x0] =	vst v10  }
0x1f5: {  	s31 =	simm.s32 $0x0;
	s22 =	sor.u32 $0x17100, s0;
	s2 =	sor.u32 s25, s20;
	v21 =	vadd.bf16 v41, v37;
	v2 =	vadd.bf16 v17, v15;
	v17 =	vand.u32 $0xFFFF0000, v4;
	[tilespmem:s21+$0x0] =	vst v16  }
0x1f6: {  	s23 =	sor.u32 s26, s22;
	s11 =	simm.s32 $0x0;
	v15 =	vadd.bf16 v22, v19;
	v22 =	vadd.bf16 v35, v34;
	v19 =	vshll.u32 v3, $0x10;
	s1 =	sor.u32 $0x17180, s0;
	[tilespmem:s2+$0x0] =	vst v17  }
0x1f7: {  	v4 =	vshll.u32 v63, $0x10;
	v20 =	vand.u32 $0xFFFF0000, v3;
	v3 =	vand.u32 $0xFFFF0000, v63;
	s24 =	sor.u32 s3, s17;
	s3 =	sor.u32 s25, s22;
	s2 =	simm.s32 $0x0;
	[tilespmem:s23+$0x0] =	vst v19  }
.LBB2_7:
0x1f8: {  	v24 =	vshll.u32 v49, $0x10  }
0x1f9: {  	[tilespmem:s3+$0x0] =	vst v20;
	s9 =	sor.u32 s26, s1;
	v25 =	vand.u32 $0xFFFF0000, v49;
	v30 =	vadd.f32 v42, v30;
	v23 =	vshll.u32 v22, $0x10  }
0x1fa: {  	s14 =	sld [smem:$0x7E0];
	s10 =	sor.u32 s25, s1;
	s12 =	sor.u32 $0x17200, s0;
	v32 =	vadd.f32 v43, v32;
	v31 =	vadd.f32 v44, v31;
	v22 =	vand.u32 $0xFFFF0000, v22;
	[tilespmem:s9+$0x0] =	vst v23  }
0x1fb: {  	s13 =	sld [smem:$0x7E1];
	v33 =	vadd.f32 v46, v33;
	v26 =	vadd.f32 v45, v26;
	v34 =	vshll.u32 v21, $0x10;
	s15 =	sor.u32 s26, s12;
	[tilespmem:s10+$0x0] =	vst v22  }
0x1fc: {  	s17 =	sld [smem:$0x7E2];
	s18 =	sor.u32 $0x17280, s0;
	v28 =	vadd.f32 v47, v28;
	v9 =	vadd.f32 v27, v9;
	v21 =	vand.u32 $0xFFFF0000, v21;
	s16 =	sor.u32 s25, s12;
	[tilespmem:s15+$0x0] =	vst v34  }
0x1fd: {  	s19 =	sld [smem:$0x7E4];
	v11 =	vadd.f32 v29, v11;
	v27 =	vshll.u32 v15, $0x10;
	v35 =	vshll.u32 v18, $0x10;
	s20 =	sor.u32 s26, s18;
	[tilespmem:s16+$0x0] =	vst v21  }
0x1fe: {  	s22 =	sor.u32 $0x17300, s0;
	s1 =	sld [smem:$0x7E7];
	v18 =	vand.u32 $0xFFFF0000, v18;
	s21 =	sor.u32 s25, s18;
	v16 =	vadd.f32 v16, v30;
	v17 =	vadd.f32 v17, v32;
	[tilespmem:s20+$0x0] =	vst v35  }
0x1ff: {  	v15 =	vand.u32 $0xFFFF0000, v15;
	s23 =	sor.u32 s26, s22;
	s18 =	sld [smem:$0x7E6];
	v19 =	vadd.f32 v19, v31;
	v20 =	vadd.f32 v20, v33;
	[tilespmem:s21+$0x0] =	vst v18  }
0x200: {  	s5 =	sor.u32 $0x17380, s0;
	s3 =	sor.u32 s25, s22;
	s12 =	sld [smem:$0x7E8];
	v23 =	vadd.f32 v23, v26;
	v26 =	vshll.u32 v14, $0x10;
	v7 =	vadd.f32 v7, v9;
	[tilespmem:s23+$0x0] =	vst v27  }
0x201: {  	s4 =	sor.u32 s26, s5;
	s9 =	sld [smem:$0x7E3];
	v9 =	vadd.f32 v10, v11;
	v10 =	vand.u32 $0xFFFF0000, v14;
	v22 =	vadd.f32 v22, v28;
	[tilespmem:s3+$0x0] =	vst v15  }
0x202: {  	s6 =	sor.u32 $0x18000, s0;
	s5 =	sor.u32 s25, s5;
	s10 =	sld [smem:$0x7EC];
	v11 =	vadd.f32 v35, v16;
	v14 =	vadd.f32 v18, v17;
	v16 =	vshll.u32 v8, $0x10;
	[tilespmem:s4+$0x0] =	vst v26  }
0x203: {  	s31 =	sadd.s32 $0x80, s31;
	s7 =	sor.u32 s26, s6;
	s15 =	sld [smem:$0x7E9];
	v17 =	vadd.f32 v27, v19;
	v8 =	vand.u32 $0xFFFF0000, v8;
	v7 =	vadd.f32 v34, v7;
	[tilespmem:s5+$0x0] =	vst v10  }
0x204: {  	v19 =	vshll.u32 v6, $0x10;
	v9 =	vadd.f32 v21, v9;
	s16 =	sld [smem:$0x7EA];
	v11 =	vadd.f32 v24, v11;
	s5 =	sor.u32 s25, s6;
	[tilespmem:s7+$0x0] =	vst v16;
	s7 =	sor.u32 $0x18080, s0  }
0x205: {  	s11 =	sshra.s32 s11, $0x2;
	s20 =	sld [smem:$0x7E5];
	v14 =	vadd.f32 v25, v14;
	v17 =	vadd.f32 v19, v17;
	[tilespmem:s5+$0x0] =	vst v8;
	s8 =	sor.u32 s26, s7  }
0x206: {  	v13 =	vshll.u32 v48, $0x10;
	v7 =	vadd.f32 v16, v7;
	v15 =	vadd.f32 v15, v20;
	s6 =	sor.u32 $0x18180, s0;
	s7 =	sor.u32 s25, s7;
	[tilespmem:s8+$0x0] =	vst v24;
	s8 =	sor.u32 $0x18100, s0  }
0x207: {  	v6 =	vand.u32 $0xFFFF0000, v6;
	v18 =	vadd.f32 v26, v23;
	s3 =	sld [smem:$0x7EB];
	v10 =	vadd.f32 v10, v22;
	s22 =	sor.u32 s26, s6;
	[tilespmem:s7+$0x0] =	vst v25;
	s4 =	sor.u32 s26, s8  }
0x208: {  	v20 =	vshll.u32 v5, $0x10;
	v5 =	vand.u32 $0xFFFF0000, v5;
	v15 =	vadd.f32 v6, v15;
	s23 =	sor.u32 s25, s6;
	s6 =	sor.u32 $0x18200, s0;
	s21 =	sor.u32 s25, s8;
	[tilespmem:s4+$0x0] =	vst v19  }
0x209: {  	s5 =	sld [smem:$0x7ED];
	v10 =	vadd.f32 v5, v10;
	v8 =	vadd.f32 v8, v9;
	v9 =	vand.u32 $0xFFFF0000, v1;
	s7 =	sand.u32 $0x70, s28;
	s8 =	sand.u32 $0x400, s31;
	[tilespmem:s21+$0x0] =	vst v6  }
0x20a: {  	s4 =	sor.u32 s26, s6;
	s14 =	sadd.s32 s8, s14;
	s6 =	sor.u32 s25, s6;
	v6 =	vadd.f32 v20, v18;
	v18 =	vshll.u32 v1, $0x10;
	v1 =	vshll.u32 v2, $0x10;
	[tilespmem:s22+$0x0] =	vst v20  }
0x20b: {  	v12 =	vand.u32 $0xFFFF0000, v48;
	s13 =	sadd.s32 s8, s13;
	s17 =	sadd.s32 s8, s17;
	s9 =	sadd.s32 s8, s9;
	v7 =	vadd.f32 v1, v7;
	[tilespmem:s23+$0x0] =	vst v5;
	v5 =	vadd.f32 v4, v11  }
0x20c: {  	s18 =	sadd.s32 s8, s18;
	s1 =	sadd.s32 s8, s1;
	s21 =	sor.u32 $0x18280, s0;
	v2 =	vand.u32 $0xFFFF0000, v2;
	v11 =	vadd.f32 v3, v14;
	v14 =	vadd.f32 v13, v17;
	[tilespmem:s4+$0x0] =	vst v1  }
0x20d: {  	s14 =	sadd.s32 s7, s14;
	s1 =	sadd.s32 s7, s1;
	s4 =	sor.u32 s26, s21;
	[tilespmem:s6+$0x0] =	vst v2;
	v2 =	vadd.f32 v2, v8;
	v8 =	vadd.f32 v12, v15;
	v15 =	vshll.u32 v0, $0x10  }
0x20e: {  	v16 =	vand.u32 $0xFFFF0000, v0;
	s22 =	sor.u32 $0x18300, s0;
	s21 =	sor.u32 s25, s21;
	v1 =	vld [tilespmem:s14+$0x0];
	s14 =	sadd.s32 s7, s13;
	[tilespmem:s4+$0x0] =	vst v4;
	v4 =	vadd.f32 v18, v6;
	v6 =	vadd.f32 v15, v7  }
0x20f: {  	s23 =	sor.u32 $0x18380, s0;
	s13 =	sadd.s32 s7, s17;
	v7 =	vadd.f32 v9, v10;
	v0 =	vld [tilespmem:s14+$0x0];
	[tilespmem:s21+$0x0] =	vst v3;
	s14 =	sor.u32 s26, s22;
	v10 =	vadd.f32 v16, v2  }
0x210: {  	s17 =	sadd.s32 s7, s9;
	s21 =	sadd.s32 s8, s19;
	s22 =	sor.u32 s25, s22;
	v2 =	vld [tilespmem:s13+$0x0];
	[tilespmem:s14+$0x0] =	vst v13;
	v5 =	vadd.f32 v6, v5;
	v6 =	vadd.f32 v4, v14  }
0x211: {  	s9 =	sadd.s32 s7, s21;
	s13 =	sadd.s32 s8, s20;
	s14 =	sor.u32 s26, s23;
	v7 =	vadd.f32 v7, v8;
	v3 =	vld [tilespmem:s17+$0x0];
	[tilespmem:s22+$0x0] =	vst v12;
	v10 =	vadd.f32 v10, v11  }
0x212: {  	s0 =	sor.u32 $0x19000, s0;
	s19 =	sor.u32 s25, s23;
	s17 =	sadd.s32 s7, s13;
	v4 =	vld [tilespmem:s9+$0x0];
	[tilespmem:s14+$0x0] =	vst v18;
	v8 =	vadd.f32 v5, v6  }
0x213: {  	s4 =	sadd.s32 s8, s16;
	s20 =	sadd.s32 s7, s18;
	s21 =	sor.u32 s26, s0;
	v5 =	vld [tilespmem:s17+$0x0];
	[tilespmem:s19+$0x0] =	vst v9;
	v9 =	vadd.f32 v10, v7  }
0x214: {  	s0 =	sor.u32 s25, s0;
	s26 =	sadd.s32 s8, s15;
	s22 =	sadd.s32 s8, s12;
	v6 =	vld [tilespmem:s20+$0x0];
	[tilespmem:s21+$0x0] =	vst v15;
	v10 =	vmul.f32 $3.999999910e-02, v8  }
0x215: {  	s15 =	rddreg [dreg:$0x1e];
	s23 =	sadd.s32 s7, s22;
	v7 =	vld [tilespmem:s1+$0x0];
	[tilespmem:s0+$0x0] =	vst v16;
	v9 =	vmul.f32 $3.999999910e-02, v9;
	s1 =	sand.u32 $0x180, s2  }
0x216: {  	s18 =	rddreg [dreg:$0x1f];
	s2 =	sadd.s32 s7, s26;
	v8 =	vld [tilespmem:s23+$0x0];
	[tilespmem:s11+$0x1E000] =	vst v10;
	s0 =	sor.u32 s25, s1  }
0x217: {  	s6 =	sadd.s32 s7, s4;
	s9 =	sadd.s32 s8, s3;
	s14 =	sld [smem:$0x7EF];
	v10 =	vld [tilespmem:s2+$0x0];
	[tilespmem:s0+$0x1E000] =	vst v9  }
0x218: {  	s13 =	sadd.s32 s8, s10;
	s12 =	sadd.s32 s7, s9;
	s9 =	sld [smem:$0x7F2];
	v12 =	vld [tilespmem:s6+$0x0]  }
0x219: {  	s16 =	sadd.s32 s7, s13;
	s17 =	sadd.s32 s8, s5;
	s21 =	sld [smem:$0x7F0];
	v14 =	vld [tilespmem:s12+$0x0]  }
0x21a: {  	s19 =	sadd.s32 s7, s17;
	s26 =	sld [smem:$0x7F1];
	s23 =	sadd.s32 s8, s14;
	v13 =	vld [tilespmem:s16+$0x0]  }
0x21b: {  	s11 =	sld [smem:$0x7EE];
	s25 =	sadd.s32 s8, s15;
	s1 =	sadd.s32 s7, s23;
	v15 =	vld [tilespmem:s19+$0x0]  }
0x21c: {  	s15 =	sld [smem:$0x7F4];
	s2 =	sadd.s32 s7, s25;
	s6 =	sadd.s32 s8, s18;
	v17 =	vld [tilespmem:s1+$0x0]  }
0x21d: {  	s17 =	sadd.s32 s8, s9;
	v18 =	vld [tilespmem:s2+$0x0];
	s14 =	sadd.s32 s8, s26;
	s10 =	sadd.s32 s7, s6  }
0x21e: {  	s9 =	rddreg [dreg:$0x19];
	s20 =	sadd.s32 s8, s11;
	s16 =	sadd.s32 s7, s14;
	v20 =	vld [tilespmem:s10+$0x0]  }
0x21f: {  	s12 =	sld [smem:$0x7F3];
	s11 =	sadd.s32 s8, s21;
	s22 =	sadd.s32 s7, s20;
	v21 =	vld [tilespmem:s16+$0x0]  }
0x220: {  	s29 =	sadd.s32 $0x100, s29;
	s18 =	sld [smem:$0x7F5];
	s13 =	sadd.s32 s7, s11;
	v16 =	vld [tilespmem:s22+$0x0]  }
0x221: {  	s19 =	rddreg [dreg:$0x16];
	s25 =	sadd.s32 s8, s15;
	s20 =	sadd.s32 s7, s17;
	v19 =	vld [tilespmem:s13+$0x0]  }
0x222: {  	s26 =	rddreg [dreg:$0x18];
	s6 =	sadd.s32 s8, s19;
	s1 =	sadd.s32 s7, s25;
	v22 =	vld [tilespmem:s20+$0x0]  }
0x223: {  	s14 =	sadd.s32 s8, s26;
	s15 =	rddreg [dreg:$0x1b];
	s11 =	sadd.s32 s7, s6;
	v24 =	vld [tilespmem:s1+$0x0]  }
0x224: {  	s26 =	rddreg [dreg:$0x7];
	s16 =	sadd.s32 s7, s14;
	s17 =	sadd.s32 s8, s9;
	v36 =	vld [tilespmem:s11+$0x0]  }
0x225: {  	s25 =	sadd.s32 s8, s15;
	s6 =	rddreg [dreg:$0x8];
	v35 =	vld [tilespmem:s16+$0x0];
	s19 =	sadd.s32 s7, s17  }
0x226: {  	s15 =	rddreg [dreg:$0xa];
	s21 =	sadd.s32 s8, s12;
	s1 =	sadd.s32 s7, s25;
	v38 =	vld [tilespmem:s19+$0x0]  }
0x227: {  	s22 =	rddreg [dreg:$0x17];
	s4 =	sadd.s32 s8, s18;
	s23 =	sadd.s32 s7, s21;
	v37 =	vld [tilespmem:s1+$0x0]  }
0x228: {  	s12 =	rddreg [dreg:$0x1a];
	s17 =	sadd.s32 s8, s6;
	s10 =	sadd.s32 s7, s4;
	v23 =	vld [tilespmem:s23+$0x0]  }
0x229: {  	s18 =	rddreg [dreg:$0x1c];
	s2 =	sadd.s32 s8, s22;
	s19 =	sadd.s32 s7, s17;
	v25 =	vld [tilespmem:s10+$0x0]  }
0x22a: {  	s25 =	rddreg [dreg:$0xf];
	s20 =	sadd.s32 s8, s12;
	s13 =	sadd.s32 s7, s2;
	v26 =	vld [tilespmem:s19+$0x0]  }
0x22b: {  	s21 =	rddreg [dreg:$0x1d];
	s3 =	sadd.s32 s8, s18;
	s23 =	sadd.s32 s7, s20;
	v39 =	vld [tilespmem:s13+$0x0]  }
0x22c: {  	s22 =	rddreg [dreg:$0x6];
	s9 =	sadd.s32 s7, s3;
	s10 =	sadd.s32 s8, s21;
	v54 =	vld [tilespmem:s23+$0x0]  }
0x22d: {  	s6 =	rddreg [dreg:$0x5];
	s11 =	sadd.s32 s8, s22;
	v40 =	vld [tilespmem:s9+$0x0];
	s13 =	sadd.s32 s7, s10  }
0x22e: {  	s12 =	rddreg [dreg:$0x9];
	s2 =	sadd.s32 s8, s26;
	s14 =	sadd.s32 s7, s11;
	v41 =	vld [tilespmem:s13+$0x0]  }
0x22f: {  	s18 =	rddreg [dreg:$0xb];
	s20 =	sadd.s32 s8, s12;
	s16 =	sadd.s32 s7, s2;
	v9 =	vld [tilespmem:s14+$0x0]  }
0x230: {  	s17 =	rddreg [dreg:$0x12];
	s12 =	sadd.s32 s8, s25;
	s22 =	sadd.s32 s7, s20;
	v11 =	vld [tilespmem:s16+$0x0]  }
0x231: {  	s0 =	sadd.s32 s8, s17;
	s23 =	sadd.s32 s8, s15;
	s15 =	sadd.s32 s7, s12;
	v27 =	vld [tilespmem:s22+$0x0]  }
0x232: {  	s30 =	sadd.s32 $0x20, s30;
	s21 =	rddreg [dreg:$0xe];
	s0 =	sadd.s32 s7, s0;
	v56 =	vld [tilespmem:s15+$0x0]  }
0x233: {  	s26 =	rddreg [dreg:$0x4];
	s2 =	sadd.s32 s8, s18;
	s1 =	sadd.s32 s7, s23;
	v59 =	vld [tilespmem:s0+$0x0]  }
0x234: {  	s25 =	rddreg [dreg:$0xd];
	s10 =	sadd.s32 s8, s21;
	s9 =	sadd.s32 s7, s2;
	v28 =	vld [tilespmem:s1+$0x0]  }
0x235: {  	s18 =	rddreg [dreg:$0x13];
	s11 =	sadd.s32 s7, s10;
	s14 =	sadd.s32 s8, s26;
	v29 =	vld [tilespmem:s9+$0x0]  }
0x236: {  	s20 =	rddreg [dreg:$0x14];
	s2 =	sadd.s32 s8, s6;
	v55 =	vld [tilespmem:s11+$0x0];
	s4 =	sadd.s32 s7, s14  }
0x237: {  	s21 =	rddreg [dreg:$0x15];
	s6 =	sadd.s32 s8, s20;
	s2 =	sadd.s32 s7, s2;
	v30 =	vld [tilespmem:s4+$0x0]  }
0x238: {  	s12 =	sadd.s32 s8, s25;
	s13 =	rddreg [dreg:$0x10];
	s9 =	sadd.s32 s7, s6;
	v31 =	vld [tilespmem:s2+$0x0]  }
0x239: {  	s16 =	rddreg [dreg:$0x11];
	s3 =	sadd.s32 s8, s13;
	s14 =	sadd.s32 s7, s12;
	v61 =	vld [tilespmem:s9+$0x0]  }
0x23a: {  	s22 =	rddreg [dreg:$0xc];
	s1 =	sadd.s32 s8, s16;
	s19 =	sadd.s32 s7, s3;
	v51 =	vld [tilespmem:s14+$0x0]  }
0x23b: {  	s23 =	sadd.s32 s8, s18;
	s11 =	sadd.s32 s8, s22;
	s1 =	sadd.s32 s7, s1;
	v57 =	vld [tilespmem:s19+$0x0]  }
0x23c: {  	s10 =	sadd.s32 s8, s21;
	s0 =	sand.u32 $0xC00, s29;
	s2 =	sadd.s32 s7, s11;
	v58 =	vld [tilespmem:s1+$0x0];
	v43 =	vadd.bf16 v56, v55  }
0x23d: {  	s26 =	sand.u32 $0x60, s30;
	s13 =	sor.u32 $0x16000, s0;
	s1 =	sadd.s32 s7, s23;
	v62 =	vld [tilespmem:s2+$0x0];
	v30 =	vadd.bf16 v31, v30  }
0x23e: {  	s15 =	sor.u32 s26, s13;
	v60 =	vld [tilespmem:s1+$0x0];
	s1 =	sadd.s32 s7, s10;
	v31 =	vadd.bf16 v11, v9;
	v42 =	vshll.u32 v43, $0x10  }
0x23f: {  	v50 =	vld [tilespmem:s1+$0x0];
	v26 =	vadd.bf16 v27, v26;
	v9 =	vshll.u32 v30, $0x10;
	[tilespmem:s15+$0x280] =	vst v42  }
0x240: {  	v27 =	vadd.bf16 v29, v28;
	v11 =	vand.u32 $0xFFFF0000, v30;
	v30 =	vshll.u32 v31, $0x10;
	[tilespmem:s15+$0x0] =	vst v9  }
0x241: {  	v32 =	vand.u32 $0xFFFF0000, v31;
	v31 =	vshll.u32 v26, $0x10;
	[tilespmem:s15+$0x80] =	vst v30  }
0x242: {  	s25 =	sor.u32 $0x10, s26;
	v33 =	vand.u32 $0xFFFF0000, v26;
	v26 =	vshll.u32 v27, $0x10;
	[tilespmem:s15+$0x100] =	vst v31  }
0x243: {  	s16 =	sor.u32 s25, s13;
	v43 =	vand.u32 $0xFFFF0000, v43;
	[tilespmem:s15+$0x180] =	vst v26  }
0x244: {  	[tilespmem:s16+$0x280] =	vst v43  }
0x245: {  	[tilespmem:s16+$0x0] =	vst v11  }
0x246: {  	v29 =	vadd.bf16 v51, v62;
	[tilespmem:s16+$0x80] =	vst v32  }
0x247: {  	v28 =	vand.u32 $0xFFFF0000, v27;
	v45 =	vadd.bf16 v58, v57;
	[tilespmem:s16+$0x100] =	vst v33  }
0x248: {  	v27 =	vshll.u32 v29, $0x10;
	[tilespmem:s16+$0x180] =	vst v28  }
0x249: {  	v44 =	vshll.u32 v45, $0x10;
	[tilespmem:s15+$0x200] =	vst v27  }
0x24a: {  	v63 =	vadd.bf16 v0, v1;
	v47 =	vadd.bf16 v60, v59;
	v29 =	vand.u32 $0xFFFF0000, v29;
	[tilespmem:s15+$0x300] =	vst v44  }
0x24b: {  	v48 =	vadd.bf16 v3, v2;
	v1 =	vadd.bf16 v5, v4;
	v46 =	vand.u32 $0xFFFF0000, v45;
	[tilespmem:s16+$0x200] =	vst v29  }
0x24c: {  	v0 =	vadd.bf16 v7, v6;
	v3 =	vadd.bf16 v50, v61;
	v45 =	vshll.u32 v47, $0x10;
	[tilespmem:s16+$0x300] =	vst v46  }
0x24d: {  	v49 =	vadd.bf16 v10, v8;
	v6 =	vadd.bf16 v14, v12;
	s17 =	sor.u32 $0x17000, s0;
	v47 =	vand.u32 $0xFFFF0000, v47;
	[tilespmem:s15+$0x380] =	vst v45  }
0x24e: {  	p1 =	sne.s32 s28, $0xF0;
	v5 =	vadd.bf16 v15, v13;
	s18 =	sor.u32 s26, s17;
	v4 =	vadd.bf16 v39, v36;
	v7 =	vshll.u32 v3, $0x10;
	[tilespmem:s16+$0x380] =	vst v47  }
.Ltmp2:
0x24f: {  	v18 =	vadd.bf16 v20, v18;
	v2 =	vadd.bf16 v17, v16;
	s19 =	sor.u32 $0x17080, s0;
	s1 =	sor.u32 s25, s17;
	v10 =	vand.u32 $0xFFFF0000, v3;
	[tilespmem:s18+$0x0] =	vst v7;
	(pc) =	sbr.rel @p1 .LBB2_7-.Ltmp2, $4  }
0x250: {  	v15 =	vadd.bf16 v21, v19;
	s20 =	sor.u32 s26, s19;
	v16 =	vshll.u32 v4, $0x10;
	v3 =	vadd.bf16 v38, v35;
	[tilespmem:s1+$0x0] =	vst v10  }
0x251: {  	s22 =	sor.u32 $0x17100, s0;
	v14 =	vadd.bf16 v23, v22;
	v8 =	vadd.bf16 v25, v24;
	s21 =	sor.u32 s25, s19;
	v17 =	vand.u32 $0xFFFF0000, v4;
	[tilespmem:s20+$0x0] =	vst v16  }
0x252: {  	s28 =	sadd.s32 $0x10, s28;
	s11 =	smov.u32 s31;
	s23 =	sor.u32 s26, s22;
	v22 =	vadd.bf16 v37, v54;
	v21 =	vadd.bf16 v41, v40;
	v19 =	vshll.u32 v3, $0x10;
	[tilespmem:s21+$0x0] =	vst v17  }
0x253: {  	s3 =	sor.u32 s25, s22;
	s2 =	smov.u32 s30;
	v4 =	vshll.u32 v63, $0x10;
	v20 =	vand.u32 $0xFFFF0000, v3;
	v3 =	vand.u32 $0xFFFF0000, v63;
	s1 =	sor.u32 $0x17180, s0;
	[tilespmem:s23+$0x0] =	vst v19  }
0x254: {  	[tilespmem:s3+$0x0] =	vst v20;
	v12 =	vshll.u32 v22, $0x10;
	s8 =	sor.u32 s26, s1;
	v13 =	vshll.u32 v48, $0x10;
	v22 =	vand.u32 $0xFFFF0000, v22  }
0x255: {  	s9 =	sor.u32 s25, s1;
	s10 =	sor.u32 $0x17200, s0;
	v24 =	vshll.u32 v49, $0x10;
	v25 =	vand.u32 $0xFFFF0000, v49;
	v30 =	vadd.f32 v42, v30;
	[tilespmem:s8+$0x0] =	vst v12  }
0x256: {  	v32 =	vadd.f32 v43, v32;
	v34 =	vshll.u32 v21, $0x10;
	v31 =	vadd.f32 v44, v31;
	s12 =	sor.u32 s26, s10;
	[tilespmem:s9+$0x0] =	vst v22  }
0x257: {  	v33 =	vadd.f32 v46, v33;
	v21 =	vand.u32 $0xFFFF0000, v21;
	s14 =	sor.u32 $0x17280, s0;
	v26 =	vadd.f32 v45, v26;
	s13 =	sor.u32 s25, s10;
	[tilespmem:s12+$0x0] =	vst v34  }
0x258: {  	v28 =	vadd.f32 v47, v28;
	v35 =	vshll.u32 v18, $0x10;
	v9 =	vadd.f32 v27, v9;
	s15 =	sor.u32 s26, s14;
	[tilespmem:s13+$0x0] =	vst v21  }
0x259: {  	v11 =	vadd.f32 v29, v11;
	v18 =	vand.u32 $0xFFFF0000, v18;
	s17 =	sor.u32 $0x17300, s0;
	s16 =	sor.u32 s25, s14;
	v16 =	vadd.f32 v16, v30;
	[tilespmem:s15+$0x0] =	vst v35  }
0x25a: {  	v27 =	vshll.u32 v15, $0x10;
	s18 =	sor.u32 s26, s17;
	v17 =	vadd.f32 v17, v32;
	v19 =	vadd.f32 v19, v31;
	[tilespmem:s16+$0x0] =	vst v18  }
0x25b: {  	v15 =	vand.u32 $0xFFFF0000, v15;
	s20 =	sor.u32 $0x17380, s0;
	s19 =	sor.u32 s25, s17;
	v20 =	vadd.f32 v20, v33;
	v12 =	vadd.f32 v12, v26;
	[tilespmem:s18+$0x0] =	vst v27  }
0x25c: {  	s21 =	sor.u32 s26, s20;
	v22 =	vadd.f32 v22, v28;
	v26 =	vshll.u32 v14, $0x10;
	v7 =	vadd.f32 v7, v9;
	[tilespmem:s19+$0x0] =	vst v15  }
0x25d: {  	s23 =	sor.u32 $0x18000, s0;
	s22 =	sor.u32 s25, s20;
	v9 =	vadd.f32 v10, v11;
	v10 =	vand.u32 $0xFFFF0000, v14;
	v11 =	vadd.f32 v35, v16;
	[tilespmem:s21+$0x0] =	vst v26  }
0x25e: {  	s4 =	sor.u32 s26, s23;
	v14 =	vadd.f32 v18, v17;
	v16 =	vshll.u32 v8, $0x10;
	v17 =	vadd.f32 v27, v19;
	[tilespmem:s22+$0x0] =	vst v10  }
0x25f: {  	s6 =	sor.u32 $0x18080, s0;
	s5 =	sor.u32 s25, s23;
	v8 =	vand.u32 $0xFFFF0000, v8;
	v12 =	vadd.f32 v26, v12;
	v7 =	vadd.f32 v34, v7;
	[tilespmem:s4+$0x0] =	vst v16  }
0x260: {  	s7 =	sor.u32 s26, s6;
	v9 =	vadd.f32 v21, v9;
	v19 =	vshll.u32 v5, $0x10;
	v11 =	vadd.f32 v24, v11;
	[tilespmem:s5+$0x0] =	vst v8  }
0x261: {  	s8 =	sor.u32 s25, s6;
	s9 =	sor.u32 $0x18100, s0;
	v18 =	vshll.u32 v6, $0x10;
	v14 =	vadd.f32 v25, v14;
	v15 =	vadd.f32 v15, v20;
	[tilespmem:s7+$0x0] =	vst v24  }
0x262: {  	s10 =	sor.u32 s26, s9;
	v6 =	vand.u32 $0xFFFF0000, v6;
	v7 =	vadd.f32 v16, v7;
	v10 =	vadd.f32 v10, v22;
	[tilespmem:s8+$0x0] =	vst v25  }
0x263: {  	s12 =	sor.u32 s25, s9;
	v5 =	vand.u32 $0xFFFF0000, v5;
	s13 =	sor.u32 $0x18180, s0;
	v17 =	vadd.f32 v18, v17;
	v15 =	vadd.f32 v6, v15;
	[tilespmem:s10+$0x0] =	vst v18  }
0x264: {  	v23 =	vand.u32 $0xFFFF0000, v48;
	s14 =	sor.u32 s26, s13;
	v10 =	vadd.f32 v5, v10;
	v8 =	vadd.f32 v8, v9;
	[tilespmem:s12+$0x0] =	vst v6  }
0x265: {  	s15 =	sor.u32 s25, s13;
	s16 =	sor.u32 $0x18200, s0;
	v9 =	vadd.f32 v4, v11;
	v11 =	vadd.f32 v3, v14;
	v14 =	vshll.u32 v0, $0x10;
	[tilespmem:s14+$0x0] =	vst v19  }
0x266: {  	s17 =	sor.u32 s26, s16;
	v0 =	vand.u32 $0xFFFF0000, v0;
	v6 =	vadd.f32 v19, v12;
	[tilespmem:s15+$0x0] =	vst v5;
	v5 =	vshll.u32 v2, $0x10  }
0x267: {  	s18 =	sor.u32 s25, s16;
	s4 =	sor.u32 $0x18280, s0;
	v2 =	vand.u32 $0xFFFF0000, v2;
	[tilespmem:s17+$0x0] =	vst v5;
	v5 =	vadd.f32 v5, v7;
	v7 =	vadd.f32 v13, v17  }
0x268: {  	s19 =	sor.u32 s26, s4;
	v12 =	vshll.u32 v1, $0x10;
	[tilespmem:s18+$0x0] =	vst v2;
	v2 =	vadd.f32 v2, v8;
	v8 =	vadd.f32 v23, v15  }
0x269: {  	s20 =	sor.u32 $0x18300, s0;
	s21 =	sor.u32 s25, s4;
	v1 =	vand.u32 $0xFFFF0000, v1;
	[tilespmem:s19+$0x0] =	vst v4;
	v4 =	vadd.f32 v12, v6;
	v5 =	vadd.f32 v14, v5  }
0x26a: {  	s22 =	sor.u32 s26, s20;
	[tilespmem:s21+$0x0] =	vst v3;
	v3 =	vadd.f32 v1, v10;
	v2 =	vadd.f32 v0, v2  }
0x26b: {  	s23 =	sor.u32 $0x18380, s0;
	s3 =	sor.u32 s25, s20;
	[tilespmem:s22+$0x0] =	vst v13;
	v5 =	vadd.f32 v5, v9;
	v4 =	vadd.f32 v4, v7  }
0x26c: {  	s5 =	sor.u32 s26, s23;
	[tilespmem:s3+$0x0] =	vst v23;
	v2 =	vadd.f32 v2, v11;
	v3 =	vadd.f32 v3, v8  }
0x26d: {  	s6 =	sor.u32 $0x19000, s0;
	s7 =	sor.u32 s25, s23;
	[tilespmem:s5+$0x0] =	vst v12;
	v4 =	vadd.f32 v5, v4  }
0x26e: {  	s8 =	sor.u32 s26, s6;
	[tilespmem:s7+$0x0] =	vst v1;
	v1 =	vadd.f32 v2, v3  }
0x26f: {  	s0 =	sor.u32 s25, s6;
	[tilespmem:s8+$0x0] =	vst v14;
	v2 =	vmul.f32 $3.999999910e-02, v4  }
0x270: {  	s9 =	sshra.s32 s11, $0x2;
	s10 =	sand.u32 $0x180, s2;
	[tilespmem:s0+$0x0] =	vst v0;
	v0 =	vmul.f32 $3.999999910e-02, v1  }
0x271: {  	s0 =	sor.u32 s25, s10;
	[tilespmem:s9+$0x1E000] =	vst v2  }
0x272: {  	[tilespmem:s0+$0x1E000] =	vst v0  }
0x273: {  	s0 =	sld [smem:$0x7F9];
	_ =	sdelay $0x1  }
0x274: {  	s11 =	sshll.u32 s24, $0xB;
	s13 =	simm.s32 $0x16000;
	s14 =	sld [smem:$0x7F6]  }
0x275: {  	s12 =	simm.s32 $0x0;
	s16 =	sld [smem:$0x7FB];
	s0 =	sadd.s32 s0, s11  }
0x276: {  	[hbm4b:s0+s12] =	stream.linear.scatter [tilespmem:s13], [sflag:$0x1], $0x4000, $0x38;
	[tilespmem:$0x1E400] =	vst v63  }
0x277: {  	s0 =	sshll.u32 s14, $0x5  }
0x278: {  	s15 =	sshll.u32 s24, $0x6;
	s0 =	sand.u32 $0x60, s0  }
0x279: {  	s1 =	sand.u32 $0x3FE00, s15;
	s17 =	simm.s32 $0x80;
	s0 =	sadd.s32 s16, s0  }
0x27a: {  	s18 =	simm.s32 $0x400;
	s19 =	simm.s32 $0x1E000;
	s0 =	sadd.s32 s1, s0  }
0x27b: {  	[hbm4b:s0+s17] =	stream.strided.scatter [tilespmem:s19], [sflag:$0x1], $0x200, s18, s17, $0x38;
	[tilespmem:$0x1E400] =	vst v63  }
0x27c: {  	s0 =	simm.s32 @!p0 $0x2  }
0x27d: {  	_ =	swait.ge @!p0 [sflag:s0], $0x4000  }
0x27e: {  	s20 =	sld [smem:$0x7F7]  }
0x27f: {  	[sflag:s0] =	ssyncset.done @!p0 $0x0  }
0x280: {  	[sflag:s0] =	ssyncadd.s32 @!p0 $0xFFFFC000  }
0x281: {  	_ =	swait.ge @!p0 [sflag:s0], $0x200;
	s17 =	sor.u32 $0x1, s20  }
0x282: {  	[sflag:s0] =	ssyncset.done @!p0 $0x0;
	s1 =	sshll.u32 s17, $0x7  }
0x283: {  	[sflag:s0] =	ssyncadd.s32 @!p0 $0xFFFFFE00;
	s0 =	sand.u32 $0x3FFFFF80, s1  }
0x284: {  	v0 =	vld [tilespmem:s0+$0x12000];
	_ =	sdelay $0x4  }
0x285: {  	(v2sf) =	vpush v0, $0x0  }
0x286: {  	(v2sf) =	vpush v0, $0x1  }
0x287: {  	(v2sf) =	vpush v0, $0x2;
	_ =	sdelay $0x1  }
0x288: {  	(v2sf) =	vpush v0, $0x3;
	_ =	sdelay $0x1  }
0x289: {  	(v2sf) =	vpush v0, $0x4;
	_ =	sdelay $0x1  }
0x28a: {  	(v2sf) =	vpush v0, $0x5;
	_ =	sdelay $0x2  }
0x28b: {  	(v2sf) =	vpush v0, $0x6;
	_ =	sdelay $0x1  }
0x28c: {  	(v2sf) =	vpush v0, $0x7;
	_ =	sdelay $0x1  }
0x28d: {  	(v2sf) =	vpush v0, $0x8;
	s21 =	spop (v2sf)  }
0x28e: {  	s22 =	spop (v2sf)  }
0x28f: {  	s8 =	sshll.u32 s21, $0x8;
	s1 =	sshll.u32 s21, $0x7;
	s23 =	spop (v2sf)  }
0x290: {  	(v2sf) =	vpush v0, $0x9;
	s8 =	sand.u32 $0xFFFFF800, s8;
	s1 =	sand.u32 $0x380, s1;
	s26 =	sshll.u32 s22, $0x8  }
0x291: {  	s2 =	sshll.u32 s22, $0x7;
	s24 =	spop (v2sf);
	s1 =	sor.u32 s1, s8  }
0x292: {  	(v2sf) =	vpush v0, $0xA;
	s9 =	sand.u32 $0xFFFFF800, s26;
	s2 =	sand.u32 $0x380, s2;
	s12 =	sshll.u32 s23, $0x8  }
0x293: {  	s15 =	sshll.u32 s23, $0x7;
	s6 =	spop (v2sf);
	[smem:$0x7D5] =	sst s1  }
0x294: {  	(v2sf) =	vpush v0, $0xB;
	s9 =	sor.u32 s2, s9;
	s1 =	sand.u32 $0xFFFFF800, s12;
	s2 =	sand.u32 $0x380, s15  }
0x295: {  	s16 =	sshll.u32 s24, $0x8;
	s18 =	sshll.u32 s24, $0x7;
	s25 =	spop (v2sf)  }
0x296: {  	(v2sf) =	vpush v0, $0xC;
	[smem:$0x7D6] =	sst s9;
	s1 =	sor.u32 s2, s1;
	s19 =	sand.u32 $0xFFFFF800, s16  }
0x297: {  	s20 =	sand.u32 $0x380, s18;
	s21 =	sshll.u32 s6, $0x8;
	s22 =	sshll.u32 s6, $0x7  }
0x298: {  	s13 =	spop (v2sf);
	[smem:$0x7CD] =	sst s1;
	s1 =	sor.u32 s20, s19  }
0x299: {  	s2 =	sand.u32 $0xFFFFF800, s21;
	s3 =	sand.u32 $0x380, s22;
	s23 =	sshll.u32 s25, $0x8  }
0x29a: {  	s24 =	sshll.u32 s25, $0x7;
	s14 =	spop (v2sf);
	[smem:$0x7CE] =	sst s1  }
0x29b: {  	v1 =	vld [tilespmem:s0+$0x12010];
	s2 =	sor.u32 s3, s2;
	s3 =	sand.u32 $0xFFFFF800, s23;
	s4 =	sand.u32 $0x380, s24  }
0x29c: {  	(v2sf) =	vpush v0, $0xD;
	s25 =	sshll.u32 s13, $0x8;
	s26 =	sshll.u32 s13, $0x7;
	s5 =	spop (v2sf)  }
0x29d: {  	(v2sf) =	vpush v0, $0xE;
	[smem:$0x7CF] =	sst s2;
	s3 =	sor.u32 s4, s3;
	s4 =	sand.u32 $0xFFFFF800, s25  }
0x29e: {  	(v2sf) =	vpush v0, $0xF;
	s11 =	sand.u32 $0x380, s26;
	s13 =	sshll.u32 s14, $0x8;
	s15 =	sshll.u32 s14, $0x7  }
0x29f: {  	s7 =	spop (v2sf);
	[smem:$0x7D0] =	sst s3;
	s3 =	sor.u32 s11, s4  }
0x2a0: {  	(v2sf) =	vpush v1, $0x0;
	s4 =	sand.u32 $0xFFFFF800, s13;
	s6 =	sand.u32 $0x380, s15;
	s16 =	sshll.u32 s5, $0x8  }
0x2a1: {  	s18 =	sshll.u32 s5, $0x7;
	s10 =	spop (v2sf);
	[smem:$0x7D1] =	sst s3  }
0x2a2: {  	(v2sf) =	vpush v1, $0x1;
	s4 =	sor.u32 s6, s4;
	s6 =	sand.u32 $0x380, s18;
	s19 =	sshll.u32 s7, $0x8  }
0x2a3: {  	s7 =	sshll.u32 s7, $0x7;
	s8 =	spop (v2sf);
	[smem:$0x7D2] =	sst s4  }
0x2a4: {  	s4 =	sand.u32 $0xFFFFF800, s16;
	s20 =	sand.u32 $0xFFFFF800, s19;
	s21 =	sand.u32 $0x380, s7  }
0x2a5: {  	(v2sf) =	vpush v1, $0x2;
	s22 =	sshll.u32 s10, $0x8;
	s23 =	sshll.u32 s10, $0x7;
	s9 =	spop (v2sf)  }
0x2a6: {  	(v2sf) =	vpush v1, $0x3;
	s4 =	sor.u32 s6, s4;
	s6 =	sand.u32 $0xFFFFF800, s22;
	s10 =	sand.u32 $0x380, s23  }
0x2a7: {  	s25 =	sshll.u32 s8, $0x8;
	s26 =	sshll.u32 s8, $0x7;
	[smem:$0x7DD] =	sst s4  }
0x2a8: {  	s4 =	sor.u32 s21, s20;
	s24 =	sor.u32 s10, s6;
	s6 =	sand.u32 $0x380, s26  }
0x2a9: {  	s10 =	sshll.u32 s9, $0x8;
	s9 =	sshll.u32 s9, $0x7;
	[smem:$0x7DE] =	sst s4  }
0x2aa: {  	[smem:$0x7D3] =	sst s24;
	s4 =	sand.u32 $0xFFFFF800, s25;
	s14 =	sand.u32 $0xFFFFF800, s10  }
0x2ab: {  	s15 =	sand.u32 $0x380, s9;
	s12 =	spop (v2sf);
	s4 =	sor.u32 s6, s4  }
0x2ac: {  	s1 =	spop (v2sf);
	[smem:$0x7D4] =	sst s4;
	s4 =	sor.u32 s15, s14  }
0x2ad: {  	s16 =	sshll.u32 s12, $0x8;
	s18 =	sshll.u32 s12, $0x7;
	s2 =	spop (v2sf)  }
0x2ae: {  	(v2sf) =	vpush v1, $0x4;
	s6 =	sand.u32 $0xFFFFF800, s16;
	s19 =	sand.u32 $0x380, s18;
	[smem:$0x7D7] =	sst s4  }
0x2af: {  	(v2sf) =	vpush v1, $0x5;
	s21 =	sshll.u32 s1, $0x8;
	s1 =	sshll.u32 s1, $0x7;
	s11 =	spop (v2sf)  }
0x2b0: {  	(v2sf) =	vpush v1, $0x6;
	s20 =	sor.u32 s19, s6;
	s4 =	sand.u32 $0xFFFFF800, s21;
	s1 =	sand.u32 $0x380, s1  }
0x2b1: {  	(v2sf) =	vpush v1, $0x7;
	s22 =	sshll.u32 s2, $0x8;
	s2 =	sshll.u32 s2, $0x7;
	s3 =	spop (v2sf)  }
0x2b2: {  	[smem:$0x7D8] =	sst s20;
	s1 =	sor.u32 s1, s4;
	s23 =	sand.u32 $0xFFFFF800, s22  }
0x2b3: {  	(v2sf) =	vpush v1, $0x8;
	s2 =	sand.u32 $0x380, s2;
	s24 =	sshll.u32 s11, $0x8;
	s25 =	sshll.u32 s11, $0x7  }
0x2b4: {  	s5 =	spop (v2sf);
	[smem:$0x7D9] =	sst s1;
	s1 =	sor.u32 s2, s23  }
0x2b5: {  	s2 =	sand.u32 $0xFFFFF800, s24;
	s4 =	sand.u32 $0x380, s25;
	s13 =	spop (v2sf)  }
0x2b6: {  	(v2sf) =	vpush v1, $0x9;
	[smem:$0x7DA] =	sst s1;
	s26 =	sor.u32 s4, s2;
	s2 =	sshll.u32 s3, $0x8  }
0x2b7: {  	s4 =	sshll.u32 s3, $0x7;
	s6 =	sshll.u32 s5, $0x8;
	s16 =	sshll.u32 s5, $0x7  }
0x2b8: {  	(v2sf) =	vpush v1, $0xA;
	[smem:$0x7DB] =	sst s26;
	s1 =	sand.u32 $0xFFFFF800, s2;
	s2 =	sand.u32 $0x380, s4  }
0x2b9: {  	s18 =	sand.u32 $0xFFFFF800, s6;
	s19 =	sand.u32 $0x380, s16;
	s20 =	sshll.u32 s13, $0x8  }
0x2ba: {  	s21 =	sshll.u32 s13, $0x7;
	s1 =	sor.u32 s2, s1;
	s2 =	sand.u32 $0xFFFFF800, s20  }
0x2bb: {  	s3 =	sand.u32 $0x380, s21;
	[smem:$0x7DC] =	sst s1;
	s1 =	sor.u32 s19, s18  }
0x2bc: {  	s22 =	sor.u32 s3, s2;
	[smem:$0x7C5] =	sst s1  }
0x2bd: {  	[smem:$0x7C6] =	sst s22;
	s7 =	spop (v2sf)  }
0x2be: {  	s8 =	spop (v2sf);
	s23 =	sshll.u32 s7, $0x8;
	s24 =	sshll.u32 s7, $0x7  }
0x2bf: {  	(v2sf) =	vpush v1, $0xB;
	s14 =	spop (v2sf);
	s2 =	sand.u32 $0xFFFFF800, s23;
	s3 =	sand.u32 $0x380, s24  }
0x2c0: {  	(v2sf) =	vpush v1, $0xC;
	s25 =	sshll.u32 s8, $0x8;
	s26 =	sshll.u32 s8, $0x7;
	s9 =	spop (v2sf)  }
0x2c1: {  	(v2sf) =	vpush v1, $0xD;
	s2 =	sor.u32 s3, s2;
	s6 =	sand.u32 $0xFFFFF800, s25;
	s7 =	sand.u32 $0x380, s26  }
0x2c2: {  	v0 =	vld [tilespmem:s0+$0x12020];
	(v2sf) =	vpush v1, $0xE;
	s8 =	sshll.u32 s14, $0x8;
	s14 =	sshll.u32 s14, $0x7;
	s10 =	spop (v2sf)  }
0x2c3: {  	[smem:$0x7C7] =	sst s2;
	s2 =	sor.u32 s7, s6;
	s3 =	sand.u32 $0xFFFFF800, s8  }
0x2c4: {  	(v2sf) =	vpush v1, $0xF;
	s4 =	sand.u32 $0x380, s14;
	s18 =	sshll.u32 s9, $0x8;
	s19 =	sshll.u32 s9, $0x7  }
0x2c5: {  	s15 =	spop (v2sf);
	[smem:$0x7C8] =	sst s2;
	s3 =	sor.u32 s4, s3  }
0x2c6: {  	s4 =	sand.u32 $0xFFFFF800, s18;
	s6 =	sand.u32 $0x380, s19;
	s20 =	sshll.u32 s10, $0x8  }
0x2c7: {  	(v2sf) =	vpush v0, $0x0;
	s21 =	sshll.u32 s10, $0x7;
	s11 =	spop (v2sf);
	[smem:$0x7C9] =	sst s3  }
0x2c8: {  	s4 =	sor.u32 s6, s4;
	s22 =	sand.u32 $0xFFFFF800, s20;
	s23 =	sand.u32 $0x380, s21  }
0x2c9: {  	(v2sf) =	vpush v0, $0x1;
	s24 =	sshll.u32 s15, $0x8;
	s25 =	sshll.u32 s15, $0x7;
	[smem:$0x7CA] =	sst s4  }
0x2ca: {  	s4 =	sor.u32 s23, s22;
	s6 =	sand.u32 $0xFFFFF800, s24;
	s26 =	sand.u32 $0x380, s25  }
0x2cb: {  	s9 =	sshll.u32 s11, $0x8;
	s14 =	sshll.u32 s11, $0x7;
	[smem:$0x7CB] =	sst s4  }
0x2cc: {  	s8 =	sor.u32 s26, s6;
	s4 =	sand.u32 $0xFFFFF800, s9;
	s6 =	sand.u32 $0x380, s14  }
0x2cd: {  	[smem:$0x7CC] =	sst s8;
	s4 =	sor.u32 s6, s4  }
0x2ce: {  	[smem:$0x7BD] =	sst s4;
	s12 =	spop (v2sf)  }
0x2cf: {  	s16 =	spop (v2sf);
	s15 =	sshll.u32 s12, $0x8;
	s18 =	sshll.u32 s12, $0x7  }
0x2d0: {  	(v2sf) =	vpush v0, $0x2;
	s5 =	spop (v2sf);
	s19 =	sand.u32 $0xFFFFF800, s15;
	s20 =	sand.u32 $0x380, s18  }
0x2d1: {  	(v2sf) =	vpush v0, $0x3;
	s21 =	sshll.u32 s16, $0x8;
	s22 =	sshll.u32 s16, $0x7;
	s1 =	spop (v2sf)  }
0x2d2: {  	(v2sf) =	vpush v0, $0x4;
	s4 =	sor.u32 s20, s19;
	s6 =	sand.u32 $0xFFFFF800, s21;
	s23 =	sand.u32 $0x380, s22  }
0x2d3: {  	(v2sf) =	vpush v0, $0x5;
	s25 =	sshll.u32 s5, $0x8;
	s26 =	sshll.u32 s5, $0x7;
	s13 =	spop (v2sf)  }
0x2d4: {  	[smem:$0x7BE] =	sst s4;
	s24 =	sor.u32 s23, s6;
	s4 =	sand.u32 $0xFFFFF800, s25  }
0x2d5: {  	(v2sf) =	vpush v0, $0x6;
	s6 =	sand.u32 $0x380, s26;
	s12 =	sshll.u32 s1, $0x8;
	s1 =	sshll.u32 s1, $0x7  }
0x2d6: {  	s2 =	spop (v2sf);
	[smem:$0x7BF] =	sst s24;
	s6 =	sor.u32 s6, s4  }
0x2d7: {  	(v2sf) =	vpush v0, $0x7;
	s14 =	sand.u32 $0xFFFFF800, s12;
	s1 =	sand.u32 $0x380, s1;
	s15 =	sshll.u32 s13, $0x8  }
0x2d8: {  	s16 =	sshll.u32 s13, $0x7;
	s3 =	spop (v2sf);
	[smem:$0x7C0] =	sst s6  }
0x2d9: {  	v1 =	vld [tilespmem:s0+$0x12030];
	(v2sf) =	vpush v0, $0x8;
	s0 =	sor.u32 s1, s14;
	s4 =	sand.u32 $0xFFFFF800, s15;
	s6 =	sand.u32 $0x380, s16  }
0x2da: {  	s19 =	sshll.u32 s2, $0x8;
	s2 =	sshll.u32 s2, $0x7;
	[smem:$0x7C1] =	sst s0  }
0x2db: {  	s18 =	sor.u32 s6, s4;
	s4 =	sand.u32 $0xFFFFF800, s19;
	s2 =	sand.u32 $0x380, s2  }
0x2dc: {  	s20 =	sshll.u32 s3, $0x8;
	s3 =	sshll.u32 s3, $0x7;
	[smem:$0x7C2] =	sst s18  }
0x2dd: {  	s2 =	sor.u32 s2, s4;
	s21 =	sand.u32 $0xFFFFF800, s20;
	s3 =	sand.u32 $0x380, s3  }
0x2de: {  	[smem:$0x7C3] =	sst s2;
	s2 =	sor.u32 s3, s21  }
0x2df: {  	[smem:$0x7C4] =	sst s2;
	s10 =	spop (v2sf)  }
0x2e0: {  	(v2sf) =	vpush v0, $0x9;
	s7 =	spop (v2sf);
	s22 =	sshll.u32 s10, $0x8;
	s23 =	sshll.u32 s10, $0x7  }
0x2e1: {  	(v2sf) =	vpush v0, $0xA;
	s8 =	spop (v2sf);
	s3 =	sand.u32 $0xFFFFF800, s22;
	s4 =	sand.u32 $0x380, s23  }
0x2e2: {  	(v2sf) =	vpush v0, $0xB;
	s24 =	sshll.u32 s7, $0x8;
	s25 =	sshll.u32 s7, $0x7;
	s11 =	spop (v2sf)  }
0x2e3: {  	s3 =	sor.u32 s4, s3;
	s4 =	sand.u32 $0x380, s25;
	s26 =	sshll.u32 s8, $0x8  }
0x2e4: {  	(v2sf) =	vpush v0, $0xC;
	s8 =	sshll.u32 s8, $0x7;
	s9 =	spop (v2sf);
	[smem:$0x7B5] =	sst s3  }
0x2e5: {  	s3 =	sand.u32 $0xFFFFF800, s24;
	s10 =	sand.u32 $0xFFFFF800, s26;
	s13 =	sand.u32 $0x380, s8  }
0x2e6: {  	(v2sf) =	vpush v0, $0xD;
	s14 =	sshll.u32 s11, $0x8;
	s15 =	sshll.u32 s11, $0x7;
	s5 =	spop (v2sf)  }
0x2e7: {  	s3 =	sor.u32 s4, s3;
	s4 =	sand.u32 $0xFFFFF800, s14;
	s8 =	sand.u32 $0x380, s15  }
0x2e8: {  	(v2sf) =	vpush v0, $0xE;
	s16 =	sshll.u32 s9, $0x8;
	s18 =	sshll.u32 s9, $0x7;
	s1 =	spop (v2sf)  }
0x2e9: {  	[smem:$0x7B6] =	sst s3;
	s3 =	sor.u32 s13, s10;
	s4 =	sor.u32 s8, s4  }
0x2ea: {  	s8 =	sand.u32 $0x380, s18;
	s19 =	sshll.u32 s5, $0x8;
	[smem:$0x7B7] =	sst s3  }
0x2eb: {  	(v2sf) =	vpush v0, $0xF;
	s5 =	sshll.u32 s5, $0x7;
	[smem:$0x7B8] =	sst s4;
	s4 =	sand.u32 $0xFFFFF800, s16  }
0x2ec: {  	s20 =	sand.u32 $0xFFFFF800, s19;
	s5 =	sand.u32 $0x380, s5;
	s21 =	sshll.u32 s1, $0x8  }
0x2ed: {  	s1 =	sshll.u32 s1, $0x7;
	s4 =	sor.u32 s8, s4;
	s22 =	sand.u32 $0xFFFFF800, s21  }
0x2ee: {  	s1 =	sand.u32 $0x380, s1;
	[smem:$0x7B9] =	sst s4;
	s4 =	sor.u32 s5, s20  }
0x2ef: {  	s1 =	sor.u32 s1, s22;
	[smem:$0x7BA] =	sst s4;
	s12 =	spop (v2sf)  }
0x2f0: {  	[smem:$0x7BB] =	sst s1;
	s0 =	spop (v2sf)  }
0x2f1: {  	s23 =	sshll.u32 s12, $0x8;
	s24 =	sshll.u32 s12, $0x7;
	s6 =	spop (v2sf)  }
0x2f2: {  	s25 =	sand.u32 $0xFFFFF800, s23;
	s26 =	sand.u32 $0x380, s24;
	s5 =	sshll.u32 s0, $0x8  }
0x2f3: {  	s0 =	sshll.u32 s0, $0x7;
	s2 =	spop (v2sf);
	s4 =	sor.u32 s26, s25  }
0x2f4: {  	(v2sf) =	vpush v1, $0x0;
	s11 =	sand.u32 $0xFFFFF800, s5;
	s0 =	sand.u32 $0x380, s0;
	s12 =	sshll.u32 s6, $0x8  }
0x2f5: {  	s13 =	sshll.u32 s6, $0x7;
	s7 =	spop (v2sf);
	[smem:$0x7BC] =	sst s4  }
0x2f6: {  	(v2sf) =	vpush v1, $0x1;
	s0 =	sor.u32 s0, s11;
	s14 =	sand.u32 $0xFFFFF800, s12;
	s15 =	sand.u32 $0x380, s13  }
0x2f7: {  	s18 =	sshll.u32 s2, $0x8;
	s20 =	sshll.u32 s2, $0x7;
	s10 =	spop (v2sf)  }
0x2f8: {  	[smem:$0x7AD] =	sst s0;
	s16 =	sor.u32 s15, s14;
	s19 =	sand.u32 $0xFFFFF800, s18  }
0x2f9: {  	s1 =	sand.u32 $0x380, s20;
	s21 =	sshll.u32 s7, $0x8;
	s22 =	sshll.u32 s7, $0x7  }
0x2fa: {  	s3 =	spop (v2sf);
	[smem:$0x7AE] =	sst s16;
	s0 =	sor.u32 s1, s19  }
0x2fb: {  	s23 =	sand.u32 $0xFFFFF800, s21;
	s24 =	sand.u32 $0x380, s22;
	s20 =	sld [smem:$0x7AD]  }
0x2fc: {  	s26 =	sshll.u32 s10, $0x8;
	s4 =	sshll.u32 s10, $0x7;
	[smem:$0x7AF] =	sst s0  }
0x2fd: {  	s25 =	sor.u32 s24, s23;
	s2 =	sand.u32 $0xFFFFF800, s26;
	s21 =	sld [smem:$0x7AE]  }
0x2fe: {  	s1 =	sand.u32 $0x380, s4;
	s5 =	sshll.u32 s3, $0x8;
	[smem:$0x7B0] =	sst s25  }
0x2ff: {  	s3 =	sshll.u32 s3, $0x7;
	s0 =	sor.u32 s1, s2;
	s22 =	sld [smem:$0x7AF]  }
0x300: {  	s6 =	sand.u32 $0xFFFFF800, s5;
	s7 =	sand.u32 $0x380, s3;
	[smem:$0x7B1] =	sst s0  }
0x301: {  	s10 =	sor.u32 s7, s6;
	s23 =	sld [smem:$0x7B0]  }
0x302: {  	s24 =	simm.s32 $0x0;
	[smem:$0x7B2] =	sst s10  }
0x303: {  	s2 =	sand.u32 $0x70, s24;
	s25 =	sld [smem:$0x7B1];
	s9 =	spop (v2sf)  }
0x304: {  	s7 =	sand.u32 $0x400, s24;
	s26 =	sld [smem:$0x7B2];
	s11 =	sshll.u32 s9, $0x8  }
0x305: {  	s8 =	spop (v2sf);
	s13 =	sshll.u32 s9, $0x7;
	s12 =	sand.u32 $0xFFFFF800, s11  }
0x306: {  	s1 =	sand.u32 $0x380, s13;
	s14 =	sshll.u32 s8, $0x8;
	s15 =	sshll.u32 s8, $0x7  }
0x307: {  	s8 =	sadd.s32 s7, s22;
	s11 =	sadd.s32 s7, s23;
	s22 =	sld [smem:$0x7B7]  }
0x308: {  	s0 =	sor.u32 s1, s12;
	s18 =	sand.u32 $0x380, s15;
	s15 =	sld [smem:$0x7B5]  }
0x309: {  	s16 =	sand.u32 $0xFFFFF800, s14;
	s10 =	sadd.s32 s2, s8;
	s8 =	sld [smem:$0x7B9]  }
0x30a: {  	s1 =	sadd.s32 s7, s21;
	s13 =	sadd.s32 s2, s11;
	s11 =	sld [smem:$0x7BB]  }
0x30b: {  	[smem:$0x7B3] =	sst s0;
	s19 =	sor.u32 s18, s16;
	s0 =	sadd.s32 s7, s20  }
0x30c: {  	s14 =	sadd.s32 s7, s25;
	[smem:$0x7B4] =	sst s19;
	s0 =	sadd.s32 s2, s0  }
0x30d: {  	s1 =	sadd.s32 s2, s1;
	s18 =	sadd.s32 s7, s26;
	s26 =	sld [smem:$0x7B8];
	v0 =	vld [tilespmem:s0+$0x0]  }
0x30e: {  	s16 =	sadd.s32 s2, s14;
	s14 =	sld [smem:$0x7BD];
	v1 =	vld [tilespmem:s1+$0x0]  }
0x30f: {  	s9 =	sld [smem:$0x7B3];
	v2 =	vld [tilespmem:s10+$0x0]  }
0x310: {  	s19 =	sld [smem:$0x7B6];
	v3 =	vld [tilespmem:s13+$0x0]  }
0x311: {  	s20 =	sadd.s32 s2, s18;
	s3 =	sadd.s32 s7, s22;
	s18 =	sld [smem:$0x7BF];
	v4 =	vld [tilespmem:s16+$0x0]  }
0x312: {  	s22 =	sld [smem:$0x7C0];
	v5 =	vld [tilespmem:s20+$0x0];
	s5 =	sadd.s32 s7, s15;
	s3 =	sadd.s32 s2, s3  }
0x313: {  	s12 =	sld [smem:$0x7B4];
	s16 =	sadd.s32 s7, s11;
	s5 =	sadd.s32 s2, s5;
	v12 =	vld [tilespmem:s3+$0x0]  }
0x314: {  	s21 =	sadd.s32 s7, s9;
	s6 =	sadd.s32 s7, s19;
	v7 =	vld [tilespmem:s5+$0x0];
	s19 =	sadd.s32 s2, s16  }
0x315: {  	s13 =	sld [smem:$0x7BC];
	s23 =	sadd.s32 s2, s21;
	v16 =	vld [tilespmem:s19+$0x0]  }
0x316: {  	s15 =	sld [smem:$0x7BE];
	s4 =	sadd.s32 s7, s26;
	s10 =	sadd.s32 s2, s6;
	v6 =	vld [tilespmem:s23+$0x0]  }
0x317: {  	s26 =	sld [smem:$0x7C1];
	s25 =	sadd.s32 s7, s12;
	s12 =	sadd.s32 s2, s4;
	v10 =	vld [tilespmem:s10+$0x0]  }
0x318: {  	s9 =	sld [smem:$0x7BA];
	s20 =	sadd.s32 s7, s13;
	s1 =	sadd.s32 s2, s25;
	v14 =	vld [tilespmem:s12+$0x0]  }
0x319: {  	s5 =	sld [smem:$0x7C2];
	s21 =	sadd.s32 s7, s14;
	s23 =	sadd.s32 s2, s20;
	v8 =	vld [tilespmem:s1+$0x0]  }
0x31a: {  	s3 =	sadd.s32 s7, s15;
	s25 =	sadd.s32 s2, s21;
	s12 =	sadd.s32 s7, s26;
	v17 =	vld [tilespmem:s23+$0x0]  }
0x31b: {  	s13 =	sld [smem:$0x7C4];
	s1 =	sadd.s32 s7, s8;
	v18 =	vld [tilespmem:s25+$0x0];
	s15 =	sadd.s32 s2, s12  }
0x31c: {  	s14 =	sld [smem:$0x7C5];
	s0 =	sadd.s32 s7, s9;
	s1 =	sadd.s32 s2, s1;
	v21 =	vld [tilespmem:s15+$0x0]  }
0x31d: {  	s10 =	sld [smem:$0x7C3];
	s9 =	sadd.s32 s7, s22;
	s0 =	sadd.s32 s2, s0;
	v13 =	vld [tilespmem:s1+$0x0]  }
0x31e: {  	s21 =	sld [smem:$0x7C7];
	s16 =	sadd.s32 s7, s5;
	s11 =	sadd.s32 s2, s9;
	v15 =	vld [tilespmem:s0+$0x0]  }
0x31f: {  	s26 =	sld [smem:$0x7C8];
	s19 =	sadd.s32 s2, s16;
	s23 =	sadd.s32 s7, s13;
	v22 =	vld [tilespmem:s11+$0x0]  }
0x320: {  	s25 =	sadd.s32 s7, s14;
	s14 =	sld [smem:$0x7CB];
	s1 =	sadd.s32 s2, s3;
	v23 =	vld [tilespmem:s19+$0x0]  }
0x321: {  	s3 =	sadd.s32 s7, s18;
	s18 =	sld [smem:$0x7C6];
	s4 =	sadd.s32 s2, s25;
	v20 =	vld [tilespmem:s1+$0x0]  }
0x322: {  	s20 =	sadd.s32 s7, s10;
	s11 =	sld [smem:$0x7CA];
	s8 =	sadd.s32 s2, s3;
	v37 =	vld [tilespmem:s4+$0x0]  }
0x323: {  	s10 =	sadd.s32 s7, s21;
	s19 =	sld [smem:$0x7CD];
	s22 =	sadd.s32 s2, s20;
	v19 =	vld [tilespmem:s8+$0x0]  }
0x324: {  	s13 =	sadd.s32 s7, s26;
	s26 =	sld [smem:$0x7CF];
	s1 =	sadd.s32 s2, s23;
	v24 =	vld [tilespmem:s22+$0x0]  }
0x325: {  	s12 =	sadd.s32 s2, s10;
	s8 =	sld [smem:$0x7C9];
	v25 =	vld [tilespmem:s1+$0x0]  }
0x326: {  	s15 =	sadd.s32 s2, s13;
	v35 =	vld [tilespmem:s12+$0x0];
	s22 =	sld [smem:$0x7CE];
	s3 =	sadd.s32 s7, s18  }
0x327: {  	v39 =	vld [tilespmem:s15+$0x0];
	s25 =	sadd.s32 s7, s14;
	s21 =	sadd.s32 s7, s11;
	s9 =	sadd.s32 s2, s3  }
0x328: {  	s14 =	sld [smem:$0x7D1];
	s10 =	sadd.s32 s7, s19;
	s23 =	sadd.s32 s2, s21;
	v40 =	vld [tilespmem:s9+$0x0]  }
0x329: {  	s18 =	sld [smem:$0x7CC];
	s13 =	sadd.s32 s2, s10;
	v36 =	vld [tilespmem:s23+$0x0]  }
0x32a: {  	s11 =	sld [smem:$0x7D0];
	s16 =	sadd.s32 s7, s8;
	s8 =	sadd.s32 s2, s25;
	v9 =	vld [tilespmem:s13+$0x0]  }
0x32b: {  	s21 =	sld [smem:$0x7D3];
	s3 =	sadd.s32 s7, s22;
	s20 =	sadd.s32 s2, s16;
	v38 =	vld [tilespmem:s8+$0x0]  }
0x32c: {  	s23 =	sadd.s32 s7, s14;
	s25 =	sld [smem:$0x7D4];
	s15 =	sadd.s32 s2, s3;
	v54 =	vld [tilespmem:s20+$0x0]  }
0x32d: {  	s13 =	sld [smem:$0x7D7];
	s9 =	sadd.s32 s7, s18;
	s1 =	sadd.s32 s2, s23;
	v11 =	vld [tilespmem:s15+$0x0]  }
0x32e: {  	s16 =	sadd.s32 s7, s26;
	s18 =	sld [smem:$0x7D2];
	s12 =	sadd.s32 s2, s9;
	v28 =	vld [tilespmem:s1+$0x0]  }
0x32f: {  	s26 =	sld [smem:$0x7D5];
	s19 =	sadd.s32 s2, s16;
	s20 =	sadd.s32 s7, s11;
	v41 =	vld [tilespmem:s12+$0x0]  }
0x330: {  	s8 =	sld [smem:$0x7D6];
	s10 =	sadd.s32 s7, s21;
	v26 =	vld [tilespmem:s19+$0x0];
	s22 =	sadd.s32 s2, s20  }
0x331: {  	s16 =	sld [smem:$0x7D8];
	s11 =	sadd.s32 s2, s10;
	s12 =	sadd.s32 s7, s25;
	v27 =	vld [tilespmem:s22+$0x0]  }
0x332: {  	s21 =	sld [smem:$0x7DB];
	s4 =	sadd.s32 s7, s13;
	v55 =	vld [tilespmem:s11+$0x0];
	s15 =	sadd.s32 s2, s12  }
0x333: {  	s3 =	sadd.s32 s7, s18;
	s14 =	sadd.s32 s7, s26;
	s20 =	sadd.s32 s2, s4;
	v56 =	vld [tilespmem:s15+$0x0]  }
0x334: {  	s9 =	sadd.s32 s2, s3;
	s5 =	sadd.s32 s2, s14;
	s3 =	sadd.s32 s7, s8;
	v57 =	vld [tilespmem:s20+$0x0]  }
0x335: {  	s19 =	sld [smem:$0x7DA];
	v30 =	vld [tilespmem:s5+$0x0];
	s3 =	sadd.s32 s2, s3  }
0x336: {  	s18 =	sld [smem:$0x7D9];
	s1 =	sadd.s32 s7, s16;
	v31 =	vld [tilespmem:s3+$0x0]  }
0x337: {  	s23 =	sld [smem:$0x7DD];
	s8 =	sadd.s32 s7, s21;
	v29 =	vld [tilespmem:s9+$0x0];
	s1 =	sadd.s32 s2, s1  }
0x338: {  	s22 =	sld [smem:$0x7DC];
	s25 =	sadd.s32 s7, s19;
	s9 =	sadd.s32 s2, s8;
	v58 =	vld [tilespmem:s1+$0x0]  }
0x339: {  	s26 =	sld [smem:$0x7DE];
	s0 =	sadd.s32 s7, s18;
	s1 =	sadd.s32 s2, s25;
	v61 =	vld [tilespmem:s9+$0x0]  }
0x33a: {  	s28 =	sand.u32 $0x60, s24;
	s11 =	sadd.s32 s7, s23;
	s0 =	sadd.s32 s2, s0;
	v60 =	vld [tilespmem:s1+$0x0]  }
0x33b: {  	s10 =	sadd.s32 s7, s22;
	s3 =	sadd.s32 s2, s11;
	v59 =	vld [tilespmem:s0+$0x0];
	s0 =	sand.u32 $0xC00, s24;
	v30 =	vadd.bf16 v31, v30  }
0x33c: {  	s12 =	sadd.s32 s7, s26;
	s1 =	sadd.s32 s2, s10;
	v62 =	vld [tilespmem:s3+$0x0];
	s13 =	sor.u32 $0x1A000, s0  }
0x33d: {  	s26 =	sor.u32 $0x10, s28;
	s2 =	sadd.s32 s2, s12;
	v50 =	vld [tilespmem:s1+$0x0];
	s14 =	sor.u32 s28, s13;
	v31 =	vadd.bf16 v11, v9;
	v9 =	vshll.u32 v30, $0x10  }
0x33e: {  	v51 =	vld [tilespmem:s2+$0x0];
	s1 =	sor.u32 s26, s13;
	v11 =	vand.u32 $0xFFFF0000, v30;
	[tilespmem:s14+$0x0] =	vst v9  }
0x33f: {  	v26 =	vadd.bf16 v27, v26;
	v30 =	vshll.u32 v31, $0x10;
	[tilespmem:s1+$0x0] =	vst v11  }
0x340: {  	v32 =	vand.u32 $0xFFFF0000, v31;
	[tilespmem:s14+$0x80] =	vst v30  }
0x341: {  	v27 =	vadd.bf16 v29, v28;
	v31 =	vshll.u32 v26, $0x10;
	[tilespmem:s1+$0x80] =	vst v32  }
0x342: {  	v33 =	vand.u32 $0xFFFF0000, v26;
	[tilespmem:s14+$0x100] =	vst v31  }
0x343: {  	v29 =	vadd.bf16 v51, v62;
	v26 =	vshll.u32 v27, $0x10;
	[tilespmem:s1+$0x100] =	vst v33  }
0x344: {  	v28 =	vand.u32 $0xFFFF0000, v27;
	[tilespmem:s14+$0x180] =	vst v26  }
0x345: {  	v43 =	vadd.bf16 v56, v55;
	v27 =	vshll.u32 v29, $0x10;
	[tilespmem:s1+$0x180] =	vst v28  }
0x346: {  	v29 =	vand.u32 $0xFFFF0000, v29;
	[tilespmem:s14+$0x200] =	vst v27  }
0x347: {  	v45 =	vadd.bf16 v58, v57;
	v42 =	vshll.u32 v43, $0x10;
	[tilespmem:s1+$0x200] =	vst v29  }
0x348: {  	v43 =	vand.u32 $0xFFFF0000, v43;
	[tilespmem:s14+$0x280] =	vst v42  }
0x349: {  	v47 =	vadd.bf16 v60, v59;
	v44 =	vshll.u32 v45, $0x10;
	[tilespmem:s1+$0x280] =	vst v43  }
0x34a: {  	v63 =	vadd.bf16 v1, v0;
	v46 =	vand.u32 $0xFFFF0000, v45;
	[tilespmem:s14+$0x300] =	vst v44  }
0x34b: {  	v48 =	vadd.bf16 v3, v2;
	v3 =	vadd.bf16 v50, v61;
	v45 =	vshll.u32 v47, $0x10;
	[tilespmem:s1+$0x300] =	vst v46  }
0x34c: {  	v1 =	vadd.bf16 v5, v4;
	v49 =	vadd.bf16 v10, v7;
	s15 =	sor.u32 $0x1B000, s0;
	v47 =	vand.u32 $0xFFFF0000, v47;
	[tilespmem:s14+$0x380] =	vst v45  }
0x34d: {  	v0 =	vadd.bf16 v8, v6;
	v6 =	vadd.bf16 v14, v12;
	s16 =	sor.u32 s28, s15;
	v7 =	vshll.u32 v3, $0x10;
	[tilespmem:s1+$0x380] =	vst v47  }
0x34e: {  	s29 =	simm.s32 $0x10;
	v2 =	vadd.bf16 v17, v16;
	v4 =	vadd.bf16 v40, v37;
	[tilespmem:s16+$0x0] =	vst v7  }
0x34f: {  	v5 =	vadd.bf16 v15, v13;
	v14 =	vadd.bf16 v23, v21;
	s19 =	sor.u32 $0x1B080, s0;
	s18 =	sor.u32 s26, s15;
	v10 =	vand.u32 $0xFFFF0000, v3;
	[smem:$0x7DF] =	sst s17  }
0x350: {  	s30 =	simm.s32 $0x0;
	v18 =	vadd.bf16 v20, v18;
	v16 =	vshll.u32 v4, $0x10;
	s20 =	sor.u32 s28, s19;
	v3 =	vadd.bf16 v39, v35;
	s3 =	sld [smem:$0x7FA];
	[tilespmem:s18+$0x0] =	vst v10  }
0x351: {  	s31 =	simm.s32 $0x0;
	v15 =	vadd.bf16 v22, v19;
	v8 =	vadd.bf16 v25, v24;
	v17 =	vand.u32 $0xFFFF0000, v4;
	s21 =	sor.u32 $0x1B100, s0;
	s22 =	sor.u32 s26, s19;
	[tilespmem:s20+$0x0] =	vst v16  }
0x352: {  	v22 =	vadd.bf16 v36, v54;
	v4 =	vshll.u32 v63, $0x10;
	s11 =	simm.s32 $0x0;
	s2 =	simm.s32 $0x0;
	s23 =	sor.u32 s28, s21;
	v19 =	vshll.u32 v3, $0x10;
	[tilespmem:s22+$0x0] =	vst v17  }
0x353: {  	v21 =	vadd.bf16 v41, v38;
	v20 =	vand.u32 $0xFFFF0000, v3;
	v3 =	vand.u32 $0xFFFF0000, v63;
	s1 =	sor.u32 $0x1B180, s0;
	s25 =	sor.u32 s3, s17;
	s3 =	sor.u32 s26, s21;
	[tilespmem:s23+$0x0] =	vst v19  }
.LBB2_9:
0x354: {  	p0 =	sne.s32 s29, $0xF0;
	[tilespmem:s3+$0x0] =	vst v20;
	v23 =	vshll.u32 v22, $0x10;
	s3 =	sor.u32 s28, s1;
	v13 =	vshll.u32 v48, $0x10;
	v12 =	vand.u32 $0xFFFF0000, v48  }
0x355: {  	v22 =	vand.u32 $0xFFFF0000, v22;
	s1 =	sor.u32 s26, s1;
	v24 =	vshll.u32 v49, $0x10;
	v25 =	vand.u32 $0xFFFF0000, v49;
	s14 =	sld [smem:$0x7AD];
	[tilespmem:s3+$0x0] =	vst v23;
	s3 =	sor.u32 $0x1B200, s0  }
0x356: {  	v30 =	vadd.f32 v42, v30;
	v32 =	vadd.f32 v43, v32;
	v34 =	vshll.u32 v21, $0x10;
	s13 =	sld [smem:$0x7AE];
	[tilespmem:s1+$0x0] =	vst v22;
	s1 =	sor.u32 s28, s3  }
0x357: {  	v31 =	vadd.f32 v44, v31;
	v33 =	vadd.f32 v46, v33;
	v21 =	vand.u32 $0xFFFF0000, v21;
	s17 =	sld [smem:$0x7AF];
	[tilespmem:s1+$0x0] =	vst v34;
	s1 =	sor.u32 s26, s3;
	s3 =	sor.u32 $0x1B280, s0  }
0x358: {  	v26 =	vadd.f32 v45, v26;
	v28 =	vadd.f32 v47, v28;
	v35 =	vshll.u32 v18, $0x10;
	s9 =	sld [smem:$0x7B0];
	[tilespmem:s1+$0x0] =	vst v21;
	s4 =	sor.u32 s28, s3  }
0x359: {  	v9 =	vadd.f32 v27, v9;
	v11 =	vadd.f32 v29, v11;
	v18 =	vand.u32 $0xFFFF0000, v18;
	s3 =	sor.u32 s26, s3;
	s1 =	sld [smem:$0x7B1];
	[tilespmem:s4+$0x0] =	vst v35;
	s4 =	sor.u32 $0x1B300, s0  }
0x35a: {  	v27 =	vshll.u32 v15, $0x10;
	v16 =	vadd.f32 v16, v30;
	v17 =	vadd.f32 v17, v32;
	s19 =	sld [smem:$0x7B2];
	[tilespmem:s3+$0x0] =	vst v18;
	s3 =	sor.u32 s28, s4  }
0x35b: {  	v15 =	vand.u32 $0xFFFF0000, v15;
	v19 =	vadd.f32 v19, v31;
	v20 =	vadd.f32 v20, v33;
	s18 =	sld [smem:$0x7B3];
	[tilespmem:s3+$0x0] =	vst v27;
	s3 =	sor.u32 s26, s4;
	s4 =	sor.u32 $0x1B380, s0  }
0x35c: {  	v23 =	vadd.f32 v23, v26;
	v22 =	vadd.f32 v22, v28;
	v26 =	vshll.u32 v14, $0x10;
	s20 =	sld [smem:$0x7B4];
	[tilespmem:s3+$0x0] =	vst v15;
	s3 =	sor.u32 s28, s4  }
0x35d: {  	v7 =	vadd.f32 v7, v9;
	v9 =	vadd.f32 v10, v11;
	v10 =	vand.u32 $0xFFFF0000, v14;
	s12 =	sld [smem:$0x7B5];
	[tilespmem:s3+$0x0] =	vst v26;
	s3 =	sor.u32 s26, s4;
	s4 =	sor.u32 $0x1C000, s0  }
0x35e: {  	s24 =	sadd.s32 $0x100, s24;
	v11 =	vadd.f32 v35, v16;
	v14 =	vadd.f32 v18, v17;
	v16 =	vshll.u32 v8, $0x10;
	s15 =	sld [smem:$0x7B6];
	[tilespmem:s3+$0x0] =	vst v10;
	s3 =	sor.u32 s28, s4  }
0x35f: {  	s5 =	sor.u32 $0x1C080, s0;
	v17 =	vadd.f32 v27, v19;
	v8 =	vand.u32 $0xFFFF0000, v8;
	v15 =	vadd.f32 v15, v20;
	s4 =	sor.u32 s26, s4;
	s16 =	sld [smem:$0x7B7];
	[tilespmem:s3+$0x0] =	vst v16  }
0x360: {  	s30 =	sadd.s32 $0x20, s30;
	v19 =	vshll.u32 v6, $0x10;
	v18 =	vadd.f32 v26, v23;
	v10 =	vadd.f32 v10, v22;
	s3 =	sld [smem:$0x7B8];
	[tilespmem:s4+$0x0] =	vst v8;
	s4 =	sor.u32 s28, s5  }
0x361: {  	s6 =	sor.u32 $0x1C100, s0;
	v7 =	vadd.f32 v34, v7;
	v9 =	vadd.f32 v21, v9;
	v6 =	vand.u32 $0xFFFF0000, v6;
	s10 =	sld [smem:$0x7B9];
	[tilespmem:s4+$0x0] =	vst v24;
	s4 =	sor.u32 s26, s5  }
0x362: {  	s31 =	sadd.s32 $0x80, s31;
	v11 =	vadd.f32 v24, v11;
	v14 =	vadd.f32 v25, v14;
	v20 =	vshll.u32 v5, $0x10;
	s5 =	sld [smem:$0x7BA];
	[tilespmem:s4+$0x0] =	vst v25;
	s4 =	sor.u32 s28, s6  }
0x363: {  	s7 =	sand.u32 $0x70, s29;
	v17 =	vadd.f32 v19, v17;
	v5 =	vand.u32 $0xFFFF0000, v5;
	v15 =	vadd.f32 v6, v15;
	[tilespmem:s4+$0x0] =	vst v19;
	s4 =	sor.u32 s26, s6;
	s6 =	sor.u32 $0x1C180, s0  }
0x364: {  	s11 =	sshra.s32 s11, $0x2;
	s8 =	sand.u32 $0x400, s31;
	v10 =	vadd.f32 v5, v10;
	[tilespmem:s4+$0x0] =	vst v6;
	s4 =	sor.u32 s28, s6;
	v6 =	vadd.f32 v20, v18;
	v18 =	vshll.u32 v1, $0x10  }
0x365: {  	s21 =	sor.u32 $0x1C280, s0;
	v7 =	vadd.f32 v16, v7;
	v8 =	vadd.f32 v8, v9;
	v9 =	vand.u32 $0xFFFF0000, v1;
	[tilespmem:s4+$0x0] =	vst v20;
	s4 =	sor.u32 s26, s6;
	s6 =	sor.u32 $0x1C200, s0  }
0x366: {  	s22 =	sor.u32 $0x1C300, s0;
	s23 =	sor.u32 $0x1C380, s0;
	v1 =	vshll.u32 v2, $0x10;
	[tilespmem:s4+$0x0] =	vst v5;
	s4 =	sor.u32 s28, s6;
	v5 =	vadd.f32 v4, v11;
	v11 =	vadd.f32 v3, v14  }
0x367: {  	s14 =	sadd.s32 s8, s14;
	v2 =	vand.u32 $0xFFFF0000, v2;
	v7 =	vadd.f32 v1, v7;
	s0 =	sor.u32 $0x1D000, s0;
	v14 =	vadd.f32 v13, v17;
	[tilespmem:s4+$0x0] =	vst v1;
	s4 =	sor.u32 s26, s6  }
0x368: {  	s13 =	sadd.s32 s8, s13;
	s6 =	sadd.s32 s7, s14;
	[tilespmem:s4+$0x0] =	vst v2;
	v2 =	vadd.f32 v2, v8;
	s4 =	sor.u32 s28, s21;
	v8 =	vadd.f32 v12, v15;
	v15 =	vshll.u32 v0, $0x10  }
0x369: {  	v16 =	vand.u32 $0xFFFF0000, v0;
	v1 =	vld [tilespmem:s6+$0x0];
	s6 =	sadd.s32 s7, s13;
	s13 =	sadd.s32 s8, s17;
	[tilespmem:s4+$0x0] =	vst v4;
	s4 =	sor.u32 s26, s21;
	v4 =	vadd.f32 v18, v6;
	v6 =	vadd.f32 v15, v7  }
0x36a: {  	s9 =	sadd.s32 s8, s9;
	v7 =	vadd.f32 v9, v10;
	v0 =	vld [tilespmem:s6+$0x0];
	s6 =	sadd.s32 s7, s13;
	[tilespmem:s4+$0x0] =	vst v3;
	s4 =	sor.u32 s28, s22;
	v10 =	vadd.f32 v16, v2  }
0x36b: {  	s1 =	sadd.s32 s8, s1;
	v2 =	vld [tilespmem:s6+$0x0];
	s6 =	sadd.s32 s7, s9;
	[tilespmem:s4+$0x0] =	vst v13;
	s4 =	sor.u32 s26, s22;
	v5 =	vadd.f32 v6, v5;
	v6 =	vadd.f32 v4, v14  }
0x36c: {  	s1 =	sadd.s32 s7, s1;
	v7 =	vadd.f32 v7, v8;
	v3 =	vld [tilespmem:s6+$0x0];
	s6 =	sadd.s32 s8, s19;
	[tilespmem:s4+$0x0] =	vst v12;
	s4 =	sor.u32 s28, s23;
	v10 =	vadd.f32 v10, v11  }
0x36d: {  	v4 =	vld [tilespmem:s1+$0x0];
	s1 =	sadd.s32 s7, s6;
	s6 =	sadd.s32 s8, s18;
	[tilespmem:s4+$0x0] =	vst v18;
	s4 =	sor.u32 s26, s23;
	v8 =	vadd.f32 v5, v6  }
0x36e: {  	v5 =	vld [tilespmem:s1+$0x0];
	s1 =	sadd.s32 s7, s6;
	s6 =	sadd.s32 s8, s20;
	[tilespmem:s4+$0x0] =	vst v9;
	s4 =	sor.u32 s28, s0;
	v9 =	vadd.f32 v10, v7  }
0x36f: {  	s9 =	sadd.s32 s8, s12;
	s0 =	sor.u32 s26, s0;
	v6 =	vld [tilespmem:s1+$0x0];
	s1 =	sadd.s32 s7, s6;
	[tilespmem:s4+$0x0] =	vst v15;
	v10 =	vmul.f32 $3.999999910e-02, v8  }
0x370: {  	s4 =	sadd.s32 s7, s9;
	s6 =	sadd.s32 s8, s15;
	v7 =	vld [tilespmem:s1+$0x0];
	[tilespmem:s0+$0x0] =	vst v16;
	v9 =	vmul.f32 $3.999999910e-02, v9;
	s0 =	sand.u32 $0x180, s2  }
0x371: {  	s1 =	sadd.s32 s7, s6;
	s2 =	sadd.s32 s8, s16;
	v8 =	vld [tilespmem:s4+$0x0];
	[tilespmem:s11+$0x1E200] =	vst v10;
	s0 =	sor.u32 s26, s0  }
0x372: {  	v10 =	vld [tilespmem:s1+$0x0];
	s1 =	sadd.s32 s7, s2;
	s2 =	sadd.s32 s8, s3;
	s3 =	sld [smem:$0x7BB];
	[tilespmem:s0+$0x1E200] =	vst v9  }
0x373: {  	v12 =	vld [tilespmem:s1+$0x0];
	s0 =	sadd.s32 s7, s2;
	s1 =	sadd.s32 s8, s10;
	s2 =	sld [smem:$0x7BC]  }
0x374: {  	s4 =	sld [smem:$0x7BD];
	v14 =	vld [tilespmem:s0+$0x0];
	s0 =	sadd.s32 s7, s1;
	s1 =	sadd.s32 s8, s5  }
0x375: {  	s5 =	sld [smem:$0x7BE];
	v13 =	vld [tilespmem:s0+$0x0];
	s0 =	sadd.s32 s7, s1;
	s1 =	sadd.s32 s8, s3  }
0x376: {  	s3 =	sld [smem:$0x7BF];
	v15 =	vld [tilespmem:s0+$0x0];
	s0 =	sadd.s32 s7, s1;
	s1 =	sadd.s32 s8, s2  }
0x377: {  	s2 =	sadd.s32 s8, s4;
	s4 =	sld [smem:$0x7C0];
	v16 =	vld [tilespmem:s0+$0x0];
	s0 =	sadd.s32 s7, s1  }
0x378: {  	s1 =	sadd.s32 s7, s2;
	s2 =	sadd.s32 s8, s5;
	s5 =	sld [smem:$0x7C1];
	v17 =	vld [tilespmem:s0+$0x0]  }
0x379: {  	v18 =	vld [tilespmem:s1+$0x0];
	s0 =	sadd.s32 s7, s2;
	s1 =	sadd.s32 s8, s3;
	s2 =	sld [smem:$0x7C2]  }
0x37a: {  	v20 =	vld [tilespmem:s0+$0x0];
	s0 =	sadd.s32 s7, s1;
	s1 =	sadd.s32 s8, s4;
	s3 =	sld [smem:$0x7C3]  }
0x37b: {  	v19 =	vld [tilespmem:s0+$0x0];
	s0 =	sadd.s32 s7, s1;
	s1 =	sadd.s32 s8, s5;
	s4 =	sld [smem:$0x7C4]  }
0x37c: {  	s5 =	sld [smem:$0x7C5];
	v21 =	vld [tilespmem:s0+$0x0];
	s0 =	sadd.s32 s7, s1;
	s1 =	sadd.s32 s8, s2  }
0x37d: {  	s2 =	sld [smem:$0x7C6];
	v22 =	vld [tilespmem:s0+$0x0];
	s0 =	sadd.s32 s7, s1;
	s1 =	sadd.s32 s8, s3  }
0x37e: {  	s3 =	sld [smem:$0x7C7];
	v23 =	vld [tilespmem:s0+$0x0];
	s0 =	sadd.s32 s7, s1;
	s1 =	sadd.s32 s8, s4  }
0x37f: {  	s4 =	sadd.s32 s8, s5;
	s5 =	sld [smem:$0x7C8];
	v24 =	vld [tilespmem:s0+$0x0];
	s0 =	sadd.s32 s7, s1  }
0x380: {  	s1 =	sadd.s32 s7, s4;
	s2 =	sadd.s32 s8, s2;
	s4 =	sld [smem:$0x7C9];
	v25 =	vld [tilespmem:s0+$0x0]  }
0x381: {  	v36 =	vld [tilespmem:s1+$0x0];
	s0 =	sadd.s32 s7, s2;
	s1 =	sadd.s32 s8, s3;
	s2 =	sld [smem:$0x7CA]  }
0x382: {  	v39 =	vld [tilespmem:s0+$0x0];
	s0 =	sadd.s32 s7, s1;
	s1 =	sadd.s32 s8, s5;
	s3 =	sld [smem:$0x7CB]  }
0x383: {  	v35 =	vld [tilespmem:s0+$0x0];
	s0 =	sadd.s32 s7, s1;
	s1 =	sadd.s32 s8, s4;
	s4 =	sld [smem:$0x7CC]  }
0x384: {  	s5 =	sld [smem:$0x7CD];
	v38 =	vld [tilespmem:s0+$0x0];
	s0 =	sadd.s32 s7, s1;
	s1 =	sadd.s32 s8, s2  }
0x385: {  	s2 =	sld [smem:$0x7CE];
	v34 =	vld [tilespmem:s0+$0x0];
	s0 =	sadd.s32 s7, s1;
	s1 =	sadd.s32 s8, s3  }
0x386: {  	s3 =	sld [smem:$0x7CF];
	v37 =	vld [tilespmem:s0+$0x0];
	s0 =	sadd.s32 s7, s1;
	s1 =	sadd.s32 s8, s4  }
0x387: {  	s4 =	sadd.s32 s8, s5;
	s5 =	sld [smem:$0x7D0];
	v40 =	vld [tilespmem:s0+$0x0];
	s0 =	sadd.s32 s7, s1  }
0x388: {  	s1 =	sadd.s32 s7, s4;
	s2 =	sadd.s32 s8, s2;
	s4 =	sld [smem:$0x7D1];
	v41 =	vld [tilespmem:s0+$0x0]  }
0x389: {  	v9 =	vld [tilespmem:s1+$0x0];
	s0 =	sadd.s32 s7, s2;
	s1 =	sadd.s32 s8, s3;
	s2 =	sld [smem:$0x7D2]  }
0x38a: {  	v11 =	vld [tilespmem:s0+$0x0];
	s0 =	sadd.s32 s7, s1;
	s1 =	sadd.s32 s8, s5;
	s3 =	sld [smem:$0x7D3]  }
0x38b: {  	v26 =	vld [tilespmem:s0+$0x0];
	s0 =	sadd.s32 s7, s1;
	s1 =	sadd.s32 s8, s4;
	s4 =	sld [smem:$0x7D4]  }
0x38c: {  	s5 =	sld [smem:$0x7D5];
	v27 =	vld [tilespmem:s0+$0x0];
	s0 =	sadd.s32 s7, s1;
	s1 =	sadd.s32 s8, s2  }
0x38d: {  	s2 =	sld [smem:$0x7D6];
	v28 =	vld [tilespmem:s0+$0x0];
	s0 =	sadd.s32 s7, s1;
	s1 =	sadd.s32 s8, s3  }
0x38e: {  	v29 =	vld [tilespmem:s0+$0x0];
	s0 =	sadd.s32 s7, s1;
	s1 =	sadd.s32 s8, s4;
	s3 =	sld [smem:$0x7D7]  }
0x38f: {  	s4 =	sadd.s32 s8, s5;
	v42 =	vld [tilespmem:s0+$0x0];
	s0 =	sadd.s32 s7, s1;
	s1 =	sld [smem:$0x7D8]  }
0x390: {  	s4 =	sadd.s32 s7, s4;
	s2 =	sadd.s32 s8, s2;
	v43 =	vld [tilespmem:s0+$0x0];
	s0 =	sld [smem:$0x7D9]  }
0x391: {  	v30 =	vld [tilespmem:s4+$0x0];
	s2 =	sadd.s32 s7, s2;
	s3 =	sadd.s32 s8, s3;
	s4 =	sld [smem:$0x7DA]  }
0x392: {  	v31 =	vld [tilespmem:s2+$0x0];
	s2 =	sadd.s32 s7, s3;
	s1 =	sadd.s32 s8, s1;
	s3 =	sld [smem:$0x7DB]  }
0x393: {  	v44 =	vld [tilespmem:s2+$0x0];
	s1 =	sadd.s32 s7, s1;
	s0 =	sadd.s32 s8, s0;
	s2 =	sld [smem:$0x7DC]  }
0x394: {  	s5 =	sld [smem:$0x7DD];
	v45 =	vld [tilespmem:s1+$0x0];
	s0 =	sadd.s32 s7, s0;
	s1 =	sadd.s32 s8, s4  }
0x395: {  	s4 =	sld [smem:$0x7DE];
	v46 =	vld [tilespmem:s0+$0x0];
	s0 =	sadd.s32 s7, s1;
	s1 =	sadd.s32 s8, s3  }
0x396: {  	s28 =	sand.u32 $0x60, s30;
	v47 =	vld [tilespmem:s0+$0x0];
	s0 =	sadd.s32 s7, s1;
	s1 =	sadd.s32 s8, s2  }
0x397: {  	v30 =	vadd.bf16 v31, v30;
	s2 =	sadd.s32 s8, s5;
	v49 =	vld [tilespmem:s0+$0x0];
	s1 =	sadd.s32 s7, s1;
	s0 =	sand.u32 $0xC00, s24  }
0x398: {  	s2 =	sadd.s32 s7, s2;
	s3 =	sadd.s32 s8, s4;
	v50 =	vld [tilespmem:s1+$0x0];
	s4 =	sor.u32 $0x1A000, s0  }
0x399: {  	s26 =	sor.u32 $0x10, s28;
	v31 =	vadd.bf16 v11, v9;
	v48 =	vld [tilespmem:s2+$0x0];
	s2 =	sadd.s32 s7, s3;
	v9 =	vshll.u32 v30, $0x10;
	s1 =	sor.u32 s28, s4  }
0x39a: {  	s11 =	smov.u32 s31;
	v11 =	vand.u32 $0xFFFF0000, v30;
	s3 =	sor.u32 s26, s4;
	v51 =	vld [tilespmem:s2+$0x0];
	[tilespmem:s1+$0x0] =	vst v9;
	s2 =	smov.u32 s30  }
0x39b: {  	v26 =	vadd.bf16 v27, v26;
	v30 =	vshll.u32 v31, $0x10;
	[tilespmem:s3+$0x0] =	vst v11  }
0x39c: {  	v32 =	vand.u32 $0xFFFF0000, v31;
	[tilespmem:s1+$0x80] =	vst v30  }
0x39d: {  	v27 =	vadd.bf16 v29, v28;
	v31 =	vshll.u32 v26, $0x10;
	[tilespmem:s3+$0x80] =	vst v32  }
0x39e: {  	v33 =	vand.u32 $0xFFFF0000, v26;
	[tilespmem:s1+$0x100] =	vst v31  }
0x39f: {  	v26 =	vshll.u32 v27, $0x10;
	v29 =	vadd.bf16 v51, v48;
	[tilespmem:s3+$0x100] =	vst v33  }
0x3a0: {  	v28 =	vand.u32 $0xFFFF0000, v27;
	[tilespmem:s1+$0x180] =	vst v26  }
0x3a1: {  	v43 =	vadd.bf16 v43, v42;
	[tilespmem:s3+$0x180] =	vst v28;
	v27 =	vshll.u32 v29, $0x10  }
0x3a2: {  	v29 =	vand.u32 $0xFFFF0000, v29;
	[tilespmem:s1+$0x200] =	vst v27  }
0x3a3: {  	v42 =	vshll.u32 v43, $0x10;
	v45 =	vadd.bf16 v45, v44;
	[tilespmem:s3+$0x200] =	vst v29  }
0x3a4: {  	v43 =	vand.u32 $0xFFFF0000, v43;
	[tilespmem:s1+$0x280] =	vst v42  }
0x3a5: {  	v47 =	vadd.bf16 v47, v46;
	v44 =	vshll.u32 v45, $0x10;
	v51 =	vadd.bf16 v0, v1;
	[tilespmem:s3+$0x280] =	vst v43  }
0x3a6: {  	v46 =	vand.u32 $0xFFFF0000, v45;
	v48 =	vadd.bf16 v3, v2;
	v1 =	vadd.bf16 v5, v4;
	[tilespmem:s1+$0x300] =	vst v44  }
0x3a7: {  	v45 =	vshll.u32 v47, $0x10;
	v3 =	vadd.bf16 v50, v49;
	v0 =	vadd.bf16 v7, v6;
	[tilespmem:s3+$0x300] =	vst v46  }
0x3a8: {  	v47 =	vand.u32 $0xFFFF0000, v47;
	v49 =	vadd.bf16 v10, v8;
	v6 =	vadd.bf16 v14, v12;
	[tilespmem:s1+$0x380] =	vst v45;
	s1 =	sor.u32 $0x1B000, s0  }
0x3a9: {  	v4 =	vadd.bf16 v39, v36;
	v5 =	vadd.bf16 v15, v13;
	v7 =	vshll.u32 v3, $0x10;
	[tilespmem:s3+$0x380] =	vst v47;
	s3 =	sor.u32 s28, s1  }
.Ltmp3:
0x3aa: {  	v18 =	vadd.bf16 v20, v18;
	v2 =	vadd.bf16 v17, v16;
	v10 =	vand.u32 $0xFFFF0000, v3;
	s1 =	sor.u32 s26, s1;
	[tilespmem:s3+$0x0] =	vst v7;
	s3 =	sor.u32 $0x1B080, s0;
	(pc) =	sbr.rel @p0 .LBB2_9-.Ltmp3, $4  }
0x3ab: {  	v15 =	vadd.bf16 v21, v19;
	v3 =	vadd.bf16 v38, v35;
	v16 =	vshll.u32 v4, $0x10;
	[tilespmem:s1+$0x0] =	vst v10;
	s1 =	sor.u32 s28, s3  }
0x3ac: {  	v14 =	vadd.bf16 v23, v22;
	v8 =	vadd.bf16 v25, v24;
	v17 =	vand.u32 $0xFFFF0000, v4;
	[tilespmem:s1+$0x0] =	vst v16;
	s1 =	sor.u32 s26, s3;
	s3 =	sor.u32 $0x1B100, s0  }
0x3ad: {  	v22 =	vadd.bf16 v37, v34;
	v21 =	vadd.bf16 v41, v40;
	v19 =	vshll.u32 v3, $0x10;
	[tilespmem:s1+$0x0] =	vst v17;
	s1 =	sor.u32 s28, s3  }
0x3ae: {  	s29 =	sadd.s32 $0x10, s29;
	v4 =	vshll.u32 v51, $0x10;
	v20 =	vand.u32 $0xFFFF0000, v3;
	v3 =	vand.u32 $0xFFFF0000, v51;
	s3 =	sor.u32 s26, s3;
	[tilespmem:s1+$0x0] =	vst v19;
	s1 =	sor.u32 $0x1B180, s0  }
0x3af: {  	[tilespmem:s3+$0x0] =	vst v20;
	v12 =	vshll.u32 v22, $0x10;
	s31 =	sor.u32 s28, s1;
	v13 =	vshll.u32 v48, $0x10;
	v23 =	vand.u32 $0xFFFF0000, v48  }
0x3b0: {  	v61 =	vand.u32 $0xFFFF0000, v22;
	s3 =	sor.u32 s26, s1;
	s4 =	sor.u32 $0x1B200, s0;
	v24 =	vshll.u32 v49, $0x10;
	v25 =	vand.u32 $0xFFFF0000, v49;
	[tilespmem:s31+$0x0] =	vst v12  }
0x3b1: {  	v30 =	vadd.f32 v42, v30;
	v32 =	vadd.f32 v43, v32;
	v34 =	vshll.u32 v21, $0x10;
	s5 =	sor.u32 s28, s4;
	[tilespmem:s3+$0x0] =	vst v61  }
0x3b2: {  	v31 =	vadd.f32 v44, v31;
	v33 =	vadd.f32 v46, v33;
	v62 =	vand.u32 $0xFFFF0000, v21;
	s7 =	sor.u32 $0x1B280, s0;
	s6 =	sor.u32 s26, s4;
	[tilespmem:s5+$0x0] =	vst v34  }
0x3b3: {  	v26 =	vadd.f32 v45, v26;
	v28 =	vadd.f32 v47, v28;
	v35 =	vshll.u32 v18, $0x10;
	s8 =	sor.u32 s28, s7;
	[tilespmem:s6+$0x0] =	vst v62  }
0x3b4: {  	v9 =	vadd.f32 v27, v9;
	v11 =	vadd.f32 v29, v11;
	v63 =	vand.u32 $0xFFFF0000, v18;
	s10 =	sor.u32 $0x1B300, s0;
	s9 =	sor.u32 s26, s7;
	[tilespmem:s8+$0x0] =	vst v35  }
0x3b5: {  	s12 =	sor.u32 s28, s10;
	v16 =	vadd.f32 v16, v30;
	v17 =	vadd.f32 v17, v32;
	v30 =	vshll.u32 v15, $0x10;
	[tilespmem:s9+$0x0] =	vst v63  }
0x3b6: {  	s14 =	sor.u32 $0x1B380, s0;
	s13 =	sor.u32 s26, s10;
	v19 =	vadd.f32 v19, v31;
	v32 =	vadd.f32 v20, v33;
	v33 =	vand.u32 $0xFFFF0000, v15;
	[tilespmem:s12+$0x0] =	vst v30  }
0x3b7: {  	v36 =	vshll.u32 v14, $0x10;
	s15 =	sor.u32 s28, s14;
	v12 =	vadd.f32 v12, v26;
	v22 =	vadd.f32 v61, v28;
	[tilespmem:s13+$0x0] =	vst v33  }
0x3b8: {  	v38 =	vand.u32 $0xFFFF0000, v14;
	s17 =	sor.u32 $0x1C000, s0;
	s16 =	sor.u32 s26, s14;
	v7 =	vadd.f32 v7, v9;
	v37 =	vadd.f32 v10, v11;
	[tilespmem:s15+$0x0] =	vst v36  }
0x3b9: {  	v41 =	vshll.u32 v8, $0x10;
	s18 =	sor.u32 s28, s17;
	v39 =	vadd.f32 v35, v16;
	v40 =	vadd.f32 v63, v17;
	[tilespmem:s16+$0x0] =	vst v38  }
0x3ba: {  	v43 =	vand.u32 $0xFFFF0000, v8;
	s20 =	sor.u32 $0x1C080, s0;
	s19 =	sor.u32 s26, s17;
	v42 =	vadd.f32 v30, v19;
	v15 =	vadd.f32 v33, v32;
	[tilespmem:s18+$0x0] =	vst v41  }
0x3bb: {  	v44 =	vshll.u32 v6, $0x10;
	s21 =	sor.u32 s28, s20;
	v12 =	vadd.f32 v36, v12;
	v10 =	vadd.f32 v38, v22;
	[tilespmem:s19+$0x0] =	vst v43  }
0x3bc: {  	v45 =	vand.u32 $0xFFFF0000, v6;
	s23 =	sor.u32 $0x1C100, s0;
	s22 =	sor.u32 s26, s20;
	v7 =	vadd.f32 v34, v7;
	v9 =	vadd.f32 v62, v37;
	[tilespmem:s21+$0x0] =	vst v24  }
0x3bd: {  	v46 =	vshll.u32 v5, $0x10;
	s24 =	sor.u32 s28, s23;
	v11 =	vadd.f32 v24, v39;
	v14 =	vadd.f32 v25, v40;
	[tilespmem:s22+$0x0] =	vst v25  }
0x3be: {  	v47 =	vand.u32 $0xFFFF0000, v5;
	s30 =	sor.u32 $0x1C180, s0;
	s29 =	sor.u32 s26, s23;
	v17 =	vadd.f32 v44, v42;
	v15 =	vadd.f32 v45, v15;
	[tilespmem:s24+$0x0] =	vst v44  }
0x3bf: {  	v49 =	vshll.u32 v1, $0x10;
	s31 =	sor.u32 s28, s30;
	v48 =	vadd.f32 v46, v12;
	v10 =	vadd.f32 v47, v10;
	[tilespmem:s29+$0x0] =	vst v45  }
0x3c0: {  	v50 =	vand.u32 $0xFFFF0000, v1;
	s4 =	sor.u32 s26, s30;
	s5 =	sor.u32 $0x1C200, s0;
	v7 =	vadd.f32 v41, v7;
	v8 =	vadd.f32 v43, v9;
	[tilespmem:s31+$0x0] =	vst v46  }
0x3c1: {  	v51 =	vshll.u32 v2, $0x10;
	s6 =	sor.u32 s28, s5;
	v52 =	vadd.f32 v4, v11;
	v53 =	vadd.f32 v3, v14;
	[tilespmem:s4+$0x0] =	vst v47  }
0x3c2: {  	v54 =	vand.u32 $0xFFFF0000, v2;
	s7 =	sor.u32 s26, s5;
	v5 =	vadd.f32 v51, v7;
	v55 =	vadd.f32 v13, v17;
	s4 =	sor.u32 $0x1C280, s0;
	[tilespmem:s6+$0x0] =	vst v51  }
0x3c3: {  	v57 =	vshll.u32 v0, $0x10;
	v2 =	vadd.f32 v54, v8;
	v56 =	vadd.f32 v23, v15;
	s8 =	sor.u32 s28, s4;
	[tilespmem:s7+$0x0] =	vst v54  }
0x3c4: {  	v59 =	vand.u32 $0xFFFF0000, v0;
	s9 =	sor.u32 $0x1C300, s0;
	v58 =	vadd.f32 v49, v48;
	v5 =	vadd.f32 v57, v5;
	s10 =	sor.u32 s26, s4;
	[tilespmem:s8+$0x0] =	vst v4  }
0x3c5: {  	s12 =	sor.u32 s28, s9;
	v60 =	vadd.f32 v50, v10;
	v2 =	vadd.f32 v59, v2;
	[tilespmem:s10+$0x0] =	vst v3  }
0x3c6: {  	s14 =	sor.u32 s26, s9;
	s13 =	sor.u32 $0x1C380, s0;
	v5 =	vadd.f32 v5, v52;
	v4 =	vadd.f32 v58, v55;
	[tilespmem:s12+$0x0] =	vst v13  }
0x3c7: {  	s15 =	sor.u32 s28, s13;
	v2 =	vadd.f32 v2, v53;
	v3 =	vadd.f32 v60, v56;
	[tilespmem:s14+$0x0] =	vst v23  }
0x3c8: {  	s17 =	sor.u32 s26, s13;
	s16 =	sor.u32 $0x1D000, s0;
	v4 =	vadd.f32 v5, v4;
	[tilespmem:s15+$0x0] =	vst v49  }
0x3c9: {  	s18 =	sor.u32 s28, s16;
	v61 =	vadd.f32 v2, v3;
	[tilespmem:s17+$0x0] =	vst v50  }
0x3ca: {  	s0 =	sor.u32 s26, s16;
	v62 =	vmul.f32 $3.999999910e-02, v4;
	[tilespmem:s18+$0x0] =	vst v57  }
0x3cb: {  	s20 =	sand.u32 $0x180, s2;
	s19 =	sshra.s32 s11, $0x2;
	v63 =	vmul.f32 $3.999999910e-02, v61;
	[tilespmem:s0+$0x0] =	vst v59  }
0x3cc: {  	s0 =	sor.u32 s26, s20;
	[tilespmem:s19+$0x1E200] =	vst v62  }
0x3cd: {  	[tilespmem:s0+$0x1E200] =	vst v63  }
0x3ce: {  	s0 =	sld [smem:$0x7F9]  }
0x3cf: {  	s6 =	sld [smem:$0x7F6];
	_ =	sdelay $0x1  }
0x3d0: {  	s23 =	simm.s32 $0x1A000;
	s21 =	sshll.u32 s25, $0xB;
	s22 =	simm.s32 $0x0  }
0x3d1: {  	s24 =	sld [smem:$0x7DF];
	s0 =	sadd.s32 s0, s21;
	s6 =	sadd.s32 $0x1, s6  }
0x3d2: {  	[hbm4b:s0+s22] =	stream.linear.scatter [tilespmem:s23], [sflag:$0x2], $0x4000, $0x38;
	[tilespmem:$0x1E400] =	vst v63  }
0x3d3: {  	s28 =	sld [smem:$0x7FB];
	p0 =	sne.s32 s6, $0x40  }
.Ltmp4:
0x3d4: {  	s0 =	sshll.u32 s24, $0x4;
	(pc) =	sbr.rel @p0 .LBB2_6-.Ltmp4, $4  }
0x3d5: {  	s26 =	sshll.u32 s25, $0x6;
	s0 =	sand.u32 $0x70, s0  }
0x3d6: {  	s30 =	simm.s32 $0x400;
	s1 =	sand.u32 $0x3FE00, s26;
	s0 =	sadd.s32 s28, s0  }
0x3d7: {  	s29 =	simm.s32 $0x80;
	s31 =	simm.s32 $0x1E200;
	s0 =	sadd.s32 s1, s0  }
0x3d8: {  	[hbm4b:s0+s29] =	stream.strided.scatter [tilespmem:s31], [sflag:$0x2], $0x200, s30, s29, $0x38;
	[tilespmem:$0x1E400] =	vst v63  }
0x3d9: {  	s0 =	simm.s32 $0x1  }
0x3da: {  	_ =	swait.ge [sflag:s0], $0x4000  }
0x3db: {  	[sflag:s0] =	ssyncset.done $0x0  }
0x3dc: {  	[sflag:s0] =	ssyncadd.s32 $0xFFFFC000  }
0x3dd: {  	_ =	swait.ge [sflag:s0], $0x200  }
0x3de: {  	[sflag:s0] =	ssyncset.done $0x0  }
0x3df: {  	s1 =	simm.s32 $0x2;
	[sflag:s0] =	ssyncadd.s32 $0xFFFFFE00  }
0x3e0: {  	_ =	swait.ge [sflag:s1], $0x4000  }
0x3e1: {  	[sflag:s1] =	ssyncset.done $0x0  }
0x3e2: {  	[sflag:s1] =	ssyncadd.s32 $0xFFFFC000  }
0x3e3: {  	_ =	swait.ge [sflag:s1], $0x200  }
0x3e4: {  	s2 =	sld [smem:$0x7F8]  }
0x3e5: {  	s31 =	sld [smem:$0x7FD];
	_ =	sdelay $0x1  }
0x3e6: {  	s2 =	sadd.s32 $0x1, s2  }
0x3e7: {  	p0 =	sne.s32 s2, s31  }
.Ltmp5:
0x3e8: {  	_ = 	snop;
	(pc) =	sbr.rel @p0 .LBB2_1-.Ltmp5, $4  }
0x3e9: {  	_ = 	snop  }
0x3ea: {  	[sflag:s1] =	ssyncset.done $0x0  }
0x3eb: {  	[sflag:s1] =	ssyncadd.s32 $0xFFFFFE00  }
0x3ec: {  	s4 =	simm.s32 $0x10000;
	s5 =	simm.s32 $0x3;
	s6 =	rddreg [dreg:$0x1]  }
0x3ed: {  	_ =	sfence.sel $0x180000  }
0x3ee: {  	[bflag:$0x0] =	sbarrier.arrive $0xFFFF  }
0x3ef: {  	_ =	strace $0x90000047  }
0x3f0: {  	s0 =	stileid.u32;
	[bflag:$0x2] =	sbarrier.arrive $0xFFFF  }
0x3f1: {  	p0 =	sne.s32 s0, $0x0;
	s0 =	rddreg [dreg:$0x3]  }
0x3f2: {  	s0 =	sadd.s32 @!p0 $0x100000, s0  }
0x3f3: {  	[sflag:s0] =	ssyncadd.tile.s32 @!p0 $0x1;
	_ =	shalt  }
.Lfunc_end2:
_tile_overlayer_lowered:
.L_overlay_start_2:
0x3f4: {  	(tag) =	ssettag $0x2  }
0x3f5: {  	s0 =	rddreg [dreg:$0x0];
	s2 =	stileid.u32  }
0x3f6: {  	s1 =	rddreg [dreg:$0x1];
	p0 =	sne.s32 s2, $0x0  }
0x3f7: {  	s3 =	rddreg [dreg:$0x2];
	[bflag:$0x3] =	sbarrier.arrive $0xFFFF;
	s2 =	simm.s32 @!p0 $0x1C03  }
0x3f8: {  	[timem:s3], [sflag:s2] =	dma.local @!p0 [hbm:s0], s1  }
0x3f9: {  	s0 =	simm.s32 @!p0 $0x3  }
0x3fa: {  	_ =	swait.ge @!p0 [sflag:s0], s1  }
0x3fb: {  	s1 =	ssub.s32 @!p0 $0x0, s1;
	[sflag:s0] =	ssyncset.done @!p0 $0x0  }
0x3fc: {  	[sflag:s0] =	ssyncadd.s32 @!p0 s1  }
0x3fd: {  	[bflag:$0x3] =	sbarrier.arrive $0xFFFF  }
0x3fe: {  	_ =	shalt  }

</sc_bundles>
